<compile_context>
chip_gen: v7x
topology: tpu7x:2x2x1
jax: 0.10.2.dev20260603
libtpu: 0.0.44.dev20260713+nightly
codegen_flags: <defaults>
</compile_context>

<pallas_src>
import functools

import jax
import jax.numpy as jnp
from jax import lax
from jax.experimental import pallas as pl
from jax.experimental.pallas import tpu as pltpu
from jax.experimental.pallas import tpu_sc as plsc

B, H, D = 16384, 200, 64
NC, NS = 2, 16
NW = NC * NS
BLK = 128
BLOCKS_PER_W = (B // BLK) // NW
NB = 2
G2 = H // NB

_mesh = plsc.VectorSubcoreMesh(core_axis_name="c", subcore_axis_name="s")


@functools.partial(
    pl.kernel,
    mesh=_mesh,
    out_type=jax.ShapeDtypeStruct((H, 8, B // BLK, 8, BLK), jnp.float32),
    compiler_params=pltpu.CompilerParams(use_tc_tiling_on_sc=False, needs_layout_passes=False),
    scratch_types=[
        pltpu.VMEM((BLK, H), jnp.int32),
        pltpu.VMEM((H, BLK), jnp.int32),
        pltpu.VMEM((BLK, D), jnp.float32),
        pltpu.VMEM((BLK, D), jnp.float32),
        pltpu.VMEM((D, BLK), jnp.float32),
        pltpu.VMEM((D, BLK), jnp.float32),
        pltpu.SemaphoreType.DMA,
        pltpu.SemaphoreType.DMA,
        pltpu.SemaphoreType.DMA,
        pltpu.SemaphoreType.DMA,
        pltpu.SemaphoreType.DMA,
    ],
)
def _gather(idx_hbm, table_hbm, out_hbm,
            xsl, xt, g0, g1, t0, t1, gs0, gs1, os0, os1, xsem):
    wid = lax.axis_index("s") * NC + lax.axis_index("c")
    grows = (g0, g1)
    tbuf = (t0, t1)
    gsem = (gs0, gs1)
    osem = (os0, os1)
    iota = lax.iota(jnp.int32, 16)

    def g_copy(b, h):
        return pltpu.make_async_copy(table_hbm.at[xt.at[h]], grows[b],
                                     gsem[b])

    def o_copy(b, h, bjg, fi):
        return pltpu.make_async_copy(tbuf[b].at[pl.ds(fi * 8, 8)],
                                     out_hbm.at[h, fi, bjg], osem[b])

    def o_start(b, h, bjg):
        for fi in range(8):
            o_copy(b, h, bjg, fi).start()

    def o_wait(b, h, bjg):
        for fi in range(8):
            o_copy(b, h, bjg, fi).wait()

    def transpose_chunk(b):
        @plsc.parallel_loop(0, BLK, step=16, unroll=4)
        def _(l0):
            li = iota + l0
            for fi0 in range(0, D, 16):
                for r in range(16):
                    fv = (iota ^ r) + fi0
                    v = plsc.load_gather(grows[b], [li, fv])
                    plsc.store_scatter(tbuf[b], [fv, li], v)

    def block_body(k, carry):
        bjg = wid * BLOCKS_PER_W + k

        pltpu.make_async_copy(
            idx_hbm.at[pl.ds(bjg * BLK, BLK)], xsl, xsem).start()
        pltpu.make_async_copy(
            idx_hbm.at[pl.ds(bjg * BLK, BLK)], xsl, xsem).wait()

        @plsc.parallel_loop(0, H, unroll=8)
        def _(h):
            hv = jnp.full((16,), 0, jnp.int32) + h
            for g in range(8):
                v = plsc.load_gather(xsl, [iota + g * 16, hv])
                xt[h, pl.ds(g * 16, 16)] = v

        for m in range(NB):
            g_copy(m, m).start()

        def hstep(gg, c):
            for b in range(NB):
                h = gg * NB + b
                g_copy(b, h).wait()

                @pl.when(gg > 0)
                def _():
                    o_wait(b, h - NB, bjg)

                transpose_chunk(b)
                o_start(b, h, bjg)

                @pl.when(gg < G2 - 1)
                def _():
                    g_copy(b, h + NB).start()
            return c

        lax.fori_loop(0, G2, hstep, 0)
        o_wait(0, H - 2, bjg)
        o_wait(1, H - 1, bjg)
        return carry

    lax.fori_loop(0, BLOCKS_PER_W, block_body, 0)


def kernel(x, emb):
    out5 = _gather(x.astype(jnp.int32), emb)
    return out5.transpose(2, 4, 0, 1, 3).reshape(B, H, D)

# --- scband reference (transcript-rebuilt; emitter-appended) ---
"""Pipeline reference for scband-skip-gram-2602750182088 (READ-ONLY COPY).

The authoritative reference and input builder live on the scoring server;
editing this copy changes nothing except your own understanding.
"""

import jax, jax.numpy as jnp
import numpy as np

IN_DIM = 1000000
EMB_DIM = 64
BATCH = 16384
HIST = 200

def setup_inputs(seed: int = 0) -> dict:
    key = jax.random.key(seed)
    k_idx, k_emb = jax.random.split(key)
    x = jax.random.randint(k_idx, (BATCH, HIST), 0, IN_DIM, dtype=jnp.int64 if jax.config.jax_enable_x64 else jnp.int32)
    emb = jax.random.normal(k_emb, (IN_DIM, EMB_DIM), dtype=jnp.float32)
    return {"x": x, "emb": emb}

def reference(x, emb):
    # nn.Embedding lookup: gather rows of the table
    return jnp.take(emb, x, axis=0)

if __name__ == "__main__":
    import jax
    _d = setup_inputs()
    print(jax.jit(kernel)(*tuple(_d.values())))

</pallas_src>

<mosaic_0001>
#map = affine_map<(d0, d1) -> (0, 0)>
#map1 = affine_map<(d0, d1) -> (0, 0, 0, 0, 0)>
module attributes {stable_mosaic.version = 14 : i64} {
  func.func @_gather(%arg0: i32, %arg1: i32, %arg2: memref<16384x200xi32, #tpu.memory_space<hbm>>, %arg3: memref<1000000x64xf32, #tpu.memory_space<hbm>>, %arg4: memref<200x8x128x8x128xf32, #tpu.memory_space<hbm>>, %arg5: memref<128x200xi32, #tpu.memory_space<vmem>>, %arg6: memref<200x128xi32, #tpu.memory_space<vmem>>, %arg7: memref<128x64xf32, #tpu.memory_space<vmem>>, %arg8: memref<128x64xf32, #tpu.memory_space<vmem>>, %arg9: memref<64x128xf32, #tpu.memory_space<vmem>>, %arg10: memref<64x128xf32, #tpu.memory_space<vmem>>, %arg11: memref<!tpu.dma_semaphore, #tpu.memory_space<semaphore_mem>>, %arg12: memref<!tpu.dma_semaphore, #tpu.memory_space<semaphore_mem>>, %arg13: memref<!tpu.dma_semaphore, #tpu.memory_space<semaphore_mem>>, %arg14: memref<!tpu.dma_semaphore, #tpu.memory_space<semaphore_mem>>, %arg15: memref<!tpu.dma_semaphore, #tpu.memory_space<semaphore_mem>>) attributes {dimension_semantics = [#tpu.dimension_semantics<core_parallel>, #tpu.dimension_semantics<subcore_parallel>], iteration_bounds = array<i64: 2, 16>, scalar_prefetch = 0 : i64, scratch_operands = 11 : i64, tpu.core_type = #tpu.core_type<sc_vector_subcore>, window_params = [{transform_indices = #map}, {transform_indices = #map}, {transform_indices = #map1}]} {
    %mul3A = arith.constant 2 : i32
    %mul3A_0 = arith.muli %arg1, %mul3A : i32
    %add3A = arith.addi %mul3A_0, %arg0 : i32
    %iota3A = tpu.iota {dimensions = array<i32: 0>} : vector<16xi32>
    %scan3A = arith.constant 0 : i32
    %scan3A_1 = arith.constant 0 : i32
    %scan3A_2 = arith.constant 4 : i32
    %scan3A_3 = arith.addi %scan3A_1, %scan3A_2 : i32
    %scan3A_4 = arith.constant 1 : i32
    scf.for %scan3A_6 = %scan3A_1 to %scan3A_3 step %scan3A_4  : i32 {
      %mul3A_7 = arith.constant 4 : i32
      %mul3A_8 = arith.muli %add3A, %mul3A_7 : i32
      %add3A_9 = arith.addi %mul3A_8, %scan3A_6 : i32
      %mul3A_10 = arith.constant 128 : i32
      %mul3A_11 = arith.muli %add3A_9, %mul3A_10 : i32
      %dma_start3A = arith.constant 0 : i32
      %dma_start3A_12 = tpu.memref_slice %arg2[%mul3A_11, %dma_start3A] : memref<16384x200xi32, #tpu.memory_space<hbm>> -> memref<128x200xi32, #tpu.memory_space<hbm>>
      %dma_start3A_13 = arith.constant 0 : i32
      %dma_start3A_14 = tpu.memref_slice %arg2[%mul3A_11, %dma_start3A_13] : memref<16384x200xi32, #tpu.memory_space<hbm>> -> memref<128x200xi32, #tpu.memory_space<hbm>>
      tpu.enqueue_dma source(%dma_start3A_14 : memref<128x200xi32, #tpu.memory_space<hbm>>) target(%arg5 : memref<128x200xi32, #tpu.memory_space<vmem>>) target_semaphore(%arg15 : memref<!tpu.dma_semaphore, #tpu.memory_space<semaphore_mem>>)
      %mul3A_15 = arith.constant 128 : i32
      %mul3A_16 = arith.muli %add3A_9, %mul3A_15 : i32
      %dma_wait3A = arith.constant 0 : i32
      %dma_wait3A_17 = tpu.memref_slice %arg2[%mul3A_16, %dma_wait3A] : memref<16384x200xi32, #tpu.memory_space<hbm>> -> memref<128x200xi32, #tpu.memory_space<hbm>>
      %dma_wait3A_18 = arith.constant 0 : i32
      %dma_wait3A_19 = tpu.memref_slice %arg2[%mul3A_16, %dma_wait3A_18] : memref<16384x200xi32, #tpu.memory_space<hbm>> -> memref<128x200xi32, #tpu.memory_space<hbm>>
      tpu.wait_dma2 semaphore(%arg15 : memref<!tpu.dma_semaphore, #tpu.memory_space<semaphore_mem>>) src(%dma_wait3A_19 : memref<128x200xi32, #tpu.memory_space<hbm>>) dst(%arg5 : memref<128x200xi32, #tpu.memory_space<vmem>>)
      %parallel_loop3A = arith.constant 0 : i32
      %parallel_loop3A_20 = arith.constant 200 : i32
      %parallel_loop3A_21 = arith.constant 1 : i32
      scf.for %parallel_loop3A_298 = %parallel_loop3A to %parallel_loop3A_20 step %parallel_loop3A_21  : i32 {
        %parallel_loop3A_299 = arith.constant 0 : i32
        %parallel_loop3A_300 = vector.broadcast %parallel_loop3A_299 : i32 to vector<16xi32>
        %parallel_loop3A_301 = vector.broadcast %parallel_loop3A_298 : i32 to vector<16xi32>
        %parallel_loop3A_302 = arith.addi %parallel_loop3A_300, %parallel_loop3A_301 : vector<16xi32>
        %parallel_loop3A_303 = arith.constant 0 : i32
        %parallel_loop3A_304 = vector.broadcast %parallel_loop3A_303 : i32 to vector<16xi32>
        %parallel_loop3A_305 = arith.addi %iota3A, %parallel_loop3A_304 : vector<16xi32>
        %parallel_loop3A_306 = tpu.vector_load_idx %arg5[%parallel_loop3A_305, %parallel_loop3A_302] : memref<128x200xi32, #tpu.memory_space<vmem>>[vector<16xi32>, vector<16xi32>], vector<16xi32>,
        %parallel_loop3A_307 = arith.index_cast %parallel_loop3A_298 : i32 to index
        %parallel_loop3A_308 = arith.constant 0 : index
        %parallel_loop3A_309 = tpu.vector_load %arg6[%parallel_loop3A_307, %parallel_loop3A_308] {strides = array<i32>} : memref<200x128xi32, #tpu.memory_space<vmem>>, vector<16xi32>,
        tpu.vector_store %arg6[%parallel_loop3A_307, %parallel_loop3A_308], %parallel_loop3A_306 {strides = array<i32>} : memref<200x128xi32, #tpu.memory_space<vmem>>, vector<16xi32>,
        %parallel_loop3A_310 = arith.constant 16 : i32
        %parallel_loop3A_311 = vector.broadcast %parallel_loop3A_310 : i32 to vector<16xi32>
        %parallel_loop3A_312 = arith.addi %iota3A, %parallel_loop3A_311 : vector<16xi32>
        %parallel_loop3A_313 = tpu.vector_load_idx %arg5[%parallel_loop3A_312, %parallel_loop3A_302] : memref<128x200xi32, #tpu.memory_space<vmem>>[vector<16xi32>, vector<16xi32>], vector<16xi32>,
        %parallel_loop3A_314 = arith.index_cast %parallel_loop3A_298 : i32 to index
        %parallel_loop3A_315 = arith.constant 16 : index
        %parallel_loop3A_316 = tpu.vector_load %arg6[%parallel_loop3A_314, %parallel_loop3A_315] {strides = array<i32>} : memref<200x128xi32, #tpu.memory_space<vmem>>, vector<16xi32>,
        tpu.vector_store %arg6[%parallel_loop3A_314, %parallel_loop3A_315], %parallel_loop3A_313 {strides = array<i32>} : memref<200x128xi32, #tpu.memory_space<vmem>>, vector<16xi32>,
        %parallel_loop3A_317 = arith.constant 32 : i32
        %parallel_loop3A_318 = vector.broadcast %parallel_loop3A_317 : i32 to vector<16xi32>
        %parallel_loop3A_319 = arith.addi %iota3A, %parallel_loop3A_318 : vector<16xi32>
        %parallel_loop3A_320 = tpu.vector_load_idx %arg5[%parallel_loop3A_319, %parallel_loop3A_302] : memref<128x200xi32, #tpu.memory_space<vmem>>[vector<16xi32>, vector<16xi32>], vector<16xi32>,
        %parallel_loop3A_321 = arith.index_cast %parallel_loop3A_298 : i32 to index
        %parallel_loop3A_322 = arith.constant 32 : index
        %parallel_loop3A_323 = tpu.vector_load %arg6[%parallel_loop3A_321, %parallel_loop3A_322] {strides = array<i32>} : memref<200x128xi32, #tpu.memory_space<vmem>>, vector<16xi32>,
        tpu.vector_store %arg6[%parallel_loop3A_321, %parallel_loop3A_322], %parallel_loop3A_320 {strides = array<i32>} : memref<200x128xi32, #tpu.memory_space<vmem>>, vector<16xi32>,
        %parallel_loop3A_324 = arith.constant 48 : i32
        %parallel_loop3A_325 = vector.broadcast %parallel_loop3A_324 : i32 to vector<16xi32>
        %parallel_loop3A_326 = arith.addi %iota3A, %parallel_loop3A_325 : vector<16xi32>
        %parallel_loop3A_327 = tpu.vector_load_idx %arg5[%parallel_loop3A_326, %parallel_loop3A_302] : memref<128x200xi32, #tpu.memory_space<vmem>>[vector<16xi32>, vector<16xi32>], vector<16xi32>,
        %parallel_loop3A_328 = arith.index_cast %parallel_loop3A_298 : i32 to index
        %parallel_loop3A_329 = arith.constant 48 : index
        %parallel_loop3A_330 = tpu.vector_load %arg6[%parallel_loop3A_328, %parallel_loop3A_329] {strides = array<i32>} : memref<200x128xi32, #tpu.memory_space<vmem>>, vector<16xi32>,
        tpu.vector_store %arg6[%parallel_loop3A_328, %parallel_loop3A_329], %parallel_loop3A_327 {strides = array<i32>} : memref<200x128xi32, #tpu.memory_space<vmem>>, vector<16xi32>,
        %parallel_loop3A_331 = arith.constant 64 : i32
        %parallel_loop3A_332 = vector.broadcast %parallel_loop3A_331 : i32 to vector<16xi32>
        %parallel_loop3A_333 = arith.addi %iota3A, %parallel_loop3A_332 : vector<16xi32>
        %parallel_loop3A_334 = tpu.vector_load_idx %arg5[%parallel_loop3A_333, %parallel_loop3A_302] : memref<128x200xi32, #tpu.memory_space<vmem>>[vector<16xi32>, vector<16xi32>], vector<16xi32>,
        %parallel_loop3A_335 = arith.index_cast %parallel_loop3A_298 : i32 to index
        %parallel_loop3A_336 = arith.constant 64 : index
        %parallel_loop3A_337 = tpu.vector_load %arg6[%parallel_loop3A_335, %parallel_loop3A_336] {strides = array<i32>} : memref<200x128xi32, #tpu.memory_space<vmem>>, vector<16xi32>,
        tpu.vector_store %arg6[%parallel_loop3A_335, %parallel_loop3A_336], %parallel_loop3A_334 {strides = array<i32>} : memref<200x128xi32, #tpu.memory_space<vmem>>, vector<16xi32>,
        %parallel_loop3A_338 = arith.constant 80 : i32
        %parallel_loop3A_339 = vector.broadcast %parallel_loop3A_338 : i32 to vector<16xi32>
        %parallel_loop3A_340 = arith.addi %iota3A, %parallel_loop3A_339 : vector<16xi32>
        %parallel_loop3A_341 = tpu.vector_load_idx %arg5[%parallel_loop3A_340, %parallel_loop3A_302] : memref<128x200xi32, #tpu.memory_space<vmem>>[vector<16xi32>, vector<16xi32>], vector<16xi32>,
        %parallel_loop3A_342 = arith.index_cast %parallel_loop3A_298 : i32 to index
        %parallel_loop3A_343 = arith.constant 80 : index
        %parallel_loop3A_344 = tpu.vector_load %arg6[%parallel_loop3A_342, %parallel_loop3A_343] {strides = array<i32>} : memref<200x128xi32, #tpu.memory_space<vmem>>, vector<16xi32>,
        tpu.vector_store %arg6[%parallel_loop3A_342, %parallel_loop3A_343], %parallel_loop3A_341 {strides = array<i32>} : memref<200x128xi32, #tpu.memory_space<vmem>>, vector<16xi32>,
        %parallel_loop3A_345 = arith.constant 96 : i32
        %parallel_loop3A_346 = vector.broadcast %parallel_loop3A_345 : i32 to vector<16xi32>
        %parallel_loop3A_347 = arith.addi %iota3A, %parallel_loop3A_346 : vector<16xi32>
        %parallel_loop3A_348 = tpu.vector_load_idx %arg5[%parallel_loop3A_347, %parallel_loop3A_302] : memref<128x200xi32, #tpu.memory_space<vmem>>[vector<16xi32>, vector<16xi32>], vector<16xi32>,
        %parallel_loop3A_349 = arith.index_cast %parallel_loop3A_298 : i32 to index
        %parallel_loop3A_350 = arith.constant 96 : index
        %parallel_loop3A_351 = tpu.vector_load %arg6[%parallel_loop3A_349, %parallel_loop3A_350] {strides = array<i32>} : memref<200x128xi32, #tpu.memory_space<vmem>>, vector<16xi32>,
        tpu.vector_store %arg6[%parallel_loop3A_349, %parallel_loop3A_350], %parallel_loop3A_348 {strides = array<i32>} : memref<200x128xi32, #tpu.memory_space<vmem>>, vector<16xi32>,
        %parallel_loop3A_352 = arith.constant 112 : i32
        %parallel_loop3A_353 = vector.broadcast %parallel_loop3A_352 : i32 to vector<16xi32>
        %parallel_loop3A_354 = arith.addi %iota3A, %parallel_loop3A_353 : vector<16xi32>
        %parallel_loop3A_355 = tpu.vector_load_idx %arg5[%parallel_loop3A_354, %parallel_loop3A_302] : memref<128x200xi32, #tpu.memory_space<vmem>>[vector<16xi32>, vector<16xi32>], vector<16xi32>,
        %parallel_loop3A_356 = arith.index_cast %parallel_loop3A_298 : i32 to index
        %parallel_loop3A_357 = arith.constant 112 : index
        %parallel_loop3A_358 = tpu.vector_load %arg6[%parallel_loop3A_356, %parallel_loop3A_357] {strides = array<i32>} : memref<200x128xi32, #tpu.memory_space<vmem>>, vector<16xi32>,
        tpu.vector_store %arg6[%parallel_loop3A_356, %parallel_loop3A_357], %parallel_loop3A_355 {strides = array<i32>} : memref<200x128xi32, #tpu.memory_space<vmem>>, vector<16xi32>,
      } {sc.loop_unroll_factor = 8 : i64, sc.parallel_access}
      %dma_start3A_22 = arith.constant 0 : i32
      %dma_start3A_23 = arith.constant 0 : i32
      %dma_start3A_24 = tpu.memref_slice %arg6[%dma_start3A_22, %dma_start3A_23] : memref<200x128xi32, #tpu.memory_space<vmem>> -> memref<1x128xi32, #tpu.memory_space<vmem>>
      %dma_start3A_25 = tpu.memref_squeeze %dma_start3A_24 : memref<1x128xi32, #tpu.memory_space<vmem>> -> memref<128xi32, #tpu.memory_space<vmem>>
      %dma_start3A_26 = arith.constant 0 : i32
      %dma_start3A_27 = arith.constant 0 : i32
      %dma_start3A_28 = tpu.memref_slice %arg3[%dma_start3A_26, %dma_start3A_27] : memref<1000000x64xf32, #tpu.memory_space<hbm>> -> memref<1000000x64xf32, #tpu.memory_space<hbm>>
      tpu.enqueue_indirect_dma source(%dma_start3A_28 : memref<1000000x64xf32, #tpu.memory_space<hbm>>) target(%arg7 : memref<128x64xf32, #tpu.memory_space<vmem>>) offsets(%dma_start3A_25 : memref<128xi32, #tpu.memory_space<vmem>>) semaphore(%arg11 : memref<!tpu.dma_semaphore, #tpu.memory_space<semaphore_mem>>)
      %dma_start3A_29 = arith.constant 1 : i32
      %dma_start3A_30 = arith.constant 0 : i32
      %dma_start3A_31 = tpu.memref_slice %arg6[%dma_start3A_29, %dma_start3A_30] : memref<200x128xi32, #tpu.memory_space<vmem>> -> memref<1x128xi32, #tpu.memory_space<vmem>>
      %dma_start3A_32 = tpu.memref_squeeze %dma_start3A_31 : memref<1x128xi32, #tpu.memory_space<vmem>> -> memref<128xi32, #tpu.memory_space<vmem>>
      %dma_start3A_33 = arith.constant 0 : i32
      %dma_start3A_34 = arith.constant 0 : i32
      %dma_start3A_35 = tpu.memref_slice %arg3[%dma_start3A_33, %dma_start3A_34] : memref<1000000x64xf32, #tpu.memory_space<hbm>> -> memref<1000000x64xf32, #tpu.memory_space<hbm>>
      tpu.enqueue_indirect_dma source(%dma_start3A_35 : memref<1000000x64xf32, #tpu.memory_space<hbm>>) target(%arg8 : memref<128x64xf32, #tpu.memory_space<vmem>>) offsets(%dma_start3A_32 : memref<128xi32, #tpu.memory_space<vmem>>) semaphore(%arg12 : memref<!tpu.dma_semaphore, #tpu.memory_space<semaphore_mem>>)
      %scan3A_36 = arith.constant 0 : i32
      %scan3A_37 = arith.constant 0 : i32
      %scan3A_38 = arith.constant 100 : i32
      %scan3A_39 = arith.addi %scan3A_37, %scan3A_38 : i32
      %scan3A_40 = arith.constant 1 : i32
      scf.for %scan3A_298 = %scan3A_37 to %scan3A_39 step %scan3A_40  : i32 {
        %mul3A_299 = arith.constant 2 : i32
        %mul3A_300 = arith.muli %scan3A_298, %mul3A_299 : i32
        %add3A_301 = arith.constant 0 : i32
        %add3A_302 = arith.addi %mul3A_300, %add3A_301 : i32
        %dma_wait3A_303 = arith.constant 0 : i32
        %dma_wait3A_304 = tpu.memref_slice %arg6[%add3A_302, %dma_wait3A_303] : memref<200x128xi32, #tpu.memory_space<vmem>> -> memref<1x128xi32, #tpu.memory_space<vmem>>
        %dma_wait3A_305 = tpu.memref_squeeze %dma_wait3A_304 : memref<1x128xi32, #tpu.memory_space<vmem>> -> memref<128xi32, #tpu.memory_space<vmem>>
        %dma_wait3A_306 = arith.constant 0 : i32
        %dma_wait3A_307 = arith.constant 0 : i32
        %dma_wait3A_308 = tpu.memref_slice %arg3[%dma_wait3A_306, %dma_wait3A_307] : memref<1000000x64xf32, #tpu.memory_space<hbm>> -> memref<1000000x64xf32, #tpu.memory_space<hbm>>
        tpu.wait_indirect_dma semaphore(%arg11 : memref<!tpu.dma_semaphore, #tpu.memory_space<semaphore_mem>>) src(%dma_wait3A_308 : memref<1000000x64xf32, #tpu.memory_space<hbm>>) dst(%arg7 : memref<128x64xf32, #tpu.memory_space<vmem>>)
        %gt3A = arith.constant 0 : i32
        %gt3A_309 = arith.cmpi sgt, %scan3A_298, %gt3A : i32
        %convert_element_type3A = arith.extui %gt3A_309 : i1 to i32
        %cond3A = arith.constant 0 : i32
        %cond3A_310 = arith.cmpi ne, %convert_element_type3A, %cond3A : i32
        scf.if %cond3A_310 {
          %sub3A = arith.constant 2 : i32
          %sub3A_581 = arith.subi %add3A_302, %sub3A : i32
          %dma_wait3A_582 = arith.constant 0 : i32
          %dma_wait3A_583 = arith.constant 0 : i32
          %dma_wait3A_584 = arith.constant 0 : i32
          %dma_wait3A_585 = tpu.memref_slice %arg9[%dma_wait3A_583, %dma_wait3A_584] : memref<64x128xf32, #tpu.memory_space<vmem>> -> memref<8x128xf32, #tpu.memory_space<vmem>>
          %dma_wait3A_586 = arith.constant 0 : i32
          %dma_wait3A_587 = arith.constant 0 : i32
          %dma_wait3A_588 = tpu.memref_slice %arg4[%sub3A_581, %dma_wait3A_582, %add3A_9, %dma_wait3A_586, %dma_wait3A_587] : memref<200x8x128x8x128xf32, #tpu.memory_space<hbm>> -> memref<1x1x1x8x128xf32, #tpu.memory_space<hbm>>
          %dma_wait3A_589 = tpu.memref_squeeze %dma_wait3A_588 : memref<1x1x1x8x128xf32, #tpu.memory_space<hbm>> -> memref<8x128xf32, #tpu.memory_space<hbm>>
          %dma_wait3A_590 = arith.constant 0 : i32
          %dma_wait3A_591 = arith.constant 0 : i32
          %dma_wait3A_592 = tpu.memref_slice %arg4[%sub3A_581, %dma_wait3A_582, %add3A_9, %dma_wait3A_590, %dma_wait3A_591] : memref<200x8x128x8x128xf32, #tpu.memory_space<hbm>> -> memref<1x1x1x8x128xf32, #tpu.memory_space<hbm>>
          %dma_wait3A_593 = tpu.memref_squeeze %dma_wait3A_592 : memref<1x1x1x8x128xf32, #tpu.memory_space<hbm>> -> memref<8x128xf32, #tpu.memory_space<hbm>>
          %dma_wait3A_594 = arith.constant 0 : i32
          %dma_wait3A_595 = arith.constant 0 : i32
          %dma_wait3A_596 = tpu.memref_slice %arg9[%dma_wait3A_594, %dma_wait3A_595] : memref<64x128xf32, #tpu.memory_space<vmem>> -> memref<8x128xf32, #tpu.memory_space<vmem>>
          tpu.wait_dma2 semaphore(%arg13 : memref<!tpu.dma_semaphore, #tpu.memory_space<semaphore_mem>>) src(%dma_wait3A_596 : memref<8x128xf32, #tpu.memory_space<vmem>>) dst(%dma_wait3A_593 : memref<8x128xf32, #tpu.memory_space<hbm>>)
          %dma_wait3A_597 = arith.constant 1 : i32
          %dma_wait3A_598 = arith.constant 8 : i32
          %dma_wait3A_599 = arith.constant 0 : i32
          %dma_wait3A_600 = tpu.memref_slice %arg9[%dma_wait3A_598, %dma_wait3A_599] : memref<64x128xf32, #tpu.memory_space<vmem>> -> memref<8x128xf32, #tpu.memory_space<vmem>>
          %dma_wait3A_601 = arith.constant 0 : i32
          %dma_wait3A_602 = arith.constant 0 : i32
          %dma_wait3A_603 = tpu.memref_slice %arg4[%sub3A_581, %dma_wait3A_597, %add3A_9, %dma_wait3A_601, %dma_wait3A_602] : memref<200x8x128x8x128xf32, #tpu.memory_space<hbm>> -> memref<1x1x1x8x128xf32, #tpu.memory_space<hbm>>
          %dma_wait3A_604 = tpu.memref_squeeze %dma_wait3A_603 : memref<1x1x1x8x128xf32, #tpu.memory_space<hbm>> -> memref<8x128xf32, #tpu.memory_space<hbm>>
          %dma_wait3A_605 = arith.constant 0 : i32
          %dma_wait3A_606 = arith.constant 0 : i32
          %dma_wait3A_607 = tpu.memref_slice %arg4[%sub3A_581, %dma_wait3A_597, %add3A_9, %dma_wait3A_605, %dma_wait3A_606] : memref<200x8x128x8x128xf32, #tpu.memory_space<hbm>> -> memref<1x1x1x8x128xf32, #tpu.memory_space<hbm>>
          %dma_wait3A_608 = tpu.memref_squeeze %dma_wait3A_607 : memref<1x1x1x8x128xf32, #tpu.memory_space<hbm>> -> memref<8x128xf32, #tpu.memory_space<hbm>>
          %dma_wait3A_609 = arith.constant 8 : i32
          %dma_wait3A_610 = arith.constant 0 : i32
          %dma_wait3A_611 = tpu.memref_slice %arg9[%dma_wait3A_609, %dma_wait3A_610] : memref<64x128xf32, #tpu.memory_space<vmem>> -> memref<8x128xf32, #tpu.memory_space<vmem>>
          tpu.wait_dma2 semaphore(%arg13 : memref<!tpu.dma_semaphore, #tpu.memory_space<semaphore_mem>>) src(%dma_wait3A_611 : memref<8x128xf32, #tpu.memory_space<vmem>>) dst(%dma_wait3A_608 : memref<8x128xf32, #tpu.memory_space<hbm>>)
          %dma_wait3A_612 = arith.constant 2 : i32
          %dma_wait3A_613 = arith.constant 16 : i32
          %dma_wait3A_614 = arith.constant 0 : i32
          %dma_wait3A_615 = tpu.memref_slice %arg9[%dma_wait3A_613, %dma_wait3A_614] : memref<64x128xf32, #tpu.memory_space<vmem>> -> memref<8x128xf32, #tpu.memory_space<vmem>>
          %dma_wait3A_616 = arith.constant 0 : i32
          %dma_wait3A_617 = arith.constant 0 : i32
          %dma_wait3A_618 = tpu.memref_slice %arg4[%sub3A_581, %dma_wait3A_612, %add3A_9, %dma_wait3A_616, %dma_wait3A_617] : memref<200x8x128x8x128xf32, #tpu.memory_space<hbm>> -> memref<1x1x1x8x128xf32, #tpu.memory_space<hbm>>
          %dma_wait3A_619 = tpu.memref_squeeze %dma_wait3A_618 : memref<1x1x1x8x128xf32, #tpu.memory_space<hbm>> -> memref<8x128xf32, #tpu.memory_space<hbm>>
          %dma_wait3A_620 = arith.constant 0 : i32
          %dma_wait3A_621 = arith.constant 0 : i32
          %dma_wait3A_622 = tpu.memref_slice %arg4[%sub3A_581, %dma_wait3A_612, %add3A_9, %dma_wait3A_620, %dma_wait3A_621] : memref<200x8x128x8x128xf32, #tpu.memory_space<hbm>> -> memref<1x1x1x8x128xf32, #tpu.memory_space<hbm>>
          %dma_wait3A_623 = tpu.memref_squeeze %dma_wait3A_622 : memref<1x1x1x8x128xf32, #tpu.memory_space<hbm>> -> memref<8x128xf32, #tpu.memory_space<hbm>>
          %dma_wait3A_624 = arith.constant 16 : i32
          %dma_wait3A_625 = arith.constant 0 : i32
          %dma_wait3A_626 = tpu.memref_slice %arg9[%dma_wait3A_624, %dma_wait3A_625] : memref<64x128xf32, #tpu.memory_space<vmem>> -> memref<8x128xf32, #tpu.memory_space<vmem>>
          tpu.wait_dma2 semaphore(%arg13 : memref<!tpu.dma_semaphore, #tpu.memory_space<semaphore_mem>>) src(%dma_wait3A_626 : memref<8x128xf32, #tpu.memory_space<vmem>>) dst(%dma_wait3A_623 : memref<8x128xf32, #tpu.memory_space<hbm>>)
          %dma_wait3A_627 = arith.constant 3 : i32
          %dma_wait3A_628 = arith.constant 24 : i32
          %dma_wait3A_629 = arith.constant 0 : i32
          %dma_wait3A_630 = tpu.memref_slice %arg9[%dma_wait3A_628, %dma_wait3A_629] : memref<64x128xf32, #tpu.memory_space<vmem>> -> memref<8x128xf32, #tpu.memory_space<vmem>>
          %dma_wait3A_631 = arith.constant 0 : i32
          %dma_wait3A_632 = arith.constant 0 : i32
          %dma_wait3A_633 = tpu.memref_slice %arg4[%sub3A_581, %dma_wait3A_627, %add3A_9, %dma_wait3A_631, %dma_wait3A_632] : memref<200x8x128x8x128xf32, #tpu.memory_space<hbm>> -> memref<1x1x1x8x128xf32, #tpu.memory_space<hbm>>
          %dma_wait3A_634 = tpu.memref_squeeze %dma_wait3A_633 : memref<1x1x1x8x128xf32, #tpu.memory_space<hbm>> -> memref<8x128xf32, #tpu.memory_space<hbm>>
          %dma_wait3A_635 = arith.constant 0 : i32
          %dma_wait3A_636 = arith.constant 0 : i32
          %dma_wait3A_637 = tpu.memref_slice %arg4[%sub3A_581, %dma_wait3A_627, %add3A_9, %dma_wait3A_635, %dma_wait3A_636] : memref<200x8x128x8x128xf32, #tpu.memory_space<hbm>> -> memref<1x1x1x8x128xf32, #tpu.memory_space<hbm>>
          %dma_wait3A_638 = tpu.memref_squeeze %dma_wait3A_637 : memref<1x1x1x8x128xf32, #tpu.memory_space<hbm>> -> memref<8x128xf32, #tpu.memory_space<hbm>>
          %dma_wait3A_639 = arith.constant 24 : i32
          %dma_wait3A_640 = arith.constant 0 : i32
          %dma_wait3A_641 = tpu.memref_slice %arg9[%dma_wait3A_639, %dma_wait3A_640] : memref<64x128xf32, #tpu.memory_space<vmem>> -> memref<8x128xf32, #tpu.memory_space<vmem>>
          tpu.wait_dma2 semaphore(%arg13 : memref<!tpu.dma_semaphore, #tpu.memory_space<semaphore_mem>>) src(%dma_wait3A_641 : memref<8x128xf32, #tpu.memory_space<vmem>>) dst(%dma_wait3A_638 : memref<8x128xf32, #tpu.memory_space<hbm>>)
          %dma_wait3A_642 = arith.constant 4 : i32
          %dma_wait3A_643 = arith.constant 32 : i32
          %dma_wait3A_644 = arith.constant 0 : i32
          %dma_wait3A_645 = tpu.memref_slice %arg9[%dma_wait3A_643, %dma_wait3A_644] : memref<64x128xf32, #tpu.memory_space<vmem>> -> memref<8x128xf32, #tpu.memory_space<vmem>>
          %dma_wait3A_646 = arith.constant 0 : i32
          %dma_wait3A_647 = arith.constant 0 : i32
          %dma_wait3A_648 = tpu.memref_slice %arg4[%sub3A_581, %dma_wait3A_642, %add3A_9, %dma_wait3A_646, %dma_wait3A_647] : memref<200x8x128x8x128xf32, #tpu.memory_space<hbm>> -> memref<1x1x1x8x128xf32, #tpu.memory_space<hbm>>
          %dma_wait3A_649 = tpu.memref_squeeze %dma_wait3A_648 : memref<1x1x1x8x128xf32, #tpu.memory_space<hbm>> -> memref<8x128xf32, #tpu.memory_space<hbm>>
          %dma_wait3A_650 = arith.constant 0 : i32
          %dma_wait3A_651 = arith.constant 0 : i32
          %dma_wait3A_652 = tpu.memref_slice %arg4[%sub3A_581, %dma_wait3A_642, %add3A_9, %dma_wait3A_650, %dma_wait3A_651] : memref<200x8x128x8x128xf32, #tpu.memory_space<hbm>> -> memref<1x1x1x8x128xf32, #tpu.memory_space<hbm>>
          %dma_wait3A_653 = tpu.memref_squeeze %dma_wait3A_652 : memref<1x1x1x8x128xf32, #tpu.memory_space<hbm>> -> memref<8x128xf32, #tpu.memory_space<hbm>>
          %dma_wait3A_654 = arith.constant 32 : i32
          %dma_wait3A_655 = arith.constant 0 : i32
          %dma_wait3A_656 = tpu.memref_slice %arg9[%dma_wait3A_654, %dma_wait3A_655] : memref<64x128xf32, #tpu.memory_space<vmem>> -> memref<8x128xf32, #tpu.memory_space<vmem>>
          tpu.wait_dma2 semaphore(%arg13 : memref<!tpu.dma_semaphore, #tpu.memory_space<semaphore_mem>>) src(%dma_wait3A_656 : memref<8x128xf32, #tpu.memory_space<vmem>>) dst(%dma_wait3A_653 : memref<8x128xf32, #tpu.memory_space<hbm>>)
          %dma_wait3A_657 = arith.constant 5 : i32
          %dma_wait3A_658 = arith.constant 40 : i32
          %dma_wait3A_659 = arith.constant 0 : i32
          %dma_wait3A_660 = tpu.memref_slice %arg9[%dma_wait3A_658, %dma_wait3A_659] : memref<64x128xf32, #tpu.memory_space<vmem>> -> memref<8x128xf32, #tpu.memory_space<vmem>>
          %dma_wait3A_661 = arith.constant 0 : i32
          %dma_wait3A_662 = arith.constant 0 : i32
          %dma_wait3A_663 = tpu.memref_slice %arg4[%sub3A_581, %dma_wait3A_657, %add3A_9, %dma_wait3A_661, %dma_wait3A_662] : memref<200x8x128x8x128xf32, #tpu.memory_space<hbm>> -> memref<1x1x1x8x128xf32, #tpu.memory_space<hbm>>
          %dma_wait3A_664 = tpu.memref_squeeze %dma_wait3A_663 : memref<1x1x1x8x128xf32, #tpu.memory_space<hbm>> -> memref<8x128xf32, #tpu.memory_space<hbm>>
          %dma_wait3A_665 = arith.constant 0 : i32
          %dma_wait3A_666 = arith.constant 0 : i32
          %dma_wait3A_667 = tpu.memref_slice %arg4[%sub3A_581, %dma_wait3A_657, %add3A_9, %dma_wait3A_665, %dma_wait3A_666] : memref<200x8x128x8x128xf32, #tpu.memory_space<hbm>> -> memref<1x1x1x8x128xf32, #tpu.memory_space<hbm>>
          %dma_wait3A_668 = tpu.memref_squeeze %dma_wait3A_667 : memref<1x1x1x8x128xf32, #tpu.memory_space<hbm>> -> memref<8x128xf32, #tpu.memory_space<hbm>>
          %dma_wait3A_669 = arith.constant 40 : i32
          %dma_wait3A_670 = arith.constant 0 : i32
          %dma_wait3A_671 = tpu.memref_slice %arg9[%dma_wait3A_669, %dma_wait3A_670] : memref<64x128xf32, #tpu.memory_space<vmem>> -> memref<8x128xf32, #tpu.memory_space<vmem>>
          tpu.wait_dma2 semaphore(%arg13 : memref<!tpu.dma_semaphore, #tpu.memory_space<semaphore_mem>>) src(%dma_wait3A_671 : memref<8x128xf32, #tpu.memory_space<vmem>>) dst(%dma_wait3A_668 : memref<8x128xf32, #tpu.memory_space<hbm>>)
          %dma_wait3A_672 = arith.constant 6 : i32
          %dma_wait3A_673 = arith.constant 48 : i32
          %dma_wait3A_674 = arith.constant 0 : i32
          %dma_wait3A_675 = tpu.memref_slice %arg9[%dma_wait3A_673, %dma_wait3A_674] : memref<64x128xf32, #tpu.memory_space<vmem>> -> memref<8x128xf32, #tpu.memory_space<vmem>>
          %dma_wait3A_676 = arith.constant 0 : i32
          %dma_wait3A_677 = arith.constant 0 : i32
          %dma_wait3A_678 = tpu.memref_slice %arg4[%sub3A_581, %dma_wait3A_672, %add3A_9, %dma_wait3A_676, %dma_wait3A_677] : memref<200x8x128x8x128xf32, #tpu.memory_space<hbm>> -> memref<1x1x1x8x128xf32, #tpu.memory_space<hbm>>
          %dma_wait3A_679 = tpu.memref_squeeze %dma_wait3A_678 : memref<1x1x1x8x128xf32, #tpu.memory_space<hbm>> -> memref<8x128xf32, #tpu.memory_space<hbm>>
          %dma_wait3A_680 = arith.constant 0 : i32
          %dma_wait3A_681 = arith.constant 0 : i32
          %dma_wait3A_682 = tpu.memref_slice %arg4[%sub3A_581, %dma_wait3A_672, %add3A_9, %dma_wait3A_680, %dma_wait3A_681] : memref<200x8x128x8x128xf32, #tpu.memory_space<hbm>> -> memref<1x1x1x8x128xf32, #tpu.memory_space<hbm>>
          %dma_wait3A_683 = tpu.memref_squeeze %dma_wait3A_682 : memref<1x1x1x8x128xf32, #tpu.memory_space<hbm>> -> memref<8x128xf32, #tpu.memory_space<hbm>>
          %dma_wait3A_684 = arith.constant 48 : i32
          %dma_wait3A_685 = arith.constant 0 : i32
          %dma_wait3A_686 = tpu.memref_slice %arg9[%dma_wait3A_684, %dma_wait3A_685] : memref<64x128xf32, #tpu.memory_space<vmem>> -> memref<8x128xf32, #tpu.memory_space<vmem>>
          tpu.wait_dma2 semaphore(%arg13 : memref<!tpu.dma_semaphore, #tpu.memory_space<semaphore_mem>>) src(%dma_wait3A_686 : memref<8x128xf32, #tpu.memory_space<vmem>>) dst(%dma_wait3A_683 : memref<8x128xf32, #tpu.memory_space<hbm>>)
          %dma_wait3A_687 = arith.constant 7 : i32
          %dma_wait3A_688 = arith.constant 56 : i32
          %dma_wait3A_689 = arith.constant 0 : i32
          %dma_wait3A_690 = tpu.memref_slice %arg9[%dma_wait3A_688, %dma_wait3A_689] : memref<64x128xf32, #tpu.memory_space<vmem>> -> memref<8x128xf32, #tpu.memory_space<vmem>>
          %dma_wait3A_691 = arith.constant 0 : i32
          %dma_wait3A_692 = arith.constant 0 : i32
          %dma_wait3A_693 = tpu.memref_slice %arg4[%sub3A_581, %dma_wait3A_687, %add3A_9, %dma_wait3A_691, %dma_wait3A_692] : memref<200x8x128x8x128xf32, #tpu.memory_space<hbm>> -> memref<1x1x1x8x128xf32, #tpu.memory_space<hbm>>
          %dma_wait3A_694 = tpu.memref_squeeze %dma_wait3A_693 : memref<1x1x1x8x128xf32, #tpu.memory_space<hbm>> -> memref<8x128xf32, #tpu.memory_space<hbm>>
          %dma_wait3A_695 = arith.constant 0 : i32
          %dma_wait3A_696 = arith.constant 0 : i32
          %dma_wait3A_697 = tpu.memref_slice %arg4[%sub3A_581, %dma_wait3A_687, %add3A_9, %dma_wait3A_695, %dma_wait3A_696] : memref<200x8x128x8x128xf32, #tpu.memory_space<hbm>> -> memref<1x1x1x8x128xf32, #tpu.memory_space<hbm>>
          %dma_wait3A_698 = tpu.memref_squeeze %dma_wait3A_697 : memref<1x1x1x8x128xf32, #tpu.memory_space<hbm>> -> memref<8x128xf32, #tpu.memory_space<hbm>>
          %dma_wait3A_699 = arith.constant 56 : i32
          %dma_wait3A_700 = arith.constant 0 : i32
          %dma_wait3A_701 = tpu.memref_slice %arg9[%dma_wait3A_699, %dma_wait3A_700] : memref<64x128xf32, #tpu.memory_space<vmem>> -> memref<8x128xf32, #tpu.memory_space<vmem>>
          tpu.wait_dma2 semaphore(%arg13 : memref<!tpu.dma_semaphore, #tpu.memory_space<semaphore_mem>>) src(%dma_wait3A_701 : memref<8x128xf32, #tpu.memory_space<vmem>>) dst(%dma_wait3A_698 : memref<8x128xf32, #tpu.memory_space<hbm>>)
        } else {
        }
        %parallel_loop3A_311 = arith.constant 0 : i32
        %parallel_loop3A_312 = arith.constant 128 : i32
        %parallel_loop3A_313 = arith.constant 16 : i32
        scf.for %parallel_loop3A_581 = %parallel_loop3A_311 to %parallel_loop3A_312 step %parallel_loop3A_313  : i32 {
          %parallel_loop3A_582 = vector.broadcast %parallel_loop3A_581 : i32 to vector<16xi32>
          %parallel_loop3A_583 = arith.addi %iota3A, %parallel_loop3A_582 : vector<16xi32>
          %parallel_loop3A_584 = arith.constant 0 : i32
          %parallel_loop3A_585 = vector.broadcast %parallel_loop3A_584 : i32 to vector<16xi32>
          %parallel_loop3A_586 = arith.xori %iota3A, %parallel_loop3A_585 : vector<16xi32>
          %parallel_loop3A_587 = arith.constant 0 : i32
          %parallel_loop3A_588 = vector.broadcast %parallel_loop3A_587 : i32 to vector<16xi32>
          %parallel_loop3A_589 = arith.addi %parallel_loop3A_586, %parallel_loop3A_588 : vector<16xi32>
          %parallel_loop3A_590 = tpu.vector_load_idx %arg7[%parallel_loop3A_583, %parallel_loop3A_589] : memref<128x64xf32, #tpu.memory_space<vmem>>[vector<16xi32>, vector<16xi32>], vector<16xf32>,
          tpu.vector_store_idx %arg9[%parallel_loop3A_589, %parallel_loop3A_583], %parallel_loop3A_590 : memref<64x128xf32, #tpu.memory_space<vmem>>[vector<16xi32>, vector<16xi32>], vector<16xf32>,
          %parallel_loop3A_591 = arith.constant 1 : i32
          %parallel_loop3A_592 = vector.broadcast %parallel_loop3A_591 : i32 to vector<16xi32>
          %parallel_loop3A_593 = arith.xori %iota3A, %parallel_loop3A_592 : vector<16xi32>
          %parallel_loop3A_594 = arith.constant 0 : i32
          %parallel_loop3A_595 = vector.broadcast %parallel_loop3A_594 : i32 to vector<16xi32>
          %parallel_loop3A_596 = arith.addi %parallel_loop3A_593, %parallel_loop3A_595 : vector<16xi32>
          %parallel_loop3A_597 = tpu.vector_load_idx %arg7[%parallel_loop3A_583, %parallel_loop3A_596] : memref<128x64xf32, #tpu.memory_space<vmem>>[vector<16xi32>, vector<16xi32>], vector<16xf32>,
          tpu.vector_store_idx %arg9[%parallel_loop3A_596, %parallel_loop3A_583], %parallel_loop3A_597 : memref<64x128xf32, #tpu.memory_space<vmem>>[vector<16xi32>, vector<16xi32>], vector<16xf32>,
          %parallel_loop3A_598 = arith.constant 2 : i32
          %parallel_loop3A_599 = vector.broadcast %parallel_loop3A_598 : i32 to vector<16xi32>
          %parallel_loop3A_600 = arith.xori %iota3A, %parallel_loop3A_599 : vector<16xi32>
          %parallel_loop3A_601 = arith.constant 0 : i32
          %parallel_loop3A_602 = vector.broadcast %parallel_loop3A_601 : i32 to vector<16xi32>
          %parallel_loop3A_603 = arith.addi %parallel_loop3A_600, %parallel_loop3A_602 : vector<16xi32>
          %parallel_loop3A_604 = tpu.vector_load_idx %arg7[%parallel_loop3A_583, %parallel_loop3A_603] : memref<128x64xf32, #tpu.memory_space<vmem>>[vector<16xi32>, vector<16xi32>], vector<16xf32>,
          tpu.vector_store_idx %arg9[%parallel_loop3A_603, %parallel_loop3A_583], %parallel_loop3A_604 : memref<64x128xf32, #tpu.memory_space<vmem>>[vector<16xi32>, vector<16xi32>], vector<16xf32>,
          %parallel_loop3A_605 = arith.constant 3 : i32
          %parallel_loop3A_606 = vector.broadcast %parallel_loop3A_605 : i32 to vector<16xi32>
          %parallel_loop3A_607 = arith.xori %iota3A, %parallel_loop3A_606 : vector<16xi32>
          %parallel_loop3A_608 = arith.constant 0 : i32
          %parallel_loop3A_609 = vector.broadcast %parallel_loop3A_608 : i32 to vector<16xi32>
          %parallel_loop3A_610 = arith.addi %parallel_loop3A_607, %parallel_loop3A_609 : vector<16xi32>
          %parallel_loop3A_611 = tpu.vector_load_idx %arg7[%parallel_loop3A_583, %parallel_loop3A_610] : memref<128x64xf32, #tpu.memory_space<vmem>>[vector<16xi32>, vector<16xi32>], vector<16xf32>,
          tpu.vector_store_idx %arg9[%parallel_loop3A_610, %parallel_loop3A_583], %parallel_loop3A_611 : memref<64x128xf32, #tpu.memory_space<vmem>>[vector<16xi32>, vector<16xi32>], vector<16xf32>,
          %parallel_loop3A_612 = arith.constant 4 : i32
          %parallel_loop3A_613 = vector.broadcast %parallel_loop3A_612 : i32 to vector<16xi32>
          %parallel_loop3A_614 = arith.xori %iota3A, %parallel_loop3A_613 : vector<16xi32>
          %parallel_loop3A_615 = arith.constant 0 : i32
          %parallel_loop3A_616 = vector.broadcast %parallel_loop3A_615 : i32 to vector<16xi32>
          %parallel_loop3A_617 = arith.addi %parallel_loop3A_614, %parallel_loop3A_616 : vector<16xi32>
          %parallel_loop3A_618 = tpu.vector_load_idx %arg7[%parallel_loop3A_583, %parallel_loop3A_617] : memref<128x64xf32, #tpu.memory_space<vmem>>[vector<16xi32>, vector<16xi32>], vector<16xf32>,
          tpu.vector_store_idx %arg9[%parallel_loop3A_617, %parallel_loop3A_583], %parallel_loop3A_618 : memref<64x128xf32, #tpu.memory_space<vmem>>[vector<16xi32>, vector<16xi32>], vector<16xf32>,
          %parallel_loop3A_619 = arith.constant 5 : i32
          %parallel_loop3A_620 = vector.broadcast %parallel_loop3A_619 : i32 to vector<16xi32>
          %parallel_loop3A_621 = arith.xori %iota3A, %parallel_loop3A_620 : vector<16xi32>
          %parallel_loop3A_622 = arith.constant 0 : i32
          %parallel_loop3A_623 = vector.broadcast %parallel_loop3A_622 : i32 to vector<16xi32>
          %parallel_loop3A_624 = arith.addi %parallel_loop3A_621, %parallel_loop3A_623 : vector<16xi32>
          %parallel_loop3A_625 = tpu.vector_load_idx %arg7[%parallel_loop3A_583, %parallel_loop3A_624] : memref<128x64xf32, #tpu.memory_space<vmem>>[vector<16xi32>, vector<16xi32>], vector<16xf32>,
          tpu.vector_store_idx %arg9[%parallel_loop3A_624, %parallel_loop3A_583], %parallel_loop3A_625 : memref<64x128xf32, #tpu.memory_space<vmem>>[vector<16xi32>, vector<16xi32>], vector<16xf32>,
          %parallel_loop3A_626 = arith.constant 6 : i32
          %parallel_loop3A_627 = vector.broadcast %parallel_loop3A_626 : i32 to vector<16xi32>
          %parallel_loop3A_628 = arith.xori %iota3A, %parallel_loop3A_627 : vector<16xi32>
          %parallel_loop3A_629 = arith.constant 0 : i32
          %parallel_loop3A_630 = vector.broadcast %parallel_loop3A_629 : i32 to vector<16xi32>
          %parallel_loop3A_631 = arith.addi %parallel_loop3A_628, %parallel_loop3A_630 : vector<16xi32>
          %parallel_loop3A_632 = tpu.vector_load_idx %arg7[%parallel_loop3A_583, %parallel_loop3A_631] : memref<128x64xf32, #tpu.memory_space<vmem>>[vector<16xi32>, vector<16xi32>], vector<16xf32>,
          tpu.vector_store_idx %arg9[%parallel_loop3A_631, %parallel_loop3A_583], %parallel_loop3A_632 : memref<64x128xf32, #tpu.memory_space<vmem>>[vector<16xi32>, vector<16xi32>], vector<16xf32>,
          %parallel_loop3A_633 = arith.constant 7 : i32
          %parallel_loop3A_634 = vector.broadcast %parallel_loop3A_633 : i32 to vector<16xi32>
          %parallel_loop3A_635 = arith.xori %iota3A, %parallel_loop3A_634 : vector<16xi32>
          %parallel_loop3A_636 = arith.constant 0 : i32
          %parallel_loop3A_637 = vector.broadcast %parallel_loop3A_636 : i32 to vector<16xi32>
          %parallel_loop3A_638 = arith.addi %parallel_loop3A_635, %parallel_loop3A_637 : vector<16xi32>
          %parallel_loop3A_639 = tpu.vector_load_idx %arg7[%parallel_loop3A_583, %parallel_loop3A_638] : memref<128x64xf32, #tpu.memory_space<vmem>>[vector<16xi32>, vector<16xi32>], vector<16xf32>,
          tpu.vector_store_idx %arg9[%parallel_loop3A_638, %parallel_loop3A_583], %parallel_loop3A_639 : memref<64x128xf32, #tpu.memory_space<vmem>>[vector<16xi32>, vector<16xi32>], vector<16xf32>,
          %parallel_loop3A_640 = arith.constant 8 : i32
          %parallel_loop3A_641 = vector.broadcast %parallel_loop3A_640 : i32 to vector<16xi32>
          %parallel_loop3A_642 = arith.xori %iota3A, %parallel_loop3A_641 : vector<16xi32>
          %parallel_loop3A_643 = arith.constant 0 : i32
          %parallel_loop3A_644 = vector.broadcast %parallel_loop3A_643 : i32 to vector<16xi32>
          %parallel_loop3A_645 = arith.addi %parallel_loop3A_642, %parallel_loop3A_644 : vector<16xi32>
          %parallel_loop3A_646 = tpu.vector_load_idx %arg7[%parallel_loop3A_583, %parallel_loop3A_645] : memref<128x64xf32, #tpu.memory_space<vmem>>[vector<16xi32>, vector<16xi32>], vector<16xf32>,
          tpu.vector_store_idx %arg9[%parallel_loop3A_645, %parallel_loop3A_583], %parallel_loop3A_646 : memref<64x128xf32, #tpu.memory_space<vmem>>[vector<16xi32>, vector<16xi32>], vector<16xf32>,
          %parallel_loop3A_647 = arith.constant 9 : i32
          %parallel_loop3A_648 = vector.broadcast %parallel_loop3A_647 : i32 to vector<16xi32>
          %parallel_loop3A_649 = arith.xori %iota3A, %parallel_loop3A_648 : vector<16xi32>
          %parallel_loop3A_650 = arith.constant 0 : i32
          %parallel_loop3A_651 = vector.broadcast %parallel_loop3A_650 : i32 to vector<16xi32>
          %parallel_loop3A_652 = arith.addi %parallel_loop3A_649, %parallel_loop3A_651 : vector<16xi32>
          %parallel_loop3A_653 = tpu.vector_load_idx %arg7[%parallel_loop3A_583, %parallel_loop3A_652] : memref<128x64xf32, #tpu.memory_space<vmem>>[vector<16xi32>, vector<16xi32>], vector<16xf32>,
          tpu.vector_store_idx %arg9[%parallel_loop3A_652, %parallel_loop3A_583], %parallel_loop3A_653 : memref<64x128xf32, #tpu.memory_space<vmem>>[vector<16xi32>, vector<16xi32>], vector<16xf32>,
          %parallel_loop3A_654 = arith.constant 10 : i32
          %parallel_loop3A_655 = vector.broadcast %parallel_loop3A_654 : i32 to vector<16xi32>
          %parallel_loop3A_656 = arith.xori %iota3A, %parallel_loop3A_655 : vector<16xi32>
          %parallel_loop3A_657 = arith.constant 0 : i32
          %parallel_loop3A_658 = vector.broadcast %parallel_loop3A_657 : i32 to vector<16xi32>
          %parallel_loop3A_659 = arith.addi %parallel_loop3A_656, %parallel_loop3A_658 : vector<16xi32>
          %parallel_loop3A_660 = tpu.vector_load_idx %arg7[%parallel_loop3A_583, %parallel_loop3A_659] : memref<128x64xf32, #tpu.memory_space<vmem>>[vector<16xi32>, vector<16xi32>], vector<16xf32>,
          tpu.vector_store_idx %arg9[%parallel_loop3A_659, %parallel_loop3A_583], %parallel_loop3A_660 : memref<64x128xf32, #tpu.memory_space<vmem>>[vector<16xi32>, vector<16xi32>], vector<16xf32>,
          %parallel_loop3A_661 = arith.constant 11 : i32
          %parallel_loop3A_662 = vector.broadcast %parallel_loop3A_661 : i32 to vector<16xi32>
          %parallel_loop3A_663 = arith.xori %iota3A, %parallel_loop3A_662 : vector<16xi32>
          %parallel_loop3A_664 = arith.constant 0 : i32
          %parallel_loop3A_665 = vector.broadcast %parallel_loop3A_664 : i32 to vector<16xi32>
          %parallel_loop3A_666 = arith.addi %parallel_loop3A_663, %parallel_loop3A_665 : vector<16xi32>
          %parallel_loop3A_667 = tpu.vector_load_idx %arg7[%parallel_loop3A_583, %parallel_loop3A_666] : memref<128x64xf32, #tpu.memory_space<vmem>>[vector<16xi32>, vector<16xi32>], vector<16xf32>,
          tpu.vector_store_idx %arg9[%parallel_loop3A_666, %parallel_loop3A_583], %parallel_loop3A_667 : memref<64x128xf32, #tpu.memory_space<vmem>>[vector<16xi32>, vector<16xi32>], vector<16xf32>,
          %parallel_loop3A_668 = arith.constant 12 : i32
          %parallel_loop3A_669 = vector.broadcast %parallel_loop3A_668 : i32 to vector<16xi32>
          %parallel_loop3A_670 = arith.xori %iota3A, %parallel_loop3A_669 : vector<16xi32>
          %parallel_loop3A_671 = arith.constant 0 : i32
          %parallel_loop3A_672 = vector.broadcast %parallel_loop3A_671 : i32 to vector<16xi32>
          %parallel_loop3A_673 = arith.addi %parallel_loop3A_670, %parallel_loop3A_672 : vector<16xi32>
          %parallel_loop3A_674 = tpu.vector_load_idx %arg7[%parallel_loop3A_583, %parallel_loop3A_673] : memref<128x64xf32, #tpu.memory_space<vmem>>[vector<16xi32>, vector<16xi32>], vector<16xf32>,
          tpu.vector_store_idx %arg9[%parallel_loop3A_673, %parallel_loop3A_583], %parallel_loop3A_674 : memref<64x128xf32, #tpu.memory_space<vmem>>[vector<16xi32>, vector<16xi32>], vector<16xf32>,
          %parallel_loop3A_675 = arith.constant 13 : i32
          %parallel_loop3A_676 = vector.broadcast %parallel_loop3A_675 : i32 to vector<16xi32>
          %parallel_loop3A_677 = arith.xori %iota3A, %parallel_loop3A_676 : vector<16xi32>
          %parallel_loop3A_678 = arith.constant 0 : i32
          %parallel_loop3A_679 = vector.broadcast %parallel_loop3A_678 : i32 to vector<16xi32>
          %parallel_loop3A_680 = arith.addi %parallel_loop3A_677, %parallel_loop3A_679 : vector<16xi32>
          %parallel_loop3A_681 = tpu.vector_load_idx %arg7[%parallel_loop3A_583, %parallel_loop3A_680] : memref<128x64xf32, #tpu.memory_space<vmem>>[vector<16xi32>, vector<16xi32>], vector<16xf32>,
          tpu.vector_store_idx %arg9[%parallel_loop3A_680, %parallel_loop3A_583], %parallel_loop3A_681 : memref<64x128xf32, #tpu.memory_space<vmem>>[vector<16xi32>, vector<16xi32>], vector<16xf32>,
          %parallel_loop3A_682 = arith.constant 14 : i32
          %parallel_loop3A_683 = vector.broadcast %parallel_loop3A_682 : i32 to vector<16xi32>
          %parallel_loop3A_684 = arith.xori %iota3A, %parallel_loop3A_683 : vector<16xi32>
          %parallel_loop3A_685 = arith.constant 0 : i32
          %parallel_loop3A_686 = vector.broadcast %parallel_loop3A_685 : i32 to vector<16xi32>
          %parallel_loop3A_687 = arith.addi %parallel_loop3A_684, %parallel_loop3A_686 : vector<16xi32>
          %parallel_loop3A_688 = tpu.vector_load_idx %arg7[%parallel_loop3A_583, %parallel_loop3A_687] : memref<128x64xf32, #tpu.memory_space<vmem>>[vector<16xi32>, vector<16xi32>], vector<16xf32>,
          tpu.vector_store_idx %arg9[%parallel_loop3A_687, %parallel_loop3A_583], %parallel_loop3A_688 : memref<64x128xf32, #tpu.memory_space<vmem>>[vector<16xi32>, vector<16xi32>], vector<16xf32>,
          %parallel_loop3A_689 = arith.constant 15 : i32
          %parallel_loop3A_690 = vector.broadcast %parallel_loop3A_689 : i32 to vector<16xi32>
          %parallel_loop3A_691 = arith.xori %iota3A, %parallel_loop3A_690 : vector<16xi32>
          %parallel_loop3A_692 = arith.constant 0 : i32
          %parallel_loop3A_693 = vector.broadcast %parallel_loop3A_692 : i32 to vector<16xi32>
          %parallel_loop3A_694 = arith.addi %parallel_loop3A_691, %parallel_loop3A_693 : vector<16xi32>
          %parallel_loop3A_695 = tpu.vector_load_idx %arg7[%parallel_loop3A_583, %parallel_loop3A_694] : memref<128x64xf32, #tpu.memory_space<vmem>>[vector<16xi32>, vector<16xi32>], vector<16xf32>,
          tpu.vector_store_idx %arg9[%parallel_loop3A_694, %parallel_loop3A_583], %parallel_loop3A_695 : memref<64x128xf32, #tpu.memory_space<vmem>>[vector<16xi32>, vector<16xi32>], vector<16xf32>,
          %parallel_loop3A_696 = arith.constant 0 : i32
          %parallel_loop3A_697 = vector.broadcast %parallel_loop3A_696 : i32 to vector<16xi32>
          %parallel_loop3A_698 = arith.xori %iota3A, %parallel_loop3A_697 : vector<16xi32>
          %parallel_loop3A_699 = arith.constant 16 : i32
          %parallel_loop3A_700 = vector.broadcast %parallel_loop3A_699 : i32 to vector<16xi32>
          %parallel_loop3A_701 = arith.addi %parallel_loop3A_698, %parallel_loop3A_700 : vector<16xi32>
          %parallel_loop3A_702 = tpu.vector_load_idx %arg7[%parallel_loop3A_583, %parallel_loop3A_701] : memref<128x64xf32, #tpu.memory_space<vmem>>[vector<16xi32>, vector<16xi32>], vector<16xf32>,
          tpu.vector_store_idx %arg9[%parallel_loop3A_701, %parallel_loop3A_583], %parallel_loop3A_702 : memref<64x128xf32, #tpu.memory_space<vmem>>[vector<16xi32>, vector<16xi32>], vector<16xf32>,
          %parallel_loop3A_703 = arith.constant 1 : i32
          %parallel_loop3A_704 = vector.broadcast %parallel_loop3A_703 : i32 to vector<16xi32>
          %parallel_loop3A_705 = arith.xori %iota3A, %parallel_loop3A_704 : vector<16xi32>
          %parallel_loop3A_706 = arith.constant 16 : i32
          %parallel_loop3A_707 = vector.broadcast %parallel_loop3A_706 : i32 to vector<16xi32>
          %parallel_loop3A_708 = arith.addi %parallel_loop3A_705, %parallel_loop3A_707 : vector<16xi32>
          %parallel_loop3A_709 = tpu.vector_load_idx %arg7[%parallel_loop3A_583, %parallel_loop3A_708] : memref<128x64xf32, #tpu.memory_space<vmem>>[vector<16xi32>, vector<16xi32>], vector<16xf32>,
          tpu.vector_store_idx %arg9[%parallel_loop3A_708, %parallel_loop3A_583], %parallel_loop3A_709 : memref<64x128xf32, #tpu.memory_space<vmem>>[vector<16xi32>, vector<16xi32>], vector<16xf32>,
          %parallel_loop3A_710 = arith.constant 2 : i32
          %parallel_loop3A_711 = vector.broadcast %parallel_loop3A_710 : i32 to vector<16xi32>
          %parallel_loop3A_712 = arith.xori %iota3A, %parallel_loop3A_711 : vector<16xi32>
          %parallel_loop3A_713 = arith.constant 16 : i32
          %parallel_loop3A_714 = vector.broadcast %parallel_loop3A_713 : i32 to vector<16xi32>
          %parallel_loop3A_715 = arith.addi %parallel_loop3A_712, %parallel_loop3A_714 : vector<16xi32>
          %parallel_loop3A_716 = tpu.vector_load_idx %arg7[%parallel_loop3A_583, %parallel_loop3A_715] : memref<128x64xf32, #tpu.memory_space<vmem>>[vector<16xi32>, vector<16xi32>], vector<16xf32>,
          tpu.vector_store_idx %arg9[%parallel_loop3A_715, %parallel_loop3A_583], %parallel_loop3A_716 : memref<64x128xf32, #tpu.memory_space<vmem>>[vector<16xi32>, vector<16xi32>], vector<16xf32>,
          %parallel_loop3A_717 = arith.constant 3 : i32
          %parallel_loop3A_718 = vector.broadcast %parallel_loop3A_717 : i32 to vector<16xi32>
          %parallel_loop3A_719 = arith.xori %iota3A, %parallel_loop3A_718 : vector<16xi32>
          %parallel_loop3A_720 = arith.constant 16 : i32
          %parallel_loop3A_721 = vector.broadcast %parallel_loop3A_720 : i32 to vector<16xi32>
          %parallel_loop3A_722 = arith.addi %parallel_loop3A_719, %parallel_loop3A_721 : vector<16xi32>
          %parallel_loop3A_723 = tpu.vector_load_idx %arg7[%parallel_loop3A_583, %parallel_loop3A_722] : memref<128x64xf32, #tpu.memory_space<vmem>>[vector<16xi32>, vector<16xi32>], vector<16xf32>,
          tpu.vector_store_idx %arg9[%parallel_loop3A_722, %parallel_loop3A_583], %parallel_loop3A_723 : memref<64x128xf32, #tpu.memory_space<vmem>>[vector<16xi32>, vector<16xi32>], vector<16xf32>,
          %parallel_loop3A_724 = arith.constant 4 : i32
          %parallel_loop3A_725 = vector.broadcast %parallel_loop3A_724 : i32 to vector<16xi32>
          %parallel_loop3A_726 = arith.xori %iota3A, %parallel_loop3A_725 : vector<16xi32>
          %parallel_loop3A_727 = arith.constant 16 : i32
          %parallel_loop3A_728 = vector.broadcast %parallel_loop3A_727 : i32 to vector<16xi32>
          %parallel_loop3A_729 = arith.addi %parallel_loop3A_726, %parallel_loop3A_728 : vector<16xi32>
          %parallel_loop3A_730 = tpu.vector_load_idx %arg7[%parallel_loop3A_583, %parallel_loop3A_729] : memref<128x64xf32, #tpu.memory_space<vmem>>[vector<16xi32>, vector<16xi32>], vector<16xf32>,
          tpu.vector_store_idx %arg9[%parallel_loop3A_729, %parallel_loop3A_583], %parallel_loop3A_730 : memref<64x128xf32, #tpu.memory_space<vmem>>[vector<16xi32>, vector<16xi32>], vector<16xf32>,
          %parallel_loop3A_731 = arith.constant 5 : i32
          %parallel_loop3A_732 = vector.broadcast %parallel_loop3A_731 : i32 to vector<16xi32>
          %parallel_loop3A_733 = arith.xori %iota3A, %parallel_loop3A_732 : vector<16xi32>
          %parallel_loop3A_734 = arith.constant 16 : i32
          %parallel_loop3A_735 = vector.broadcast %parallel_loop3A_734 : i32 to vector<16xi32>
          %parallel_loop3A_736 = arith.addi %parallel_loop3A_733, %parallel_loop3A_735 : vector<16xi32>
          %parallel_loop3A_737 = tpu.vector_load_idx %arg7[%parallel_loop3A_583, %parallel_loop3A_736] : memref<128x64xf32, #tpu.memory_space<vmem>>[vector<16xi32>, vector<16xi32>], vector<16xf32>,
          tpu.vector_store_idx %arg9[%parallel_loop3A_736, %parallel_loop3A_583], %parallel_loop3A_737 : memref<64x128xf32, #tpu.memory_space<vmem>>[vector<16xi32>, vector<16xi32>], vector<16xf32>,
          %parallel_loop3A_738 = arith.constant 6 : i32
          %parallel_loop3A_739 = vector.broadcast %parallel_loop3A_738 : i32 to vector<16xi32>
          %parallel_loop3A_740 = arith.xori %iota3A, %parallel_loop3A_739 : vector<16xi32>
          %parallel_loop3A_741 = arith.constant 16 : i32
          %parallel_loop3A_742 = vector.broadcast %parallel_loop3A_741 : i32 to vector<16xi32>
          %parallel_loop3A_743 = arith.addi %parallel_loop3A_740, %parallel_loop3A_742 : vector<16xi32>
          %parallel_loop3A_744 = tpu.vector_load_idx %arg7[%parallel_loop3A_583, %parallel_loop3A_743] : memref<128x64xf32, #tpu.memory_space<vmem>>[vector<16xi32>, vector<16xi32>], vector<16xf32>,
          tpu.vector_store_idx %arg9[%parallel_loop3A_743, %parallel_loop3A_583], %parallel_loop3A_744 : memref<64x128xf32, #tpu.memory_space<vmem>>[vector<16xi32>, vector<16xi32>], vector<16xf32>,
          %parallel_loop3A_745 = arith.constant 7 : i32
          %parallel_loop3A_746 = vector.broadcast %parallel_loop3A_745 : i32 to vector<16xi32>
          %parallel_loop3A_747 = arith.xori %iota3A, %parallel_loop3A_746 : vector<16xi32>
          %parallel_loop3A_748 = arith.constant 16 : i32
          %parallel_loop3A_749 = vector.broadcast %parallel_loop3A_748 : i32 to vector<16xi32>
          %parallel_loop3A_750 = arith.addi %parallel_loop3A_747, %parallel_loop3A_749 : vector<16xi32>
          %parallel_loop3A_751 = tpu.vector_load_idx %arg7[%parallel_loop3A_583, %parallel_loop3A_750] : memref<128x64xf32, #tpu.memory_space<vmem>>[vector<16xi32>, vector<16xi32>], vector<16xf32>,
          tpu.vector_store_idx %arg9[%parallel_loop3A_750, %parallel_loop3A_583], %parallel_loop3A_751 : memref<64x128xf32, #tpu.memory_space<vmem>>[vector<16xi32>, vector<16xi32>], vector<16xf32>,
          %parallel_loop3A_752 = arith.constant 8 : i32
          %parallel_loop3A_753 = vector.broadcast %parallel_loop3A_752 : i32 to vector<16xi32>
          %parallel_loop3A_754 = arith.xori %iota3A, %parallel_loop3A_753 : vector<16xi32>
          %parallel_loop3A_755 = arith.constant 16 : i32
          %parallel_loop3A_756 = vector.broadcast %parallel_loop3A_755 : i32 to vector<16xi32>
          %parallel_loop3A_757 = arith.addi %parallel_loop3A_754, %parallel_loop3A_756 : vector<16xi32>
          %parallel_loop3A_758 = tpu.vector_load_idx %arg7[%parallel_loop3A_583, %parallel_loop3A_757] : memref<128x64xf32, #tpu.memory_space<vmem>>[vector<16xi32>, vector<16xi32>], vector<16xf32>,
          tpu.vector_store_idx %arg9[%parallel_loop3A_757, %parallel_loop3A_583], %parallel_loop3A_758 : memref<64x128xf32, #tpu.memory_space<vmem>>[vector<16xi32>, vector<16xi32>], vector<16xf32>,
          %parallel_loop3A_759 = arith.constant 9 : i32
          %parallel_loop3A_760 = vector.broadcast %parallel_loop3A_759 : i32 to vector<16xi32>
          %parallel_loop3A_761 = arith.xori %iota3A, %parallel_loop3A_760 : vector<16xi32>
          %parallel_loop3A_762 = arith.constant 16 : i32
          %parallel_loop3A_763 = vector.broadcast %parallel_loop3A_762 : i32 to vector<16xi32>
          %parallel_loop3A_764 = arith.addi %parallel_loop3A_761, %parallel_loop3A_763 : vector<16xi32>
          %parallel_loop3A_765 = tpu.vector_load_idx %arg7[%parallel_loop3A_583, %parallel_loop3A_764] : memref<128x64xf32, #tpu.memory_space<vmem>>[vector<16xi32>, vector<16xi32>], vector<16xf32>,
          tpu.vector_store_idx %arg9[%parallel_loop3A_764, %parallel_loop3A_583], %parallel_loop3A_765 : memref<64x128xf32, #tpu.memory_space<vmem>>[vector<16xi32>, vector<16xi32>], vector<16xf32>,
          %parallel_loop3A_766 = arith.constant 10 : i32
          %parallel_loop3A_767 = vector.broadcast %parallel_loop3A_766 : i32 to vector<16xi32>
          %parallel_loop3A_768 = arith.xori %iota3A, %parallel_loop3A_767 : vector<16xi32>
          %parallel_loop3A_769 = arith.constant 16 : i32
          %parallel_loop3A_770 = vector.broadcast %parallel_loop3A_769 : i32 to vector<16xi32>
          %parallel_loop3A_771 = arith.addi %parallel_loop3A_768, %parallel_loop3A_770 : vector<16xi32>
          %parallel_loop3A_772 = tpu.vector_load_idx %arg7[%parallel_loop3A_583, %parallel_loop3A_771] : memref<128x64xf32, #tpu.memory_space<vmem>>[vector<16xi32>, vector<16xi32>], vector<16xf32>,
          tpu.vector_store_idx %arg9[%parallel_loop3A_771, %parallel_loop3A_583], %parallel_loop3A_772 : memref<64x128xf32, #tpu.memory_space<vmem>>[vector<16xi32>, vector<16xi32>], vector<16xf32>,
          %parallel_loop3A_773 = arith.constant 11 : i32
          %parallel_loop3A_774 = vector.broadcast %parallel_loop3A_773 : i32 to vector<16xi32>
          %parallel_loop3A_775 = arith.xori %iota3A, %parallel_loop3A_774 : vector<16xi32>
          %parallel_loop3A_776 = arith.constant 16 : i32
          %parallel_loop3A_777 = vector.broadcast %parallel_loop3A_776 : i32 to vector<16xi32>
          %parallel_loop3A_778 = arith.addi %parallel_loop3A_775, %parallel_loop3A_777 : vector<16xi32>
          %parallel_loop3A_779 = tpu.vector_load_idx %arg7[%parallel_loop3A_583, %parallel_loop3A_778] : memref<128x64xf32, #tpu.memory_space<vmem>>[vector<16xi32>, vector<16xi32>], vector<16xf32>,
          tpu.vector_store_idx %arg9[%parallel_loop3A_778, %parallel_loop3A_583], %parallel_loop3A_779 : memref<64x128xf32, #tpu.memory_space<vmem>>[vector<16xi32>, vector<16xi32>], vector<16xf32>,
          %parallel_loop3A_780 = arith.constant 12 : i32
          %parallel_loop3A_781 = vector.broadcast %parallel_loop3A_780 : i32 to vector<16xi32>
          %parallel_loop3A_782 = arith.xori %iota3A, %parallel_loop3A_781 : vector<16xi32>
          %parallel_loop3A_783 = arith.constant 16 : i32
          %parallel_loop3A_784 = vector.broadcast %parallel_loop3A_783 : i32 to vector<16xi32>
          %parallel_loop3A_785 = arith.addi %parallel_loop3A_782, %parallel_loop3A_784 : vector<16xi32>
          %parallel_loop3A_786 = tpu.vector_load_idx %arg7[%parallel_loop3A_583, %parallel_loop3A_785] : memref<128x64xf32, #tpu.memory_space<vmem>>[vector<16xi32>, vector<16xi32>], vector<16xf32>,
          tpu.vector_store_idx %arg9[%parallel_loop3A_785, %parallel_loop3A_583], %parallel_loop3A_786 : memref<64x128xf32, #tpu.memory_space<vmem>>[vector<16xi32>, vector<16xi32>], vector<16xf32>,
          %parallel_loop3A_787 = arith.constant 13 : i32
          %parallel_loop3A_788 = vector.broadcast %parallel_loop3A_787 : i32 to vector<16xi32>
          %parallel_loop3A_789 = arith.xori %iota3A, %parallel_loop3A_788 : vector<16xi32>
          %parallel_loop3A_790 = arith.constant 16 : i32
          %parallel_loop3A_791 = vector.broadcast %parallel_loop3A_790 : i32 to vector<16xi32>
          %parallel_loop3A_792 = arith.addi %parallel_loop3A_789, %parallel_loop3A_791 : vector<16xi32>
          %parallel_loop3A_793 = tpu.vector_load_idx %arg7[%parallel_loop3A_583, %parallel_loop3A_792] : memref<128x64xf32, #tpu.memory_space<vmem>>[vector<16xi32>, vector<16xi32>], vector<16xf32>,
          tpu.vector_store_idx %arg9[%parallel_loop3A_792, %parallel_loop3A_583], %parallel_loop3A_793 : memref<64x128xf32, #tpu.memory_space<vmem>>[vector<16xi32>, vector<16xi32>], vector<16xf32>,
          %parallel_loop3A_794 = arith.constant 14 : i32
          %parallel_loop3A_795 = vector.broadcast %parallel_loop3A_794 : i32 to vector<16xi32>
          %parallel_loop3A_796 = arith.xori %iota3A, %parallel_loop3A_795 : vector<16xi32>
          %parallel_loop3A_797 = arith.constant 16 : i32
          %parallel_loop3A_798 = vector.broadcast %parallel_loop3A_797 : i32 to vector<16xi32>
          %parallel_loop3A_799 = arith.addi %parallel_loop3A_796, %parallel_loop3A_798 : vector<16xi32>
          %parallel_loop3A_800 = tpu.vector_load_idx %arg7[%parallel_loop3A_583, %parallel_loop3A_799] : memref<128x64xf32, #tpu.memory_space<vmem>>[vector<16xi32>, vector<16xi32>], vector<16xf32>,
          tpu.vector_store_idx %arg9[%parallel_loop3A_799, %parallel_loop3A_583], %parallel_loop3A_800 : memref<64x128xf32, #tpu.memory_space<vmem>>[vector<16xi32>, vector<16xi32>], vector<16xf32>,
          %parallel_loop3A_801 = arith.constant 15 : i32
          %parallel_loop3A_802 = vector.broadcast %parallel_loop3A_801 : i32 to vector<16xi32>
          %parallel_loop3A_803 = arith.xori %iota3A, %parallel_loop3A_802 : vector<16xi32>
          %parallel_loop3A_804 = arith.constant 16 : i32
          %parallel_loop3A_805 = vector.broadcast %parallel_loop3A_804 : i32 to vector<16xi32>
          %parallel_loop3A_806 = arith.addi %parallel_loop3A_803, %parallel_loop3A_805 : vector<16xi32>
          %parallel_loop3A_807 = tpu.vector_load_idx %arg7[%parallel_loop3A_583, %parallel_loop3A_806] : memref<128x64xf32, #tpu.memory_space<vmem>>[vector<16xi32>, vector<16xi32>], vector<16xf32>,
          tpu.vector_store_idx %arg9[%parallel_loop3A_806, %parallel_loop3A_583], %parallel_loop3A_807 : memref<64x128xf32, #tpu.memory_space<vmem>>[vector<16xi32>, vector<16xi32>], vector<16xf32>,
          %parallel_loop3A_808 = arith.constant 0 : i32
          %parallel_loop3A_809 = vector.broadcast %parallel_loop3A_808 : i32 to vector<16xi32>
          %parallel_loop3A_810 = arith.xori %iota3A, %parallel_loop3A_809 : vector<16xi32>
          %parallel_loop3A_811 = arith.constant 32 : i32
          %parallel_loop3A_812 = vector.broadcast %parallel_loop3A_811 : i32 to vector<16xi32>
          %parallel_loop3A_813 = arith.addi %parallel_loop3A_810, %parallel_loop3A_812 : vector<16xi32>
          %parallel_loop3A_814 = tpu.vector_load_idx %arg7[%parallel_loop3A_583, %parallel_loop3A_813] : memref<128x64xf32, #tpu.memory_space<vmem>>[vector<16xi32>, vector<16xi32>], vector<16xf32>,
          tpu.vector_store_idx %arg9[%parallel_loop3A_813, %parallel_loop3A_583], %parallel_loop3A_814 : memref<64x128xf32, #tpu.memory_space<vmem>>[vector<16xi32>, vector<16xi32>], vector<16xf32>,
          %parallel_loop3A_815 = arith.constant 1 : i32
          %parallel_loop3A_816 = vector.broadcast %parallel_loop3A_815 : i32 to vector<16xi32>
          %parallel_loop3A_817 = arith.xori %iota3A, %parallel_loop3A_816 : vector<16xi32>
          %parallel_loop3A_818 = arith.constant 32 : i32
          %parallel_loop3A_819 = vector.broadcast %parallel_loop3A_818 : i32 to vector<16xi32>
          %parallel_loop3A_820 = arith.addi %parallel_loop3A_817, %parallel_loop3A_819 : vector<16xi32>
          %parallel_loop3A_821 = tpu.vector_load_idx %arg7[%parallel_loop3A_583, %parallel_loop3A_820] : memref<128x64xf32, #tpu.memory_space<vmem>>[vector<16xi32>, vector<16xi32>], vector<16xf32>,
          tpu.vector_store_idx %arg9[%parallel_loop3A_820, %parallel_loop3A_583], %parallel_loop3A_821 : memref<64x128xf32, #tpu.memory_space<vmem>>[vector<16xi32>, vector<16xi32>], vector<16xf32>,
          %parallel_loop3A_822 = arith.constant 2 : i32
          %parallel_loop3A_823 = vector.broadcast %parallel_loop3A_822 : i32 to vector<16xi32>
          %parallel_loop3A_824 = arith.xori %iota3A, %parallel_loop3A_823 : vector<16xi32>
          %parallel_loop3A_825 = arith.constant 32 : i32
          %parallel_loop3A_826 = vector.broadcast %parallel_loop3A_825 : i32 to vector<16xi32>
          %parallel_loop3A_827 = arith.addi %parallel_loop3A_824, %parallel_loop3A_826 : vector<16xi32>
          %parallel_loop3A_828 = tpu.vector_load_idx %arg7[%parallel_loop3A_583, %parallel_loop3A_827] : memref<128x64xf32, #tpu.memory_space<vmem>>[vector<16xi32>, vector<16xi32>], vector<16xf32>,
          tpu.vector_store_idx %arg9[%parallel_loop3A_827, %parallel_loop3A_583], %parallel_loop3A_828 : memref<64x128xf32, #tpu.memory_space<vmem>>[vector<16xi32>, vector<16xi32>], vector<16xf32>,
          %parallel_loop3A_829 = arith.constant 3 : i32
          %parallel_loop3A_830 = vector.broadcast %parallel_loop3A_829 : i32 to vector<16xi32>
          %parallel_loop3A_831 = arith.xori %iota3A, %parallel_loop3A_830 : vector<16xi32>
          %parallel_loop3A_832 = arith.constant 32 : i32
          %parallel_loop3A_833 = vector.broadcast %parallel_loop3A_832 : i32 to vector<16xi32>
          %parallel_loop3A_834 = arith.addi %parallel_loop3A_831, %parallel_loop3A_833 : vector<16xi32>
          %parallel_loop3A_835 = tpu.vector_load_idx %arg7[%parallel_loop3A_583, %parallel_loop3A_834] : memref<128x64xf32, #tpu.memory_space<vmem>>[vector<16xi32>, vector<16xi32>], vector<16xf32>,
          tpu.vector_store_idx %arg9[%parallel_loop3A_834, %parallel_loop3A_583], %parallel_loop3A_835 : memref<64x128xf32, #tpu.memory_space<vmem>>[vector<16xi32>, vector<16xi32>], vector<16xf32>,
          %parallel_loop3A_836 = arith.constant 4 : i32
          %parallel_loop3A_837 = vector.broadcast %parallel_loop3A_836 : i32 to vector<16xi32>
          %parallel_loop3A_838 = arith.xori %iota3A, %parallel_loop3A_837 : vector<16xi32>
          %parallel_loop3A_839 = arith.constant 32 : i32
          %parallel_loop3A_840 = vector.broadcast %parallel_loop3A_839 : i32 to vector<16xi32>
          %parallel_loop3A_841 = arith.addi %parallel_loop3A_838, %parallel_loop3A_840 : vector<16xi32>
          %parallel_loop3A_842 = tpu.vector_load_idx %arg7[%parallel_loop3A_583, %parallel_loop3A_841] : memref<128x64xf32, #tpu.memory_space<vmem>>[vector<16xi32>, vector<16xi32>], vector<16xf32>,
          tpu.vector_store_idx %arg9[%parallel_loop3A_841, %parallel_loop3A_583], %parallel_loop3A_842 : memref<64x128xf32, #tpu.memory_space<vmem>>[vector<16xi32>, vector<16xi32>], vector<16xf32>,
          %parallel_loop3A_843 = arith.constant 5 : i32
          %parallel_loop3A_844 = vector.broadcast %parallel_loop3A_843 : i32 to vector<16xi32>
          %parallel_loop3A_845 = arith.xori %iota3A, %parallel_loop3A_844 : vector<16xi32>
          %parallel_loop3A_846 = arith.constant 32 : i32
          %parallel_loop3A_847 = vector.broadcast %parallel_loop3A_846 : i32 to vector<16xi32>
          %parallel_loop3A_848 = arith.addi %parallel_loop3A_845, %parallel_loop3A_847 : vector<16xi32>
          %parallel_loop3A_849 = tpu.vector_load_idx %arg7[%parallel_loop3A_583, %parallel_loop3A_848] : memref<128x64xf32, #tpu.memory_space<vmem>>[vector<16xi32>, vector<16xi32>], vector<16xf32>,
          tpu.vector_store_idx %arg9[%parallel_loop3A_848, %parallel_loop3A_583], %parallel_loop3A_849 : memref<64x128xf32, #tpu.memory_space<vmem>>[vector<16xi32>, vector<16xi32>], vector<16xf32>,
          %parallel_loop3A_850 = arith.constant 6 : i32
          %parallel_loop3A_851 = vector.broadcast %parallel_loop3A_850 : i32 to vector<16xi32>
          %parallel_loop3A_852 = arith.xori %iota3A, %parallel_loop3A_851 : vector<16xi32>
          %parallel_loop3A_853 = arith.constant 32 : i32
          %parallel_loop3A_854 = vector.broadcast %parallel_loop3A_853 : i32 to vector<16xi32>
          %parallel_loop3A_855 = arith.addi %parallel_loop3A_852, %parallel_loop3A_854 : vector<16xi32>
          %parallel_loop3A_856 = tpu.vector_load_idx %arg7[%parallel_loop3A_583, %parallel_loop3A_855] : memref<128x64xf32, #tpu.memory_space<vmem>>[vector<16xi32>, vector<16xi32>], vector<16xf32>,
          tpu.vector_store_idx %arg9[%parallel_loop3A_855, %parallel_loop3A_583], %parallel_loop3A_856 : memref<64x128xf32, #tpu.memory_space<vmem>>[vector<16xi32>, vector<16xi32>], vector<16xf32>,
          %parallel_loop3A_857 = arith.constant 7 : i32
          %parallel_loop3A_858 = vector.broadcast %parallel_loop3A_857 : i32 to vector<16xi32>
          %parallel_loop3A_859 = arith.xori %iota3A, %parallel_loop3A_858 : vector<16xi32>
          %parallel_loop3A_860 = arith.constant 32 : i32
          %parallel_loop3A_861 = vector.broadcast %parallel_loop3A_860 : i32 to vector<16xi32>
          %parallel_loop3A_862 = arith.addi %parallel_loop3A_859, %parallel_loop3A_861 : vector<16xi32>
          %parallel_loop3A_863 = tpu.vector_load_idx %arg7[%parallel_loop3A_583, %parallel_loop3A_862] : memref<128x64xf32, #tpu.memory_space<vmem>>[vector<16xi32>, vector<16xi32>], vector<16xf32>,
          tpu.vector_store_idx %arg9[%parallel_loop3A_862, %parallel_loop3A_583], %parallel_loop3A_863 : memref<64x128xf32, #tpu.memory_space<vmem>>[vector<16xi32>, vector<16xi32>], vector<16xf32>,
          %parallel_loop3A_864 = arith.constant 8 : i32
          %parallel_loop3A_865 = vector.broadcast %parallel_loop3A_864 : i32 to vector<16xi32>
          %parallel_loop3A_866 = arith.xori %iota3A, %parallel_loop3A_865 : vector<16xi32>
          %parallel_loop3A_867 = arith.constant 32 : i32
          %parallel_loop3A_868 = vector.broadcast %parallel_loop3A_867 : i32 to vector<16xi32>
          %parallel_loop3A_869 = arith.addi %parallel_loop3A_866, %parallel_loop3A_868 : vector<16xi32>
          %parallel_loop3A_870 = tpu.vector_load_idx %arg7[%parallel_loop3A_583, %parallel_loop3A_869] : memref<128x64xf32, #tpu.memory_space<vmem>>[vector<16xi32>, vector<16xi32>], vector<16xf32>,
          tpu.vector_store_idx %arg9[%parallel_loop3A_869, %parallel_loop3A_583], %parallel_loop3A_870 : memref<64x128xf32, #tpu.memory_space<vmem>>[vector<16xi32>, vector<16xi32>], vector<16xf32>,
          %parallel_loop3A_871 = arith.constant 9 : i32
          %parallel_loop3A_872 = vector.broadcast %parallel_loop3A_871 : i32 to vector<16xi32>
          %parallel_loop3A_873 = arith.xori %iota3A, %parallel_loop3A_872 : vector<16xi32>
          %parallel_loop3A_874 = arith.constant 32 : i32
          %parallel_loop3A_875 = vector.broadcast %parallel_loop3A_874 : i32 to vector<16xi32>
          %parallel_loop3A_876 = arith.addi %parallel_loop3A_873, %parallel_loop3A_875 : vector<16xi32>
          %parallel_loop3A_877 = tpu.vector_load_idx %arg7[%parallel_loop3A_583, %parallel_loop3A_876] : memref<128x64xf32, #tpu.memory_space<vmem>>[vector<16xi32>, vector<16xi32>], vector<16xf32>,
          tpu.vector_store_idx %arg9[%parallel_loop3A_876, %parallel_loop3A_583], %parallel_loop3A_877 : memref<64x128xf32, #tpu.memory_space<vmem>>[vector<16xi32>, vector<16xi32>], vector<16xf32>,
          %parallel_loop3A_878 = arith.constant 10 : i32
          %parallel_loop3A_879 = vector.broadcast %parallel_loop3A_878 : i32 to vector<16xi32>
          %parallel_loop3A_880 = arith.xori %iota3A, %parallel_loop3A_879 : vector<16xi32>
          %parallel_loop3A_881 = arith.constant 32 : i32
          %parallel_loop3A_882 = vector.broadcast %parallel_loop3A_881 : i32 to vector<16xi32>
          %parallel_loop3A_883 = arith.addi %parallel_loop3A_880, %parallel_loop3A_882 : vector<16xi32>
          %parallel_loop3A_884 = tpu.vector_load_idx %arg7[%parallel_loop3A_583, %parallel_loop3A_883] : memref<128x64xf32, #tpu.memory_space<vmem>>[vector<16xi32>, vector<16xi32>], vector<16xf32>,
          tpu.vector_store_idx %arg9[%parallel_loop3A_883, %parallel_loop3A_583], %parallel_loop3A_884 : memref<64x128xf32, #tpu.memory_space<vmem>>[vector<16xi32>, vector<16xi32>], vector<16xf32>,
          %parallel_loop3A_885 = arith.constant 11 : i32
          %parallel_loop3A_886 = vector.broadcast %parallel_loop3A_885 : i32 to vector<16xi32>
          %parallel_loop3A_887 = arith.xori %iota3A, %parallel_loop3A_886 : vector<16xi32>
          %parallel_loop3A_888 = arith.constant 32 : i32
          %parallel_loop3A_889 = vector.broadcast %parallel_loop3A_888 : i32 to vector<16xi32>
          %parallel_loop3A_890 = arith.addi %parallel_loop3A_887, %parallel_loop3A_889 : vector<16xi32>
          %parallel_loop3A_891 = tpu.vector_load_idx %arg7[%parallel_loop3A_583, %parallel_loop3A_890] : memref<128x64xf32, #tpu.memory_space<vmem>>[vector<16xi32>, vector<16xi32>], vector<16xf32>,
          tpu.vector_store_idx %arg9[%parallel_loop3A_890, %parallel_loop3A_583], %parallel_loop3A_891 : memref<64x128xf32, #tpu.memory_space<vmem>>[vector<16xi32>, vector<16xi32>], vector<16xf32>,
          %parallel_loop3A_892 = arith.constant 12 : i32
          %parallel_loop3A_893 = vector.broadcast %parallel_loop3A_892 : i32 to vector<16xi32>
          %parallel_loop3A_894 = arith.xori %iota3A, %parallel_loop3A_893 : vector<16xi32>
          %parallel_loop3A_895 = arith.constant 32 : i32
          %parallel_loop3A_896 = vector.broadcast %parallel_loop3A_895 : i32 to vector<16xi32>
          %parallel_loop3A_897 = arith.addi %parallel_loop3A_894, %parallel_loop3A_896 : vector<16xi32>
          %parallel_loop3A_898 = tpu.vector_load_idx %arg7[%parallel_loop3A_583, %parallel_loop3A_897] : memref<128x64xf32, #tpu.memory_space<vmem>>[vector<16xi32>, vector<16xi32>], vector<16xf32>,
          tpu.vector_store_idx %arg9[%parallel_loop3A_897, %parallel_loop3A_583], %parallel_loop3A_898 : memref<64x128xf32, #tpu.memory_space<vmem>>[vector<16xi32>, vector<16xi32>], vector<16xf32>,
          %parallel_loop3A_899 = arith.constant 13 : i32
          %parallel_loop3A_900 = vector.broadcast %parallel_loop3A_899 : i32 to vector<16xi32>
          %parallel_loop3A_901 = arith.xori %iota3A, %parallel_loop3A_900 : vector<16xi32>
          %parallel_loop3A_902 = arith.constant 32 : i32
          %parallel_loop3A_903 = vector.broadcast %parallel_loop3A_902 : i32 to vector<16xi32>
          %parallel_loop3A_904 = arith.addi %parallel_loop3A_901, %parallel_loop3A_903 : vector<16xi32>
          %parallel_loop3A_905 = tpu.vector_load_idx %arg7[%parallel_loop3A_583, %parallel_loop3A_904] : memref<128x64xf32, #tpu.memory_space<vmem>>[vector<16xi32>, vector<16xi32>], vector<16xf32>,
          tpu.vector_store_idx %arg9[%parallel_loop3A_904, %parallel_loop3A_583], %parallel_loop3A_905 : memref<64x128xf32, #tpu.memory_space<vmem>>[vector<16xi32>, vector<16xi32>], vector<16xf32>,
          %parallel_loop3A_906 = arith.constant 14 : i32
          %parallel_loop3A_907 = vector.broadcast %parallel_loop3A_906 : i32 to vector<16xi32>
          %parallel_loop3A_908 = arith.xori %iota3A, %parallel_loop3A_907 : vector<16xi32>
          %parallel_loop3A_909 = arith.constant 32 : i32
          %parallel_loop3A_910 = vector.broadcast %parallel_loop3A_909 : i32 to vector<16xi32>
          %parallel_loop3A_911 = arith.addi %parallel_loop3A_908, %parallel_loop3A_910 : vector<16xi32>
          %parallel_loop3A_912 = tpu.vector_load_idx %arg7[%parallel_loop3A_583, %parallel_loop3A_911] : memref<128x64xf32, #tpu.memory_space<vmem>>[vector<16xi32>, vector<16xi32>], vector<16xf32>,
          tpu.vector_store_idx %arg9[%parallel_loop3A_911, %parallel_loop3A_583], %parallel_loop3A_912 : memref<64x128xf32, #tpu.memory_space<vmem>>[vector<16xi32>, vector<16xi32>], vector<16xf32>,
          %parallel_loop3A_913 = arith.constant 15 : i32
          %parallel_loop3A_914 = vector.broadcast %parallel_loop3A_913 : i32 to vector<16xi32>
          %parallel_loop3A_915 = arith.xori %iota3A, %parallel_loop3A_914 : vector<16xi32>
          %parallel_loop3A_916 = arith.constant 32 : i32
          %parallel_loop3A_917 = vector.broadcast %parallel_loop3A_916 : i32 to vector<16xi32>
          %parallel_loop3A_918 = arith.addi %parallel_loop3A_915, %parallel_loop3A_917 : vector<16xi32>
          %parallel_loop3A_919 = tpu.vector_load_idx %arg7[%parallel_loop3A_583, %parallel_loop3A_918] : memref<128x64xf32, #tpu.memory_space<vmem>>[vector<16xi32>, vector<16xi32>], vector<16xf32>,
          tpu.vector_store_idx %arg9[%parallel_loop3A_918, %parallel_loop3A_583], %parallel_loop3A_919 : memref<64x128xf32, #tpu.memory_space<vmem>>[vector<16xi32>, vector<16xi32>], vector<16xf32>,
          %parallel_loop3A_920 = arith.constant 0 : i32
          %parallel_loop3A_921 = vector.broadcast %parallel_loop3A_920 : i32 to vector<16xi32>
          %parallel_loop3A_922 = arith.xori %iota3A, %parallel_loop3A_921 : vector<16xi32>
          %parallel_loop3A_923 = arith.constant 48 : i32
          %parallel_loop3A_924 = vector.broadcast %parallel_loop3A_923 : i32 to vector<16xi32>
          %parallel_loop3A_925 = arith.addi %parallel_loop3A_922, %parallel_loop3A_924 : vector<16xi32>
          %parallel_loop3A_926 = tpu.vector_load_idx %arg7[%parallel_loop3A_583, %parallel_loop3A_925] : memref<128x64xf32, #tpu.memory_space<vmem>>[vector<16xi32>, vector<16xi32>], vector<16xf32>,
          tpu.vector_store_idx %arg9[%parallel_loop3A_925, %parallel_loop3A_583], %parallel_loop3A_926 : memref<64x128xf32, #tpu.memory_space<vmem>>[vector<16xi32>, vector<16xi32>], vector<16xf32>,
          %parallel_loop3A_927 = arith.constant 1 : i32
          %parallel_loop3A_928 = vector.broadcast %parallel_loop3A_927 : i32 to vector<16xi32>
          %parallel_loop3A_929 = arith.xori %iota3A, %parallel_loop3A_928 : vector<16xi32>
          %parallel_loop3A_930 = arith.constant 48 : i32
          %parallel_loop3A_931 = vector.broadcast %parallel_loop3A_930 : i32 to vector<16xi32>
          %parallel_loop3A_932 = arith.addi %parallel_loop3A_929, %parallel_loop3A_931 : vector<16xi32>
          %parallel_loop3A_933 = tpu.vector_load_idx %arg7[%parallel_loop3A_583, %parallel_loop3A_932] : memref<128x64xf32, #tpu.memory_space<vmem>>[vector<16xi32>, vector<16xi32>], vector<16xf32>,
          tpu.vector_store_idx %arg9[%parallel_loop3A_932, %parallel_loop3A_583], %parallel_loop3A_933 : memref<64x128xf32, #tpu.memory_space<vmem>>[vector<16xi32>, vector<16xi32>], vector<16xf32>,
          %parallel_loop3A_934 = arith.constant 2 : i32
          %parallel_loop3A_935 = vector.broadcast %parallel_loop3A_934 : i32 to vector<16xi32>
          %parallel_loop3A_936 = arith.xori %iota3A, %parallel_loop3A_935 : vector<16xi32>
          %parallel_loop3A_937 = arith.constant 48 : i32
          %parallel_loop3A_938 = vector.broadcast %parallel_loop3A_937 : i32 to vector<16xi32>
          %parallel_loop3A_939 = arith.addi %parallel_loop3A_936, %parallel_loop3A_938 : vector<16xi32>
          %parallel_loop3A_940 = tpu.vector_load_idx %arg7[%parallel_loop3A_583, %parallel_loop3A_939] : memref<128x64xf32, #tpu.memory_space<vmem>>[vector<16xi32>, vector<16xi32>], vector<16xf32>,
          tpu.vector_store_idx %arg9[%parallel_loop3A_939, %parallel_loop3A_583], %parallel_loop3A_940 : memref<64x128xf32, #tpu.memory_space<vmem>>[vector<16xi32>, vector<16xi32>], vector<16xf32>,
          %parallel_loop3A_941 = arith.constant 3 : i32
          %parallel_loop3A_942 = vector.broadcast %parallel_loop3A_941 : i32 to vector<16xi32>
          %parallel_loop3A_943 = arith.xori %iota3A, %parallel_loop3A_942 : vector<16xi32>
          %parallel_loop3A_944 = arith.constant 48 : i32
          %parallel_loop3A_945 = vector.broadcast %parallel_loop3A_944 : i32 to vector<16xi32>
          %parallel_loop3A_946 = arith.addi %parallel_loop3A_943, %parallel_loop3A_945 : vector<16xi32>
          %parallel_loop3A_947 = tpu.vector_load_idx %arg7[%parallel_loop3A_583, %parallel_loop3A_946] : memref<128x64xf32, #tpu.memory_space<vmem>>[vector<16xi32>, vector<16xi32>], vector<16xf32>,
          tpu.vector_store_idx %arg9[%parallel_loop3A_946, %parallel_loop3A_583], %parallel_loop3A_947 : memref<64x128xf32, #tpu.memory_space<vmem>>[vector<16xi32>, vector<16xi32>], vector<16xf32>,
          %parallel_loop3A_948 = arith.constant 4 : i32
          %parallel_loop3A_949 = vector.broadcast %parallel_loop3A_948 : i32 to vector<16xi32>
          %parallel_loop3A_950 = arith.xori %iota3A, %parallel_loop3A_949 : vector<16xi32>
          %parallel_loop3A_951 = arith.constant 48 : i32
          %parallel_loop3A_952 = vector.broadcast %parallel_loop3A_951 : i32 to vector<16xi32>
          %parallel_loop3A_953 = arith.addi %parallel_loop3A_950, %parallel_loop3A_952 : vector<16xi32>
          %parallel_loop3A_954 = tpu.vector_load_idx %arg7[%parallel_loop3A_583, %parallel_loop3A_953] : memref<128x64xf32, #tpu.memory_space<vmem>>[vector<16xi32>, vector<16xi32>], vector<16xf32>,
          tpu.vector_store_idx %arg9[%parallel_loop3A_953, %parallel_loop3A_583], %parallel_loop3A_954 : memref<64x128xf32, #tpu.memory_space<vmem>>[vector<16xi32>, vector<16xi32>], vector<16xf32>,
          %parallel_loop3A_955 = arith.constant 5 : i32
          %parallel_loop3A_956 = vector.broadcast %parallel_loop3A_955 : i32 to vector<16xi32>
          %parallel_loop3A_957 = arith.xori %iota3A, %parallel_loop3A_956 : vector<16xi32>
          %parallel_loop3A_958 = arith.constant 48 : i32
          %parallel_loop3A_959 = vector.broadcast %parallel_loop3A_958 : i32 to vector<16xi32>
          %parallel_loop3A_960 = arith.addi %parallel_loop3A_957, %parallel_loop3A_959 : vector<16xi32>
          %parallel_loop3A_961 = tpu.vector_load_idx %arg7[%parallel_loop3A_583, %parallel_loop3A_960] : memref<128x64xf32, #tpu.memory_space<vmem>>[vector<16xi32>, vector<16xi32>], vector<16xf32>,
          tpu.vector_store_idx %arg9[%parallel_loop3A_960, %parallel_loop3A_583], %parallel_loop3A_961 : memref<64x128xf32, #tpu.memory_space<vmem>>[vector<16xi32>, vector<16xi32>], vector<16xf32>,
          %parallel_loop3A_962 = arith.constant 6 : i32
          %parallel_loop3A_963 = vector.broadcast %parallel_loop3A_962 : i32 to vector<16xi32>
          %parallel_loop3A_964 = arith.xori %iota3A, %parallel_loop3A_963 : vector<16xi32>
          %parallel_loop3A_965 = arith.constant 48 : i32
          %parallel_loop3A_966 = vector.broadcast %parallel_loop3A_965 : i32 to vector<16xi32>
          %parallel_loop3A_967 = arith.addi %parallel_loop3A_964, %parallel_loop3A_966 : vector<16xi32>
          %parallel_loop3A_968 = tpu.vector_load_idx %arg7[%parallel_loop3A_583, %parallel_loop3A_967] : memref<128x64xf32, #tpu.memory_space<vmem>>[vector<16xi32>, vector<16xi32>], vector<16xf32>,
          tpu.vector_store_idx %arg9[%parallel_loop3A_967, %parallel_loop3A_583], %parallel_loop3A_968 : memref<64x128xf32, #tpu.memory_space<vmem>>[vector<16xi32>, vector<16xi32>], vector<16xf32>,
          %parallel_loop3A_969 = arith.constant 7 : i32
          %parallel_loop3A_970 = vector.broadcast %parallel_loop3A_969 : i32 to vector<16xi32>
          %parallel_loop3A_971 = arith.xori %iota3A, %parallel_loop3A_970 : vector<16xi32>
          %parallel_loop3A_972 = arith.constant 48 : i32
          %parallel_loop3A_973 = vector.broadcast %parallel_loop3A_972 : i32 to vector<16xi32>
          %parallel_loop3A_974 = arith.addi %parallel_loop3A_971, %parallel_loop3A_973 : vector<16xi32>
          %parallel_loop3A_975 = tpu.vector_load_idx %arg7[%parallel_loop3A_583, %parallel_loop3A_974] : memref<128x64xf32, #tpu.memory_space<vmem>>[vector<16xi32>, vector<16xi32>], vector<16xf32>,
          tpu.vector_store_idx %arg9[%parallel_loop3A_974, %parallel_loop3A_583], %parallel_loop3A_975 : memref<64x128xf32, #tpu.memory_space<vmem>>[vector<16xi32>, vector<16xi32>], vector<16xf32>,
          %parallel_loop3A_976 = arith.constant 8 : i32
          %parallel_loop3A_977 = vector.broadcast %parallel_loop3A_976 : i32 to vector<16xi32>
          %parallel_loop3A_978 = arith.xori %iota3A, %parallel_loop3A_977 : vector<16xi32>
          %parallel_loop3A_979 = arith.constant 48 : i32
          %parallel_loop3A_980 = vector.broadcast %parallel_loop3A_979 : i32 to vector<16xi32>
          %parallel_loop3A_981 = arith.addi %parallel_loop3A_978, %parallel_loop3A_980 : vector<16xi32>
          %parallel_loop3A_982 = tpu.vector_load_idx %arg7[%parallel_loop3A_583, %parallel_loop3A_981] : memref<128x64xf32, #tpu.memory_space<vmem>>[vector<16xi32>, vector<16xi32>], vector<16xf32>,
          tpu.vector_store_idx %arg9[%parallel_loop3A_981, %parallel_loop3A_583], %parallel_loop3A_982 : memref<64x128xf32, #tpu.memory_space<vmem>>[vector<16xi32>, vector<16xi32>], vector<16xf32>,
          %parallel_loop3A_983 = arith.constant 9 : i32
          %parallel_loop3A_984 = vector.broadcast %parallel_loop3A_983 : i32 to vector<16xi32>
          %parallel_loop3A_985 = arith.xori %iota3A, %parallel_loop3A_984 : vector<16xi32>
          %parallel_loop3A_986 = arith.constant 48 : i32
          %parallel_loop3A_987 = vector.broadcast %parallel_loop3A_986 : i32 to vector<16xi32>
          %parallel_loop3A_988 = arith.addi %parallel_loop3A_985, %parallel_loop3A_987 : vector<16xi32>
          %parallel_loop3A_989 = tpu.vector_load_idx %arg7[%parallel_loop3A_583, %parallel_loop3A_988] : memref<128x64xf32, #tpu.memory_space<vmem>>[vector<16xi32>, vector<16xi32>], vector<16xf32>,
          tpu.vector_store_idx %arg9[%parallel_loop3A_988, %parallel_loop3A_583], %parallel_loop3A_989 : memref<64x128xf32, #tpu.memory_space<vmem>>[vector<16xi32>, vector<16xi32>], vector<16xf32>,
          %parallel_loop3A_990 = arith.constant 10 : i32
          %parallel_loop3A_991 = vector.broadcast %parallel_loop3A_990 : i32 to vector<16xi32>
          %parallel_loop3A_992 = arith.xori %iota3A, %parallel_loop3A_991 : vector<16xi32>
          %parallel_loop3A_993 = arith.constant 48 : i32
          %parallel_loop3A_994 = vector.broadcast %parallel_loop3A_993 : i32 to vector<16xi32>
          %parallel_loop3A_995 = arith.addi %parallel_loop3A_992, %parallel_loop3A_994 : vector<16xi32>
          %parallel_loop3A_996 = tpu.vector_load_idx %arg7[%parallel_loop3A_583, %parallel_loop3A_995] : memref<128x64xf32, #tpu.memory_space<vmem>>[vector<16xi32>, vector<16xi32>], vector<16xf32>,
          tpu.vector_store_idx %arg9[%parallel_loop3A_995, %parallel_loop3A_583], %parallel_loop3A_996 : memref<64x128xf32, #tpu.memory_space<vmem>>[vector<16xi32>, vector<16xi32>], vector<16xf32>,
          %parallel_loop3A_997 = arith.constant 11 : i32
          %parallel_loop3A_998 = vector.broadcast %parallel_loop3A_997 : i32 to vector<16xi32>
          %parallel_loop3A_999 = arith.xori %iota3A, %parallel_loop3A_998 : vector<16xi32>
          %parallel_loop3A_1000 = arith.constant 48 : i32
          %parallel_loop3A_1001 = vector.broadcast %parallel_loop3A_1000 : i32 to vector<16xi32>
          %parallel_loop3A_1002 = arith.addi %parallel_loop3A_999, %parallel_loop3A_1001 : vector<16xi32>
          %parallel_loop3A_1003 = tpu.vector_load_idx %arg7[%parallel_loop3A_583, %parallel_loop3A_1002] : memref<128x64xf32, #tpu.memory_space<vmem>>[vector<16xi32>, vector<16xi32>], vector<16xf32>,
          tpu.vector_store_idx %arg9[%parallel_loop3A_1002, %parallel_loop3A_583], %parallel_loop3A_1003 : memref<64x128xf32, #tpu.memory_space<vmem>>[vector<16xi32>, vector<16xi32>], vector<16xf32>,
          %parallel_loop3A_1004 = arith.constant 12 : i32
          %parallel_loop3A_1005 = vector.broadcast %parallel_loop3A_1004 : i32 to vector<16xi32>
          %parallel_loop3A_1006 = arith.xori %iota3A, %parallel_loop3A_1005 : vector<16xi32>
          %parallel_loop3A_1007 = arith.constant 48 : i32
          %parallel_loop3A_1008 = vector.broadcast %parallel_loop3A_1007 : i32 to vector<16xi32>
          %parallel_loop3A_1009 = arith.addi %parallel_loop3A_1006, %parallel_loop3A_1008 : vector<16xi32>
          %parallel_loop3A_1010 = tpu.vector_load_idx %arg7[%parallel_loop3A_583, %parallel_loop3A_1009] : memref<128x64xf32, #tpu.memory_space<vmem>>[vector<16xi32>, vector<16xi32>], vector<16xf32>,
          tpu.vector_store_idx %arg9[%parallel_loop3A_1009, %parallel_loop3A_583], %parallel_loop3A_1010 : memref<64x128xf32, #tpu.memory_space<vmem>>[vector<16xi32>, vector<16xi32>], vector<16xf32>,
          %parallel_loop3A_1011 = arith.constant 13 : i32
          %parallel_loop3A_1012 = vector.broadcast %parallel_loop3A_1011 : i32 to vector<16xi32>
          %parallel_loop3A_1013 = arith.xori %iota3A, %parallel_loop3A_1012 : vector<16xi32>
          %parallel_loop3A_1014 = arith.constant 48 : i32
          %parallel_loop3A_1015 = vector.broadcast %parallel_loop3A_1014 : i32 to vector<16xi32>
          %parallel_loop3A_1016 = arith.addi %parallel_loop3A_1013, %parallel_loop3A_1015 : vector<16xi32>
          %parallel_loop3A_1017 = tpu.vector_load_idx %arg7[%parallel_loop3A_583, %parallel_loop3A_1016] : memref<128x64xf32, #tpu.memory_space<vmem>>[vector<16xi32>, vector<16xi32>], vector<16xf32>,
          tpu.vector_store_idx %arg9[%parallel_loop3A_1016, %parallel_loop3A_583], %parallel_loop3A_1017 : memref<64x128xf32, #tpu.memory_space<vmem>>[vector<16xi32>, vector<16xi32>], vector<16xf32>,
          %parallel_loop3A_1018 = arith.constant 14 : i32
          %parallel_loop3A_1019 = vector.broadcast %parallel_loop3A_1018 : i32 to vector<16xi32>
          %parallel_loop3A_1020 = arith.xori %iota3A, %parallel_loop3A_1019 : vector<16xi32>
          %parallel_loop3A_1021 = arith.constant 48 : i32
          %parallel_loop3A_1022 = vector.broadcast %parallel_loop3A_1021 : i32 to vector<16xi32>
          %parallel_loop3A_1023 = arith.addi %parallel_loop3A_1020, %parallel_loop3A_1022 : vector<16xi32>
          %parallel_loop3A_1024 = tpu.vector_load_idx %arg7[%parallel_loop3A_583, %parallel_loop3A_1023] : memref<128x64xf32, #tpu.memory_space<vmem>>[vector<16xi32>, vector<16xi32>], vector<16xf32>,
          tpu.vector_store_idx %arg9[%parallel_loop3A_1023, %parallel_loop3A_583], %parallel_loop3A_1024 : memref<64x128xf32, #tpu.memory_space<vmem>>[vector<16xi32>, vector<16xi32>], vector<16xf32>,
          %parallel_loop3A_1025 = arith.constant 15 : i32
          %parallel_loop3A_1026 = vector.broadcast %parallel_loop3A_1025 : i32 to vector<16xi32>
          %parallel_loop3A_1027 = arith.xori %iota3A, %parallel_loop3A_1026 : vector<16xi32>
          %parallel_loop3A_1028 = arith.constant 48 : i32
          %parallel_loop3A_1029 = vector.broadcast %parallel_loop3A_1028 : i32 to vector<16xi32>
          %parallel_loop3A_1030 = arith.addi %parallel_loop3A_1027, %parallel_loop3A_1029 : vector<16xi32>
          %parallel_loop3A_1031 = tpu.vector_load_idx %arg7[%parallel_loop3A_583, %parallel_loop3A_1030] : memref<128x64xf32, #tpu.memory_space<vmem>>[vector<16xi32>, vector<16xi32>], vector<16xf32>,
          tpu.vector_store_idx %arg9[%parallel_loop3A_1030, %parallel_loop3A_583], %parallel_loop3A_1031 : memref<64x128xf32, #tpu.memory_space<vmem>>[vector<16xi32>, vector<16xi32>], vector<16xf32>,
        } {sc.loop_unroll_factor = 4 : i64, sc.parallel_access}
        %dma_start3A_314 = arith.constant 0 : i32
        %dma_start3A_315 = arith.constant 0 : i32
        %dma_start3A_316 = arith.constant 0 : i32
        %dma_start3A_317 = tpu.memref_slice %arg9[%dma_start3A_315, %dma_start3A_316] : memref<64x128xf32, #tpu.memory_space<vmem>> -> memref<8x128xf32, #tpu.memory_space<vmem>>
        %dma_start3A_318 = arith.constant 0 : i32
        %dma_start3A_319 = arith.constant 0 : i32
        %dma_start3A_320 = tpu.memref_slice %arg4[%add3A_302, %dma_start3A_314, %add3A_9, %dma_start3A_318, %dma_start3A_319] : memref<200x8x128x8x128xf32, #tpu.memory_space<hbm>> -> memref<1x1x1x8x128xf32, #tpu.memory_space<hbm>>
        %dma_start3A_321 = tpu.memref_squeeze %dma_start3A_320 : memref<1x1x1x8x128xf32, #tpu.memory_space<hbm>> -> memref<8x128xf32, #tpu.memory_space<hbm>>
        %dma_start3A_322 = arith.constant 0 : i32
        %dma_start3A_323 = arith.constant 0 : i32
        %dma_start3A_324 = tpu.memref_slice %arg4[%add3A_302, %dma_start3A_314, %add3A_9, %dma_start3A_322, %dma_start3A_323] : memref<200x8x128x8x128xf32, #tpu.memory_space<hbm>> -> memref<1x1x1x8x128xf32, #tpu.memory_space<hbm>>
        %dma_start3A_325 = tpu.memref_squeeze %dma_start3A_324 : memref<1x1x1x8x128xf32, #tpu.memory_space<hbm>> -> memref<8x128xf32, #tpu.memory_space<hbm>>
        %dma_start3A_326 = arith.constant 0 : i32
        %dma_start3A_327 = arith.constant 0 : i32
        %dma_start3A_328 = tpu.memref_slice %arg9[%dma_start3A_326, %dma_start3A_327] : memref<64x128xf32, #tpu.memory_space<vmem>> -> memref<8x128xf32, #tpu.memory_space<vmem>>
        tpu.enqueue_dma source(%dma_start3A_328 : memref<8x128xf32, #tpu.memory_space<vmem>>) target(%dma_start3A_325 : memref<8x128xf32, #tpu.memory_space<hbm>>) target_semaphore(%arg13 : memref<!tpu.dma_semaphore, #tpu.memory_space<semaphore_mem>>)
        %dma_start3A_329 = arith.constant 1 : i32
        %dma_start3A_330 = arith.constant 8 : i32
        %dma_start3A_331 = arith.constant 0 : i32
        %dma_start3A_332 = tpu.memref_slice %arg9[%dma_start3A_330, %dma_start3A_331] : memref<64x128xf32, #tpu.memory_space<vmem>> -> memref<8x128xf32, #tpu.memory_space<vmem>>
        %dma_start3A_333 = arith.constant 0 : i32
        %dma_start3A_334 = arith.constant 0 : i32
        %dma_start3A_335 = tpu.memref_slice %arg4[%add3A_302, %dma_start3A_329, %add3A_9, %dma_start3A_333, %dma_start3A_334] : memref<200x8x128x8x128xf32, #tpu.memory_space<hbm>> -> memref<1x1x1x8x128xf32, #tpu.memory_space<hbm>>
        %dma_start3A_336 = tpu.memref_squeeze %dma_start3A_335 : memref<1x1x1x8x128xf32, #tpu.memory_space<hbm>> -> memref<8x128xf32, #tpu.memory_space<hbm>>
        %dma_start3A_337 = arith.constant 0 : i32
        %dma_start3A_338 = arith.constant 0 : i32
        %dma_start3A_339 = tpu.memref_slice %arg4[%add3A_302, %dma_start3A_329, %add3A_9, %dma_start3A_337, %dma_start3A_338] : memref<200x8x128x8x128xf32, #tpu.memory_space<hbm>> -> memref<1x1x1x8x128xf32, #tpu.memory_space<hbm>>
        %dma_start3A_340 = tpu.memref_squeeze %dma_start3A_339 : memref<1x1x1x8x128xf32, #tpu.memory_space<hbm>> -> memref<8x128xf32, #tpu.memory_space<hbm>>
        %dma_start3A_341 = arith.constant 8 : i32
        %dma_start3A_342 = arith.constant 0 : i32
        %dma_start3A_343 = tpu.memref_slice %arg9[%dma_start3A_341, %dma_start3A_342] : memref<64x128xf32, #tpu.memory_space<vmem>> -> memref<8x128xf32, #tpu.memory_space<vmem>>
        tpu.enqueue_dma source(%dma_start3A_343 : memref<8x128xf32, #tpu.memory_space<vmem>>) target(%dma_start3A_340 : memref<8x128xf32, #tpu.memory_space<hbm>>) target_semaphore(%arg13 : memref<!tpu.dma_semaphore, #tpu.memory_space<semaphore_mem>>)
        %dma_start3A_344 = arith.constant 2 : i32
        %dma_start3A_345 = arith.constant 16 : i32
        %dma_start3A_346 = arith.constant 0 : i32
        %dma_start3A_347 = tpu.memref_slice %arg9[%dma_start3A_345, %dma_start3A_346] : memref<64x128xf32, #tpu.memory_space<vmem>> -> memref<8x128xf32, #tpu.memory_space<vmem>>
        %dma_start3A_348 = arith.constant 0 : i32
        %dma_start3A_349 = arith.constant 0 : i32
        %dma_start3A_350 = tpu.memref_slice %arg4[%add3A_302, %dma_start3A_344, %add3A_9, %dma_start3A_348, %dma_start3A_349] : memref<200x8x128x8x128xf32, #tpu.memory_space<hbm>> -> memref<1x1x1x8x128xf32, #tpu.memory_space<hbm>>
        %dma_start3A_351 = tpu.memref_squeeze %dma_start3A_350 : memref<1x1x1x8x128xf32, #tpu.memory_space<hbm>> -> memref<8x128xf32, #tpu.memory_space<hbm>>
        %dma_start3A_352 = arith.constant 0 : i32
        %dma_start3A_353 = arith.constant 0 : i32
        %dma_start3A_354 = tpu.memref_slice %arg4[%add3A_302, %dma_start3A_344, %add3A_9, %dma_start3A_352, %dma_start3A_353] : memref<200x8x128x8x128xf32, #tpu.memory_space<hbm>> -> memref<1x1x1x8x128xf32, #tpu.memory_space<hbm>>
        %dma_start3A_355 = tpu.memref_squeeze %dma_start3A_354 : memref<1x1x1x8x128xf32, #tpu.memory_space<hbm>> -> memref<8x128xf32, #tpu.memory_space<hbm>>
        %dma_start3A_356 = arith.constant 16 : i32
        %dma_start3A_357 = arith.constant 0 : i32
        %dma_start3A_358 = tpu.memref_slice %arg9[%dma_start3A_356, %dma_start3A_357] : memref<64x128xf32, #tpu.memory_space<vmem>> -> memref<8x128xf32, #tpu.memory_space<vmem>>
        tpu.enqueue_dma source(%dma_start3A_358 : memref<8x128xf32, #tpu.memory_space<vmem>>) target(%dma_start3A_355 : memref<8x128xf32, #tpu.memory_space<hbm>>) target_semaphore(%arg13 : memref<!tpu.dma_semaphore, #tpu.memory_space<semaphore_mem>>)
        %dma_start3A_359 = arith.constant 3 : i32
        %dma_start3A_360 = arith.constant 24 : i32
        %dma_start3A_361 = arith.constant 0 : i32
        %dma_start3A_362 = tpu.memref_slice %arg9[%dma_start3A_360, %dma_start3A_361] : memref<64x128xf32, #tpu.memory_space<vmem>> -> memref<8x128xf32, #tpu.memory_space<vmem>>
        %dma_start3A_363 = arith.constant 0 : i32
        %dma_start3A_364 = arith.constant 0 : i32
        %dma_start3A_365 = tpu.memref_slice %arg4[%add3A_302, %dma_start3A_359, %add3A_9, %dma_start3A_363, %dma_start3A_364] : memref<200x8x128x8x128xf32, #tpu.memory_space<hbm>> -> memref<1x1x1x8x128xf32, #tpu.memory_space<hbm>>
        %dma_start3A_366 = tpu.memref_squeeze %dma_start3A_365 : memref<1x1x1x8x128xf32, #tpu.memory_space<hbm>> -> memref<8x128xf32, #tpu.memory_space<hbm>>
        %dma_start3A_367 = arith.constant 0 : i32
        %dma_start3A_368 = arith.constant 0 : i32
        %dma_start3A_369 = tpu.memref_slice %arg4[%add3A_302, %dma_start3A_359, %add3A_9, %dma_start3A_367, %dma_start3A_368] : memref<200x8x128x8x128xf32, #tpu.memory_space<hbm>> -> memref<1x1x1x8x128xf32, #tpu.memory_space<hbm>>
        %dma_start3A_370 = tpu.memref_squeeze %dma_start3A_369 : memref<1x1x1x8x128xf32, #tpu.memory_space<hbm>> -> memref<8x128xf32, #tpu.memory_space<hbm>>
        %dma_start3A_371 = arith.constant 24 : i32
        %dma_start3A_372 = arith.constant 0 : i32
        %dma_start3A_373 = tpu.memref_slice %arg9[%dma_start3A_371, %dma_start3A_372] : memref<64x128xf32, #tpu.memory_space<vmem>> -> memref<8x128xf32, #tpu.memory_space<vmem>>
        tpu.enqueue_dma source(%dma_start3A_373 : memref<8x128xf32, #tpu.memory_space<vmem>>) target(%dma_start3A_370 : memref<8x128xf32, #tpu.memory_space<hbm>>) target_semaphore(%arg13 : memref<!tpu.dma_semaphore, #tpu.memory_space<semaphore_mem>>)
        %dma_start3A_374 = arith.constant 4 : i32
        %dma_start3A_375 = arith.constant 32 : i32
        %dma_start3A_376 = arith.constant 0 : i32
        %dma_start3A_377 = tpu.memref_slice %arg9[%dma_start3A_375, %dma_start3A_376] : memref<64x128xf32, #tpu.memory_space<vmem>> -> memref<8x128xf32, #tpu.memory_space<vmem>>
        %dma_start3A_378 = arith.constant 0 : i32
        %dma_start3A_379 = arith.constant 0 : i32
        %dma_start3A_380 = tpu.memref_slice %arg4[%add3A_302, %dma_start3A_374, %add3A_9, %dma_start3A_378, %dma_start3A_379] : memref<200x8x128x8x128xf32, #tpu.memory_space<hbm>> -> memref<1x1x1x8x128xf32, #tpu.memory_space<hbm>>
        %dma_start3A_381 = tpu.memref_squeeze %dma_start3A_380 : memref<1x1x1x8x128xf32, #tpu.memory_space<hbm>> -> memref<8x128xf32, #tpu.memory_space<hbm>>
        %dma_start3A_382 = arith.constant 0 : i32
        %dma_start3A_383 = arith.constant 0 : i32
        %dma_start3A_384 = tpu.memref_slice %arg4[%add3A_302, %dma_start3A_374, %add3A_9, %dma_start3A_382, %dma_start3A_383] : memref<200x8x128x8x128xf32, #tpu.memory_space<hbm>> -> memref<1x1x1x8x128xf32, #tpu.memory_space<hbm>>
        %dma_start3A_385 = tpu.memref_squeeze %dma_start3A_384 : memref<1x1x1x8x128xf32, #tpu.memory_space<hbm>> -> memref<8x128xf32, #tpu.memory_space<hbm>>
        %dma_start3A_386 = arith.constant 32 : i32
        %dma_start3A_387 = arith.constant 0 : i32
        %dma_start3A_388 = tpu.memref_slice %arg9[%dma_start3A_386, %dma_start3A_387] : memref<64x128xf32, #tpu.memory_space<vmem>> -> memref<8x128xf32, #tpu.memory_space<vmem>>
        tpu.enqueue_dma source(%dma_start3A_388 : memref<8x128xf32, #tpu.memory_space<vmem>>) target(%dma_start3A_385 : memref<8x128xf32, #tpu.memory_space<hbm>>) target_semaphore(%arg13 : memref<!tpu.dma_semaphore, #tpu.memory_space<semaphore_mem>>)
        %dma_start3A_389 = arith.constant 5 : i32
        %dma_start3A_390 = arith.constant 40 : i32
        %dma_start3A_391 = arith.constant 0 : i32
        %dma_start3A_392 = tpu.memref_slice %arg9[%dma_start3A_390, %dma_start3A_391] : memref<64x128xf32, #tpu.memory_space<vmem>> -> memref<8x128xf32, #tpu.memory_space<vmem>>
        %dma_start3A_393 = arith.constant 0 : i32
        %dma_start3A_394 = arith.constant 0 : i32
        %dma_start3A_395 = tpu.memref_slice %arg4[%add3A_302, %dma_start3A_389, %add3A_9, %dma_start3A_393, %dma_start3A_394] : memref<200x8x128x8x128xf32, #tpu.memory_space<hbm>> -> memref<1x1x1x8x128xf32, #tpu.memory_space<hbm>>
        %dma_start3A_396 = tpu.memref_squeeze %dma_start3A_395 : memref<1x1x1x8x128xf32, #tpu.memory_space<hbm>> -> memref<8x128xf32, #tpu.memory_space<hbm>>
        %dma_start3A_397 = arith.constant 0 : i32
        %dma_start3A_398 = arith.constant 0 : i32
        %dma_start3A_399 = tpu.memref_slice %arg4[%add3A_302, %dma_start3A_389, %add3A_9, %dma_start3A_397, %dma_start3A_398] : memref<200x8x128x8x128xf32, #tpu.memory_space<hbm>> -> memref<1x1x1x8x128xf32, #tpu.memory_space<hbm>>
        %dma_start3A_400 = tpu.memref_squeeze %dma_start3A_399 : memref<1x1x1x8x128xf32, #tpu.memory_space<hbm>> -> memref<8x128xf32, #tpu.memory_space<hbm>>
        %dma_start3A_401 = arith.constant 40 : i32
        %dma_start3A_402 = arith.constant 0 : i32
        %dma_start3A_403 = tpu.memref_slice %arg9[%dma_start3A_401, %dma_start3A_402] : memref<64x128xf32, #tpu.memory_space<vmem>> -> memref<8x128xf32, #tpu.memory_space<vmem>>
        tpu.enqueue_dma source(%dma_start3A_403 : memref<8x128xf32, #tpu.memory_space<vmem>>) target(%dma_start3A_400 : memref<8x128xf32, #tpu.memory_space<hbm>>) target_semaphore(%arg13 : memref<!tpu.dma_semaphore, #tpu.memory_space<semaphore_mem>>)
        %dma_start3A_404 = arith.constant 6 : i32
        %dma_start3A_405 = arith.constant 48 : i32
        %dma_start3A_406 = arith.constant 0 : i32
        %dma_start3A_407 = tpu.memref_slice %arg9[%dma_start3A_405, %dma_start3A_406] : memref<64x128xf32, #tpu.memory_space<vmem>> -> memref<8x128xf32, #tpu.memory_space<vmem>>
        %dma_start3A_408 = arith.constant 0 : i32
        %dma_start3A_409 = arith.constant 0 : i32
        %dma_start3A_410 = tpu.memref_slice %arg4[%add3A_302, %dma_start3A_404, %add3A_9, %dma_start3A_408, %dma_start3A_409] : memref<200x8x128x8x128xf32, #tpu.memory_space<hbm>> -> memref<1x1x1x8x128xf32, #tpu.memory_space<hbm>>
        %dma_start3A_411 = tpu.memref_squeeze %dma_start3A_410 : memref<1x1x1x8x128xf32, #tpu.memory_space<hbm>> -> memref<8x128xf32, #tpu.memory_space<hbm>>
        %dma_start3A_412 = arith.constant 0 : i32
        %dma_start3A_413 = arith.constant 0 : i32
        %dma_start3A_414 = tpu.memref_slice %arg4[%add3A_302, %dma_start3A_404, %add3A_9, %dma_start3A_412, %dma_start3A_413] : memref<200x8x128x8x128xf32, #tpu.memory_space<hbm>> -> memref<1x1x1x8x128xf32, #tpu.memory_space<hbm>>
        %dma_start3A_415 = tpu.memref_squeeze %dma_start3A_414 : memref<1x1x1x8x128xf32, #tpu.memory_space<hbm>> -> memref<8x128xf32, #tpu.memory_space<hbm>>
        %dma_start3A_416 = arith.constant 48 : i32
        %dma_start3A_417 = arith.constant 0 : i32
        %dma_start3A_418 = tpu.memref_slice %arg9[%dma_start3A_416, %dma_start3A_417] : memref<64x128xf32, #tpu.memory_space<vmem>> -> memref<8x128xf32, #tpu.memory_space<vmem>>
        tpu.enqueue_dma source(%dma_start3A_418 : memref<8x128xf32, #tpu.memory_space<vmem>>) target(%dma_start3A_415 : memref<8x128xf32, #tpu.memory_space<hbm>>) target_semaphore(%arg13 : memref<!tpu.dma_semaphore, #tpu.memory_space<semaphore_mem>>)
        %dma_start3A_419 = arith.constant 7 : i32
        %dma_start3A_420 = arith.constant 56 : i32
        %dma_start3A_421 = arith.constant 0 : i32
        %dma_start3A_422 = tpu.memref_slice %arg9[%dma_start3A_420, %dma_start3A_421] : memref<64x128xf32, #tpu.memory_space<vmem>> -> memref<8x128xf32, #tpu.memory_space<vmem>>
        %dma_start3A_423 = arith.constant 0 : i32
        %dma_start3A_424 = arith.constant 0 : i32
        %dma_start3A_425 = tpu.memref_slice %arg4[%add3A_302, %dma_start3A_419, %add3A_9, %dma_start3A_423, %dma_start3A_424] : memref<200x8x128x8x128xf32, #tpu.memory_space<hbm>> -> memref<1x1x1x8x128xf32, #tpu.memory_space<hbm>>
        %dma_start3A_426 = tpu.memref_squeeze %dma_start3A_425 : memref<1x1x1x8x128xf32, #tpu.memory_space<hbm>> -> memref<8x128xf32, #tpu.memory_space<hbm>>
        %dma_start3A_427 = arith.constant 0 : i32
        %dma_start3A_428 = arith.constant 0 : i32
        %dma_start3A_429 = tpu.memref_slice %arg4[%add3A_302, %dma_start3A_419, %add3A_9, %dma_start3A_427, %dma_start3A_428] : memref<200x8x128x8x128xf32, #tpu.memory_space<hbm>> -> memref<1x1x1x8x128xf32, #tpu.memory_space<hbm>>
        %dma_start3A_430 = tpu.memref_squeeze %dma_start3A_429 : memref<1x1x1x8x128xf32, #tpu.memory_space<hbm>> -> memref<8x128xf32, #tpu.memory_space<hbm>>
        %dma_start3A_431 = arith.constant 56 : i32
        %dma_start3A_432 = arith.constant 0 : i32
        %dma_start3A_433 = tpu.memref_slice %arg9[%dma_start3A_431, %dma_start3A_432] : memref<64x128xf32, #tpu.memory_space<vmem>> -> memref<8x128xf32, #tpu.memory_space<vmem>>
        tpu.enqueue_dma source(%dma_start3A_433 : memref<8x128xf32, #tpu.memory_space<vmem>>) target(%dma_start3A_430 : memref<8x128xf32, #tpu.memory_space<hbm>>) target_semaphore(%arg13 : memref<!tpu.dma_semaphore, #tpu.memory_space<semaphore_mem>>)
        %lt3A = arith.constant 99 : i32
        %lt3A_434 = arith.cmpi slt, %scan3A_298, %lt3A : i32
        %convert_element_type3A_435 = arith.extui %lt3A_434 : i1 to i32
        %cond3A_436 = arith.constant 0 : i32
        %cond3A_437 = arith.cmpi ne, %convert_element_type3A_435, %cond3A_436 : i32
        scf.if %cond3A_437 {
          %add3A_581 = arith.constant 2 : i32
          %add3A_582 = arith.addi %add3A_302, %add3A_581 : i32
          %dma_start3A_583 = arith.constant 0 : i32
          %dma_start3A_584 = tpu.memref_slice %arg6[%add3A_582, %dma_start3A_583] : memref<200x128xi32, #tpu.memory_space<vmem>> -> memref<1x128xi32, #tpu.memory_space<vmem>>
          %dma_start3A_585 = tpu.memref_squeeze %dma_start3A_584 : memref<1x128xi32, #tpu.memory_space<vmem>> -> memref<128xi32, #tpu.memory_space<vmem>>
          %dma_start3A_586 = arith.constant 0 : i32
          %dma_start3A_587 = arith.constant 0 : i32
          %dma_start3A_588 = tpu.memref_slice %arg3[%dma_start3A_586, %dma_start3A_587] : memref<1000000x64xf32, #tpu.memory_space<hbm>> -> memref<1000000x64xf32, #tpu.memory_space<hbm>>
          tpu.enqueue_indirect_dma source(%dma_start3A_588 : memref<1000000x64xf32, #tpu.memory_space<hbm>>) target(%arg7 : memref<128x64xf32, #tpu.memory_space<vmem>>) offsets(%dma_start3A_585 : memref<128xi32, #tpu.memory_space<vmem>>) semaphore(%arg11 : memref<!tpu.dma_semaphore, #tpu.memory_space<semaphore_mem>>)
        } else {
        }
        %mul3A_438 = arith.constant 2 : i32
        %mul3A_439 = arith.muli %scan3A_298, %mul3A_438 : i32
        %add3A_440 = arith.constant 1 : i32
        %add3A_441 = arith.addi %mul3A_439, %add3A_440 : i32
        %dma_wait3A_442 = arith.constant 0 : i32
        %dma_wait3A_443 = tpu.memref_slice %arg6[%add3A_441, %dma_wait3A_442] : memref<200x128xi32, #tpu.memory_space<vmem>> -> memref<1x128xi32, #tpu.memory_space<vmem>>
        %dma_wait3A_444 = tpu.memref_squeeze %dma_wait3A_443 : memref<1x128xi32, #tpu.memory_space<vmem>> -> memref<128xi32, #tpu.memory_space<vmem>>
        %dma_wait3A_445 = arith.constant 0 : i32
        %dma_wait3A_446 = arith.constant 0 : i32
        %dma_wait3A_447 = tpu.memref_slice %arg3[%dma_wait3A_445, %dma_wait3A_446] : memref<1000000x64xf32, #tpu.memory_space<hbm>> -> memref<1000000x64xf32, #tpu.memory_space<hbm>>
        tpu.wait_indirect_dma semaphore(%arg12 : memref<!tpu.dma_semaphore, #tpu.memory_space<semaphore_mem>>) src(%dma_wait3A_447 : memref<1000000x64xf32, #tpu.memory_space<hbm>>) dst(%arg8 : memref<128x64xf32, #tpu.memory_space<vmem>>)
        %gt3A_448 = arith.constant 0 : i32
        %gt3A_449 = arith.cmpi sgt, %scan3A_298, %gt3A_448 : i32
        %convert_element_type3A_450 = arith.extui %gt3A_449 : i1 to i32
        %cond3A_451 = arith.constant 0 : i32
        %cond3A_452 = arith.cmpi ne, %convert_element_type3A_450, %cond3A_451 : i32
        scf.if %cond3A_452 {
          %sub3A = arith.constant 2 : i32
          %sub3A_581 = arith.subi %add3A_441, %sub3A : i32
          %dma_wait3A_582 = arith.constant 0 : i32
          %dma_wait3A_583 = arith.constant 0 : i32
          %dma_wait3A_584 = arith.constant 0 : i32
          %dma_wait3A_585 = tpu.memref_slice %arg10[%dma_wait3A_583, %dma_wait3A_584] : memref<64x128xf32, #tpu.memory_space<vmem>> -> memref<8x128xf32, #tpu.memory_space<vmem>>
          %dma_wait3A_586 = arith.constant 0 : i32
          %dma_wait3A_587 = arith.constant 0 : i32
          %dma_wait3A_588 = tpu.memref_slice %arg4[%sub3A_581, %dma_wait3A_582, %add3A_9, %dma_wait3A_586, %dma_wait3A_587] : memref<200x8x128x8x128xf32, #tpu.memory_space<hbm>> -> memref<1x1x1x8x128xf32, #tpu.memory_space<hbm>>
          %dma_wait3A_589 = tpu.memref_squeeze %dma_wait3A_588 : memref<1x1x1x8x128xf32, #tpu.memory_space<hbm>> -> memref<8x128xf32, #tpu.memory_space<hbm>>
          %dma_wait3A_590 = arith.constant 0 : i32
          %dma_wait3A_591 = arith.constant 0 : i32
          %dma_wait3A_592 = tpu.memref_slice %arg4[%sub3A_581, %dma_wait3A_582, %add3A_9, %dma_wait3A_590, %dma_wait3A_591] : memref<200x8x128x8x128xf32, #tpu.memory_space<hbm>> -> memref<1x1x1x8x128xf32, #tpu.memory_space<hbm>>
          %dma_wait3A_593 = tpu.memref_squeeze %dma_wait3A_592 : memref<1x1x1x8x128xf32, #tpu.memory_space<hbm>> -> memref<8x128xf32, #tpu.memory_space<hbm>>
          %dma_wait3A_594 = arith.constant 0 : i32
          %dma_wait3A_595 = arith.constant 0 : i32
          %dma_wait3A_596 = tpu.memref_slice %arg10[%dma_wait3A_594, %dma_wait3A_595] : memref<64x128xf32, #tpu.memory_space<vmem>> -> memref<8x128xf32, #tpu.memory_space<vmem>>
          tpu.wait_dma2 semaphore(%arg14 : memref<!tpu.dma_semaphore, #tpu.memory_space<semaphore_mem>>) src(%dma_wait3A_596 : memref<8x128xf32, #tpu.memory_space<vmem>>) dst(%dma_wait3A_593 : memref<8x128xf32, #tpu.memory_space<hbm>>)
          %dma_wait3A_597 = arith.constant 1 : i32
          %dma_wait3A_598 = arith.constant 8 : i32
          %dma_wait3A_599 = arith.constant 0 : i32
          %dma_wait3A_600 = tpu.memref_slice %arg10[%dma_wait3A_598, %dma_wait3A_599] : memref<64x128xf32, #tpu.memory_space<vmem>> -> memref<8x128xf32, #tpu.memory_space<vmem>>
          %dma_wait3A_601 = arith.constant 0 : i32
          %dma_wait3A_602 = arith.constant 0 : i32
          %dma_wait3A_603 = tpu.memref_slice %arg4[%sub3A_581, %dma_wait3A_597, %add3A_9, %dma_wait3A_601, %dma_wait3A_602] : memref<200x8x128x8x128xf32, #tpu.memory_space<hbm>> -> memref<1x1x1x8x128xf32, #tpu.memory_space<hbm>>
          %dma_wait3A_604 = tpu.memref_squeeze %dma_wait3A_603 : memref<1x1x1x8x128xf32, #tpu.memory_space<hbm>> -> memref<8x128xf32, #tpu.memory_space<hbm>>
          %dma_wait3A_605 = arith.constant 0 : i32
          %dma_wait3A_606 = arith.constant 0 : i32
          %dma_wait3A_607 = tpu.memref_slice %arg4[%sub3A_581, %dma_wait3A_597, %add3A_9, %dma_wait3A_605, %dma_wait3A_606] : memref<200x8x128x8x128xf32, #tpu.memory_space<hbm>> -> memref<1x1x1x8x128xf32, #tpu.memory_space<hbm>>
          %dma_wait3A_608 = tpu.memref_squeeze %dma_wait3A_607 : memref<1x1x1x8x128xf32, #tpu.memory_space<hbm>> -> memref<8x128xf32, #tpu.memory_space<hbm>>
          %dma_wait3A_609 = arith.constant 8 : i32
          %dma_wait3A_610 = arith.constant 0 : i32
          %dma_wait3A_611 = tpu.memref_slice %arg10[%dma_wait3A_609, %dma_wait3A_610] : memref<64x128xf32, #tpu.memory_space<vmem>> -> memref<8x128xf32, #tpu.memory_space<vmem>>
          tpu.wait_dma2 semaphore(%arg14 : memref<!tpu.dma_semaphore, #tpu.memory_space<semaphore_mem>>) src(%dma_wait3A_611 : memref<8x128xf32, #tpu.memory_space<vmem>>) dst(%dma_wait3A_608 : memref<8x128xf32, #tpu.memory_space<hbm>>)
          %dma_wait3A_612 = arith.constant 2 : i32
          %dma_wait3A_613 = arith.constant 16 : i32
          %dma_wait3A_614 = arith.constant 0 : i32
          %dma_wait3A_615 = tpu.memref_slice %arg10[%dma_wait3A_613, %dma_wait3A_614] : memref<64x128xf32, #tpu.memory_space<vmem>> -> memref<8x128xf32, #tpu.memory_space<vmem>>
          %dma_wait3A_616 = arith.constant 0 : i32
          %dma_wait3A_617 = arith.constant 0 : i32
          %dma_wait3A_618 = tpu.memref_slice %arg4[%sub3A_581, %dma_wait3A_612, %add3A_9, %dma_wait3A_616, %dma_wait3A_617] : memref<200x8x128x8x128xf32, #tpu.memory_space<hbm>> -> memref<1x1x1x8x128xf32, #tpu.memory_space<hbm>>
          %dma_wait3A_619 = tpu.memref_squeeze %dma_wait3A_618 : memref<1x1x1x8x128xf32, #tpu.memory_space<hbm>> -> memref<8x128xf32, #tpu.memory_space<hbm>>
          %dma_wait3A_620 = arith.constant 0 : i32
          %dma_wait3A_621 = arith.constant 0 : i32
          %dma_wait3A_622 = tpu.memref_slice %arg4[%sub3A_581, %dma_wait3A_612, %add3A_9, %dma_wait3A_620, %dma_wait3A_621] : memref<200x8x128x8x128xf32, #tpu.memory_space<hbm>> -> memref<1x1x1x8x128xf32, #tpu.memory_space<hbm>>
          %dma_wait3A_623 = tpu.memref_squeeze %dma_wait3A_622 : memref<1x1x1x8x128xf32, #tpu.memory_space<hbm>> -> memref<8x128xf32, #tpu.memory_space<hbm>>
          %dma_wait3A_624 = arith.constant 16 : i32
          %dma_wait3A_625 = arith.constant 0 : i32
          %dma_wait3A_626 = tpu.memref_slice %arg10[%dma_wait3A_624, %dma_wait3A_625] : memref<64x128xf32, #tpu.memory_space<vmem>> -> memref<8x128xf32, #tpu.memory_space<vmem>>
          tpu.wait_dma2 semaphore(%arg14 : memref<!tpu.dma_semaphore, #tpu.memory_space<semaphore_mem>>) src(%dma_wait3A_626 : memref<8x128xf32, #tpu.memory_space<vmem>>) dst(%dma_wait3A_623 : memref<8x128xf32, #tpu.memory_space<hbm>>)
          %dma_wait3A_627 = arith.constant 3 : i32
          %dma_wait3A_628 = arith.constant 24 : i32
          %dma_wait3A_629 = arith.constant 0 : i32
          %dma_wait3A_630 = tpu.memref_slice %arg10[%dma_wait3A_628, %dma_wait3A_629] : memref<64x128xf32, #tpu.memory_space<vmem>> -> memref<8x128xf32, #tpu.memory_space<vmem>>
          %dma_wait3A_631 = arith.constant 0 : i32
          %dma_wait3A_632 = arith.constant 0 : i32
          %dma_wait3A_633 = tpu.memref_slice %arg4[%sub3A_581, %dma_wait3A_627, %add3A_9, %dma_wait3A_631, %dma_wait3A_632] : memref<200x8x128x8x128xf32, #tpu.memory_space<hbm>> -> memref<1x1x1x8x128xf32, #tpu.memory_space<hbm>>
          %dma_wait3A_634 = tpu.memref_squeeze %dma_wait3A_633 : memref<1x1x1x8x128xf32, #tpu.memory_space<hbm>> -> memref<8x128xf32, #tpu.memory_space<hbm>>
          %dma_wait3A_635 = arith.constant 0 : i32
          %dma_wait3A_636 = arith.constant 0 : i32
          %dma_wait3A_637 = tpu.memref_slice %arg4[%sub3A_581, %dma_wait3A_627, %add3A_9, %dma_wait3A_635, %dma_wait3A_636] : memref<200x8x128x8x128xf32, #tpu.memory_space<hbm>> -> memref<1x1x1x8x128xf32, #tpu.memory_space<hbm>>
          %dma_wait3A_638 = tpu.memref_squeeze %dma_wait3A_637 : memref<1x1x1x8x128xf32, #tpu.memory_space<hbm>> -> memref<8x128xf32, #tpu.memory_space<hbm>>
          %dma_wait3A_639 = arith.constant 24 : i32
          %dma_wait3A_640 = arith.constant 0 : i32
          %dma_wait3A_641 = tpu.memref_slice %arg10[%dma_wait3A_639, %dma_wait3A_640] : memref<64x128xf32, #tpu.memory_space<vmem>> -> memref<8x128xf32, #tpu.memory_space<vmem>>
          tpu.wait_dma2 semaphore(%arg14 : memref<!tpu.dma_semaphore, #tpu.memory_space<semaphore_mem>>) src(%dma_wait3A_641 : memref<8x128xf32, #tpu.memory_space<vmem>>) dst(%dma_wait3A_638 : memref<8x128xf32, #tpu.memory_space<hbm>>)
          %dma_wait3A_642 = arith.constant 4 : i32
          %dma_wait3A_643 = arith.constant 32 : i32
          %dma_wait3A_644 = arith.constant 0 : i32
          %dma_wait3A_645 = tpu.memref_slice %arg10[%dma_wait3A_643, %dma_wait3A_644] : memref<64x128xf32, #tpu.memory_space<vmem>> -> memref<8x128xf32, #tpu.memory_space<vmem>>
          %dma_wait3A_646 = arith.constant 0 : i32
          %dma_wait3A_647 = arith.constant 0 : i32
          %dma_wait3A_648 = tpu.memref_slice %arg4[%sub3A_581, %dma_wait3A_642, %add3A_9, %dma_wait3A_646, %dma_wait3A_647] : memref<200x8x128x8x128xf32, #tpu.memory_space<hbm>> -> memref<1x1x1x8x128xf32, #tpu.memory_space<hbm>>
          %dma_wait3A_649 = tpu.memref_squeeze %dma_wait3A_648 : memref<1x1x1x8x128xf32, #tpu.memory_space<hbm>> -> memref<8x128xf32, #tpu.memory_space<hbm>>
          %dma_wait3A_650 = arith.constant 0 : i32
          %dma_wait3A_651 = arith.constant 0 : i32
          %dma_wait3A_652 = tpu.memref_slice %arg4[%sub3A_581, %dma_wait3A_642, %add3A_9, %dma_wait3A_650, %dma_wait3A_651] : memref<200x8x128x8x128xf32, #tpu.memory_space<hbm>> -> memref<1x1x1x8x128xf32, #tpu.memory_space<hbm>>
          %dma_wait3A_653 = tpu.memref_squeeze %dma_wait3A_652 : memref<1x1x1x8x128xf32, #tpu.memory_space<hbm>> -> memref<8x128xf32, #tpu.memory_space<hbm>>
          %dma_wait3A_654 = arith.constant 32 : i32
          %dma_wait3A_655 = arith.constant 0 : i32
          %dma_wait3A_656 = tpu.memref_slice %arg10[%dma_wait3A_654, %dma_wait3A_655] : memref<64x128xf32, #tpu.memory_space<vmem>> -> memref<8x128xf32, #tpu.memory_space<vmem>>
          tpu.wait_dma2 semaphore(%arg14 : memref<!tpu.dma_semaphore, #tpu.memory_space<semaphore_mem>>) src(%dma_wait3A_656 : memref<8x128xf32, #tpu.memory_space<vmem>>) dst(%dma_wait3A_653 : memref<8x128xf32, #tpu.memory_space<hbm>>)
          %dma_wait3A_657 = arith.constant 5 : i32
          %dma_wait3A_658 = arith.constant 40 : i32
          %dma_wait3A_659 = arith.constant 0 : i32
          %dma_wait3A_660 = tpu.memref_slice %arg10[%dma_wait3A_658, %dma_wait3A_659] : memref<64x128xf32, #tpu.memory_space<vmem>> -> memref<8x128xf32, #tpu.memory_space<vmem>>
          %dma_wait3A_661 = arith.constant 0 : i32
          %dma_wait3A_662 = arith.constant 0 : i32
          %dma_wait3A_663 = tpu.memref_slice %arg4[%sub3A_581, %dma_wait3A_657, %add3A_9, %dma_wait3A_661, %dma_wait3A_662] : memref<200x8x128x8x128xf32, #tpu.memory_space<hbm>> -> memref<1x1x1x8x128xf32, #tpu.memory_space<hbm>>
          %dma_wait3A_664 = tpu.memref_squeeze %dma_wait3A_663 : memref<1x1x1x8x128xf32, #tpu.memory_space<hbm>> -> memref<8x128xf32, #tpu.memory_space<hbm>>
          %dma_wait3A_665 = arith.constant 0 : i32
          %dma_wait3A_666 = arith.constant 0 : i32
          %dma_wait3A_667 = tpu.memref_slice %arg4[%sub3A_581, %dma_wait3A_657, %add3A_9, %dma_wait3A_665, %dma_wait3A_666] : memref<200x8x128x8x128xf32, #tpu.memory_space<hbm>> -> memref<1x1x1x8x128xf32, #tpu.memory_space<hbm>>
          %dma_wait3A_668 = tpu.memref_squeeze %dma_wait3A_667 : memref<1x1x1x8x128xf32, #tpu.memory_space<hbm>> -> memref<8x128xf32, #tpu.memory_space<hbm>>
          %dma_wait3A_669 = arith.constant 40 : i32
          %dma_wait3A_670 = arith.constant 0 : i32
          %dma_wait3A_671 = tpu.memref_slice %arg10[%dma_wait3A_669, %dma_wait3A_670] : memref<64x128xf32, #tpu.memory_space<vmem>> -> memref<8x128xf32, #tpu.memory_space<vmem>>
          tpu.wait_dma2 semaphore(%arg14 : memref<!tpu.dma_semaphore, #tpu.memory_space<semaphore_mem>>) src(%dma_wait3A_671 : memref<8x128xf32, #tpu.memory_space<vmem>>) dst(%dma_wait3A_668 : memref<8x128xf32, #tpu.memory_space<hbm>>)
          %dma_wait3A_672 = arith.constant 6 : i32
          %dma_wait3A_673 = arith.constant 48 : i32
          %dma_wait3A_674 = arith.constant 0 : i32
          %dma_wait3A_675 = tpu.memref_slice %arg10[%dma_wait3A_673, %dma_wait3A_674] : memref<64x128xf32, #tpu.memory_space<vmem>> -> memref<8x128xf32, #tpu.memory_space<vmem>>
          %dma_wait3A_676 = arith.constant 0 : i32
          %dma_wait3A_677 = arith.constant 0 : i32
          %dma_wait3A_678 = tpu.memref_slice %arg4[%sub3A_581, %dma_wait3A_672, %add3A_9, %dma_wait3A_676, %dma_wait3A_677] : memref<200x8x128x8x128xf32, #tpu.memory_space<hbm>> -> memref<1x1x1x8x128xf32, #tpu.memory_space<hbm>>
          %dma_wait3A_679 = tpu.memref_squeeze %dma_wait3A_678 : memref<1x1x1x8x128xf32, #tpu.memory_space<hbm>> -> memref<8x128xf32, #tpu.memory_space<hbm>>
          %dma_wait3A_680 = arith.constant 0 : i32
          %dma_wait3A_681 = arith.constant 0 : i32
          %dma_wait3A_682 = tpu.memref_slice %arg4[%sub3A_581, %dma_wait3A_672, %add3A_9, %dma_wait3A_680, %dma_wait3A_681] : memref<200x8x128x8x128xf32, #tpu.memory_space<hbm>> -> memref<1x1x1x8x128xf32, #tpu.memory_space<hbm>>
          %dma_wait3A_683 = tpu.memref_squeeze %dma_wait3A_682 : memref<1x1x1x8x128xf32, #tpu.memory_space<hbm>> -> memref<8x128xf32, #tpu.memory_space<hbm>>
          %dma_wait3A_684 = arith.constant 48 : i32
          %dma_wait3A_685 = arith.constant 0 : i32
          %dma_wait3A_686 = tpu.memref_slice %arg10[%dma_wait3A_684, %dma_wait3A_685] : memref<64x128xf32, #tpu.memory_space<vmem>> -> memref<8x128xf32, #tpu.memory_space<vmem>>
          tpu.wait_dma2 semaphore(%arg14 : memref<!tpu.dma_semaphore, #tpu.memory_space<semaphore_mem>>) src(%dma_wait3A_686 : memref<8x128xf32, #tpu.memory_space<vmem>>) dst(%dma_wait3A_683 : memref<8x128xf32, #tpu.memory_space<hbm>>)
          %dma_wait3A_687 = arith.constant 7 : i32
          %dma_wait3A_688 = arith.constant 56 : i32
          %dma_wait3A_689 = arith.constant 0 : i32
          %dma_wait3A_690 = tpu.memref_slice %arg10[%dma_wait3A_688, %dma_wait3A_689] : memref<64x128xf32, #tpu.memory_space<vmem>> -> memref<8x128xf32, #tpu.memory_space<vmem>>
          %dma_wait3A_691 = arith.constant 0 : i32
          %dma_wait3A_692 = arith.constant 0 : i32
          %dma_wait3A_693 = tpu.memref_slice %arg4[%sub3A_581, %dma_wait3A_687, %add3A_9, %dma_wait3A_691, %dma_wait3A_692] : memref<200x8x128x8x128xf32, #tpu.memory_space<hbm>> -> memref<1x1x1x8x128xf32, #tpu.memory_space<hbm>>
          %dma_wait3A_694 = tpu.memref_squeeze %dma_wait3A_693 : memref<1x1x1x8x128xf32, #tpu.memory_space<hbm>> -> memref<8x128xf32, #tpu.memory_space<hbm>>
          %dma_wait3A_695 = arith.constant 0 : i32
          %dma_wait3A_696 = arith.constant 0 : i32
          %dma_wait3A_697 = tpu.memref_slice %arg4[%sub3A_581, %dma_wait3A_687, %add3A_9, %dma_wait3A_695, %dma_wait3A_696] : memref<200x8x128x8x128xf32, #tpu.memory_space<hbm>> -> memref<1x1x1x8x128xf32, #tpu.memory_space<hbm>>
          %dma_wait3A_698 = tpu.memref_squeeze %dma_wait3A_697 : memref<1x1x1x8x128xf32, #tpu.memory_space<hbm>> -> memref<8x128xf32, #tpu.memory_space<hbm>>
          %dma_wait3A_699 = arith.constant 56 : i32
          %dma_wait3A_700 = arith.constant 0 : i32
          %dma_wait3A_701 = tpu.memref_slice %arg10[%dma_wait3A_699, %dma_wait3A_700] : memref<64x128xf32, #tpu.memory_space<vmem>> -> memref<8x128xf32, #tpu.memory_space<vmem>>
          tpu.wait_dma2 semaphore(%arg14 : memref<!tpu.dma_semaphore, #tpu.memory_space<semaphore_mem>>) src(%dma_wait3A_701 : memref<8x128xf32, #tpu.memory_space<vmem>>) dst(%dma_wait3A_698 : memref<8x128xf32, #tpu.memory_space<hbm>>)
        } else {
        }
        %parallel_loop3A_453 = arith.constant 0 : i32
        %parallel_loop3A_454 = arith.constant 128 : i32
        %parallel_loop3A_455 = arith.constant 16 : i32
        scf.for %parallel_loop3A_581 = %parallel_loop3A_453 to %parallel_loop3A_454 step %parallel_loop3A_455  : i32 {
          %parallel_loop3A_582 = vector.broadcast %parallel_loop3A_581 : i32 to vector<16xi32>
          %parallel_loop3A_583 = arith.addi %iota3A, %parallel_loop3A_582 : vector<16xi32>
          %parallel_loop3A_584 = arith.constant 0 : i32
          %parallel_loop3A_585 = vector.broadcast %parallel_loop3A_584 : i32 to vector<16xi32>
          %parallel_loop3A_586 = arith.xori %iota3A, %parallel_loop3A_585 : vector<16xi32>
          %parallel_loop3A_587 = arith.constant 0 : i32
          %parallel_loop3A_588 = vector.broadcast %parallel_loop3A_587 : i32 to vector<16xi32>
          %parallel_loop3A_589 = arith.addi %parallel_loop3A_586, %parallel_loop3A_588 : vector<16xi32>
          %parallel_loop3A_590 = tpu.vector_load_idx %arg8[%parallel_loop3A_583, %parallel_loop3A_589] : memref<128x64xf32, #tpu.memory_space<vmem>>[vector<16xi32>, vector<16xi32>], vector<16xf32>,
          tpu.vector_store_idx %arg10[%parallel_loop3A_589, %parallel_loop3A_583], %parallel_loop3A_590 : memref<64x128xf32, #tpu.memory_space<vmem>>[vector<16xi32>, vector<16xi32>], vector<16xf32>,
          %parallel_loop3A_591 = arith.constant 1 : i32
          %parallel_loop3A_592 = vector.broadcast %parallel_loop3A_591 : i32 to vector<16xi32>
          %parallel_loop3A_593 = arith.xori %iota3A, %parallel_loop3A_592 : vector<16xi32>
          %parallel_loop3A_594 = arith.constant 0 : i32
          %parallel_loop3A_595 = vector.broadcast %parallel_loop3A_594 : i32 to vector<16xi32>
          %parallel_loop3A_596 = arith.addi %parallel_loop3A_593, %parallel_loop3A_595 : vector<16xi32>
          %parallel_loop3A_597 = tpu.vector_load_idx %arg8[%parallel_loop3A_583, %parallel_loop3A_596] : memref<128x64xf32, #tpu.memory_space<vmem>>[vector<16xi32>, vector<16xi32>], vector<16xf32>,
          tpu.vector_store_idx %arg10[%parallel_loop3A_596, %parallel_loop3A_583], %parallel_loop3A_597 : memref<64x128xf32, #tpu.memory_space<vmem>>[vector<16xi32>, vector<16xi32>], vector<16xf32>,
          %parallel_loop3A_598 = arith.constant 2 : i32
          %parallel_loop3A_599 = vector.broadcast %parallel_loop3A_598 : i32 to vector<16xi32>
          %parallel_loop3A_600 = arith.xori %iota3A, %parallel_loop3A_599 : vector<16xi32>
          %parallel_loop3A_601 = arith.constant 0 : i32
          %parallel_loop3A_602 = vector.broadcast %parallel_loop3A_601 : i32 to vector<16xi32>
          %parallel_loop3A_603 = arith.addi %parallel_loop3A_600, %parallel_loop3A_602 : vector<16xi32>
          %parallel_loop3A_604 = tpu.vector_load_idx %arg8[%parallel_loop3A_583, %parallel_loop3A_603] : memref<128x64xf32, #tpu.memory_space<vmem>>[vector<16xi32>, vector<16xi32>], vector<16xf32>,
          tpu.vector_store_idx %arg10[%parallel_loop3A_603, %parallel_loop3A_583], %parallel_loop3A_604 : memref<64x128xf32, #tpu.memory_space<vmem>>[vector<16xi32>, vector<16xi32>], vector<16xf32>,
          %parallel_loop3A_605 = arith.constant 3 : i32
          %parallel_loop3A_606 = vector.broadcast %parallel_loop3A_605 : i32 to vector<16xi32>
          %parallel_loop3A_607 = arith.xori %iota3A, %parallel_loop3A_606 : vector<16xi32>
          %parallel_loop3A_608 = arith.constant 0 : i32
          %parallel_loop3A_609 = vector.broadcast %parallel_loop3A_608 : i32 to vector<16xi32>
          %parallel_loop3A_610 = arith.addi %parallel_loop3A_607, %parallel_loop3A_609 : vector<16xi32>
          %parallel_loop3A_611 = tpu.vector_load_idx %arg8[%parallel_loop3A_583, %parallel_loop3A_610] : memref<128x64xf32, #tpu.memory_space<vmem>>[vector<16xi32>, vector<16xi32>], vector<16xf32>,
          tpu.vector_store_idx %arg10[%parallel_loop3A_610, %parallel_loop3A_583], %parallel_loop3A_611 : memref<64x128xf32, #tpu.memory_space<vmem>>[vector<16xi32>, vector<16xi32>], vector<16xf32>,
          %parallel_loop3A_612 = arith.constant 4 : i32
          %parallel_loop3A_613 = vector.broadcast %parallel_loop3A_612 : i32 to vector<16xi32>
          %parallel_loop3A_614 = arith.xori %iota3A, %parallel_loop3A_613 : vector<16xi32>
          %parallel_loop3A_615 = arith.constant 0 : i32
          %parallel_loop3A_616 = vector.broadcast %parallel_loop3A_615 : i32 to vector<16xi32>
          %parallel_loop3A_617 = arith.addi %parallel_loop3A_614, %parallel_loop3A_616 : vector<16xi32>
          %parallel_loop3A_618 = tpu.vector_load_idx %arg8[%parallel_loop3A_583, %parallel_loop3A_617] : memref<128x64xf32, #tpu.memory_space<vmem>>[vector<16xi32>, vector<16xi32>], vector<16xf32>,
          tpu.vector_store_idx %arg10[%parallel_loop3A_617, %parallel_loop3A_583], %parallel_loop3A_618 : memref<64x128xf32, #tpu.memory_space<vmem>>[vector<16xi32>, vector<16xi32>], vector<16xf32>,
          %parallel_loop3A_619 = arith.constant 5 : i32
          %parallel_loop3A_620 = vector.broadcast %parallel_loop3A_619 : i32 to vector<16xi32>
          %parallel_loop3A_621 = arith.xori %iota3A, %parallel_loop3A_620 : vector<16xi32>
          %parallel_loop3A_622 = arith.constant 0 : i32
          %parallel_loop3A_623 = vector.broadcast %parallel_loop3A_622 : i32 to vector<16xi32>
          %parallel_loop3A_624 = arith.addi %parallel_loop3A_621, %parallel_loop3A_623 : vector<16xi32>
          %parallel_loop3A_625 = tpu.vector_load_idx %arg8[%parallel_loop3A_583, %parallel_loop3A_624] : memref<128x64xf32, #tpu.memory_space<vmem>>[vector<16xi32>, vector<16xi32>], vector<16xf32>,
          tpu.vector_store_idx %arg10[%parallel_loop3A_624, %parallel_loop3A_583], %parallel_loop3A_625 : memref<64x128xf32, #tpu.memory_space<vmem>>[vector<16xi32>, vector<16xi32>], vector<16xf32>,
          %parallel_loop3A_626 = arith.constant 6 : i32
          %parallel_loop3A_627 = vector.broadcast %parallel_loop3A_626 : i32 to vector<16xi32>
          %parallel_loop3A_628 = arith.xori %iota3A, %parallel_loop3A_627 : vector<16xi32>
          %parallel_loop3A_629 = arith.constant 0 : i32
          %parallel_loop3A_630 = vector.broadcast %parallel_loop3A_629 : i32 to vector<16xi32>
          %parallel_loop3A_631 = arith.addi %parallel_loop3A_628, %parallel_loop3A_630 : vector<16xi32>
          %parallel_loop3A_632 = tpu.vector_load_idx %arg8[%parallel_loop3A_583, %parallel_loop3A_631] : memref<128x64xf32, #tpu.memory_space<vmem>>[vector<16xi32>, vector<16xi32>], vector<16xf32>,
          tpu.vector_store_idx %arg10[%parallel_loop3A_631, %parallel_loop3A_583], %parallel_loop3A_632 : memref<64x128xf32, #tpu.memory_space<vmem>>[vector<16xi32>, vector<16xi32>], vector<16xf32>,
          %parallel_loop3A_633 = arith.constant 7 : i32
          %parallel_loop3A_634 = vector.broadcast %parallel_loop3A_633 : i32 to vector<16xi32>
          %parallel_loop3A_635 = arith.xori %iota3A, %parallel_loop3A_634 : vector<16xi32>
          %parallel_loop3A_636 = arith.constant 0 : i32
          %parallel_loop3A_637 = vector.broadcast %parallel_loop3A_636 : i32 to vector<16xi32>
          %parallel_loop3A_638 = arith.addi %parallel_loop3A_635, %parallel_loop3A_637 : vector<16xi32>
          %parallel_loop3A_639 = tpu.vector_load_idx %arg8[%parallel_loop3A_583, %parallel_loop3A_638] : memref<128x64xf32, #tpu.memory_space<vmem>>[vector<16xi32>, vector<16xi32>], vector<16xf32>,
          tpu.vector_store_idx %arg10[%parallel_loop3A_638, %parallel_loop3A_583], %parallel_loop3A_639 : memref<64x128xf32, #tpu.memory_space<vmem>>[vector<16xi32>, vector<16xi32>], vector<16xf32>,
          %parallel_loop3A_640 = arith.constant 8 : i32
          %parallel_loop3A_641 = vector.broadcast %parallel_loop3A_640 : i32 to vector<16xi32>
          %parallel_loop3A_642 = arith.xori %iota3A, %parallel_loop3A_641 : vector<16xi32>
          %parallel_loop3A_643 = arith.constant 0 : i32
          %parallel_loop3A_644 = vector.broadcast %parallel_loop3A_643 : i32 to vector<16xi32>
          %parallel_loop3A_645 = arith.addi %parallel_loop3A_642, %parallel_loop3A_644 : vector<16xi32>
          %parallel_loop3A_646 = tpu.vector_load_idx %arg8[%parallel_loop3A_583, %parallel_loop3A_645] : memref<128x64xf32, #tpu.memory_space<vmem>>[vector<16xi32>, vector<16xi32>], vector<16xf32>,
          tpu.vector_store_idx %arg10[%parallel_loop3A_645, %parallel_loop3A_583], %parallel_loop3A_646 : memref<64x128xf32, #tpu.memory_space<vmem>>[vector<16xi32>, vector<16xi32>], vector<16xf32>,
          %parallel_loop3A_647 = arith.constant 9 : i32
          %parallel_loop3A_648 = vector.broadcast %parallel_loop3A_647 : i32 to vector<16xi32>
          %parallel_loop3A_649 = arith.xori %iota3A, %parallel_loop3A_648 : vector<16xi32>
          %parallel_loop3A_650 = arith.constant 0 : i32
          %parallel_loop3A_651 = vector.broadcast %parallel_loop3A_650 : i32 to vector<16xi32>
          %parallel_loop3A_652 = arith.addi %parallel_loop3A_649, %parallel_loop3A_651 : vector<16xi32>
          %parallel_loop3A_653 = tpu.vector_load_idx %arg8[%parallel_loop3A_583, %parallel_loop3A_652] : memref<128x64xf32, #tpu.memory_space<vmem>>[vector<16xi32>, vector<16xi32>], vector<16xf32>,
          tpu.vector_store_idx %arg10[%parallel_loop3A_652, %parallel_loop3A_583], %parallel_loop3A_653 : memref<64x128xf32, #tpu.memory_space<vmem>>[vector<16xi32>, vector<16xi32>], vector<16xf32>,
          %parallel_loop3A_654 = arith.constant 10 : i32
          %parallel_loop3A_655 = vector.broadcast %parallel_loop3A_654 : i32 to vector<16xi32>
          %parallel_loop3A_656 = arith.xori %iota3A, %parallel_loop3A_655 : vector<16xi32>
          %parallel_loop3A_657 = arith.constant 0 : i32
          %parallel_loop3A_658 = vector.broadcast %parallel_loop3A_657 : i32 to vector<16xi32>
          %parallel_loop3A_659 = arith.addi %parallel_loop3A_656, %parallel_loop3A_658 : vector<16xi32>
          %parallel_loop3A_660 = tpu.vector_load_idx %arg8[%parallel_loop3A_583, %parallel_loop3A_659] : memref<128x64xf32, #tpu.memory_space<vmem>>[vector<16xi32>, vector<16xi32>], vector<16xf32>,
          tpu.vector_store_idx %arg10[%parallel_loop3A_659, %parallel_loop3A_583], %parallel_loop3A_660 : memref<64x128xf32, #tpu.memory_space<vmem>>[vector<16xi32>, vector<16xi32>], vector<16xf32>,
          %parallel_loop3A_661 = arith.constant 11 : i32
          %parallel_loop3A_662 = vector.broadcast %parallel_loop3A_661 : i32 to vector<16xi32>
          %parallel_loop3A_663 = arith.xori %iota3A, %parallel_loop3A_662 : vector<16xi32>
          %parallel_loop3A_664 = arith.constant 0 : i32
          %parallel_loop3A_665 = vector.broadcast %parallel_loop3A_664 : i32 to vector<16xi32>
          %parallel_loop3A_666 = arith.addi %parallel_loop3A_663, %parallel_loop3A_665 : vector<16xi32>
          %parallel_loop3A_667 = tpu.vector_load_idx %arg8[%parallel_loop3A_583, %parallel_loop3A_666] : memref<128x64xf32, #tpu.memory_space<vmem>>[vector<16xi32>, vector<16xi32>], vector<16xf32>,
          tpu.vector_store_idx %arg10[%parallel_loop3A_666, %parallel_loop3A_583], %parallel_loop3A_667 : memref<64x128xf32, #tpu.memory_space<vmem>>[vector<16xi32>, vector<16xi32>], vector<16xf32>,
          %parallel_loop3A_668 = arith.constant 12 : i32
          %parallel_loop3A_669 = vector.broadcast %parallel_loop3A_668 : i32 to vector<16xi32>
          %parallel_loop3A_670 = arith.xori %iota3A, %parallel_loop3A_669 : vector<16xi32>
          %parallel_loop3A_671 = arith.constant 0 : i32
          %parallel_loop3A_672 = vector.broadcast %parallel_loop3A_671 : i32 to vector<16xi32>
          %parallel_loop3A_673 = arith.addi %parallel_loop3A_670, %parallel_loop3A_672 : vector<16xi32>
          %parallel_loop3A_674 = tpu.vector_load_idx %arg8[%parallel_loop3A_583, %parallel_loop3A_673] : memref<128x64xf32, #tpu.memory_space<vmem>>[vector<16xi32>, vector<16xi32>], vector<16xf32>,
          tpu.vector_store_idx %arg10[%parallel_loop3A_673, %parallel_loop3A_583], %parallel_loop3A_674 : memref<64x128xf32, #tpu.memory_space<vmem>>[vector<16xi32>, vector<16xi32>], vector<16xf32>,
          %parallel_loop3A_675 = arith.constant 13 : i32
          %parallel_loop3A_676 = vector.broadcast %parallel_loop3A_675 : i32 to vector<16xi32>
          %parallel_loop3A_677 = arith.xori %iota3A, %parallel_loop3A_676 : vector<16xi32>
          %parallel_loop3A_678 = arith.constant 0 : i32
          %parallel_loop3A_679 = vector.broadcast %parallel_loop3A_678 : i32 to vector<16xi32>
          %parallel_loop3A_680 = arith.addi %parallel_loop3A_677, %parallel_loop3A_679 : vector<16xi32>
          %parallel_loop3A_681 = tpu.vector_load_idx %arg8[%parallel_loop3A_583, %parallel_loop3A_680] : memref<128x64xf32, #tpu.memory_space<vmem>>[vector<16xi32>, vector<16xi32>], vector<16xf32>,
          tpu.vector_store_idx %arg10[%parallel_loop3A_680, %parallel_loop3A_583], %parallel_loop3A_681 : memref<64x128xf32, #tpu.memory_space<vmem>>[vector<16xi32>, vector<16xi32>], vector<16xf32>,
          %parallel_loop3A_682 = arith.constant 14 : i32
          %parallel_loop3A_683 = vector.broadcast %parallel_loop3A_682 : i32 to vector<16xi32>
          %parallel_loop3A_684 = arith.xori %iota3A, %parallel_loop3A_683 : vector<16xi32>
          %parallel_loop3A_685 = arith.constant 0 : i32
          %parallel_loop3A_686 = vector.broadcast %parallel_loop3A_685 : i32 to vector<16xi32>
          %parallel_loop3A_687 = arith.addi %parallel_loop3A_684, %parallel_loop3A_686 : vector<16xi32>
          %parallel_loop3A_688 = tpu.vector_load_idx %arg8[%parallel_loop3A_583, %parallel_loop3A_687] : memref<128x64xf32, #tpu.memory_space<vmem>>[vector<16xi32>, vector<16xi32>], vector<16xf32>,
          tpu.vector_store_idx %arg10[%parallel_loop3A_687, %parallel_loop3A_583], %parallel_loop3A_688 : memref<64x128xf32, #tpu.memory_space<vmem>>[vector<16xi32>, vector<16xi32>], vector<16xf32>,
          %parallel_loop3A_689 = arith.constant 15 : i32
          %parallel_loop3A_690 = vector.broadcast %parallel_loop3A_689 : i32 to vector<16xi32>
          %parallel_loop3A_691 = arith.xori %iota3A, %parallel_loop3A_690 : vector<16xi32>
          %parallel_loop3A_692 = arith.constant 0 : i32
          %parallel_loop3A_693 = vector.broadcast %parallel_loop3A_692 : i32 to vector<16xi32>
          %parallel_loop3A_694 = arith.addi %parallel_loop3A_691, %parallel_loop3A_693 : vector<16xi32>
          %parallel_loop3A_695 = tpu.vector_load_idx %arg8[%parallel_loop3A_583, %parallel_loop3A_694] : memref<128x64xf32, #tpu.memory_space<vmem>>[vector<16xi32>, vector<16xi32>], vector<16xf32>,
          tpu.vector_store_idx %arg10[%parallel_loop3A_694, %parallel_loop3A_583], %parallel_loop3A_695 : memref<64x128xf32, #tpu.memory_space<vmem>>[vector<16xi32>, vector<16xi32>], vector<16xf32>,
          %parallel_loop3A_696 = arith.constant 0 : i32
          %parallel_loop3A_697 = vector.broadcast %parallel_loop3A_696 : i32 to vector<16xi32>
          %parallel_loop3A_698 = arith.xori %iota3A, %parallel_loop3A_697 : vector<16xi32>
          %parallel_loop3A_699 = arith.constant 16 : i32
          %parallel_loop3A_700 = vector.broadcast %parallel_loop3A_699 : i32 to vector<16xi32>
          %parallel_loop3A_701 = arith.addi %parallel_loop3A_698, %parallel_loop3A_700 : vector<16xi32>
          %parallel_loop3A_702 = tpu.vector_load_idx %arg8[%parallel_loop3A_583, %parallel_loop3A_701] : memref<128x64xf32, #tpu.memory_space<vmem>>[vector<16xi32>, vector<16xi32>], vector<16xf32>,
          tpu.vector_store_idx %arg10[%parallel_loop3A_701, %parallel_loop3A_583], %parallel_loop3A_702 : memref<64x128xf32, #tpu.memory_space<vmem>>[vector<16xi32>, vector<16xi32>], vector<16xf32>,
          %parallel_loop3A_703 = arith.constant 1 : i32
          %parallel_loop3A_704 = vector.broadcast %parallel_loop3A_703 : i32 to vector<16xi32>
          %parallel_loop3A_705 = arith.xori %iota3A, %parallel_loop3A_704 : vector<16xi32>
          %parallel_loop3A_706 = arith.constant 16 : i32
          %parallel_loop3A_707 = vector.broadcast %parallel_loop3A_706 : i32 to vector<16xi32>
          %parallel_loop3A_708 = arith.addi %parallel_loop3A_705, %parallel_loop3A_707 : vector<16xi32>
          %parallel_loop3A_709 = tpu.vector_load_idx %arg8[%parallel_loop3A_583, %parallel_loop3A_708] : memref<128x64xf32, #tpu.memory_space<vmem>>[vector<16xi32>, vector<16xi32>], vector<16xf32>,
          tpu.vector_store_idx %arg10[%parallel_loop3A_708, %parallel_loop3A_583], %parallel_loop3A_709 : memref<64x128xf32, #tpu.memory_space<vmem>>[vector<16xi32>, vector<16xi32>], vector<16xf32>,
          %parallel_loop3A_710 = arith.constant 2 : i32
          %parallel_loop3A_711 = vector.broadcast %parallel_loop3A_710 : i32 to vector<16xi32>
          %parallel_loop3A_712 = arith.xori %iota3A, %parallel_loop3A_711 : vector<16xi32>
          %parallel_loop3A_713 = arith.constant 16 : i32
          %parallel_loop3A_714 = vector.broadcast %parallel_loop3A_713 : i32 to vector<16xi32>
          %parallel_loop3A_715 = arith.addi %parallel_loop3A_712, %parallel_loop3A_714 : vector<16xi32>
          %parallel_loop3A_716 = tpu.vector_load_idx %arg8[%parallel_loop3A_583, %parallel_loop3A_715] : memref<128x64xf32, #tpu.memory_space<vmem>>[vector<16xi32>, vector<16xi32>], vector<16xf32>,
          tpu.vector_store_idx %arg10[%parallel_loop3A_715, %parallel_loop3A_583], %parallel_loop3A_716 : memref<64x128xf32, #tpu.memory_space<vmem>>[vector<16xi32>, vector<16xi32>], vector<16xf32>,
          %parallel_loop3A_717 = arith.constant 3 : i32
          %parallel_loop3A_718 = vector.broadcast %parallel_loop3A_717 : i32 to vector<16xi32>
          %parallel_loop3A_719 = arith.xori %iota3A, %parallel_loop3A_718 : vector<16xi32>
          %parallel_loop3A_720 = arith.constant 16 : i32
          %parallel_loop3A_721 = vector.broadcast %parallel_loop3A_720 : i32 to vector<16xi32>
          %parallel_loop3A_722 = arith.addi %parallel_loop3A_719, %parallel_loop3A_721 : vector<16xi32>
          %parallel_loop3A_723 = tpu.vector_load_idx %arg8[%parallel_loop3A_583, %parallel_loop3A_722] : memref<128x64xf32, #tpu.memory_space<vmem>>[vector<16xi32>, vector<16xi32>], vector<16xf32>,
          tpu.vector_store_idx %arg10[%parallel_loop3A_722, %parallel_loop3A_583], %parallel_loop3A_723 : memref<64x128xf32, #tpu.memory_space<vmem>>[vector<16xi32>, vector<16xi32>], vector<16xf32>,
          %parallel_loop3A_724 = arith.constant 4 : i32
          %parallel_loop3A_725 = vector.broadcast %parallel_loop3A_724 : i32 to vector<16xi32>
          %parallel_loop3A_726 = arith.xori %iota3A, %parallel_loop3A_725 : vector<16xi32>
          %parallel_loop3A_727 = arith.constant 16 : i32
          %parallel_loop3A_728 = vector.broadcast %parallel_loop3A_727 : i32 to vector<16xi32>
          %parallel_loop3A_729 = arith.addi %parallel_loop3A_726, %parallel_loop3A_728 : vector<16xi32>
          %parallel_loop3A_730 = tpu.vector_load_idx %arg8[%parallel_loop3A_583, %parallel_loop3A_729] : memref<128x64xf32, #tpu.memory_space<vmem>>[vector<16xi32>, vector<16xi32>], vector<16xf32>,
          tpu.vector_store_idx %arg10[%parallel_loop3A_729, %parallel_loop3A_583], %parallel_loop3A_730 : memref<64x128xf32, #tpu.memory_space<vmem>>[vector<16xi32>, vector<16xi32>], vector<16xf32>,
          %parallel_loop3A_731 = arith.constant 5 : i32
          %parallel_loop3A_732 = vector.broadcast %parallel_loop3A_731 : i32 to vector<16xi32>
          %parallel_loop3A_733 = arith.xori %iota3A, %parallel_loop3A_732 : vector<16xi32>
          %parallel_loop3A_734 = arith.constant 16 : i32
          %parallel_loop3A_735 = vector.broadcast %parallel_loop3A_734 : i32 to vector<16xi32>
          %parallel_loop3A_736 = arith.addi %parallel_loop3A_733, %parallel_loop3A_735 : vector<16xi32>
          %parallel_loop3A_737 = tpu.vector_load_idx %arg8[%parallel_loop3A_583, %parallel_loop3A_736] : memref<128x64xf32, #tpu.memory_space<vmem>>[vector<16xi32>, vector<16xi32>], vector<16xf32>,
          tpu.vector_store_idx %arg10[%parallel_loop3A_736, %parallel_loop3A_583], %parallel_loop3A_737 : memref<64x128xf32, #tpu.memory_space<vmem>>[vector<16xi32>, vector<16xi32>], vector<16xf32>,
          %parallel_loop3A_738 = arith.constant 6 : i32
          %parallel_loop3A_739 = vector.broadcast %parallel_loop3A_738 : i32 to vector<16xi32>
          %parallel_loop3A_740 = arith.xori %iota3A, %parallel_loop3A_739 : vector<16xi32>
          %parallel_loop3A_741 = arith.constant 16 : i32
          %parallel_loop3A_742 = vector.broadcast %parallel_loop3A_741 : i32 to vector<16xi32>
          %parallel_loop3A_743 = arith.addi %parallel_loop3A_740, %parallel_loop3A_742 : vector<16xi32>
          %parallel_loop3A_744 = tpu.vector_load_idx %arg8[%parallel_loop3A_583, %parallel_loop3A_743] : memref<128x64xf32, #tpu.memory_space<vmem>>[vector<16xi32>, vector<16xi32>], vector<16xf32>,
          tpu.vector_store_idx %arg10[%parallel_loop3A_743, %parallel_loop3A_583], %parallel_loop3A_744 : memref<64x128xf32, #tpu.memory_space<vmem>>[vector<16xi32>, vector<16xi32>], vector<16xf32>,
          %parallel_loop3A_745 = arith.constant 7 : i32
          %parallel_loop3A_746 = vector.broadcast %parallel_loop3A_745 : i32 to vector<16xi32>
          %parallel_loop3A_747 = arith.xori %iota3A, %parallel_loop3A_746 : vector<16xi32>
          %parallel_loop3A_748 = arith.constant 16 : i32
          %parallel_loop3A_749 = vector.broadcast %parallel_loop3A_748 : i32 to vector<16xi32>
          %parallel_loop3A_750 = arith.addi %parallel_loop3A_747, %parallel_loop3A_749 : vector<16xi32>
          %parallel_loop3A_751 = tpu.vector_load_idx %arg8[%parallel_loop3A_583, %parallel_loop3A_750] : memref<128x64xf32, #tpu.memory_space<vmem>>[vector<16xi32>, vector<16xi32>], vector<16xf32>,
          tpu.vector_store_idx %arg10[%parallel_loop3A_750, %parallel_loop3A_583], %parallel_loop3A_751 : memref<64x128xf32, #tpu.memory_space<vmem>>[vector<16xi32>, vector<16xi32>], vector<16xf32>,
          %parallel_loop3A_752 = arith.constant 8 : i32
          %parallel_loop3A_753 = vector.broadcast %parallel_loop3A_752 : i32 to vector<16xi32>
          %parallel_loop3A_754 = arith.xori %iota3A, %parallel_loop3A_753 : vector<16xi32>
          %parallel_loop3A_755 = arith.constant 16 : i32
          %parallel_loop3A_756 = vector.broadcast %parallel_loop3A_755 : i32 to vector<16xi32>
          %parallel_loop3A_757 = arith.addi %parallel_loop3A_754, %parallel_loop3A_756 : vector<16xi32>
          %parallel_loop3A_758 = tpu.vector_load_idx %arg8[%parallel_loop3A_583, %parallel_loop3A_757] : memref<128x64xf32, #tpu.memory_space<vmem>>[vector<16xi32>, vector<16xi32>], vector<16xf32>,
          tpu.vector_store_idx %arg10[%parallel_loop3A_757, %parallel_loop3A_583], %parallel_loop3A_758 : memref<64x128xf32, #tpu.memory_space<vmem>>[vector<16xi32>, vector<16xi32>], vector<16xf32>,
          %parallel_loop3A_759 = arith.constant 9 : i32
          %parallel_loop3A_760 = vector.broadcast %parallel_loop3A_759 : i32 to vector<16xi32>
          %parallel_loop3A_761 = arith.xori %iota3A, %parallel_loop3A_760 : vector<16xi32>
          %parallel_loop3A_762 = arith.constant 16 : i32
          %parallel_loop3A_763 = vector.broadcast %parallel_loop3A_762 : i32 to vector<16xi32>
          %parallel_loop3A_764 = arith.addi %parallel_loop3A_761, %parallel_loop3A_763 : vector<16xi32>
          %parallel_loop3A_765 = tpu.vector_load_idx %arg8[%parallel_loop3A_583, %parallel_loop3A_764] : memref<128x64xf32, #tpu.memory_space<vmem>>[vector<16xi32>, vector<16xi32>], vector<16xf32>,
          tpu.vector_store_idx %arg10[%parallel_loop3A_764, %parallel_loop3A_583], %parallel_loop3A_765 : memref<64x128xf32, #tpu.memory_space<vmem>>[vector<16xi32>, vector<16xi32>], vector<16xf32>,
          %parallel_loop3A_766 = arith.constant 10 : i32
          %parallel_loop3A_767 = vector.broadcast %parallel_loop3A_766 : i32 to vector<16xi32>
          %parallel_loop3A_768 = arith.xori %iota3A, %parallel_loop3A_767 : vector<16xi32>
          %parallel_loop3A_769 = arith.constant 16 : i32
          %parallel_loop3A_770 = vector.broadcast %parallel_loop3A_769 : i32 to vector<16xi32>
          %parallel_loop3A_771 = arith.addi %parallel_loop3A_768, %parallel_loop3A_770 : vector<16xi32>
          %parallel_loop3A_772 = tpu.vector_load_idx %arg8[%parallel_loop3A_583, %parallel_loop3A_771] : memref<128x64xf32, #tpu.memory_space<vmem>>[vector<16xi32>, vector<16xi32>], vector<16xf32>,
          tpu.vector_store_idx %arg10[%parallel_loop3A_771, %parallel_loop3A_583], %parallel_loop3A_772 : memref<64x128xf32, #tpu.memory_space<vmem>>[vector<16xi32>, vector<16xi32>], vector<16xf32>,
          %parallel_loop3A_773 = arith.constant 11 : i32
          %parallel_loop3A_774 = vector.broadcast %parallel_loop3A_773 : i32 to vector<16xi32>
          %parallel_loop3A_775 = arith.xori %iota3A, %parallel_loop3A_774 : vector<16xi32>
          %parallel_loop3A_776 = arith.constant 16 : i32
          %parallel_loop3A_777 = vector.broadcast %parallel_loop3A_776 : i32 to vector<16xi32>
          %parallel_loop3A_778 = arith.addi %parallel_loop3A_775, %parallel_loop3A_777 : vector<16xi32>
          %parallel_loop3A_779 = tpu.vector_load_idx %arg8[%parallel_loop3A_583, %parallel_loop3A_778] : memref<128x64xf32, #tpu.memory_space<vmem>>[vector<16xi32>, vector<16xi32>], vector<16xf32>,
          tpu.vector_store_idx %arg10[%parallel_loop3A_778, %parallel_loop3A_583], %parallel_loop3A_779 : memref<64x128xf32, #tpu.memory_space<vmem>>[vector<16xi32>, vector<16xi32>], vector<16xf32>,
          %parallel_loop3A_780 = arith.constant 12 : i32
          %parallel_loop3A_781 = vector.broadcast %parallel_loop3A_780 : i32 to vector<16xi32>
          %parallel_loop3A_782 = arith.xori %iota3A, %parallel_loop3A_781 : vector<16xi32>
          %parallel_loop3A_783 = arith.constant 16 : i32
          %parallel_loop3A_784 = vector.broadcast %parallel_loop3A_783 : i32 to vector<16xi32>
          %parallel_loop3A_785 = arith.addi %parallel_loop3A_782, %parallel_loop3A_784 : vector<16xi32>
          %parallel_loop3A_786 = tpu.vector_load_idx %arg8[%parallel_loop3A_583, %parallel_loop3A_785] : memref<128x64xf32, #tpu.memory_space<vmem>>[vector<16xi32>, vector<16xi32>], vector<16xf32>,
          tpu.vector_store_idx %arg10[%parallel_loop3A_785, %parallel_loop3A_583], %parallel_loop3A_786 : memref<64x128xf32, #tpu.memory_space<vmem>>[vector<16xi32>, vector<16xi32>], vector<16xf32>,
          %parallel_loop3A_787 = arith.constant 13 : i32
          %parallel_loop3A_788 = vector.broadcast %parallel_loop3A_787 : i32 to vector<16xi32>
          %parallel_loop3A_789 = arith.xori %iota3A, %parallel_loop3A_788 : vector<16xi32>
          %parallel_loop3A_790 = arith.constant 16 : i32
          %parallel_loop3A_791 = vector.broadcast %parallel_loop3A_790 : i32 to vector<16xi32>
          %parallel_loop3A_792 = arith.addi %parallel_loop3A_789, %parallel_loop3A_791 : vector<16xi32>
          %parallel_loop3A_793 = tpu.vector_load_idx %arg8[%parallel_loop3A_583, %parallel_loop3A_792] : memref<128x64xf32, #tpu.memory_space<vmem>>[vector<16xi32>, vector<16xi32>], vector<16xf32>,
          tpu.vector_store_idx %arg10[%parallel_loop3A_792, %parallel_loop3A_583], %parallel_loop3A_793 : memref<64x128xf32, #tpu.memory_space<vmem>>[vector<16xi32>, vector<16xi32>], vector<16xf32>,
          %parallel_loop3A_794 = arith.constant 14 : i32
          %parallel_loop3A_795 = vector.broadcast %parallel_loop3A_794 : i32 to vector<16xi32>
          %parallel_loop3A_796 = arith.xori %iota3A, %parallel_loop3A_795 : vector<16xi32>
          %parallel_loop3A_797 = arith.constant 16 : i32
          %parallel_loop3A_798 = vector.broadcast %parallel_loop3A_797 : i32 to vector<16xi32>
          %parallel_loop3A_799 = arith.addi %parallel_loop3A_796, %parallel_loop3A_798 : vector<16xi32>
          %parallel_loop3A_800 = tpu.vector_load_idx %arg8[%parallel_loop3A_583, %parallel_loop3A_799] : memref<128x64xf32, #tpu.memory_space<vmem>>[vector<16xi32>, vector<16xi32>], vector<16xf32>,
          tpu.vector_store_idx %arg10[%parallel_loop3A_799, %parallel_loop3A_583], %parallel_loop3A_800 : memref<64x128xf32, #tpu.memory_space<vmem>>[vector<16xi32>, vector<16xi32>], vector<16xf32>,
          %parallel_loop3A_801 = arith.constant 15 : i32
          %parallel_loop3A_802 = vector.broadcast %parallel_loop3A_801 : i32 to vector<16xi32>
          %parallel_loop3A_803 = arith.xori %iota3A, %parallel_loop3A_802 : vector<16xi32>
          %parallel_loop3A_804 = arith.constant 16 : i32
          %parallel_loop3A_805 = vector.broadcast %parallel_loop3A_804 : i32 to vector<16xi32>
          %parallel_loop3A_806 = arith.addi %parallel_loop3A_803, %parallel_loop3A_805 : vector<16xi32>
          %parallel_loop3A_807 = tpu.vector_load_idx %arg8[%parallel_loop3A_583, %parallel_loop3A_806] : memref<128x64xf32, #tpu.memory_space<vmem>>[vector<16xi32>, vector<16xi32>], vector<16xf32>,
          tpu.vector_store_idx %arg10[%parallel_loop3A_806, %parallel_loop3A_583], %parallel_loop3A_807 : memref<64x128xf32, #tpu.memory_space<vmem>>[vector<16xi32>, vector<16xi32>], vector<16xf32>,
          %parallel_loop3A_808 = arith.constant 0 : i32
          %parallel_loop3A_809 = vector.broadcast %parallel_loop3A_808 : i32 to vector<16xi32>
          %parallel_loop3A_810 = arith.xori %iota3A, %parallel_loop3A_809 : vector<16xi32>
          %parallel_loop3A_811 = arith.constant 32 : i32
          %parallel_loop3A_812 = vector.broadcast %parallel_loop3A_811 : i32 to vector<16xi32>
          %parallel_loop3A_813 = arith.addi %parallel_loop3A_810, %parallel_loop3A_812 : vector<16xi32>
          %parallel_loop3A_814 = tpu.vector_load_idx %arg8[%parallel_loop3A_583, %parallel_loop3A_813] : memref<128x64xf32, #tpu.memory_space<vmem>>[vector<16xi32>, vector<16xi32>], vector<16xf32>,
          tpu.vector_store_idx %arg10[%parallel_loop3A_813, %parallel_loop3A_583], %parallel_loop3A_814 : memref<64x128xf32, #tpu.memory_space<vmem>>[vector<16xi32>, vector<16xi32>], vector<16xf32>,
          %parallel_loop3A_815 = arith.constant 1 : i32
          %parallel_loop3A_816 = vector.broadcast %parallel_loop3A_815 : i32 to vector<16xi32>
          %parallel_loop3A_817 = arith.xori %iota3A, %parallel_loop3A_816 : vector<16xi32>
          %parallel_loop3A_818 = arith.constant 32 : i32
          %parallel_loop3A_819 = vector.broadcast %parallel_loop3A_818 : i32 to vector<16xi32>
          %parallel_loop3A_820 = arith.addi %parallel_loop3A_817, %parallel_loop3A_819 : vector<16xi32>
          %parallel_loop3A_821 = tpu.vector_load_idx %arg8[%parallel_loop3A_583, %parallel_loop3A_820] : memref<128x64xf32, #tpu.memory_space<vmem>>[vector<16xi32>, vector<16xi32>], vector<16xf32>,
          tpu.vector_store_idx %arg10[%parallel_loop3A_820, %parallel_loop3A_583], %parallel_loop3A_821 : memref<64x128xf32, #tpu.memory_space<vmem>>[vector<16xi32>, vector<16xi32>], vector<16xf32>,
          %parallel_loop3A_822 = arith.constant 2 : i32
          %parallel_loop3A_823 = vector.broadcast %parallel_loop3A_822 : i32 to vector<16xi32>
          %parallel_loop3A_824 = arith.xori %iota3A, %parallel_loop3A_823 : vector<16xi32>
          %parallel_loop3A_825 = arith.constant 32 : i32
          %parallel_loop3A_826 = vector.broadcast %parallel_loop3A_825 : i32 to vector<16xi32>
          %parallel_loop3A_827 = arith.addi %parallel_loop3A_824, %parallel_loop3A_826 : vector<16xi32>
          %parallel_loop3A_828 = tpu.vector_load_idx %arg8[%parallel_loop3A_583, %parallel_loop3A_827] : memref<128x64xf32, #tpu.memory_space<vmem>>[vector<16xi32>, vector<16xi32>], vector<16xf32>,
          tpu.vector_store_idx %arg10[%parallel_loop3A_827, %parallel_loop3A_583], %parallel_loop3A_828 : memref<64x128xf32, #tpu.memory_space<vmem>>[vector<16xi32>, vector<16xi32>], vector<16xf32>,
          %parallel_loop3A_829 = arith.constant 3 : i32
          %parallel_loop3A_830 = vector.broadcast %parallel_loop3A_829 : i32 to vector<16xi32>
          %parallel_loop3A_831 = arith.xori %iota3A, %parallel_loop3A_830 : vector<16xi32>
          %parallel_loop3A_832 = arith.constant 32 : i32
          %parallel_loop3A_833 = vector.broadcast %parallel_loop3A_832 : i32 to vector<16xi32>
          %parallel_loop3A_834 = arith.addi %parallel_loop3A_831, %parallel_loop3A_833 : vector<16xi32>
          %parallel_loop3A_835 = tpu.vector_load_idx %arg8[%parallel_loop3A_583, %parallel_loop3A_834] : memref<128x64xf32, #tpu.memory_space<vmem>>[vector<16xi32>, vector<16xi32>], vector<16xf32>,
          tpu.vector_store_idx %arg10[%parallel_loop3A_834, %parallel_loop3A_583], %parallel_loop3A_835 : memref<64x128xf32, #tpu.memory_space<vmem>>[vector<16xi32>, vector<16xi32>], vector<16xf32>,
          %parallel_loop3A_836 = arith.constant 4 : i32
          %parallel_loop3A_837 = vector.broadcast %parallel_loop3A_836 : i32 to vector<16xi32>
          %parallel_loop3A_838 = arith.xori %iota3A, %parallel_loop3A_837 : vector<16xi32>
          %parallel_loop3A_839 = arith.constant 32 : i32
          %parallel_loop3A_840 = vector.broadcast %parallel_loop3A_839 : i32 to vector<16xi32>
          %parallel_loop3A_841 = arith.addi %parallel_loop3A_838, %parallel_loop3A_840 : vector<16xi32>
          %parallel_loop3A_842 = tpu.vector_load_idx %arg8[%parallel_loop3A_583, %parallel_loop3A_841] : memref<128x64xf32, #tpu.memory_space<vmem>>[vector<16xi32>, vector<16xi32>], vector<16xf32>,
          tpu.vector_store_idx %arg10[%parallel_loop3A_841, %parallel_loop3A_583], %parallel_loop3A_842 : memref<64x128xf32, #tpu.memory_space<vmem>>[vector<16xi32>, vector<16xi32>], vector<16xf32>,
          %parallel_loop3A_843 = arith.constant 5 : i32
          %parallel_loop3A_844 = vector.broadcast %parallel_loop3A_843 : i32 to vector<16xi32>
          %parallel_loop3A_845 = arith.xori %iota3A, %parallel_loop3A_844 : vector<16xi32>
          %parallel_loop3A_846 = arith.constant 32 : i32
          %parallel_loop3A_847 = vector.broadcast %parallel_loop3A_846 : i32 to vector<16xi32>
          %parallel_loop3A_848 = arith.addi %parallel_loop3A_845, %parallel_loop3A_847 : vector<16xi32>
          %parallel_loop3A_849 = tpu.vector_load_idx %arg8[%parallel_loop3A_583, %parallel_loop3A_848] : memref<128x64xf32, #tpu.memory_space<vmem>>[vector<16xi32>, vector<16xi32>], vector<16xf32>,
          tpu.vector_store_idx %arg10[%parallel_loop3A_848, %parallel_loop3A_583], %parallel_loop3A_849 : memref<64x128xf32, #tpu.memory_space<vmem>>[vector<16xi32>, vector<16xi32>], vector<16xf32>,
          %parallel_loop3A_850 = arith.constant 6 : i32
          %parallel_loop3A_851 = vector.broadcast %parallel_loop3A_850 : i32 to vector<16xi32>
          %parallel_loop3A_852 = arith.xori %iota3A, %parallel_loop3A_851 : vector<16xi32>
          %parallel_loop3A_853 = arith.constant 32 : i32
          %parallel_loop3A_854 = vector.broadcast %parallel_loop3A_853 : i32 to vector<16xi32>
          %parallel_loop3A_855 = arith.addi %parallel_loop3A_852, %parallel_loop3A_854 : vector<16xi32>
          %parallel_loop3A_856 = tpu.vector_load_idx %arg8[%parallel_loop3A_583, %parallel_loop3A_855] : memref<128x64xf32, #tpu.memory_space<vmem>>[vector<16xi32>, vector<16xi32>], vector<16xf32>,
          tpu.vector_store_idx %arg10[%parallel_loop3A_855, %parallel_loop3A_583], %parallel_loop3A_856 : memref<64x128xf32, #tpu.memory_space<vmem>>[vector<16xi32>, vector<16xi32>], vector<16xf32>,
          %parallel_loop3A_857 = arith.constant 7 : i32
          %parallel_loop3A_858 = vector.broadcast %parallel_loop3A_857 : i32 to vector<16xi32>
          %parallel_loop3A_859 = arith.xori %iota3A, %parallel_loop3A_858 : vector<16xi32>
          %parallel_loop3A_860 = arith.constant 32 : i32
          %parallel_loop3A_861 = vector.broadcast %parallel_loop3A_860 : i32 to vector<16xi32>
          %parallel_loop3A_862 = arith.addi %parallel_loop3A_859, %parallel_loop3A_861 : vector<16xi32>
          %parallel_loop3A_863 = tpu.vector_load_idx %arg8[%parallel_loop3A_583, %parallel_loop3A_862] : memref<128x64xf32, #tpu.memory_space<vmem>>[vector<16xi32>, vector<16xi32>], vector<16xf32>,
          tpu.vector_store_idx %arg10[%parallel_loop3A_862, %parallel_loop3A_583], %parallel_loop3A_863 : memref<64x128xf32, #tpu.memory_space<vmem>>[vector<16xi32>, vector<16xi32>], vector<16xf32>,
          %parallel_loop3A_864 = arith.constant 8 : i32
          %parallel_loop3A_865 = vector.broadcast %parallel_loop3A_864 : i32 to vector<16xi32>
          %parallel_loop3A_866 = arith.xori %iota3A, %parallel_loop3A_865 : vector<16xi32>
          %parallel_loop3A_867 = arith.constant 32 : i32
          %parallel_loop3A_868 = vector.broadcast %parallel_loop3A_867 : i32 to vector<16xi32>
          %parallel_loop3A_869 = arith.addi %parallel_loop3A_866, %parallel_loop3A_868 : vector<16xi32>
          %parallel_loop3A_870 = tpu.vector_load_idx %arg8[%parallel_loop3A_583, %parallel_loop3A_869] : memref<128x64xf32, #tpu.memory_space<vmem>>[vector<16xi32>, vector<16xi32>], vector<16xf32>,
          tpu.vector_store_idx %arg10[%parallel_loop3A_869, %parallel_loop3A_583], %parallel_loop3A_870 : memref<64x128xf32, #tpu.memory_space<vmem>>[vector<16xi32>, vector<16xi32>], vector<16xf32>,
          %parallel_loop3A_871 = arith.constant 9 : i32
          %parallel_loop3A_872 = vector.broadcast %parallel_loop3A_871 : i32 to vector<16xi32>
          %parallel_loop3A_873 = arith.xori %iota3A, %parallel_loop3A_872 : vector<16xi32>
          %parallel_loop3A_874 = arith.constant 32 : i32
          %parallel_loop3A_875 = vector.broadcast %parallel_loop3A_874 : i32 to vector<16xi32>
          %parallel_loop3A_876 = arith.addi %parallel_loop3A_873, %parallel_loop3A_875 : vector<16xi32>
          %parallel_loop3A_877 = tpu.vector_load_idx %arg8[%parallel_loop3A_583, %parallel_loop3A_876] : memref<128x64xf32, #tpu.memory_space<vmem>>[vector<16xi32>, vector<16xi32>], vector<16xf32>,
          tpu.vector_store_idx %arg10[%parallel_loop3A_876, %parallel_loop3A_583], %parallel_loop3A_877 : memref<64x128xf32, #tpu.memory_space<vmem>>[vector<16xi32>, vector<16xi32>], vector<16xf32>,
          %parallel_loop3A_878 = arith.constant 10 : i32
          %parallel_loop3A_879 = vector.broadcast %parallel_loop3A_878 : i32 to vector<16xi32>
          %parallel_loop3A_880 = arith.xori %iota3A, %parallel_loop3A_879 : vector<16xi32>
          %parallel_loop3A_881 = arith.constant 32 : i32
          %parallel_loop3A_882 = vector.broadcast %parallel_loop3A_881 : i32 to vector<16xi32>
          %parallel_loop3A_883 = arith.addi %parallel_loop3A_880, %parallel_loop3A_882 : vector<16xi32>
          %parallel_loop3A_884 = tpu.vector_load_idx %arg8[%parallel_loop3A_583, %parallel_loop3A_883] : memref<128x64xf32, #tpu.memory_space<vmem>>[vector<16xi32>, vector<16xi32>], vector<16xf32>,
          tpu.vector_store_idx %arg10[%parallel_loop3A_883, %parallel_loop3A_583], %parallel_loop3A_884 : memref<64x128xf32, #tpu.memory_space<vmem>>[vector<16xi32>, vector<16xi32>], vector<16xf32>,
          %parallel_loop3A_885 = arith.constant 11 : i32
          %parallel_loop3A_886 = vector.broadcast %parallel_loop3A_885 : i32 to vector<16xi32>
          %parallel_loop3A_887 = arith.xori %iota3A, %parallel_loop3A_886 : vector<16xi32>
          %parallel_loop3A_888 = arith.constant 32 : i32
          %parallel_loop3A_889 = vector.broadcast %parallel_loop3A_888 : i32 to vector<16xi32>
          %parallel_loop3A_890 = arith.addi %parallel_loop3A_887, %parallel_loop3A_889 : vector<16xi32>
          %parallel_loop3A_891 = tpu.vector_load_idx %arg8[%parallel_loop3A_583, %parallel_loop3A_890] : memref<128x64xf32, #tpu.memory_space<vmem>>[vector<16xi32>, vector<16xi32>], vector<16xf32>,
          tpu.vector_store_idx %arg10[%parallel_loop3A_890, %parallel_loop3A_583], %parallel_loop3A_891 : memref<64x128xf32, #tpu.memory_space<vmem>>[vector<16xi32>, vector<16xi32>], vector<16xf32>,
          %parallel_loop3A_892 = arith.constant 12 : i32
          %parallel_loop3A_893 = vector.broadcast %parallel_loop3A_892 : i32 to vector<16xi32>
          %parallel_loop3A_894 = arith.xori %iota3A, %parallel_loop3A_893 : vector<16xi32>
          %parallel_loop3A_895 = arith.constant 32 : i32
          %parallel_loop3A_896 = vector.broadcast %parallel_loop3A_895 : i32 to vector<16xi32>
          %parallel_loop3A_897 = arith.addi %parallel_loop3A_894, %parallel_loop3A_896 : vector<16xi32>
          %parallel_loop3A_898 = tpu.vector_load_idx %arg8[%parallel_loop3A_583, %parallel_loop3A_897] : memref<128x64xf32, #tpu.memory_space<vmem>>[vector<16xi32>, vector<16xi32>], vector<16xf32>,
          tpu.vector_store_idx %arg10[%parallel_loop3A_897, %parallel_loop3A_583], %parallel_loop3A_898 : memref<64x128xf32, #tpu.memory_space<vmem>>[vector<16xi32>, vector<16xi32>], vector<16xf32>,
          %parallel_loop3A_899 = arith.constant 13 : i32
          %parallel_loop3A_900 = vector.broadcast %parallel_loop3A_899 : i32 to vector<16xi32>
          %parallel_loop3A_901 = arith.xori %iota3A, %parallel_loop3A_900 : vector<16xi32>
          %parallel_loop3A_902 = arith.constant 32 : i32
          %parallel_loop3A_903 = vector.broadcast %parallel_loop3A_902 : i32 to vector<16xi32>
          %parallel_loop3A_904 = arith.addi %parallel_loop3A_901, %parallel_loop3A_903 : vector<16xi32>
          %parallel_loop3A_905 = tpu.vector_load_idx %arg8[%parallel_loop3A_583, %parallel_loop3A_904] : memref<128x64xf32, #tpu.memory_space<vmem>>[vector<16xi32>, vector<16xi32>], vector<16xf32>,
          tpu.vector_store_idx %arg10[%parallel_loop3A_904, %parallel_loop3A_583], %parallel_loop3A_905 : memref<64x128xf32, #tpu.memory_space<vmem>>[vector<16xi32>, vector<16xi32>], vector<16xf32>,
          %parallel_loop3A_906 = arith.constant 14 : i32
          %parallel_loop3A_907 = vector.broadcast %parallel_loop3A_906 : i32 to vector<16xi32>
          %parallel_loop3A_908 = arith.xori %iota3A, %parallel_loop3A_907 : vector<16xi32>
          %parallel_loop3A_909 = arith.constant 32 : i32
          %parallel_loop3A_910 = vector.broadcast %parallel_loop3A_909 : i32 to vector<16xi32>
          %parallel_loop3A_911 = arith.addi %parallel_loop3A_908, %parallel_loop3A_910 : vector<16xi32>
          %parallel_loop3A_912 = tpu.vector_load_idx %arg8[%parallel_loop3A_583, %parallel_loop3A_911] : memref<128x64xf32, #tpu.memory_space<vmem>>[vector<16xi32>, vector<16xi32>], vector<16xf32>,
          tpu.vector_store_idx %arg10[%parallel_loop3A_911, %parallel_loop3A_583], %parallel_loop3A_912 : memref<64x128xf32, #tpu.memory_space<vmem>>[vector<16xi32>, vector<16xi32>], vector<16xf32>,
          %parallel_loop3A_913 = arith.constant 15 : i32
          %parallel_loop3A_914 = vector.broadcast %parallel_loop3A_913 : i32 to vector<16xi32>
          %parallel_loop3A_915 = arith.xori %iota3A, %parallel_loop3A_914 : vector<16xi32>
          %parallel_loop3A_916 = arith.constant 32 : i32
          %parallel_loop3A_917 = vector.broadcast %parallel_loop3A_916 : i32 to vector<16xi32>
          %parallel_loop3A_918 = arith.addi %parallel_loop3A_915, %parallel_loop3A_917 : vector<16xi32>
          %parallel_loop3A_919 = tpu.vector_load_idx %arg8[%parallel_loop3A_583, %parallel_loop3A_918] : memref<128x64xf32, #tpu.memory_space<vmem>>[vector<16xi32>, vector<16xi32>], vector<16xf32>,
          tpu.vector_store_idx %arg10[%parallel_loop3A_918, %parallel_loop3A_583], %parallel_loop3A_919 : memref<64x128xf32, #tpu.memory_space<vmem>>[vector<16xi32>, vector<16xi32>], vector<16xf32>,
          %parallel_loop3A_920 = arith.constant 0 : i32
          %parallel_loop3A_921 = vector.broadcast %parallel_loop3A_920 : i32 to vector<16xi32>
          %parallel_loop3A_922 = arith.xori %iota3A, %parallel_loop3A_921 : vector<16xi32>
          %parallel_loop3A_923 = arith.constant 48 : i32
          %parallel_loop3A_924 = vector.broadcast %parallel_loop3A_923 : i32 to vector<16xi32>
          %parallel_loop3A_925 = arith.addi %parallel_loop3A_922, %parallel_loop3A_924 : vector<16xi32>
          %parallel_loop3A_926 = tpu.vector_load_idx %arg8[%parallel_loop3A_583, %parallel_loop3A_925] : memref<128x64xf32, #tpu.memory_space<vmem>>[vector<16xi32>, vector<16xi32>], vector<16xf32>,
          tpu.vector_store_idx %arg10[%parallel_loop3A_925, %parallel_loop3A_583], %parallel_loop3A_926 : memref<64x128xf32, #tpu.memory_space<vmem>>[vector<16xi32>, vector<16xi32>], vector<16xf32>,
          %parallel_loop3A_927 = arith.constant 1 : i32
          %parallel_loop3A_928 = vector.broadcast %parallel_loop3A_927 : i32 to vector<16xi32>
          %parallel_loop3A_929 = arith.xori %iota3A, %parallel_loop3A_928 : vector<16xi32>
          %parallel_loop3A_930 = arith.constant 48 : i32
          %parallel_loop3A_931 = vector.broadcast %parallel_loop3A_930 : i32 to vector<16xi32>
          %parallel_loop3A_932 = arith.addi %parallel_loop3A_929, %parallel_loop3A_931 : vector<16xi32>
          %parallel_loop3A_933 = tpu.vector_load_idx %arg8[%parallel_loop3A_583, %parallel_loop3A_932] : memref<128x64xf32, #tpu.memory_space<vmem>>[vector<16xi32>, vector<16xi32>], vector<16xf32>,
          tpu.vector_store_idx %arg10[%parallel_loop3A_932, %parallel_loop3A_583], %parallel_loop3A_933 : memref<64x128xf32, #tpu.memory_space<vmem>>[vector<16xi32>, vector<16xi32>], vector<16xf32>,
          %parallel_loop3A_934 = arith.constant 2 : i32
          %parallel_loop3A_935 = vector.broadcast %parallel_loop3A_934 : i32 to vector<16xi32>
          %parallel_loop3A_936 = arith.xori %iota3A, %parallel_loop3A_935 : vector<16xi32>
          %parallel_loop3A_937 = arith.constant 48 : i32
          %parallel_loop3A_938 = vector.broadcast %parallel_loop3A_937 : i32 to vector<16xi32>
          %parallel_loop3A_939 = arith.addi %parallel_loop3A_936, %parallel_loop3A_938 : vector<16xi32>
          %parallel_loop3A_940 = tpu.vector_load_idx %arg8[%parallel_loop3A_583, %parallel_loop3A_939] : memref<128x64xf32, #tpu.memory_space<vmem>>[vector<16xi32>, vector<16xi32>], vector<16xf32>,
          tpu.vector_store_idx %arg10[%parallel_loop3A_939, %parallel_loop3A_583], %parallel_loop3A_940 : memref<64x128xf32, #tpu.memory_space<vmem>>[vector<16xi32>, vector<16xi32>], vector<16xf32>,
          %parallel_loop3A_941 = arith.constant 3 : i32
          %parallel_loop3A_942 = vector.broadcast %parallel_loop3A_941 : i32 to vector<16xi32>
          %parallel_loop3A_943 = arith.xori %iota3A, %parallel_loop3A_942 : vector<16xi32>
          %parallel_loop3A_944 = arith.constant 48 : i32
          %parallel_loop3A_945 = vector.broadcast %parallel_loop3A_944 : i32 to vector<16xi32>
          %parallel_loop3A_946 = arith.addi %parallel_loop3A_943, %parallel_loop3A_945 : vector<16xi32>
          %parallel_loop3A_947 = tpu.vector_load_idx %arg8[%parallel_loop3A_583, %parallel_loop3A_946] : memref<128x64xf32, #tpu.memory_space<vmem>>[vector<16xi32>, vector<16xi32>], vector<16xf32>,
          tpu.vector_store_idx %arg10[%parallel_loop3A_946, %parallel_loop3A_583], %parallel_loop3A_947 : memref<64x128xf32, #tpu.memory_space<vmem>>[vector<16xi32>, vector<16xi32>], vector<16xf32>,
          %parallel_loop3A_948 = arith.constant 4 : i32
          %parallel_loop3A_949 = vector.broadcast %parallel_loop3A_948 : i32 to vector<16xi32>
          %parallel_loop3A_950 = arith.xori %iota3A, %parallel_loop3A_949 : vector<16xi32>
          %parallel_loop3A_951 = arith.constant 48 : i32
          %parallel_loop3A_952 = vector.broadcast %parallel_loop3A_951 : i32 to vector<16xi32>
          %parallel_loop3A_953 = arith.addi %parallel_loop3A_950, %parallel_loop3A_952 : vector<16xi32>
          %parallel_loop3A_954 = tpu.vector_load_idx %arg8[%parallel_loop3A_583, %parallel_loop3A_953] : memref<128x64xf32, #tpu.memory_space<vmem>>[vector<16xi32>, vector<16xi32>], vector<16xf32>,
          tpu.vector_store_idx %arg10[%parallel_loop3A_953, %parallel_loop3A_583], %parallel_loop3A_954 : memref<64x128xf32, #tpu.memory_space<vmem>>[vector<16xi32>, vector<16xi32>], vector<16xf32>,
          %parallel_loop3A_955 = arith.constant 5 : i32
          %parallel_loop3A_956 = vector.broadcast %parallel_loop3A_955 : i32 to vector<16xi32>
          %parallel_loop3A_957 = arith.xori %iota3A, %parallel_loop3A_956 : vector<16xi32>
          %parallel_loop3A_958 = arith.constant 48 : i32
          %parallel_loop3A_959 = vector.broadcast %parallel_loop3A_958 : i32 to vector<16xi32>
          %parallel_loop3A_960 = arith.addi %parallel_loop3A_957, %parallel_loop3A_959 : vector<16xi32>
          %parallel_loop3A_961 = tpu.vector_load_idx %arg8[%parallel_loop3A_583, %parallel_loop3A_960] : memref<128x64xf32, #tpu.memory_space<vmem>>[vector<16xi32>, vector<16xi32>], vector<16xf32>,
          tpu.vector_store_idx %arg10[%parallel_loop3A_960, %parallel_loop3A_583], %parallel_loop3A_961 : memref<64x128xf32, #tpu.memory_space<vmem>>[vector<16xi32>, vector<16xi32>], vector<16xf32>,
          %parallel_loop3A_962 = arith.constant 6 : i32
          %parallel_loop3A_963 = vector.broadcast %parallel_loop3A_962 : i32 to vector<16xi32>
          %parallel_loop3A_964 = arith.xori %iota3A, %parallel_loop3A_963 : vector<16xi32>
          %parallel_loop3A_965 = arith.constant 48 : i32
          %parallel_loop3A_966 = vector.broadcast %parallel_loop3A_965 : i32 to vector<16xi32>
          %parallel_loop3A_967 = arith.addi %parallel_loop3A_964, %parallel_loop3A_966 : vector<16xi32>
          %parallel_loop3A_968 = tpu.vector_load_idx %arg8[%parallel_loop3A_583, %parallel_loop3A_967] : memref<128x64xf32, #tpu.memory_space<vmem>>[vector<16xi32>, vector<16xi32>], vector<16xf32>,
          tpu.vector_store_idx %arg10[%parallel_loop3A_967, %parallel_loop3A_583], %parallel_loop3A_968 : memref<64x128xf32, #tpu.memory_space<vmem>>[vector<16xi32>, vector<16xi32>], vector<16xf32>,
          %parallel_loop3A_969 = arith.constant 7 : i32
          %parallel_loop3A_970 = vector.broadcast %parallel_loop3A_969 : i32 to vector<16xi32>
          %parallel_loop3A_971 = arith.xori %iota3A, %parallel_loop3A_970 : vector<16xi32>
          %parallel_loop3A_972 = arith.constant 48 : i32
          %parallel_loop3A_973 = vector.broadcast %parallel_loop3A_972 : i32 to vector<16xi32>
          %parallel_loop3A_974 = arith.addi %parallel_loop3A_971, %parallel_loop3A_973 : vector<16xi32>
          %parallel_loop3A_975 = tpu.vector_load_idx %arg8[%parallel_loop3A_583, %parallel_loop3A_974] : memref<128x64xf32, #tpu.memory_space<vmem>>[vector<16xi32>, vector<16xi32>], vector<16xf32>,
          tpu.vector_store_idx %arg10[%parallel_loop3A_974, %parallel_loop3A_583], %parallel_loop3A_975 : memref<64x128xf32, #tpu.memory_space<vmem>>[vector<16xi32>, vector<16xi32>], vector<16xf32>,
          %parallel_loop3A_976 = arith.constant 8 : i32
          %parallel_loop3A_977 = vector.broadcast %parallel_loop3A_976 : i32 to vector<16xi32>
          %parallel_loop3A_978 = arith.xori %iota3A, %parallel_loop3A_977 : vector<16xi32>
          %parallel_loop3A_979 = arith.constant 48 : i32
          %parallel_loop3A_980 = vector.broadcast %parallel_loop3A_979 : i32 to vector<16xi32>
          %parallel_loop3A_981 = arith.addi %parallel_loop3A_978, %parallel_loop3A_980 : vector<16xi32>
          %parallel_loop3A_982 = tpu.vector_load_idx %arg8[%parallel_loop3A_583, %parallel_loop3A_981] : memref<128x64xf32, #tpu.memory_space<vmem>>[vector<16xi32>, vector<16xi32>], vector<16xf32>,
          tpu.vector_store_idx %arg10[%parallel_loop3A_981, %parallel_loop3A_583], %parallel_loop3A_982 : memref<64x128xf32, #tpu.memory_space<vmem>>[vector<16xi32>, vector<16xi32>], vector<16xf32>,
          %parallel_loop3A_983 = arith.constant 9 : i32
          %parallel_loop3A_984 = vector.broadcast %parallel_loop3A_983 : i32 to vector<16xi32>
          %parallel_loop3A_985 = arith.xori %iota3A, %parallel_loop3A_984 : vector<16xi32>
          %parallel_loop3A_986 = arith.constant 48 : i32
          %parallel_loop3A_987 = vector.broadcast %parallel_loop3A_986 : i32 to vector<16xi32>
          %parallel_loop3A_988 = arith.addi %parallel_loop3A_985, %parallel_loop3A_987 : vector<16xi32>
          %parallel_loop3A_989 = tpu.vector_load_idx %arg8[%parallel_loop3A_583, %parallel_loop3A_988] : memref<128x64xf32, #tpu.memory_space<vmem>>[vector<16xi32>, vector<16xi32>], vector<16xf32>,
          tpu.vector_store_idx %arg10[%parallel_loop3A_988, %parallel_loop3A_583], %parallel_loop3A_989 : memref<64x128xf32, #tpu.memory_space<vmem>>[vector<16xi32>, vector<16xi32>], vector<16xf32>,
          %parallel_loop3A_990 = arith.constant 10 : i32
          %parallel_loop3A_991 = vector.broadcast %parallel_loop3A_990 : i32 to vector<16xi32>
          %parallel_loop3A_992 = arith.xori %iota3A, %parallel_loop3A_991 : vector<16xi32>
          %parallel_loop3A_993 = arith.constant 48 : i32
          %parallel_loop3A_994 = vector.broadcast %parallel_loop3A_993 : i32 to vector<16xi32>
          %parallel_loop3A_995 = arith.addi %parallel_loop3A_992, %parallel_loop3A_994 : vector<16xi32>
          %parallel_loop3A_996 = tpu.vector_load_idx %arg8[%parallel_loop3A_583, %parallel_loop3A_995] : memref<128x64xf32, #tpu.memory_space<vmem>>[vector<16xi32>, vector<16xi32>], vector<16xf32>,
          tpu.vector_store_idx %arg10[%parallel_loop3A_995, %parallel_loop3A_583], %parallel_loop3A_996 : memref<64x128xf32, #tpu.memory_space<vmem>>[vector<16xi32>, vector<16xi32>], vector<16xf32>,
          %parallel_loop3A_997 = arith.constant 11 : i32
          %parallel_loop3A_998 = vector.broadcast %parallel_loop3A_997 : i32 to vector<16xi32>
          %parallel_loop3A_999 = arith.xori %iota3A, %parallel_loop3A_998 : vector<16xi32>
          %parallel_loop3A_1000 = arith.constant 48 : i32
          %parallel_loop3A_1001 = vector.broadcast %parallel_loop3A_1000 : i32 to vector<16xi32>
          %parallel_loop3A_1002 = arith.addi %parallel_loop3A_999, %parallel_loop3A_1001 : vector<16xi32>
          %parallel_loop3A_1003 = tpu.vector_load_idx %arg8[%parallel_loop3A_583, %parallel_loop3A_1002] : memref<128x64xf32, #tpu.memory_space<vmem>>[vector<16xi32>, vector<16xi32>], vector<16xf32>,
          tpu.vector_store_idx %arg10[%parallel_loop3A_1002, %parallel_loop3A_583], %parallel_loop3A_1003 : memref<64x128xf32, #tpu.memory_space<vmem>>[vector<16xi32>, vector<16xi32>], vector<16xf32>,
          %parallel_loop3A_1004 = arith.constant 12 : i32
          %parallel_loop3A_1005 = vector.broadcast %parallel_loop3A_1004 : i32 to vector<16xi32>
          %parallel_loop3A_1006 = arith.xori %iota3A, %parallel_loop3A_1005 : vector<16xi32>
          %parallel_loop3A_1007 = arith.constant 48 : i32
          %parallel_loop3A_1008 = vector.broadcast %parallel_loop3A_1007 : i32 to vector<16xi32>
          %parallel_loop3A_1009 = arith.addi %parallel_loop3A_1006, %parallel_loop3A_1008 : vector<16xi32>
          %parallel_loop3A_1010 = tpu.vector_load_idx %arg8[%parallel_loop3A_583, %parallel_loop3A_1009] : memref<128x64xf32, #tpu.memory_space<vmem>>[vector<16xi32>, vector<16xi32>], vector<16xf32>,
          tpu.vector_store_idx %arg10[%parallel_loop3A_1009, %parallel_loop3A_583], %parallel_loop3A_1010 : memref<64x128xf32, #tpu.memory_space<vmem>>[vector<16xi32>, vector<16xi32>], vector<16xf32>,
          %parallel_loop3A_1011 = arith.constant 13 : i32
          %parallel_loop3A_1012 = vector.broadcast %parallel_loop3A_1011 : i32 to vector<16xi32>
          %parallel_loop3A_1013 = arith.xori %iota3A, %parallel_loop3A_1012 : vector<16xi32>
          %parallel_loop3A_1014 = arith.constant 48 : i32
          %parallel_loop3A_1015 = vector.broadcast %parallel_loop3A_1014 : i32 to vector<16xi32>
          %parallel_loop3A_1016 = arith.addi %parallel_loop3A_1013, %parallel_loop3A_1015 : vector<16xi32>
          %parallel_loop3A_1017 = tpu.vector_load_idx %arg8[%parallel_loop3A_583, %parallel_loop3A_1016] : memref<128x64xf32, #tpu.memory_space<vmem>>[vector<16xi32>, vector<16xi32>], vector<16xf32>,
          tpu.vector_store_idx %arg10[%parallel_loop3A_1016, %parallel_loop3A_583], %parallel_loop3A_1017 : memref<64x128xf32, #tpu.memory_space<vmem>>[vector<16xi32>, vector<16xi32>], vector<16xf32>,
          %parallel_loop3A_1018 = arith.constant 14 : i32
          %parallel_loop3A_1019 = vector.broadcast %parallel_loop3A_1018 : i32 to vector<16xi32>
          %parallel_loop3A_1020 = arith.xori %iota3A, %parallel_loop3A_1019 : vector<16xi32>
          %parallel_loop3A_1021 = arith.constant 48 : i32
          %parallel_loop3A_1022 = vector.broadcast %parallel_loop3A_1021 : i32 to vector<16xi32>
          %parallel_loop3A_1023 = arith.addi %parallel_loop3A_1020, %parallel_loop3A_1022 : vector<16xi32>
          %parallel_loop3A_1024 = tpu.vector_load_idx %arg8[%parallel_loop3A_583, %parallel_loop3A_1023] : memref<128x64xf32, #tpu.memory_space<vmem>>[vector<16xi32>, vector<16xi32>], vector<16xf32>,
          tpu.vector_store_idx %arg10[%parallel_loop3A_1023, %parallel_loop3A_583], %parallel_loop3A_1024 : memref<64x128xf32, #tpu.memory_space<vmem>>[vector<16xi32>, vector<16xi32>], vector<16xf32>,
          %parallel_loop3A_1025 = arith.constant 15 : i32
          %parallel_loop3A_1026 = vector.broadcast %parallel_loop3A_1025 : i32 to vector<16xi32>
          %parallel_loop3A_1027 = arith.xori %iota3A, %parallel_loop3A_1026 : vector<16xi32>
          %parallel_loop3A_1028 = arith.constant 48 : i32
          %parallel_loop3A_1029 = vector.broadcast %parallel_loop3A_1028 : i32 to vector<16xi32>
          %parallel_loop3A_1030 = arith.addi %parallel_loop3A_1027, %parallel_loop3A_1029 : vector<16xi32>
          %parallel_loop3A_1031 = tpu.vector_load_idx %arg8[%parallel_loop3A_583, %parallel_loop3A_1030] : memref<128x64xf32, #tpu.memory_space<vmem>>[vector<16xi32>, vector<16xi32>], vector<16xf32>,
          tpu.vector_store_idx %arg10[%parallel_loop3A_1030, %parallel_loop3A_583], %parallel_loop3A_1031 : memref<64x128xf32, #tpu.memory_space<vmem>>[vector<16xi32>, vector<16xi32>], vector<16xf32>,
        } {sc.loop_unroll_factor = 4 : i64, sc.parallel_access}
        %dma_start3A_456 = arith.constant 0 : i32
        %dma_start3A_457 = arith.constant 0 : i32
        %dma_start3A_458 = arith.constant 0 : i32
        %dma_start3A_459 = tpu.memref_slice %arg10[%dma_start3A_457, %dma_start3A_458] : memref<64x128xf32, #tpu.memory_space<vmem>> -> memref<8x128xf32, #tpu.memory_space<vmem>>
        %dma_start3A_460 = arith.constant 0 : i32
        %dma_start3A_461 = arith.constant 0 : i32
        %dma_start3A_462 = tpu.memref_slice %arg4[%add3A_441, %dma_start3A_456, %add3A_9, %dma_start3A_460, %dma_start3A_461] : memref<200x8x128x8x128xf32, #tpu.memory_space<hbm>> -> memref<1x1x1x8x128xf32, #tpu.memory_space<hbm>>
        %dma_start3A_463 = tpu.memref_squeeze %dma_start3A_462 : memref<1x1x1x8x128xf32, #tpu.memory_space<hbm>> -> memref<8x128xf32, #tpu.memory_space<hbm>>
        %dma_start3A_464 = arith.constant 0 : i32
        %dma_start3A_465 = arith.constant 0 : i32
        %dma_start3A_466 = tpu.memref_slice %arg4[%add3A_441, %dma_start3A_456, %add3A_9, %dma_start3A_464, %dma_start3A_465] : memref<200x8x128x8x128xf32, #tpu.memory_space<hbm>> -> memref<1x1x1x8x128xf32, #tpu.memory_space<hbm>>
        %dma_start3A_467 = tpu.memref_squeeze %dma_start3A_466 : memref<1x1x1x8x128xf32, #tpu.memory_space<hbm>> -> memref<8x128xf32, #tpu.memory_space<hbm>>
        %dma_start3A_468 = arith.constant 0 : i32
        %dma_start3A_469 = arith.constant 0 : i32
        %dma_start3A_470 = tpu.memref_slice %arg10[%dma_start3A_468, %dma_start3A_469] : memref<64x128xf32, #tpu.memory_space<vmem>> -> memref<8x128xf32, #tpu.memory_space<vmem>>
        tpu.enqueue_dma source(%dma_start3A_470 : memref<8x128xf32, #tpu.memory_space<vmem>>) target(%dma_start3A_467 : memref<8x128xf32, #tpu.memory_space<hbm>>) target_semaphore(%arg14 : memref<!tpu.dma_semaphore, #tpu.memory_space<semaphore_mem>>)
        %dma_start3A_471 = arith.constant 1 : i32
        %dma_start3A_472 = arith.constant 8 : i32
        %dma_start3A_473 = arith.constant 0 : i32
        %dma_start3A_474 = tpu.memref_slice %arg10[%dma_start3A_472, %dma_start3A_473] : memref<64x128xf32, #tpu.memory_space<vmem>> -> memref<8x128xf32, #tpu.memory_space<vmem>>
        %dma_start3A_475 = arith.constant 0 : i32
        %dma_start3A_476 = arith.constant 0 : i32
        %dma_start3A_477 = tpu.memref_slice %arg4[%add3A_441, %dma_start3A_471, %add3A_9, %dma_start3A_475, %dma_start3A_476] : memref<200x8x128x8x128xf32, #tpu.memory_space<hbm>> -> memref<1x1x1x8x128xf32, #tpu.memory_space<hbm>>
        %dma_start3A_478 = tpu.memref_squeeze %dma_start3A_477 : memref<1x1x1x8x128xf32, #tpu.memory_space<hbm>> -> memref<8x128xf32, #tpu.memory_space<hbm>>
        %dma_start3A_479 = arith.constant 0 : i32
        %dma_start3A_480 = arith.constant 0 : i32
        %dma_start3A_481 = tpu.memref_slice %arg4[%add3A_441, %dma_start3A_471, %add3A_9, %dma_start3A_479, %dma_start3A_480] : memref<200x8x128x8x128xf32, #tpu.memory_space<hbm>> -> memref<1x1x1x8x128xf32, #tpu.memory_space<hbm>>
        %dma_start3A_482 = tpu.memref_squeeze %dma_start3A_481 : memref<1x1x1x8x128xf32, #tpu.memory_space<hbm>> -> memref<8x128xf32, #tpu.memory_space<hbm>>
        %dma_start3A_483 = arith.constant 8 : i32
        %dma_start3A_484 = arith.constant 0 : i32
        %dma_start3A_485 = tpu.memref_slice %arg10[%dma_start3A_483, %dma_start3A_484] : memref<64x128xf32, #tpu.memory_space<vmem>> -> memref<8x128xf32, #tpu.memory_space<vmem>>
        tpu.enqueue_dma source(%dma_start3A_485 : memref<8x128xf32, #tpu.memory_space<vmem>>) target(%dma_start3A_482 : memref<8x128xf32, #tpu.memory_space<hbm>>) target_semaphore(%arg14 : memref<!tpu.dma_semaphore, #tpu.memory_space<semaphore_mem>>)
        %dma_start3A_486 = arith.constant 2 : i32
        %dma_start3A_487 = arith.constant 16 : i32
        %dma_start3A_488 = arith.constant 0 : i32
        %dma_start3A_489 = tpu.memref_slice %arg10[%dma_start3A_487, %dma_start3A_488] : memref<64x128xf32, #tpu.memory_space<vmem>> -> memref<8x128xf32, #tpu.memory_space<vmem>>
        %dma_start3A_490 = arith.constant 0 : i32
        %dma_start3A_491 = arith.constant 0 : i32
        %dma_start3A_492 = tpu.memref_slice %arg4[%add3A_441, %dma_start3A_486, %add3A_9, %dma_start3A_490, %dma_start3A_491] : memref<200x8x128x8x128xf32, #tpu.memory_space<hbm>> -> memref<1x1x1x8x128xf32, #tpu.memory_space<hbm>>
        %dma_start3A_493 = tpu.memref_squeeze %dma_start3A_492 : memref<1x1x1x8x128xf32, #tpu.memory_space<hbm>> -> memref<8x128xf32, #tpu.memory_space<hbm>>
        %dma_start3A_494 = arith.constant 0 : i32
        %dma_start3A_495 = arith.constant 0 : i32
        %dma_start3A_496 = tpu.memref_slice %arg4[%add3A_441, %dma_start3A_486, %add3A_9, %dma_start3A_494, %dma_start3A_495] : memref<200x8x128x8x128xf32, #tpu.memory_space<hbm>> -> memref<1x1x1x8x128xf32, #tpu.memory_space<hbm>>
        %dma_start3A_497 = tpu.memref_squeeze %dma_start3A_496 : memref<1x1x1x8x128xf32, #tpu.memory_space<hbm>> -> memref<8x128xf32, #tpu.memory_space<hbm>>
        %dma_start3A_498 = arith.constant 16 : i32
        %dma_start3A_499 = arith.constant 0 : i32
        %dma_start3A_500 = tpu.memref_slice %arg10[%dma_start3A_498, %dma_start3A_499] : memref<64x128xf32, #tpu.memory_space<vmem>> -> memref<8x128xf32, #tpu.memory_space<vmem>>
        tpu.enqueue_dma source(%dma_start3A_500 : memref<8x128xf32, #tpu.memory_space<vmem>>) target(%dma_start3A_497 : memref<8x128xf32, #tpu.memory_space<hbm>>) target_semaphore(%arg14 : memref<!tpu.dma_semaphore, #tpu.memory_space<semaphore_mem>>)
        %dma_start3A_501 = arith.constant 3 : i32
        %dma_start3A_502 = arith.constant 24 : i32
        %dma_start3A_503 = arith.constant 0 : i32
        %dma_start3A_504 = tpu.memref_slice %arg10[%dma_start3A_502, %dma_start3A_503] : memref<64x128xf32, #tpu.memory_space<vmem>> -> memref<8x128xf32, #tpu.memory_space<vmem>>
        %dma_start3A_505 = arith.constant 0 : i32
        %dma_start3A_506 = arith.constant 0 : i32
        %dma_start3A_507 = tpu.memref_slice %arg4[%add3A_441, %dma_start3A_501, %add3A_9, %dma_start3A_505, %dma_start3A_506] : memref<200x8x128x8x128xf32, #tpu.memory_space<hbm>> -> memref<1x1x1x8x128xf32, #tpu.memory_space<hbm>>
        %dma_start3A_508 = tpu.memref_squeeze %dma_start3A_507 : memref<1x1x1x8x128xf32, #tpu.memory_space<hbm>> -> memref<8x128xf32, #tpu.memory_space<hbm>>
        %dma_start3A_509 = arith.constant 0 : i32
        %dma_start3A_510 = arith.constant 0 : i32
        %dma_start3A_511 = tpu.memref_slice %arg4[%add3A_441, %dma_start3A_501, %add3A_9, %dma_start3A_509, %dma_start3A_510] : memref<200x8x128x8x128xf32, #tpu.memory_space<hbm>> -> memref<1x1x1x8x128xf32, #tpu.memory_space<hbm>>
        %dma_start3A_512 = tpu.memref_squeeze %dma_start3A_511 : memref<1x1x1x8x128xf32, #tpu.memory_space<hbm>> -> memref<8x128xf32, #tpu.memory_space<hbm>>
        %dma_start3A_513 = arith.constant 24 : i32
        %dma_start3A_514 = arith.constant 0 : i32
        %dma_start3A_515 = tpu.memref_slice %arg10[%dma_start3A_513, %dma_start3A_514] : memref<64x128xf32, #tpu.memory_space<vmem>> -> memref<8x128xf32, #tpu.memory_space<vmem>>
        tpu.enqueue_dma source(%dma_start3A_515 : memref<8x128xf32, #tpu.memory_space<vmem>>) target(%dma_start3A_512 : memref<8x128xf32, #tpu.memory_space<hbm>>) target_semaphore(%arg14 : memref<!tpu.dma_semaphore, #tpu.memory_space<semaphore_mem>>)
        %dma_start3A_516 = arith.constant 4 : i32
        %dma_start3A_517 = arith.constant 32 : i32
        %dma_start3A_518 = arith.constant 0 : i32
        %dma_start3A_519 = tpu.memref_slice %arg10[%dma_start3A_517, %dma_start3A_518] : memref<64x128xf32, #tpu.memory_space<vmem>> -> memref<8x128xf32, #tpu.memory_space<vmem>>
        %dma_start3A_520 = arith.constant 0 : i32
        %dma_start3A_521 = arith.constant 0 : i32
        %dma_start3A_522 = tpu.memref_slice %arg4[%add3A_441, %dma_start3A_516, %add3A_9, %dma_start3A_520, %dma_start3A_521] : memref<200x8x128x8x128xf32, #tpu.memory_space<hbm>> -> memref<1x1x1x8x128xf32, #tpu.memory_space<hbm>>
        %dma_start3A_523 = tpu.memref_squeeze %dma_start3A_522 : memref<1x1x1x8x128xf32, #tpu.memory_space<hbm>> -> memref<8x128xf32, #tpu.memory_space<hbm>>
        %dma_start3A_524 = arith.constant 0 : i32
        %dma_start3A_525 = arith.constant 0 : i32
        %dma_start3A_526 = tpu.memref_slice %arg4[%add3A_441, %dma_start3A_516, %add3A_9, %dma_start3A_524, %dma_start3A_525] : memref<200x8x128x8x128xf32, #tpu.memory_space<hbm>> -> memref<1x1x1x8x128xf32, #tpu.memory_space<hbm>>
        %dma_start3A_527 = tpu.memref_squeeze %dma_start3A_526 : memref<1x1x1x8x128xf32, #tpu.memory_space<hbm>> -> memref<8x128xf32, #tpu.memory_space<hbm>>
        %dma_start3A_528 = arith.constant 32 : i32
        %dma_start3A_529 = arith.constant 0 : i32
        %dma_start3A_530 = tpu.memref_slice %arg10[%dma_start3A_528, %dma_start3A_529] : memref<64x128xf32, #tpu.memory_space<vmem>> -> memref<8x128xf32, #tpu.memory_space<vmem>>
        tpu.enqueue_dma source(%dma_start3A_530 : memref<8x128xf32, #tpu.memory_space<vmem>>) target(%dma_start3A_527 : memref<8x128xf32, #tpu.memory_space<hbm>>) target_semaphore(%arg14 : memref<!tpu.dma_semaphore, #tpu.memory_space<semaphore_mem>>)
        %dma_start3A_531 = arith.constant 5 : i32
        %dma_start3A_532 = arith.constant 40 : i32
        %dma_start3A_533 = arith.constant 0 : i32
        %dma_start3A_534 = tpu.memref_slice %arg10[%dma_start3A_532, %dma_start3A_533] : memref<64x128xf32, #tpu.memory_space<vmem>> -> memref<8x128xf32, #tpu.memory_space<vmem>>
        %dma_start3A_535 = arith.constant 0 : i32
        %dma_start3A_536 = arith.constant 0 : i32
        %dma_start3A_537 = tpu.memref_slice %arg4[%add3A_441, %dma_start3A_531, %add3A_9, %dma_start3A_535, %dma_start3A_536] : memref<200x8x128x8x128xf32, #tpu.memory_space<hbm>> -> memref<1x1x1x8x128xf32, #tpu.memory_space<hbm>>
        %dma_start3A_538 = tpu.memref_squeeze %dma_start3A_537 : memref<1x1x1x8x128xf32, #tpu.memory_space<hbm>> -> memref<8x128xf32, #tpu.memory_space<hbm>>
        %dma_start3A_539 = arith.constant 0 : i32
        %dma_start3A_540 = arith.constant 0 : i32
        %dma_start3A_541 = tpu.memref_slice %arg4[%add3A_441, %dma_start3A_531, %add3A_9, %dma_start3A_539, %dma_start3A_540] : memref<200x8x128x8x128xf32, #tpu.memory_space<hbm>> -> memref<1x1x1x8x128xf32, #tpu.memory_space<hbm>>
        %dma_start3A_542 = tpu.memref_squeeze %dma_start3A_541 : memref<1x1x1x8x128xf32, #tpu.memory_space<hbm>> -> memref<8x128xf32, #tpu.memory_space<hbm>>
        %dma_start3A_543 = arith.constant 40 : i32
        %dma_start3A_544 = arith.constant 0 : i32
        %dma_start3A_545 = tpu.memref_slice %arg10[%dma_start3A_543, %dma_start3A_544] : memref<64x128xf32, #tpu.memory_space<vmem>> -> memref<8x128xf32, #tpu.memory_space<vmem>>
        tpu.enqueue_dma source(%dma_start3A_545 : memref<8x128xf32, #tpu.memory_space<vmem>>) target(%dma_start3A_542 : memref<8x128xf32, #tpu.memory_space<hbm>>) target_semaphore(%arg14 : memref<!tpu.dma_semaphore, #tpu.memory_space<semaphore_mem>>)
        %dma_start3A_546 = arith.constant 6 : i32
        %dma_start3A_547 = arith.constant 48 : i32
        %dma_start3A_548 = arith.constant 0 : i32
        %dma_start3A_549 = tpu.memref_slice %arg10[%dma_start3A_547, %dma_start3A_548] : memref<64x128xf32, #tpu.memory_space<vmem>> -> memref<8x128xf32, #tpu.memory_space<vmem>>
        %dma_start3A_550 = arith.constant 0 : i32
        %dma_start3A_551 = arith.constant 0 : i32
        %dma_start3A_552 = tpu.memref_slice %arg4[%add3A_441, %dma_start3A_546, %add3A_9, %dma_start3A_550, %dma_start3A_551] : memref<200x8x128x8x128xf32, #tpu.memory_space<hbm>> -> memref<1x1x1x8x128xf32, #tpu.memory_space<hbm>>
        %dma_start3A_553 = tpu.memref_squeeze %dma_start3A_552 : memref<1x1x1x8x128xf32, #tpu.memory_space<hbm>> -> memref<8x128xf32, #tpu.memory_space<hbm>>
        %dma_start3A_554 = arith.constant 0 : i32
        %dma_start3A_555 = arith.constant 0 : i32
        %dma_start3A_556 = tpu.memref_slice %arg4[%add3A_441, %dma_start3A_546, %add3A_9, %dma_start3A_554, %dma_start3A_555] : memref<200x8x128x8x128xf32, #tpu.memory_space<hbm>> -> memref<1x1x1x8x128xf32, #tpu.memory_space<hbm>>
        %dma_start3A_557 = tpu.memref_squeeze %dma_start3A_556 : memref<1x1x1x8x128xf32, #tpu.memory_space<hbm>> -> memref<8x128xf32, #tpu.memory_space<hbm>>
        %dma_start3A_558 = arith.constant 48 : i32
        %dma_start3A_559 = arith.constant 0 : i32
        %dma_start3A_560 = tpu.memref_slice %arg10[%dma_start3A_558, %dma_start3A_559] : memref<64x128xf32, #tpu.memory_space<vmem>> -> memref<8x128xf32, #tpu.memory_space<vmem>>
        tpu.enqueue_dma source(%dma_start3A_560 : memref<8x128xf32, #tpu.memory_space<vmem>>) target(%dma_start3A_557 : memref<8x128xf32, #tpu.memory_space<hbm>>) target_semaphore(%arg14 : memref<!tpu.dma_semaphore, #tpu.memory_space<semaphore_mem>>)
        %dma_start3A_561 = arith.constant 7 : i32
        %dma_start3A_562 = arith.constant 56 : i32
        %dma_start3A_563 = arith.constant 0 : i32
        %dma_start3A_564 = tpu.memref_slice %arg10[%dma_start3A_562, %dma_start3A_563] : memref<64x128xf32, #tpu.memory_space<vmem>> -> memref<8x128xf32, #tpu.memory_space<vmem>>
        %dma_start3A_565 = arith.constant 0 : i32
        %dma_start3A_566 = arith.constant 0 : i32
        %dma_start3A_567 = tpu.memref_slice %arg4[%add3A_441, %dma_start3A_561, %add3A_9, %dma_start3A_565, %dma_start3A_566] : memref<200x8x128x8x128xf32, #tpu.memory_space<hbm>> -> memref<1x1x1x8x128xf32, #tpu.memory_space<hbm>>
        %dma_start3A_568 = tpu.memref_squeeze %dma_start3A_567 : memref<1x1x1x8x128xf32, #tpu.memory_space<hbm>> -> memref<8x128xf32, #tpu.memory_space<hbm>>
        %dma_start3A_569 = arith.constant 0 : i32
        %dma_start3A_570 = arith.constant 0 : i32
        %dma_start3A_571 = tpu.memref_slice %arg4[%add3A_441, %dma_start3A_561, %add3A_9, %dma_start3A_569, %dma_start3A_570] : memref<200x8x128x8x128xf32, #tpu.memory_space<hbm>> -> memref<1x1x1x8x128xf32, #tpu.memory_space<hbm>>
        %dma_start3A_572 = tpu.memref_squeeze %dma_start3A_571 : memref<1x1x1x8x128xf32, #tpu.memory_space<hbm>> -> memref<8x128xf32, #tpu.memory_space<hbm>>
        %dma_start3A_573 = arith.constant 56 : i32
        %dma_start3A_574 = arith.constant 0 : i32
        %dma_start3A_575 = tpu.memref_slice %arg10[%dma_start3A_573, %dma_start3A_574] : memref<64x128xf32, #tpu.memory_space<vmem>> -> memref<8x128xf32, #tpu.memory_space<vmem>>
        tpu.enqueue_dma source(%dma_start3A_575 : memref<8x128xf32, #tpu.memory_space<vmem>>) target(%dma_start3A_572 : memref<8x128xf32, #tpu.memory_space<hbm>>) target_semaphore(%arg14 : memref<!tpu.dma_semaphore, #tpu.memory_space<semaphore_mem>>)
        %lt3A_576 = arith.constant 99 : i32
        %lt3A_577 = arith.cmpi slt, %scan3A_298, %lt3A_576 : i32
        %convert_element_type3A_578 = arith.extui %lt3A_577 : i1 to i32
        %cond3A_579 = arith.constant 0 : i32
        %cond3A_580 = arith.cmpi ne, %convert_element_type3A_578, %cond3A_579 : i32
        scf.if %cond3A_580 {
          %add3A_581 = arith.constant 2 : i32
          %add3A_582 = arith.addi %add3A_441, %add3A_581 : i32
          %dma_start3A_583 = arith.constant 0 : i32
          %dma_start3A_584 = tpu.memref_slice %arg6[%add3A_582, %dma_start3A_583] : memref<200x128xi32, #tpu.memory_space<vmem>> -> memref<1x128xi32, #tpu.memory_space<vmem>>
          %dma_start3A_585 = tpu.memref_squeeze %dma_start3A_584 : memref<1x128xi32, #tpu.memory_space<vmem>> -> memref<128xi32, #tpu.memory_space<vmem>>
          %dma_start3A_586 = arith.constant 0 : i32
          %dma_start3A_587 = arith.constant 0 : i32
          %dma_start3A_588 = tpu.memref_slice %arg3[%dma_start3A_586, %dma_start3A_587] : memref<1000000x64xf32, #tpu.memory_space<hbm>> -> memref<1000000x64xf32, #tpu.memory_space<hbm>>
          tpu.enqueue_indirect_dma source(%dma_start3A_588 : memref<1000000x64xf32, #tpu.memory_space<hbm>>) target(%arg8 : memref<128x64xf32, #tpu.memory_space<vmem>>) offsets(%dma_start3A_585 : memref<128xi32, #tpu.memory_space<vmem>>) semaphore(%arg12 : memref<!tpu.dma_semaphore, #tpu.memory_space<semaphore_mem>>)
        } else {
        }
      }
      %scan3A_41 = arith.constant 100 : i32
      %dma_wait3A_42 = arith.constant 198 : i32
      %dma_wait3A_43 = arith.constant 0 : i32
      %dma_wait3A_44 = arith.constant 0 : i32
      %dma_wait3A_45 = arith.constant 0 : i32
      %dma_wait3A_46 = tpu.memref_slice %arg9[%dma_wait3A_44, %dma_wait3A_45] : memref<64x128xf32, #tpu.memory_space<vmem>> -> memref<8x128xf32, #tpu.memory_space<vmem>>
      %dma_wait3A_47 = arith.constant 0 : i32
      %dma_wait3A_48 = arith.constant 0 : i32
      %dma_wait3A_49 = tpu.memref_slice %arg4[%dma_wait3A_42, %dma_wait3A_43, %add3A_9, %dma_wait3A_47, %dma_wait3A_48] : memref<200x8x128x8x128xf32, #tpu.memory_space<hbm>> -> memref<1x1x1x8x128xf32, #tpu.memory_space<hbm>>
      %dma_wait3A_50 = tpu.memref_squeeze %dma_wait3A_49 : memref<1x1x1x8x128xf32, #tpu.memory_space<hbm>> -> memref<8x128xf32, #tpu.memory_space<hbm>>
      %dma_wait3A_51 = arith.constant 0 : i32
      %dma_wait3A_52 = arith.constant 0 : i32
      %dma_wait3A_53 = tpu.memref_slice %arg4[%dma_wait3A_42, %dma_wait3A_43, %add3A_9, %dma_wait3A_51, %dma_wait3A_52] : memref<200x8x128x8x128xf32, #tpu.memory_space<hbm>> -> memref<1x1x1x8x128xf32, #tpu.memory_space<hbm>>
      %dma_wait3A_54 = tpu.memref_squeeze %dma_wait3A_53 : memref<1x1x1x8x128xf32, #tpu.memory_space<hbm>> -> memref<8x128xf32, #tpu.memory_space<hbm>>
      %dma_wait3A_55 = arith.constant 0 : i32
      %dma_wait3A_56 = arith.constant 0 : i32
      %dma_wait3A_57 = tpu.memref_slice %arg9[%dma_wait3A_55, %dma_wait3A_56] : memref<64x128xf32, #tpu.memory_space<vmem>> -> memref<8x128xf32, #tpu.memory_space<vmem>>
      tpu.wait_dma2 semaphore(%arg13 : memref<!tpu.dma_semaphore, #tpu.memory_space<semaphore_mem>>) src(%dma_wait3A_57 : memref<8x128xf32, #tpu.memory_space<vmem>>) dst(%dma_wait3A_54 : memref<8x128xf32, #tpu.memory_space<hbm>>)
      %dma_wait3A_58 = arith.constant 198 : i32
      %dma_wait3A_59 = arith.constant 1 : i32
      %dma_wait3A_60 = arith.constant 8 : i32
      %dma_wait3A_61 = arith.constant 0 : i32
      %dma_wait3A_62 = tpu.memref_slice %arg9[%dma_wait3A_60, %dma_wait3A_61] : memref<64x128xf32, #tpu.memory_space<vmem>> -> memref<8x128xf32, #tpu.memory_space<vmem>>
      %dma_wait3A_63 = arith.constant 0 : i32
      %dma_wait3A_64 = arith.constant 0 : i32
      %dma_wait3A_65 = tpu.memref_slice %arg4[%dma_wait3A_58, %dma_wait3A_59, %add3A_9, %dma_wait3A_63, %dma_wait3A_64] : memref<200x8x128x8x128xf32, #tpu.memory_space<hbm>> -> memref<1x1x1x8x128xf32, #tpu.memory_space<hbm>>
      %dma_wait3A_66 = tpu.memref_squeeze %dma_wait3A_65 : memref<1x1x1x8x128xf32, #tpu.memory_space<hbm>> -> memref<8x128xf32, #tpu.memory_space<hbm>>
      %dma_wait3A_67 = arith.constant 0 : i32
      %dma_wait3A_68 = arith.constant 0 : i32
      %dma_wait3A_69 = tpu.memref_slice %arg4[%dma_wait3A_58, %dma_wait3A_59, %add3A_9, %dma_wait3A_67, %dma_wait3A_68] : memref<200x8x128x8x128xf32, #tpu.memory_space<hbm>> -> memref<1x1x1x8x128xf32, #tpu.memory_space<hbm>>
      %dma_wait3A_70 = tpu.memref_squeeze %dma_wait3A_69 : memref<1x1x1x8x128xf32, #tpu.memory_space<hbm>> -> memref<8x128xf32, #tpu.memory_space<hbm>>
      %dma_wait3A_71 = arith.constant 8 : i32
      %dma_wait3A_72 = arith.constant 0 : i32
      %dma_wait3A_73 = tpu.memref_slice %arg9[%dma_wait3A_71, %dma_wait3A_72] : memref<64x128xf32, #tpu.memory_space<vmem>> -> memref<8x128xf32, #tpu.memory_space<vmem>>
      tpu.wait_dma2 semaphore(%arg13 : memref<!tpu.dma_semaphore, #tpu.memory_space<semaphore_mem>>) src(%dma_wait3A_73 : memref<8x128xf32, #tpu.memory_space<vmem>>) dst(%dma_wait3A_70 : memref<8x128xf32, #tpu.memory_space<hbm>>)
      %dma_wait3A_74 = arith.constant 198 : i32
      %dma_wait3A_75 = arith.constant 2 : i32
      %dma_wait3A_76 = arith.constant 16 : i32
      %dma_wait3A_77 = arith.constant 0 : i32
      %dma_wait3A_78 = tpu.memref_slice %arg9[%dma_wait3A_76, %dma_wait3A_77] : memref<64x128xf32, #tpu.memory_space<vmem>> -> memref<8x128xf32, #tpu.memory_space<vmem>>
      %dma_wait3A_79 = arith.constant 0 : i32
      %dma_wait3A_80 = arith.constant 0 : i32
      %dma_wait3A_81 = tpu.memref_slice %arg4[%dma_wait3A_74, %dma_wait3A_75, %add3A_9, %dma_wait3A_79, %dma_wait3A_80] : memref<200x8x128x8x128xf32, #tpu.memory_space<hbm>> -> memref<1x1x1x8x128xf32, #tpu.memory_space<hbm>>
      %dma_wait3A_82 = tpu.memref_squeeze %dma_wait3A_81 : memref<1x1x1x8x128xf32, #tpu.memory_space<hbm>> -> memref<8x128xf32, #tpu.memory_space<hbm>>
      %dma_wait3A_83 = arith.constant 0 : i32
      %dma_wait3A_84 = arith.constant 0 : i32
      %dma_wait3A_85 = tpu.memref_slice %arg4[%dma_wait3A_74, %dma_wait3A_75, %add3A_9, %dma_wait3A_83, %dma_wait3A_84] : memref<200x8x128x8x128xf32, #tpu.memory_space<hbm>> -> memref<1x1x1x8x128xf32, #tpu.memory_space<hbm>>
      %dma_wait3A_86 = tpu.memref_squeeze %dma_wait3A_85 : memref<1x1x1x8x128xf32, #tpu.memory_space<hbm>> -> memref<8x128xf32, #tpu.memory_space<hbm>>
      %dma_wait3A_87 = arith.constant 16 : i32
      %dma_wait3A_88 = arith.constant 0 : i32
      %dma_wait3A_89 = tpu.memref_slice %arg9[%dma_wait3A_87, %dma_wait3A_88] : memref<64x128xf32, #tpu.memory_space<vmem>> -> memref<8x128xf32, #tpu.memory_space<vmem>>
      tpu.wait_dma2 semaphore(%arg13 : memref<!tpu.dma_semaphore, #tpu.memory_space<semaphore_mem>>) src(%dma_wait3A_89 : memref<8x128xf32, #tpu.memory_space<vmem>>) dst(%dma_wait3A_86 : memref<8x128xf32, #tpu.memory_space<hbm>>)
      %dma_wait3A_90 = arith.constant 198 : i32
      %dma_wait3A_91 = arith.constant 3 : i32
      %dma_wait3A_92 = arith.constant 24 : i32
      %dma_wait3A_93 = arith.constant 0 : i32
      %dma_wait3A_94 = tpu.memref_slice %arg9[%dma_wait3A_92, %dma_wait3A_93] : memref<64x128xf32, #tpu.memory_space<vmem>> -> memref<8x128xf32, #tpu.memory_space<vmem>>
      %dma_wait3A_95 = arith.constant 0 : i32
      %dma_wait3A_96 = arith.constant 0 : i32
      %dma_wait3A_97 = tpu.memref_slice %arg4[%dma_wait3A_90, %dma_wait3A_91, %add3A_9, %dma_wait3A_95, %dma_wait3A_96] : memref<200x8x128x8x128xf32, #tpu.memory_space<hbm>> -> memref<1x1x1x8x128xf32, #tpu.memory_space<hbm>>
      %dma_wait3A_98 = tpu.memref_squeeze %dma_wait3A_97 : memref<1x1x1x8x128xf32, #tpu.memory_space<hbm>> -> memref<8x128xf32, #tpu.memory_space<hbm>>
      %dma_wait3A_99 = arith.constant 0 : i32
      %dma_wait3A_100 = arith.constant 0 : i32
      %dma_wait3A_101 = tpu.memref_slice %arg4[%dma_wait3A_90, %dma_wait3A_91, %add3A_9, %dma_wait3A_99, %dma_wait3A_100] : memref<200x8x128x8x128xf32, #tpu.memory_space<hbm>> -> memref<1x1x1x8x128xf32, #tpu.memory_space<hbm>>
      %dma_wait3A_102 = tpu.memref_squeeze %dma_wait3A_101 : memref<1x1x1x8x128xf32, #tpu.memory_space<hbm>> -> memref<8x128xf32, #tpu.memory_space<hbm>>
      %dma_wait3A_103 = arith.constant 24 : i32
      %dma_wait3A_104 = arith.constant 0 : i32
      %dma_wait3A_105 = tpu.memref_slice %arg9[%dma_wait3A_103, %dma_wait3A_104] : memref<64x128xf32, #tpu.memory_space<vmem>> -> memref<8x128xf32, #tpu.memory_space<vmem>>
      tpu.wait_dma2 semaphore(%arg13 : memref<!tpu.dma_semaphore, #tpu.memory_space<semaphore_mem>>) src(%dma_wait3A_105 : memref<8x128xf32, #tpu.memory_space<vmem>>) dst(%dma_wait3A_102 : memref<8x128xf32, #tpu.memory_space<hbm>>)
      %dma_wait3A_106 = arith.constant 198 : i32
      %dma_wait3A_107 = arith.constant 4 : i32
      %dma_wait3A_108 = arith.constant 32 : i32
      %dma_wait3A_109 = arith.constant 0 : i32
      %dma_wait3A_110 = tpu.memref_slice %arg9[%dma_wait3A_108, %dma_wait3A_109] : memref<64x128xf32, #tpu.memory_space<vmem>> -> memref<8x128xf32, #tpu.memory_space<vmem>>
      %dma_wait3A_111 = arith.constant 0 : i32
      %dma_wait3A_112 = arith.constant 0 : i32
      %dma_wait3A_113 = tpu.memref_slice %arg4[%dma_wait3A_106, %dma_wait3A_107, %add3A_9, %dma_wait3A_111, %dma_wait3A_112] : memref<200x8x128x8x128xf32, #tpu.memory_space<hbm>> -> memref<1x1x1x8x128xf32, #tpu.memory_space<hbm>>
      %dma_wait3A_114 = tpu.memref_squeeze %dma_wait3A_113 : memref<1x1x1x8x128xf32, #tpu.memory_space<hbm>> -> memref<8x128xf32, #tpu.memory_space<hbm>>
      %dma_wait3A_115 = arith.constant 0 : i32
      %dma_wait3A_116 = arith.constant 0 : i32
      %dma_wait3A_117 = tpu.memref_slice %arg4[%dma_wait3A_106, %dma_wait3A_107, %add3A_9, %dma_wait3A_115, %dma_wait3A_116] : memref<200x8x128x8x128xf32, #tpu.memory_space<hbm>> -> memref<1x1x1x8x128xf32, #tpu.memory_space<hbm>>
      %dma_wait3A_118 = tpu.memref_squeeze %dma_wait3A_117 : memref<1x1x1x8x128xf32, #tpu.memory_space<hbm>> -> memref<8x128xf32, #tpu.memory_space<hbm>>
      %dma_wait3A_119 = arith.constant 32 : i32
      %dma_wait3A_120 = arith.constant 0 : i32
      %dma_wait3A_121 = tpu.memref_slice %arg9[%dma_wait3A_119, %dma_wait3A_120] : memref<64x128xf32, #tpu.memory_space<vmem>> -> memref<8x128xf32, #tpu.memory_space<vmem>>
      tpu.wait_dma2 semaphore(%arg13 : memref<!tpu.dma_semaphore, #tpu.memory_space<semaphore_mem>>) src(%dma_wait3A_121 : memref<8x128xf32, #tpu.memory_space<vmem>>) dst(%dma_wait3A_118 : memref<8x128xf32, #tpu.memory_space<hbm>>)
      %dma_wait3A_122 = arith.constant 198 : i32
      %dma_wait3A_123 = arith.constant 5 : i32
      %dma_wait3A_124 = arith.constant 40 : i32
      %dma_wait3A_125 = arith.constant 0 : i32
      %dma_wait3A_126 = tpu.memref_slice %arg9[%dma_wait3A_124, %dma_wait3A_125] : memref<64x128xf32, #tpu.memory_space<vmem>> -> memref<8x128xf32, #tpu.memory_space<vmem>>
      %dma_wait3A_127 = arith.constant 0 : i32
      %dma_wait3A_128 = arith.constant 0 : i32
      %dma_wait3A_129 = tpu.memref_slice %arg4[%dma_wait3A_122, %dma_wait3A_123, %add3A_9, %dma_wait3A_127, %dma_wait3A_128] : memref<200x8x128x8x128xf32, #tpu.memory_space<hbm>> -> memref<1x1x1x8x128xf32, #tpu.memory_space<hbm>>
      %dma_wait3A_130 = tpu.memref_squeeze %dma_wait3A_129 : memref<1x1x1x8x128xf32, #tpu.memory_space<hbm>> -> memref<8x128xf32, #tpu.memory_space<hbm>>
      %dma_wait3A_131 = arith.constant 0 : i32
      %dma_wait3A_132 = arith.constant 0 : i32
      %dma_wait3A_133 = tpu.memref_slice %arg4[%dma_wait3A_122, %dma_wait3A_123, %add3A_9, %dma_wait3A_131, %dma_wait3A_132] : memref<200x8x128x8x128xf32, #tpu.memory_space<hbm>> -> memref<1x1x1x8x128xf32, #tpu.memory_space<hbm>>
      %dma_wait3A_134 = tpu.memref_squeeze %dma_wait3A_133 : memref<1x1x1x8x128xf32, #tpu.memory_space<hbm>> -> memref<8x128xf32, #tpu.memory_space<hbm>>
      %dma_wait3A_135 = arith.constant 40 : i32
      %dma_wait3A_136 = arith.constant 0 : i32
      %dma_wait3A_137 = tpu.memref_slice %arg9[%dma_wait3A_135, %dma_wait3A_136] : memref<64x128xf32, #tpu.memory_space<vmem>> -> memref<8x128xf32, #tpu.memory_space<vmem>>
      tpu.wait_dma2 semaphore(%arg13 : memref<!tpu.dma_semaphore, #tpu.memory_space<semaphore_mem>>) src(%dma_wait3A_137 : memref<8x128xf32, #tpu.memory_space<vmem>>) dst(%dma_wait3A_134 : memref<8x128xf32, #tpu.memory_space<hbm>>)
      %dma_wait3A_138 = arith.constant 198 : i32
      %dma_wait3A_139 = arith.constant 6 : i32
      %dma_wait3A_140 = arith.constant 48 : i32
      %dma_wait3A_141 = arith.constant 0 : i32
      %dma_wait3A_142 = tpu.memref_slice %arg9[%dma_wait3A_140, %dma_wait3A_141] : memref<64x128xf32, #tpu.memory_space<vmem>> -> memref<8x128xf32, #tpu.memory_space<vmem>>
      %dma_wait3A_143 = arith.constant 0 : i32
      %dma_wait3A_144 = arith.constant 0 : i32
      %dma_wait3A_145 = tpu.memref_slice %arg4[%dma_wait3A_138, %dma_wait3A_139, %add3A_9, %dma_wait3A_143, %dma_wait3A_144] : memref<200x8x128x8x128xf32, #tpu.memory_space<hbm>> -> memref<1x1x1x8x128xf32, #tpu.memory_space<hbm>>
      %dma_wait3A_146 = tpu.memref_squeeze %dma_wait3A_145 : memref<1x1x1x8x128xf32, #tpu.memory_space<hbm>> -> memref<8x128xf32, #tpu.memory_space<hbm>>
      %dma_wait3A_147 = arith.constant 0 : i32
      %dma_wait3A_148 = arith.constant 0 : i32
      %dma_wait3A_149 = tpu.memref_slice %arg4[%dma_wait3A_138, %dma_wait3A_139, %add3A_9, %dma_wait3A_147, %dma_wait3A_148] : memref<200x8x128x8x128xf32, #tpu.memory_space<hbm>> -> memref<1x1x1x8x128xf32, #tpu.memory_space<hbm>>
      %dma_wait3A_150 = tpu.memref_squeeze %dma_wait3A_149 : memref<1x1x1x8x128xf32, #tpu.memory_space<hbm>> -> memref<8x128xf32, #tpu.memory_space<hbm>>
      %dma_wait3A_151 = arith.constant 48 : i32
      %dma_wait3A_152 = arith.constant 0 : i32
      %dma_wait3A_153 = tpu.memref_slice %arg9[%dma_wait3A_151, %dma_wait3A_152] : memref<64x128xf32, #tpu.memory_space<vmem>> -> memref<8x128xf32, #tpu.memory_space<vmem>>
      tpu.wait_dma2 semaphore(%arg13 : memref<!tpu.dma_semaphore, #tpu.memory_space<semaphore_mem>>) src(%dma_wait3A_153 : memref<8x128xf32, #tpu.memory_space<vmem>>) dst(%dma_wait3A_150 : memref<8x128xf32, #tpu.memory_space<hbm>>)
      %dma_wait3A_154 = arith.constant 198 : i32
      %dma_wait3A_155 = arith.constant 7 : i32
      %dma_wait3A_156 = arith.constant 56 : i32
      %dma_wait3A_157 = arith.constant 0 : i32
      %dma_wait3A_158 = tpu.memref_slice %arg9[%dma_wait3A_156, %dma_wait3A_157] : memref<64x128xf32, #tpu.memory_space<vmem>> -> memref<8x128xf32, #tpu.memory_space<vmem>>
      %dma_wait3A_159 = arith.constant 0 : i32
      %dma_wait3A_160 = arith.constant 0 : i32
      %dma_wait3A_161 = tpu.memref_slice %arg4[%dma_wait3A_154, %dma_wait3A_155, %add3A_9, %dma_wait3A_159, %dma_wait3A_160] : memref<200x8x128x8x128xf32, #tpu.memory_space<hbm>> -> memref<1x1x1x8x128xf32, #tpu.memory_space<hbm>>
      %dma_wait3A_162 = tpu.memref_squeeze %dma_wait3A_161 : memref<1x1x1x8x128xf32, #tpu.memory_space<hbm>> -> memref<8x128xf32, #tpu.memory_space<hbm>>
      %dma_wait3A_163 = arith.constant 0 : i32
      %dma_wait3A_164 = arith.constant 0 : i32
      %dma_wait3A_165 = tpu.memref_slice %arg4[%dma_wait3A_154, %dma_wait3A_155, %add3A_9, %dma_wait3A_163, %dma_wait3A_164] : memref<200x8x128x8x128xf32, #tpu.memory_space<hbm>> -> memref<1x1x1x8x128xf32, #tpu.memory_space<hbm>>
      %dma_wait3A_166 = tpu.memref_squeeze %dma_wait3A_165 : memref<1x1x1x8x128xf32, #tpu.memory_space<hbm>> -> memref<8x128xf32, #tpu.memory_space<hbm>>
      %dma_wait3A_167 = arith.constant 56 : i32
      %dma_wait3A_168 = arith.constant 0 : i32
      %dma_wait3A_169 = tpu.memref_slice %arg9[%dma_wait3A_167, %dma_wait3A_168] : memref<64x128xf32, #tpu.memory_space<vmem>> -> memref<8x128xf32, #tpu.memory_space<vmem>>
      tpu.wait_dma2 semaphore(%arg13 : memref<!tpu.dma_semaphore, #tpu.memory_space<semaphore_mem>>) src(%dma_wait3A_169 : memref<8x128xf32, #tpu.memory_space<vmem>>) dst(%dma_wait3A_166 : memref<8x128xf32, #tpu.memory_space<hbm>>)
      %dma_wait3A_170 = arith.constant 199 : i32
      %dma_wait3A_171 = arith.constant 0 : i32
      %dma_wait3A_172 = arith.constant 0 : i32
      %dma_wait3A_173 = arith.constant 0 : i32
      %dma_wait3A_174 = tpu.memref_slice %arg10[%dma_wait3A_172, %dma_wait3A_173] : memref<64x128xf32, #tpu.memory_space<vmem>> -> memref<8x128xf32, #tpu.memory_space<vmem>>
      %dma_wait3A_175 = arith.constant 0 : i32
      %dma_wait3A_176 = arith.constant 0 : i32
      %dma_wait3A_177 = tpu.memref_slice %arg4[%dma_wait3A_170, %dma_wait3A_171, %add3A_9, %dma_wait3A_175, %dma_wait3A_176] : memref<200x8x128x8x128xf32, #tpu.memory_space<hbm>> -> memref<1x1x1x8x128xf32, #tpu.memory_space<hbm>>
      %dma_wait3A_178 = tpu.memref_squeeze %dma_wait3A_177 : memref<1x1x1x8x128xf32, #tpu.memory_space<hbm>> -> memref<8x128xf32, #tpu.memory_space<hbm>>
      %dma_wait3A_179 = arith.constant 0 : i32
      %dma_wait3A_180 = arith.constant 0 : i32
      %dma_wait3A_181 = tpu.memref_slice %arg4[%dma_wait3A_170, %dma_wait3A_171, %add3A_9, %dma_wait3A_179, %dma_wait3A_180] : memref<200x8x128x8x128xf32, #tpu.memory_space<hbm>> -> memref<1x1x1x8x128xf32, #tpu.memory_space<hbm>>
      %dma_wait3A_182 = tpu.memref_squeeze %dma_wait3A_181 : memref<1x1x1x8x128xf32, #tpu.memory_space<hbm>> -> memref<8x128xf32, #tpu.memory_space<hbm>>
      %dma_wait3A_183 = arith.constant 0 : i32
      %dma_wait3A_184 = arith.constant 0 : i32
      %dma_wait3A_185 = tpu.memref_slice %arg10[%dma_wait3A_183, %dma_wait3A_184] : memref<64x128xf32, #tpu.memory_space<vmem>> -> memref<8x128xf32, #tpu.memory_space<vmem>>
      tpu.wait_dma2 semaphore(%arg14 : memref<!tpu.dma_semaphore, #tpu.memory_space<semaphore_mem>>) src(%dma_wait3A_185 : memref<8x128xf32, #tpu.memory_space<vmem>>) dst(%dma_wait3A_182 : memref<8x128xf32, #tpu.memory_space<hbm>>)
      %dma_wait3A_186 = arith.constant 199 : i32
      %dma_wait3A_187 = arith.constant 1 : i32
      %dma_wait3A_188 = arith.constant 8 : i32
      %dma_wait3A_189 = arith.constant 0 : i32
      %dma_wait3A_190 = tpu.memref_slice %arg10[%dma_wait3A_188, %dma_wait3A_189] : memref<64x128xf32, #tpu.memory_space<vmem>> -> memref<8x128xf32, #tpu.memory_space<vmem>>
      %dma_wait3A_191 = arith.constant 0 : i32
      %dma_wait3A_192 = arith.constant 0 : i32
      %dma_wait3A_193 = tpu.memref_slice %arg4[%dma_wait3A_186, %dma_wait3A_187, %add3A_9, %dma_wait3A_191, %dma_wait3A_192] : memref<200x8x128x8x128xf32, #tpu.memory_space<hbm>> -> memref<1x1x1x8x128xf32, #tpu.memory_space<hbm>>
      %dma_wait3A_194 = tpu.memref_squeeze %dma_wait3A_193 : memref<1x1x1x8x128xf32, #tpu.memory_space<hbm>> -> memref<8x128xf32, #tpu.memory_space<hbm>>
      %dma_wait3A_195 = arith.constant 0 : i32
      %dma_wait3A_196 = arith.constant 0 : i32
      %dma_wait3A_197 = tpu.memref_slice %arg4[%dma_wait3A_186, %dma_wait3A_187, %add3A_9, %dma_wait3A_195, %dma_wait3A_196] : memref<200x8x128x8x128xf32, #tpu.memory_space<hbm>> -> memref<1x1x1x8x128xf32, #tpu.memory_space<hbm>>
      %dma_wait3A_198 = tpu.memref_squeeze %dma_wait3A_197 : memref<1x1x1x8x128xf32, #tpu.memory_space<hbm>> -> memref<8x128xf32, #tpu.memory_space<hbm>>
      %dma_wait3A_199 = arith.constant 8 : i32
      %dma_wait3A_200 = arith.constant 0 : i32
      %dma_wait3A_201 = tpu.memref_slice %arg10[%dma_wait3A_199, %dma_wait3A_200] : memref<64x128xf32, #tpu.memory_space<vmem>> -> memref<8x128xf32, #tpu.memory_space<vmem>>
      tpu.wait_dma2 semaphore(%arg14 : memref<!tpu.dma_semaphore, #tpu.memory_space<semaphore_mem>>) src(%dma_wait3A_201 : memref<8x128xf32, #tpu.memory_space<vmem>>) dst(%dma_wait3A_198 : memref<8x128xf32, #tpu.memory_space<hbm>>)
      %dma_wait3A_202 = arith.constant 199 : i32
      %dma_wait3A_203 = arith.constant 2 : i32
      %dma_wait3A_204 = arith.constant 16 : i32
      %dma_wait3A_205 = arith.constant 0 : i32
      %dma_wait3A_206 = tpu.memref_slice %arg10[%dma_wait3A_204, %dma_wait3A_205] : memref<64x128xf32, #tpu.memory_space<vmem>> -> memref<8x128xf32, #tpu.memory_space<vmem>>
      %dma_wait3A_207 = arith.constant 0 : i32
      %dma_wait3A_208 = arith.constant 0 : i32
      %dma_wait3A_209 = tpu.memref_slice %arg4[%dma_wait3A_202, %dma_wait3A_203, %add3A_9, %dma_wait3A_207, %dma_wait3A_208] : memref<200x8x128x8x128xf32, #tpu.memory_space<hbm>> -> memref<1x1x1x8x128xf32, #tpu.memory_space<hbm>>
      %dma_wait3A_210 = tpu.memref_squeeze %dma_wait3A_209 : memref<1x1x1x8x128xf32, #tpu.memory_space<hbm>> -> memref<8x128xf32, #tpu.memory_space<hbm>>
      %dma_wait3A_211 = arith.constant 0 : i32
      %dma_wait3A_212 = arith.constant 0 : i32
      %dma_wait3A_213 = tpu.memref_slice %arg4[%dma_wait3A_202, %dma_wait3A_203, %add3A_9, %dma_wait3A_211, %dma_wait3A_212] : memref<200x8x128x8x128xf32, #tpu.memory_space<hbm>> -> memref<1x1x1x8x128xf32, #tpu.memory_space<hbm>>
      %dma_wait3A_214 = tpu.memref_squeeze %dma_wait3A_213 : memref<1x1x1x8x128xf32, #tpu.memory_space<hbm>> -> memref<8x128xf32, #tpu.memory_space<hbm>>
      %dma_wait3A_215 = arith.constant 16 : i32
      %dma_wait3A_216 = arith.constant 0 : i32
      %dma_wait3A_217 = tpu.memref_slice %arg10[%dma_wait3A_215, %dma_wait3A_216] : memref<64x128xf32, #tpu.memory_space<vmem>> -> memref<8x128xf32, #tpu.memory_space<vmem>>
      tpu.wait_dma2 semaphore(%arg14 : memref<!tpu.dma_semaphore, #tpu.memory_space<semaphore_mem>>) src(%dma_wait3A_217 : memref<8x128xf32, #tpu.memory_space<vmem>>) dst(%dma_wait3A_214 : memref<8x128xf32, #tpu.memory_space<hbm>>)
      %dma_wait3A_218 = arith.constant 199 : i32
      %dma_wait3A_219 = arith.constant 3 : i32
      %dma_wait3A_220 = arith.constant 24 : i32
      %dma_wait3A_221 = arith.constant 0 : i32
      %dma_wait3A_222 = tpu.memref_slice %arg10[%dma_wait3A_220, %dma_wait3A_221] : memref<64x128xf32, #tpu.memory_space<vmem>> -> memref<8x128xf32, #tpu.memory_space<vmem>>
      %dma_wait3A_223 = arith.constant 0 : i32
      %dma_wait3A_224 = arith.constant 0 : i32
      %dma_wait3A_225 = tpu.memref_slice %arg4[%dma_wait3A_218, %dma_wait3A_219, %add3A_9, %dma_wait3A_223, %dma_wait3A_224] : memref<200x8x128x8x128xf32, #tpu.memory_space<hbm>> -> memref<1x1x1x8x128xf32, #tpu.memory_space<hbm>>
      %dma_wait3A_226 = tpu.memref_squeeze %dma_wait3A_225 : memref<1x1x1x8x128xf32, #tpu.memory_space<hbm>> -> memref<8x128xf32, #tpu.memory_space<hbm>>
      %dma_wait3A_227 = arith.constant 0 : i32
      %dma_wait3A_228 = arith.constant 0 : i32
      %dma_wait3A_229 = tpu.memref_slice %arg4[%dma_wait3A_218, %dma_wait3A_219, %add3A_9, %dma_wait3A_227, %dma_wait3A_228] : memref<200x8x128x8x128xf32, #tpu.memory_space<hbm>> -> memref<1x1x1x8x128xf32, #tpu.memory_space<hbm>>
      %dma_wait3A_230 = tpu.memref_squeeze %dma_wait3A_229 : memref<1x1x1x8x128xf32, #tpu.memory_space<hbm>> -> memref<8x128xf32, #tpu.memory_space<hbm>>
      %dma_wait3A_231 = arith.constant 24 : i32
      %dma_wait3A_232 = arith.constant 0 : i32
      %dma_wait3A_233 = tpu.memref_slice %arg10[%dma_wait3A_231, %dma_wait3A_232] : memref<64x128xf32, #tpu.memory_space<vmem>> -> memref<8x128xf32, #tpu.memory_space<vmem>>
      tpu.wait_dma2 semaphore(%arg14 : memref<!tpu.dma_semaphore, #tpu.memory_space<semaphore_mem>>) src(%dma_wait3A_233 : memref<8x128xf32, #tpu.memory_space<vmem>>) dst(%dma_wait3A_230 : memref<8x128xf32, #tpu.memory_space<hbm>>)
      %dma_wait3A_234 = arith.constant 199 : i32
      %dma_wait3A_235 = arith.constant 4 : i32
      %dma_wait3A_236 = arith.constant 32 : i32
      %dma_wait3A_237 = arith.constant 0 : i32
      %dma_wait3A_238 = tpu.memref_slice %arg10[%dma_wait3A_236, %dma_wait3A_237] : memref<64x128xf32, #tpu.memory_space<vmem>> -> memref<8x128xf32, #tpu.memory_space<vmem>>
      %dma_wait3A_239 = arith.constant 0 : i32
      %dma_wait3A_240 = arith.constant 0 : i32
      %dma_wait3A_241 = tpu.memref_slice %arg4[%dma_wait3A_234, %dma_wait3A_235, %add3A_9, %dma_wait3A_239, %dma_wait3A_240] : memref<200x8x128x8x128xf32, #tpu.memory_space<hbm>> -> memref<1x1x1x8x128xf32, #tpu.memory_space<hbm>>
      %dma_wait3A_242 = tpu.memref_squeeze %dma_wait3A_241 : memref<1x1x1x8x128xf32, #tpu.memory_space<hbm>> -> memref<8x128xf32, #tpu.memory_space<hbm>>
      %dma_wait3A_243 = arith.constant 0 : i32
      %dma_wait3A_244 = arith.constant 0 : i32
      %dma_wait3A_245 = tpu.memref_slice %arg4[%dma_wait3A_234, %dma_wait3A_235, %add3A_9, %dma_wait3A_243, %dma_wait3A_244] : memref<200x8x128x8x128xf32, #tpu.memory_space<hbm>> -> memref<1x1x1x8x128xf32, #tpu.memory_space<hbm>>
      %dma_wait3A_246 = tpu.memref_squeeze %dma_wait3A_245 : memref<1x1x1x8x128xf32, #tpu.memory_space<hbm>> -> memref<8x128xf32, #tpu.memory_space<hbm>>
      %dma_wait3A_247 = arith.constant 32 : i32
      %dma_wait3A_248 = arith.constant 0 : i32
      %dma_wait3A_249 = tpu.memref_slice %arg10[%dma_wait3A_247, %dma_wait3A_248] : memref<64x128xf32, #tpu.memory_space<vmem>> -> memref<8x128xf32, #tpu.memory_space<vmem>>
      tpu.wait_dma2 semaphore(%arg14 : memref<!tpu.dma_semaphore, #tpu.memory_space<semaphore_mem>>) src(%dma_wait3A_249 : memref<8x128xf32, #tpu.memory_space<vmem>>) dst(%dma_wait3A_246 : memref<8x128xf32, #tpu.memory_space<hbm>>)
      %dma_wait3A_250 = arith.constant 199 : i32
      %dma_wait3A_251 = arith.constant 5 : i32
      %dma_wait3A_252 = arith.constant 40 : i32
      %dma_wait3A_253 = arith.constant 0 : i32
      %dma_wait3A_254 = tpu.memref_slice %arg10[%dma_wait3A_252, %dma_wait3A_253] : memref<64x128xf32, #tpu.memory_space<vmem>> -> memref<8x128xf32, #tpu.memory_space<vmem>>
      %dma_wait3A_255 = arith.constant 0 : i32
      %dma_wait3A_256 = arith.constant 0 : i32
      %dma_wait3A_257 = tpu.memref_slice %arg4[%dma_wait3A_250, %dma_wait3A_251, %add3A_9, %dma_wait3A_255, %dma_wait3A_256] : memref<200x8x128x8x128xf32, #tpu.memory_space<hbm>> -> memref<1x1x1x8x128xf32, #tpu.memory_space<hbm>>
      %dma_wait3A_258 = tpu.memref_squeeze %dma_wait3A_257 : memref<1x1x1x8x128xf32, #tpu.memory_space<hbm>> -> memref<8x128xf32, #tpu.memory_space<hbm>>
      %dma_wait3A_259 = arith.constant 0 : i32
      %dma_wait3A_260 = arith.constant 0 : i32
      %dma_wait3A_261 = tpu.memref_slice %arg4[%dma_wait3A_250, %dma_wait3A_251, %add3A_9, %dma_wait3A_259, %dma_wait3A_260] : memref<200x8x128x8x128xf32, #tpu.memory_space<hbm>> -> memref<1x1x1x8x128xf32, #tpu.memory_space<hbm>>
      %dma_wait3A_262 = tpu.memref_squeeze %dma_wait3A_261 : memref<1x1x1x8x128xf32, #tpu.memory_space<hbm>> -> memref<8x128xf32, #tpu.memory_space<hbm>>
      %dma_wait3A_263 = arith.constant 40 : i32
      %dma_wait3A_264 = arith.constant 0 : i32
      %dma_wait3A_265 = tpu.memref_slice %arg10[%dma_wait3A_263, %dma_wait3A_264] : memref<64x128xf32, #tpu.memory_space<vmem>> -> memref<8x128xf32, #tpu.memory_space<vmem>>
      tpu.wait_dma2 semaphore(%arg14 : memref<!tpu.dma_semaphore, #tpu.memory_space<semaphore_mem>>) src(%dma_wait3A_265 : memref<8x128xf32, #tpu.memory_space<vmem>>) dst(%dma_wait3A_262 : memref<8x128xf32, #tpu.memory_space<hbm>>)
      %dma_wait3A_266 = arith.constant 199 : i32
      %dma_wait3A_267 = arith.constant 6 : i32
      %dma_wait3A_268 = arith.constant 48 : i32
      %dma_wait3A_269 = arith.constant 0 : i32
      %dma_wait3A_270 = tpu.memref_slice %arg10[%dma_wait3A_268, %dma_wait3A_269] : memref<64x128xf32, #tpu.memory_space<vmem>> -> memref<8x128xf32, #tpu.memory_space<vmem>>
      %dma_wait3A_271 = arith.constant 0 : i32
      %dma_wait3A_272 = arith.constant 0 : i32
      %dma_wait3A_273 = tpu.memref_slice %arg4[%dma_wait3A_266, %dma_wait3A_267, %add3A_9, %dma_wait3A_271, %dma_wait3A_272] : memref<200x8x128x8x128xf32, #tpu.memory_space<hbm>> -> memref<1x1x1x8x128xf32, #tpu.memory_space<hbm>>
      %dma_wait3A_274 = tpu.memref_squeeze %dma_wait3A_273 : memref<1x1x1x8x128xf32, #tpu.memory_space<hbm>> -> memref<8x128xf32, #tpu.memory_space<hbm>>
      %dma_wait3A_275 = arith.constant 0 : i32
      %dma_wait3A_276 = arith.constant 0 : i32
      %dma_wait3A_277 = tpu.memref_slice %arg4[%dma_wait3A_266, %dma_wait3A_267, %add3A_9, %dma_wait3A_275, %dma_wait3A_276] : memref<200x8x128x8x128xf32, #tpu.memory_space<hbm>> -> memref<1x1x1x8x128xf32, #tpu.memory_space<hbm>>
      %dma_wait3A_278 = tpu.memref_squeeze %dma_wait3A_277 : memref<1x1x1x8x128xf32, #tpu.memory_space<hbm>> -> memref<8x128xf32, #tpu.memory_space<hbm>>
      %dma_wait3A_279 = arith.constant 48 : i32
      %dma_wait3A_280 = arith.constant 0 : i32
      %dma_wait3A_281 = tpu.memref_slice %arg10[%dma_wait3A_279, %dma_wait3A_280] : memref<64x128xf32, #tpu.memory_space<vmem>> -> memref<8x128xf32, #tpu.memory_space<vmem>>
      tpu.wait_dma2 semaphore(%arg14 : memref<!tpu.dma_semaphore, #tpu.memory_space<semaphore_mem>>) src(%dma_wait3A_281 : memref<8x128xf32, #tpu.memory_space<vmem>>) dst(%dma_wait3A_278 : memref<8x128xf32, #tpu.memory_space<hbm>>)
      %dma_wait3A_282 = arith.constant 199 : i32
      %dma_wait3A_283 = arith.constant 7 : i32
      %dma_wait3A_284 = arith.constant 56 : i32
      %dma_wait3A_285 = arith.constant 0 : i32
      %dma_wait3A_286 = tpu.memref_slice %arg10[%dma_wait3A_284, %dma_wait3A_285] : memref<64x128xf32, #tpu.memory_space<vmem>> -> memref<8x128xf32, #tpu.memory_space<vmem>>
      %dma_wait3A_287 = arith.constant 0 : i32
      %dma_wait3A_288 = arith.constant 0 : i32
      %dma_wait3A_289 = tpu.memref_slice %arg4[%dma_wait3A_282, %dma_wait3A_283, %add3A_9, %dma_wait3A_287, %dma_wait3A_288] : memref<200x8x128x8x128xf32, #tpu.memory_space<hbm>> -> memref<1x1x1x8x128xf32, #tpu.memory_space<hbm>>
      %dma_wait3A_290 = tpu.memref_squeeze %dma_wait3A_289 : memref<1x1x1x8x128xf32, #tpu.memory_space<hbm>> -> memref<8x128xf32, #tpu.memory_space<hbm>>
      %dma_wait3A_291 = arith.constant 0 : i32
      %dma_wait3A_292 = arith.constant 0 : i32
      %dma_wait3A_293 = tpu.memref_slice %arg4[%dma_wait3A_282, %dma_wait3A_283, %add3A_9, %dma_wait3A_291, %dma_wait3A_292] : memref<200x8x128x8x128xf32, #tpu.memory_space<hbm>> -> memref<1x1x1x8x128xf32, #tpu.memory_space<hbm>>
      %dma_wait3A_294 = tpu.memref_squeeze %dma_wait3A_293 : memref<1x1x1x8x128xf32, #tpu.memory_space<hbm>> -> memref<8x128xf32, #tpu.memory_space<hbm>>
      %dma_wait3A_295 = arith.constant 56 : i32
      %dma_wait3A_296 = arith.constant 0 : i32
      %dma_wait3A_297 = tpu.memref_slice %arg10[%dma_wait3A_295, %dma_wait3A_296] : memref<64x128xf32, #tpu.memory_space<vmem>> -> memref<8x128xf32, #tpu.memory_space<vmem>>
      tpu.wait_dma2 semaphore(%arg14 : memref<!tpu.dma_semaphore, #tpu.memory_space<semaphore_mem>>) src(%dma_wait3A_297 : memref<8x128xf32, #tpu.memory_space<vmem>>) dst(%dma_wait3A_294 : memref<8x128xf32, #tpu.memory_space<hbm>>)
    }
    %scan3A_5 = arith.constant 4 : i32
    return
  }
}

</mosaic_0001>

<sc_bundles>
// kernel: kernel.3.cloned.1.call-start
scs
__scs_entry_jumppad:
0x0: {  	(pc) =	sbr.rel $0x88, $3  }
0x1: {  	(tag) =	ssettag $0x0;
	lr =	simm.s32 $0x1  }
0x2: {  	[smem:$0x3F9F] =	sst lr;
	_ =	strace $0xD0000000  }
0x3: {  	_ = 	snop  }
0x4: {  	_ = 	snop  }
0x5: {  	_ = 	snop  }
0x6: {  	_ = 	snop  }
0x7: {  	_ = 	snop  }
__scs_overlays_trampoline_lowered:
0x8: {  	[smem:$0x3FAE] =	sst s0  }
0x9: {  	[smem:$0x3FAF] =	sst s1  }
0xa: {  	[smem:$0x3FB0] =	sst s2  }
0xb: {  	[smem:$0x3FB1] =	sst s3  }
0xc: {  	[smem:$0x3FB2] =	sst s4  }
0xd: {  	[smem:$0x3FB3] =	sst s5  }
0xe: {  	[smem:$0x3FB4] =	sst s6  }
0xf: {  	[smem:$0x3FB5] =	sst s7  }
0x10: {  	[smem:$0x3FB6] =	sst s8  }
0x11: {  	[smem:$0x3FB7] =	sst s9;
	s0 =	simm.s32 @!p0 $0x0  }
0x12: {  	s1 =	sld [smem:$0x3F9D];
	s0 =	simm.s32 @p0 $0x1  }
0x13: {  	[smem:$0x3FB8] =	sst s0;
	s0 =	simm.s32 @!p1 $0x0  }
0x14: {  	s2 =	sld [smem:$0x3F9C];
	s0 =	simm.s32 @p1 $0x1  }
0x15: {  	[smem:$0x3FB9] =	sst s0;
	s0 =	simm.s32 @!p2 $0x0  }
0x16: {  	s3 =	sld [smem:$0x3FDB];
	s0 =	simm.s32 @p2 $0x1  }
0x17: {  	s4 =	simm.s32 $0x1BF5;
	[smem:$0x3FBB] =	sst s0  }
0x18: {  	s0 =	sld [smem:$0x3F9E];
	_ =	swait.ge [sflag:s4], $0x0  }
0x19: {  	s7 =	sld [smem:$0x3F9F]  }
0x1a: {  	s8 =	sadd.s32 $0xFFFFE003, lr  }
0x1b: {  	s9 =	sadd.s32 $0xFFFFFEF7, lr;
	s5 =	simm.s32 $0xFFFFFFFF;
	p2 =	slt.u32 s8, $0xFFFFF086  }
0x1c: {  	p1 =	slt.u32 s9, $0xF7A;
	s5 =	simm.s32 @!p2 $0x0  }
0x1d: {  	s5 =	simm.s32 @p1 $0x1;
	p0 =	seq.s32 s7, s2  }
0x1e: {  	s7 =	smul.u32 @!p0 $0xF7A, s2;
	p2 =	seq.s32 @!p0 s5, $0x0  }
0x1f: {  	s9 =	smul.u32 $0xF7A, s1;
	s8 =	simm.s32 @!p0 $0x1BF5;
	p2 =	por !p2, p0  }
0x20: {  	[sflag:s8] =	ssyncset.s32 @!p0 $0xFFFFF086;
	s6 =	sadd.s32 @!p0 s3, s7;
	s7 =	simm.s32 @!p0 $0x108  }
0x21: {  	s3 =	sadd.s32 s3, s9;
	s6 =	sadd.s32 @!p0 $0x88, s6;
	s7 =	simm.s32 @p2 $0x1082  }
0x22: {  	[simem:s7], [sflag:s8] =	dma.local @!p0 [hbm:s6], $0xF7A  }
0x23: {  	s9 =	sor.u32 $0xD0000000, s2;
	s6 =	simm.s32 $0x108;
	_ =	swait.ge @!p0 [sflag:s8], $0x0  }
0x24: {  	s3 =	sadd.s32 $0x88, s3;
	s6 =	simm.s32 @!p1 $0x1082;
	[sflag:s4] =	ssyncset.s32 $0xFFFFF086  }
0x25: {  	[simem:s6], [sflag:s4] =	dma.local [hbm:s3], $0xF7A  }
0x26: {  	[smem:$0x3F9F] =	sst s1;
	(tag) =	ssettag s2;
	_ =	strace s9  }
0x27: {  	s1 =	sld [smem:$0x3FAF]  }
0x28: {  	s2 =	sld [smem:$0x3FB0]  }
0x29: {  	s4 =	sld [smem:$0x3FB2]  }
0x2a: {  	p0 =	seq.s32 s5, $0x0;
	s5 =	sld [smem:$0x3FB3]  }
0x2b: {  	s6 =	sld [smem:$0x3FB4]  }
0x2c: {  	s7 =	sld [smem:$0x3FB5]  }
0x2d: {  	s3 =	simm.s32 $0x108;
	s8 =	sld [smem:$0x3FB6]  }
0x2e: {  	s3 =	simm.s32 @!p0 $0x1082;
	s9 =	sld [smem:$0x3FB7]  }
0x2f: {  	lr =	sadd.s32 s0, s3;
	s0 =	sld [smem:$0x3FAE]  }
0x30: {  	s3 =	sld [smem:$0x3FB1]  }
0x31: {  	[smem:$0x3FBA] =	sst s10  }
0x32: {  	s10 =	sld [smem:$0x3FB8];
	_ =	sdelay $0x3  }
0x33: {  	p0 =	seq.s32 s10, $0x1;
	s10 =	sld [smem:$0x3FBA];
	_ =	sdelay $0x3  }
0x34: {  	[smem:$0x3FBA] =	sst s10  }
0x35: {  	s10 =	sld [smem:$0x3FB9];
	_ =	sdelay $0x3  }
0x36: {  	p1 =	seq.s32 s10, $0x1;
	s10 =	sld [smem:$0x3FBA];
	_ =	sdelay $0x3  }
0x37: {  	[smem:$0x3FBA] =	sst s10  }
0x38: {  	s10 =	sld [smem:$0x3FBB]  }
0x39: {  	_ = 	snop;
	(pc) =	sbr.ind lr, $3  }
0x3a: {  	_ = 	snop  }
0x3b: {  	_ = 	snop  }
0x3c: {  	p2 =	seq.s32 s10, $0x1;
	s10 =	sld [smem:$0x3FBA]  }
0x3d: {  	_ =	shalt  }
0x3e: {  	_ =	shalt  }
0x3f: {  	_ =	shalt  }
0x40: {  	_ =	shalt  }
0x41: {  	_ =	shalt  }
0x42: {  	_ =	shalt  }
0x43: {  	_ =	shalt  }
0x44: {  	_ =	shalt  }
0x45: {  	_ =	shalt  }
0x46: {  	_ =	shalt  }
0x47: {  	_ =	shalt  }
0x48: {  	_ =	shalt  }
0x49: {  	_ =	shalt  }
0x4a: {  	_ =	shalt  }
0x4b: {  	_ =	shalt  }
0x4c: {  	_ =	shalt  }
0x4d: {  	_ =	shalt  }
0x4e: {  	_ =	shalt  }
0x4f: {  	_ =	shalt  }
0x50: {  	_ =	shalt  }
0x51: {  	_ =	shalt  }
0x52: {  	_ =	shalt  }
0x53: {  	_ =	shalt  }
0x54: {  	_ =	shalt  }
0x55: {  	_ =	shalt  }
0x56: {  	_ =	shalt  }
0x57: {  	_ =	shalt  }
0x58: {  	_ =	shalt  }
0x59: {  	_ =	shalt  }
0x5a: {  	_ =	shalt  }
0x5b: {  	_ =	shalt  }
0x5c: {  	_ =	shalt  }
0x5d: {  	_ =	shalt  }
0x5e: {  	_ =	shalt  }
0x5f: {  	_ =	shalt  }
0x60: {  	_ =	shalt  }
0x61: {  	_ =	shalt  }
0x62: {  	_ =	shalt  }
0x63: {  	_ =	shalt  }
0x64: {  	_ =	shalt  }
0x65: {  	_ =	shalt  }
0x66: {  	_ =	shalt  }
0x67: {  	_ =	shalt  }
0x68: {  	_ =	shalt  }
0x69: {  	_ =	shalt  }
0x6a: {  	_ =	shalt  }
0x6b: {  	_ =	shalt  }
0x6c: {  	_ =	shalt  }
0x6d: {  	_ =	shalt  }
0x6e: {  	_ =	shalt  }
0x6f: {  	_ =	shalt  }
0x70: {  	_ =	shalt  }
0x71: {  	_ =	shalt  }
0x72: {  	_ =	shalt  }
0x73: {  	_ =	shalt  }
0x74: {  	_ =	shalt  }
0x75: {  	_ =	shalt  }
0x76: {  	_ =	shalt  }
0x77: {  	_ =	shalt  }
0x78: {  	_ =	shalt  }
0x79: {  	_ =	shalt  }
0x7a: {  	_ =	shalt  }
0x7b: {  	_ =	shalt  }
0x7c: {  	_ =	shalt  }
0x7d: {  	_ =	shalt  }
0x7e: {  	_ =	shalt  }
0x7f: {  	_ =	shalt  }
0x80: {  	_ =	shalt  }
0x81: {  	_ =	shalt  }
0x82: {  	_ =	shalt  }
0x83: {  	_ =	shalt  }
0x84: {  	_ =	shalt  }
0x85: {  	_ =	shalt  }
0x86: {  	_ =	shalt  }
0x87: {  	_ =	shalt  }
.Lfunc_end0:
.L_simem_size_0:
called_computation_lowered:
.L_overlay_start_0:
0x88: {  	s2 =	sld [smem:$0x3FD9]  }
0x89: {  	s3 =	sld [smem:$0x3FFE];
	_ =	sdelay $0x1  }
0x8a: {  	s1 =	srdreg.scid  }
0x8b: {  	s0 =	sand.u32 $0x1, s1  }
0x8c: {  	s17 =	sshll.u32 s0, $0xA;
	s2 =	sadd.s32 s3, s2  }
0x8d: {  	s2 =	sadd.s32 s2, s17  }
0x8e: {  	[smem:$0x3FC6] =	sst s2  }
0x8f: {  	_ = 	snop  }
0x90: {  	s2 =	sld [smem:$0x3FD0];
	(tm) =	ssettm $0x1  }
0x91: {  	s18 =	sld [smem:$0x3FFB];
	_ =	sdelay $0x3  }
0x92: {  	_ =	strace s18  }
0x93: {  	s3 =	sld [smem:$0x3FFC];
	_ =	sdelay $0x3  }
0x94: {  	_ =	strace s3  }
0x95: {  	s3 =	sld [smem:$0x3FFD];
	_ =	sdelay $0x3  }
0x96: {  	_ =	strace s3  }
0x97: {  	_ =	strace $0x8FFFFFFF  }
0x98: {  	s19 =	sld [smem:$0x3FDB];
	_ =	sdelay $0x1  }
0x99: {  	s4 =	simm.s32 $_scs_section_size  }
0x9a: {  	s5 =	simm.s32 $_size__tile_overlayer_lowered;
	s6 =	simm.s32 $_tile_overlayer_lowered  }
0x9b: {  	s22 =	simm.s32 $0x1BFF;
	s21 =	sshll.u32 s6, $0x1;
	s3 =	sadd.s32 s4, s19  }
0x9c: {  	s7 =	simm.s32 $0x0;
	s20 =	sshll.u32 s5, $0x1;
	s5 =	sadd.s32 s21, s3  }
0x9d: {  	[timem:s7], [sflag:s22] =	dma.local [hbm:s5], s20  }
0x9e: {  	_ =	swait.ge [sflag:s22], s20  }
0x9f: {  	s4 =	ssub.s32 $0x0, s20;
	[sflag:s22] =	ssyncset.done $0x0  }
0xa0: {  	[sflag:s22] =	ssyncadd.s32 s4;
	_ =	sdelay $0x1  }
0xa1: {  	s23 =	simm.s32 $0x1B8B  }
0xa2: {  	_ =	swait.ge [sflag:s23], $0x1  }
0xa3: {  	[sflag:s23] =	ssyncset.done $0x0  }
0xa4: {  	s25 =	simm.s32 $0x1B8E;
	s24 =	sld [smem:$0x3FFE];
	[sflag:s23] =	ssyncadd.s32 $0xFFFFFFFF  }
0xa5: {  	s26 =	simm.s32 $execute0_lowered;
	[smem:$0x3FD2] =	sst s25  }
0xa6: {  	s5 =	sshll.u32 s26, $0x1;
	_ =	strace $0x80000046;
	[dreg:$0x1] =	wrdreg $0xFFFFFFFF  }
0xa7: {  	s28 =	simm.s32 $_size_execute0_lowered;
	s3 =	sadd.s32 s3, s5;
	[dreg:$0x0] =	wrdreg $0x0  }
0xa8: {  	s5 =	sshll.u32 s28, $0x1;
	[dreg:$0x2] =	wrdreg s3  }
0xa9: {  	[dreg:$0x3] =	wrdreg s5  }
0xaa: {  	[dreg:$0x4] =	wrdreg $0xC0  }
0xab: {  	_ =	task [dreg:s7], $0x5FFFF  }
0xac: {  	[dreg:$0x1] =	wrdreg $0xFFFFFFFF  }
0xad: {  	[dreg:$0x0] =	wrdreg $0x60  }
0xae: {  	[dreg:$0x2] =	wrdreg s24  }
0xaf: {  	[dreg:$0x3] =	wrdreg s2  }
0xb0: {  	[dreg:$0x4] =	wrdreg $0x9  }
0xb1: {  	_ =	task.clear_ibuf [dreg:s7], $0x5FFFF;
	_ =	strace $0x90000046  }
0xb2: {  	s29 =	simm.s32 $0x9;
	_ =	strace $0x80000048  }
0xb3: {  	_ =	swait.ge [sflag:s29], $0x1  }
0xb4: {  	[sflag:s29] =	ssyncadd.s32 $0xFFFFFFFF  }
0xb5: {  	_ =	strace $0x90000048  }
0xb6: {  	_ =	sfence  }
0xb7: {  	s30 =	sld [smem:$0x0];
	_ =	sdelay $0x2  }
0xb8: {  	s31 =	sshll.u32 s1, $0xD;
	s1 =	sshrl.u32 s1, $0x2  }
0xb9: {  	s3 =	sand.u32 $0x4000, s31;
	s1 =	sadd.s32 s1, s30  }
0xba: {  	s0 =	sor.u32 s3, s0;
	s1 =	sshll.u32 s1, $0x11  }
0xbb: {  	s0 =	sor.u32 s1, s0  }
0xbc: {  	s0 =	sadd.s32 $0x8F2B, s0  }
0xbd: {  	[sflag:s0] =	ssyncadd.remote.s32 $0x1  }
0xbe: {  	_ =	sfence.sel $0xFFFF  }
0xbf: {  	[dreg:$0x0] =	wrdreg $0xFFFFFFFF;
	(pc) =	sbr.abs _section_cstart, $3  }
0xc0: {  	[dreg:$0x1] =	wrdreg $0xFFFFFFFF  }
0xc1: {  	_ =	task.clear_ibuf [dreg:s7], $0x2FFFF;
	_ =	strace $0x9FFFFFFF  }
0xc2: {  	(tm) =	ssettm $0x7FFFFFFF  }
0xc3: {  	_ =	shalt  }
tec
execute0_lowered:
.L_overlay_start_1:
0x0: {  	(tag) =	ssettag $0x1  }
0x1: {  	vm14 =	vcmask $0x300  }
0x2: {  	v0 =	vimm.s32 $0x787;
	vm13 =	vcmask $0x704;
	vm12 =	vcmask $0xB08  }
0x3: {  	vm11 =	vcmask $0xF0C;
	vm10 =	vcmask $0x1310;
	vm9 =	vcmask $0x1714  }
0x4: {  	v1 =	vimm.s32 $0x0;
	vm8 =	vcmask $0x1B18;
	vm7 =	vcmask $0x1F1C  }
0x5: {  	vm5 =	vcmask $0x2320;
	v44 =	vimm.s32 $0x707;
	vm6 =	vcmask $0x2724  }
0x6: {  	vm2 =	vcmask $0x2B28;
	vm3 =	vcmask $0x2F2C;
	vm4 =	vcmask $0x3330  }
0x7: {  	vm1 =	vcmask $0x3734;
	vm0 =	vcmask $0x3B38;
	v46 =	vimm.s32 $0x687  }
0x8: {  	v2 =	vimm.s32 $0xEFCDAB89;
	v3 =	vimm.s32 $0x67452301;
	v48 =	vimm.s32 $0x607  }
0x9: {  	v51 =	vimm.s32 $0xDCFE98BA;
	v52 =	vimm.s32 $0x54761032;
	v56 =	vimm.s32 $0x587  }
0xa: {  	v57 =	vimm.s32 $0xCDEF89AB;
	v58 =	vimm.s32 $0x45670123;
	v61 =	vimm.s32 $0x507  }
0xb: {  	v62 =	vimm.s32 $0xBA98FEDC;
	v63 =	vimm.s32 $0x32107654;
	v6 =	vimm.s32 $0x487  }
0xc: {  	v9 =	vimm.s32 $0xAB89EFCD;
	v10 =	vimm.s32 $0x23016745;
	v12 =	vimm.s32 $0x98BADCFE  }
0xd: {  	v13 =	vimm.s32 $0x407;
	v16 =	vimm.s32 $0x89ABCDEF;
	v17 =	vimm.s32 $0x1234567  }
0xe: {  	v4 =	vimm.s32 $0x10325476;
	v21 =	vimm.s32 $0xFEDCBA98;
	v22 =	vimm.s32 $0x76543210  }
0xf: {  	v23 =	vimm.s32 $0x387;
	v27 =	vimm.s32 $0x307;
	v28 =	vimm.s32 $0x287  }
0x10: {  	v31 =	vimm.s32 $0x207;
	v35 =	vimm.s32 $0x187;
	v36 =	vimm.s32 $0x107  }
0x11: {  	v39 =	vimm.s32 $0x87;
	v43 =	vimm.s32 $0x7;
	v0 =	vsel vm14, $0x0, v0  }
0x12: {  	v54 =	vsel vm14, $0x3, v1;
	v1 =	vsel vm14, $0x80, v44;
	v2 =	vunpack.c.l.s4.s8 v2  }
0x13: {  	v3 =	vunpack.c.l.s4.s8 v3;
	v50 =	vsel vm14, $0x180, v48;
	v8 =	vsel vm14, $0x300, v6  }
0x14: {  	v4 =	vunpack.c.l.s4.s8 v4;
	v44 =	vimm.s32 $0xF87;
	v6 =	vimm.s32 $0xC07  }
0x15: {  	v0 =	vsel vm13, $0x81, v0;
	v1 =	vsel vm13, $0x1, v1;
	v6 =	vsel vm14, $0xB80, v6  }
0x16: {  	v0 =	vsel vm12, $0x102, v0;
	v1 =	vsel vm12, $0x182, v1;
	v2 =	vunpack.c.0.s8.s32 v2  }
0x17: {  	v47 =	vunpack.c.0.s8.s32 v3;
	v3 =	vunpack.c.l.s4.s8 v52;
	v18 =	vunpack.c.0.s8.s32 v4  }
0x18: {  	v52 =	vimm.s32 $0x1A1B1819;
	v0 =	vsel vm11, $0x183, v0;
	v1 =	vsel vm11, $0x103, v1  }
0x19: {  	v6 =	vsel vm13, $0xB01, v6;
	v0 =	vsel vm10, $0x204, v0;
	v1 =	vsel vm10, $0x284, v1;
	[tilespmem:$0x1F430] =	vst v2  }
0x1a: {  	[tilespmem:$0x1F440] =	vst v47;
	v2 =	vunpack.c.l.s4.s8 v51;
	v53 =	vunpack.c.0.s8.s32 v3;
	v3 =	vunpack.c.l.s4.s8 v58  }
0x1b: {  	[tilespmem:$0x1F530] =	vst v18;
	v47 =	vimm.s32 $0xF07;
	v51 =	vimm.s32 $0xE87;
	v18 =	vimm.s32 $0x1607  }
0x1c: {  	v0 =	vsel vm9, $0x285, v0;
	v1 =	vsel vm9, $0x205, v1;
	v18 =	vsel vm14, $0x1180, v18  }
0x1d: {  	v0 =	vsel vm8, $0x306, v0;
	v45 =	vsel vm8, $0x386, v1;
	v1 =	vsel vm14, $0x100, v46  }
0x1e: {  	v2 =	vunpack.c.0.s8.s32 v2;
	v59 =	vunpack.c.0.s8.s32 v3;
	v3 =	vunpack.c.l.s4.s8 v63  }
0x1f: {  	[tilespmem:$0x1F470] =	vst v53;
	v53 =	vimm.s32 $0x1E1F1C1D;
	v0 =	vsel vm7, $0x387, v0;
	v1 =	vsel vm13, $0x181, v1  }
0x20: {  	v18 =	vsel vm13, $0x1101, v18;
	v0 =	vsel vm5, $0x400, v0;
	v1 =	vsel vm12, $0x2, v1  }
0x21: {  	[tilespmem:$0x1F460] =	vst v2;
	v2 =	vunpack.c.l.s4.s8 v57;
	v5 =	vunpack.c.0.s8.s32 v3;
	v3 =	vunpack.c.l.s4.s8 v10  }
0x22: {  	v57 =	vimm.s32 $0xD07;
	v10 =	vimm.s32 $0xA07;
	v0 =	vsel vm6, $0x481, v0  }
0x23: {  	v1 =	vsel vm11, $0x83, v1;
	v4 =	vsel vm14, $0xA80, v57;
	v10 =	vsel vm14, $0xD80, v10  }
0x24: {  	v57 =	vimm.s32 $0x19181B1A;
	v0 =	vsel vm2, $0x502, v0;
	v1 =	vsel vm10, $0x304, v1  }
0x25: {  	v2 =	vunpack.c.0.s8.s32 v2;
	v11 =	vunpack.c.0.s8.s32 v3;
	v3 =	vsel vm14, $0x380, v13  }
0x26: {  	[tilespmem:$0x1F4D0] =	vst v5;
	v5 =	vimm.s32 $0xC87;
	v13 =	vimm.s32 $0x887;
	v4 =	vsel vm13, $0xA01, v4  }
0x27: {  	v10 =	vsel vm13, $0xD01, v10;
	v0 =	vsel vm3, $0x583, v0;
	v1 =	vsel vm9, $0x385, v1  }
0x28: {  	v15 =	vsel vm13, $0x301, v3;
	v3 =	vunpack.c.l.s4.s8 v17;
	v5 =	vsel vm14, $0xB00, v5  }
0x29: {  	v13 =	vsel vm14, $0xF00, v13;
	v17 =	vimm.s32 $0x1687;
	v0 =	vsel vm4, $0x604, v0;
	[tilespmem:$0x1F490] =	vst v2  }
0x2a: {  	v1 =	vsel vm8, $0x206, v1;
	v2 =	vunpack.c.l.s4.s8 v62;
	[tilespmem:$0x1F500] =	vst v11;
	v11 =	vimm.s32 $0x987  }
0x2b: {  	v17 =	vsel vm14, $0x1100, v17;
	v5 =	vsel vm13, $0xB81, v5;
	v13 =	vsel vm13, $0xF81, v13  }
0x2c: {  	v0 =	vsel vm1, $0x685, v0;
	v49 =	vsel vm7, $0x287, v1;
	v1 =	vsel vm13, $0x101, v50  }
0x2d: {  	v3 =	vunpack.c.0.s8.s32 v3;
	v11 =	vsel vm14, $0xE00, v11;
	v17 =	vsel vm13, $0x1181, v17  }
0x2e: {  	v0 =	vsel vm0, $0x706, v0;
	v1 =	vsel vm12, $0x82, v1;
	v2 =	vunpack.c.0.s8.s32 v2  }
0x2f: {  	v11 =	vsel vm13, $0xE81, v11;
	[tilespmem:$0x1F420] =	vst v0;
	v0 =	vsel vm7, $0x307, v45;
	v1 =	vsel vm11, $0x3, v1  }
0x30: {  	v0 =	vsel vm5, $0x480, v0;
	v1 =	vsel vm10, $0x384, v1;
	[tilespmem:$0x1F4C0] =	vst v2;
	v2 =	vunpack.c.l.s4.s8 v9  }
0x31: {  	v9 =	vimm.s32 $0xA87;
	v0 =	vsel vm6, $0x401, v0;
	v1 =	vsel vm9, $0x305, v1  }
0x32: {  	v9 =	vsel vm14, $0xD00, v9;
	v0 =	vsel vm2, $0x582, v0;
	v1 =	vsel vm8, $0x286, v1  }
0x33: {  	v2 =	vunpack.c.0.s8.s32 v2;
	v9 =	vsel vm13, $0xD81, v9;
	v0 =	vsel vm3, $0x503, v0  }
0x34: {  	v55 =	vsel vm7, $0x207, v1;
	v1 =	vsel vm14, $0x200, v56;
	v56 =	vimm.s32 $0xD87  }
0x35: {  	v0 =	vsel vm4, $0x684, v0;
	v1 =	vsel vm13, $0x281, v1;
	[tilespmem:$0x1F4F0] =	vst v2;
	v2 =	vunpack.c.l.s4.s8 v12  }
0x36: {  	v12 =	vimm.s32 $0x907;
	v0 =	vsel vm1, $0x605, v0;
	v1 =	vsel vm12, $0x302, v1  }
0x37: {  	v12 =	vsel vm14, $0xE80, v12;
	v0 =	vsel vm0, $0x786, v0;
	v1 =	vsel vm11, $0x383, v1  }
0x38: {  	v2 =	vunpack.c.0.s8.s32 v2;
	[tilespmem:$0x1F450] =	vst v0;
	v0 =	vsel vm5, $0x500, v49;
	v1 =	vsel vm10, $0x4, v1  }
0x39: {  	v12 =	vsel vm13, $0xE01, v12;
	v0 =	vsel vm6, $0x581, v0;
	v1 =	vsel vm9, $0x85, v1  }
0x3a: {  	[tilespmem:$0x1F520] =	vst v2;
	v2 =	vunpack.c.l.s4.s8 v16;
	v16 =	vimm.s32 $0x1707;
	v0 =	vsel vm2, $0x402, v0  }
0x3b: {  	v60 =	vsel vm8, $0x106, v1;
	v1 =	vsel vm14, $0x280, v61;
	v16 =	vsel vm14, $0x1080, v16  }
0x3c: {  	v0 =	vsel vm3, $0x483, v0;
	v1 =	vsel vm13, $0x201, v1;
	v2 =	vunpack.c.0.s8.s32 v2  }
0x3d: {  	v16 =	vsel vm13, $0x1001, v16;
	v0 =	vsel vm4, $0x704, v0;
	v1 =	vsel vm12, $0x382, v1  }
0x3e: {  	v0 =	vsel vm1, $0x785, v0;
	v1 =	vsel vm11, $0x303, v1;
	v2 =	vcombine.low v3, v2  }
0x3f: {  	v3 =	vsel vm14, $0x400, v23;
	v23 =	vimm.s32 $0x1387;
	v0 =	vsel vm0, $0x606, v0  }
0x40: {  	v1 =	vsel vm10, $0x84, v1;
	v3 =	vsel vm13, $0x481, v3;
	v23 =	vsel vm14, $0x1400, v23  }
0x41: {  	[tilespmem:$0x1F480] =	vst v0;
	v0 =	vsel vm5, $0x580, v55;
	v1 =	vsel vm9, $0x5, v1;
	v20 =	vand.u32 $0xF, v2  }
0x42: {  	v2 =	vunpack.c.l.s4.s8 v22;
	v3 =	vsel vm12, $0x502, v3;
	v55 =	vimm.s32 $0xE07  }
0x43: {  	v22 =	vimm.s32 $0x1407;
	v23 =	vsel vm13, $0x1481, v23;
	v0 =	vsel vm6, $0x501, v0  }
0x44: {  	v1 =	vsel vm8, $0x186, v1;
	v25 =	vsel vm11, $0x583, v3;
	v3 =	vsel vm14, $0xA00, v56  }
0x45: {  	[tilespmem:$0x1F550] =	vst v20;
	v20 =	vimm.s32 $0x1507;
	v22 =	vsel vm14, $0x1380, v22;
	v0 =	vsel vm2, $0x482, v0  }
0x46: {  	v7 =	vsel vm7, $0x107, v1;
	v1 =	vsel vm13, $0x381, v8;
	v2 =	vunpack.c.0.s8.s32 v2  }
0x47: {  	v26 =	vsel vm10, $0x604, v25;
	v8 =	vimm.s32 $0xB07;
	v0 =	vsel vm3, $0x403, v0  }
0x48: {  	v20 =	vsel vm14, $0x1280, v20;
	v1 =	vsel vm12, $0x202, v1;
	v0 =	vsel vm4, $0x784, v0  }
0x49: {  	v25 =	vimm.s32 $0x1287;
	v1 =	vsel vm11, $0x283, v1;
	v0 =	vsel vm1, $0x705, v0  }
0x4a: {  	v3 =	vsel vm13, $0xA81, v3;
	v1 =	vsel vm10, $0x104, v1;
	v0 =	vsel vm0, $0x686, v0  }
0x4b: {  	v22 =	vsel vm13, $0x1301, v22;
	v1 =	vsel vm9, $0x185, v1;
	[tilespmem:$0x1F4B0] =	vst v0;
	v0 =	vsel vm7, $0x187, v60  }
0x4c: {  	v8 =	vsel vm14, $0xC80, v8;
	v1 =	vsel vm8, $0x6, v1;
	v0 =	vsel vm5, $0x600, v0  }
0x4d: {  	v25 =	vsel vm14, $0x1500, v25;
	v1 =	vsel vm7, $0x87, v1;
	v0 =	vsel vm6, $0x681, v0  }
0x4e: {  	v20 =	vsel vm13, $0x1201, v20;
	v1 =	vsel vm5, $0x700, v1;
	v0 =	vsel vm2, $0x702, v0  }
0x4f: {  	v14 =	vsel vm6, $0x781, v1;
	v1 =	vsel vm12, $0x282, v15;
	v0 =	vsel vm3, $0x783, v0  }
0x50: {  	v8 =	vsel vm13, $0xC01, v8;
	v1 =	vsel vm11, $0x203, v1;
	v0 =	vsel vm4, $0x404, v0  }
0x51: {  	v25 =	vsel vm13, $0x1581, v25;
	v1 =	vsel vm10, $0x184, v1;
	v0 =	vsel vm1, $0x485, v0  }
0x52: {  	v15 =	vimm.s32 $0x1787;
	v1 =	vsel vm9, $0x105, v1;
	v0 =	vsel vm0, $0x506, v0  }
0x53: {  	v15 =	vsel vm14, $0x1000, v15;
	v1 =	vsel vm8, $0x86, v1;
	[tilespmem:$0x1F4E0] =	vst v0;
	v0 =	vsel vm5, $0x680, v7  }
0x54: {  	v15 =	vsel vm13, $0x1081, v15;
	v1 =	vsel vm7, $0x7, v1;
	v0 =	vsel vm6, $0x601, v0  }
0x55: {  	v7 =	vimm.s32 $0xB87;
	v1 =	vsel vm5, $0x780, v1;
	v0 =	vsel vm2, $0x782, v0  }
0x56: {  	v19 =	vsel vm6, $0x701, v1;
	v1 =	vunpack.c.l.s4.s8 v21;
	v0 =	vsel vm3, $0x703, v0  }
0x57: {  	v7 =	vsel vm14, $0xC00, v7;
	v21 =	vimm.s32 $0x1487;
	v0 =	vsel vm4, $0x484, v0  }
0x58: {  	v21 =	vsel vm14, $0x1300, v21;
	v1 =	vunpack.c.0.s8.s32 v1;
	v0 =	vsel vm1, $0x405, v0  }
0x59: {  	v7 =	vsel vm13, $0xC81, v7;
	v21 =	vsel vm13, $0x1381, v21;
	v0 =	vsel vm0, $0x586, v0  }
0x5a: {  	v24 =	vand.u32 $0xF, v1;
	v1 =	vsel vm14, $0x480, v27;
	[tilespmem:$0x1F510] =	vst v0;
	v0 =	vsel vm2, $0x602, v14  }
0x5b: {  	v27 =	vimm.s32 $0x1187;
	v1 =	vsel vm13, $0x401, v1;
	v0 =	vsel vm3, $0x683, v0  }
0x5c: {  	v14 =	vimm.s32 $0x807;
	v1 =	vsel vm12, $0x582, v1;
	v0 =	vsel vm4, $0x504, v0  }
0x5d: {  	v27 =	vsel vm14, $0x1600, v27;
	v1 =	vsel vm11, $0x503, v1;
	v0 =	vsel vm1, $0x585, v0  }
0x5e: {  	v14 =	vsel vm14, $0xF80, v14;
	v1 =	vsel vm10, $0x684, v1;
	v0 =	vsel vm0, $0x406, v0  }
0x5f: {  	v27 =	vsel vm13, $0x1681, v27;
	v1 =	vsel vm9, $0x605, v1;
	[tilespmem:$0x1F540] =	vst v0;
	v0 =	vsel vm2, $0x682, v19  }
0x60: {  	v14 =	vsel vm13, $0xF01, v14;
	v1 =	vsel vm8, $0x786, v1;
	v0 =	vsel vm3, $0x603, v0  }
0x61: {  	v19 =	vimm.s32 $0x1587;
	v1 =	vsel vm7, $0x707, v1;
	v0 =	vsel vm4, $0x584, v0  }
0x62: {  	v19 =	vsel vm14, $0x1200, v19;
	v1 =	vsel vm5, $0x80, v1;
	v0 =	vsel vm1, $0x505, v0  }
0x63: {  	v19 =	vsel vm13, $0x1281, v19;
	v29 =	vsel vm6, $0x1, v1;
	v0 =	vsel vm0, $0x486, v0  }
0x64: {  	[tilespmem:$0x1F560] =	vst v0;
	v0 =	vcombine.low v24, v2;
	v2 =	vsel vm14, $0x500, v28;
	v24 =	vimm.s32 $0x1307  }
0x65: {  	v28 =	vimm.s32 $0x1107;
	v2 =	vsel vm13, $0x581, v2;
	v24 =	vsel vm14, $0x1480, v24  }
0x66: {  	v28 =	vsel vm14, $0x1680, v28;
	[tilespmem:$0x1F570] =	vst v0;
	v0 =	vsel vm9, $0x685, v26;
	v2 =	vsel vm12, $0x402, v2  }
0x67: {  	v26 =	vimm.s32 $0x1207;
	v0 =	vsel vm8, $0x706, v0;
	v2 =	vsel vm11, $0x483, v2  }
0x68: {  	v24 =	vsel vm13, $0x1401, v24;
	v0 =	vsel vm7, $0x787, v0;
	v2 =	vsel vm10, $0x704, v2  }
0x69: {  	v28 =	vsel vm13, $0x1601, v28;
	v0 =	vsel vm5, $0x0, v0;
	v2 =	vsel vm9, $0x785, v2  }
0x6a: {  	v26 =	vsel vm14, $0x1580, v26;
	v0 =	vsel vm6, $0x81, v0;
	v2 =	vsel vm8, $0x606, v2  }
0x6b: {  	v26 =	vsel vm13, $0x1501, v26;
	v0 =	vsel vm2, $0x102, v0;
	v2 =	vsel vm7, $0x687, v2  }
0x6c: {  	v0 =	vsel vm3, $0x183, v0;
	v30 =	vsel vm5, $0x100, v2;
	v2 =	vsel vm14, $0x580, v31  }
0x6d: {  	v31 =	vimm.s32 $0x1F87;
	v0 =	vsel vm4, $0x204, v0;
	v1 =	vsel vm6, $0x181, v30  }
0x6e: {  	v2 =	vsel vm13, $0x501, v2;
	v30 =	vimm.s32 $0x1007;
	v31 =	vsel vm14, $0x1800, v31  }
0x6f: {  	v0 =	vsel vm1, $0x285, v0;
	v1 =	vsel vm2, $0x2, v1;
	v2 =	vsel vm12, $0x482, v2  }
0x70: {  	v30 =	vsel vm14, $0x1780, v30;
	v31 =	vsel vm13, $0x1881, v31;
	v0 =	vsel vm0, $0x306, v0  }
0x71: {  	v1 =	vsel vm3, $0x83, v1;
	v33 =	vsel vm11, $0x403, v2;
	v2 =	vsel vm14, $0x680, v36  }
0x72: {  	v36 =	vimm.s32 $0x1D07;
	v30 =	vsel vm13, $0x1701, v30;
	[tilespmem:$0x1F580] =	vst v0;
	v0 =	vsel vm2, $0x182, v29  }
0x73: {  	v1 =	vsel vm4, $0x304, v1;
	v34 =	vsel vm10, $0x784, v33;
	v2 =	vsel vm13, $0x601, v2  }
0x74: {  	v29 =	vimm.s32 $0x1087;
	v33 =	vimm.s32 $0x1E87;
	v36 =	vsel vm14, $0x1A80, v36  }
0x75: {  	v0 =	vsel vm3, $0x103, v0;
	v32 =	vsel vm1, $0x385, v1;
	v1 =	vsel vm14, $0x600, v35  }
0x76: {  	v2 =	vsel vm12, $0x782, v2;
	v29 =	vsel vm14, $0x1700, v29;
	v33 =	vsel vm14, $0x1900, v33  }
0x77: {  	v35 =	vimm.s32 $0x1D87;
	v36 =	vsel vm13, $0x1A01, v36;
	v0 =	vsel vm4, $0x284, v0  }
0x78: {  	v1 =	vsel vm13, $0x681, v1;
	v2 =	vsel vm11, $0x703, v2;
	v35 =	vsel vm14, $0x1A00, v35  }
0x79: {  	[tilespmem:$0x1F4A0] =	vst v59;
	v29 =	vsel vm13, $0x1781, v29;
	v33 =	vsel vm13, $0x1981, v33;
	v59 =	vsel vm12, $0x1B82, v36  }
0x7a: {  	v0 =	vsel vm1, $0x205, v0;
	v1 =	vsel vm12, $0x702, v1;
	v2 =	vsel vm10, $0x484, v2  }
0x7b: {  	v35 =	vsel vm13, $0x1A81, v35;
	v0 =	vsel vm0, $0x386, v0;
	v1 =	vsel vm11, $0x783, v1  }
0x7c: {  	v2 =	vsel vm9, $0x405, v2;
	[tilespmem:$0x1F590] =	vst v0;
	v0 =	vsel vm0, $0x206, v32;
	v1 =	vsel vm10, $0x404, v1  }
0x7d: {  	v2 =	vsel vm8, $0x586, v2;
	v32 =	vimm.s32 $0x1F07;
	[tilespmem:$0x1F5A0] =	vst v0;
	v0 =	vsel vm9, $0x705, v34  }
0x7e: {  	v1 =	vsel vm9, $0x485, v1;
	v2 =	vsel vm7, $0x507, v2;
	v32 =	vsel vm14, $0x1880, v32  }
0x7f: {  	v34 =	vimm.s32 $0x1E07;
	v0 =	vsel vm8, $0x686, v0;
	v1 =	vsel vm8, $0x506, v1  }
0x80: {  	v38 =	vsel vm5, $0x280, v2;
	v2 =	vsel vm14, $0x700, v39;
	v34 =	vsel vm14, $0x1980, v34  }
0x81: {  	v39 =	vimm.s32 $0x1B87;
	v32 =	vsel vm13, $0x1801, v32;
	v0 =	vsel vm7, $0x607, v0  }
0x82: {  	v1 =	vsel vm7, $0x587, v1;
	v2 =	vsel vm13, $0x781, v2;
	v39 =	vsel vm14, $0x1C00, v39  }
0x83: {  	v34 =	vsel vm13, $0x1901, v34;
	v0 =	vsel vm5, $0x180, v0;
	v1 =	vsel vm5, $0x200, v1  }
0x84: {  	v2 =	vsel vm12, $0x602, v2;
	v39 =	vsel vm13, $0x1C81, v39;
	v0 =	vsel vm6, $0x101, v0  }
0x85: {  	v37 =	vsel vm6, $0x281, v1;
	v1 =	vsel vm6, $0x201, v38;
	v41 =	vsel vm11, $0x683, v2  }
0x86: {  	v2 =	vsel vm14, $0x800, v44;
	v38 =	vimm.s32 $0x1C07;
	v44 =	vimm.s32 $0x1907  }
0x87: {  	v63 =	vsel vm12, $0x1D02, v39;
	v0 =	vsel vm2, $0x82, v0;
	v1 =	vsel vm2, $0x382, v1  }
0x88: {  	v42 =	vsel vm10, $0x504, v41;
	v2 =	vsel vm13, $0x881, v2;
	v38 =	vsel vm14, $0x1B80, v38  }
0x89: {  	v41 =	vimm.s32 $0x1A87;
	v44 =	vsel vm14, $0x1E80, v44;
	v0 =	vsel vm3, $0x3, v0  }
0x8a: {  	v1 =	vsel vm3, $0x303, v1;
	v2 =	vsel vm12, $0x902, v2;
	v41 =	vsel vm14, $0x1D00, v41  }
0x8b: {  	v38 =	vsel vm13, $0x1B01, v38;
	v44 =	vsel vm13, $0x1E01, v44;
	v0 =	vsel vm4, $0x384, v0  }
0x8c: {  	v1 =	vsel vm4, $0x84, v1;
	v2 =	vsel vm11, $0x983, v2;
	v41 =	vsel vm13, $0x1D81, v41  }
0x8d: {  	v62 =	vsel vm12, $0x1A82, v38;
	v38 =	vsel vm11, $0x1D83, v63;
	v63 =	vimm.s32 $0x18191A1B  }
0x8e: {  	v0 =	vsel vm1, $0x305, v0;
	v40 =	vsel vm1, $0x5, v1;
	v1 =	vsel vm14, $0x780, v43  }
0x8f: {  	v2 =	vsel vm10, $0xA04, v2;
	v43 =	vimm.s32 $0x1987;
	v38 =	vsel vm10, $0x1E04, v38  }
0x90: {  	v0 =	vsel vm0, $0x286, v0;
	v1 =	vsel vm13, $0x701, v1;
	v2 =	vsel vm9, $0xA85, v2  }
0x91: {  	v43 =	vsel vm14, $0x1E00, v43;
	v38 =	vsel vm9, $0x1E85, v38;
	[tilespmem:$0x1F5B0] =	vst v0;
	v0 =	vsel vm2, $0x302, v37  }
0x92: {  	v1 =	vsel vm12, $0x682, v1;
	v2 =	vsel vm8, $0xB06, v2;
	v37 =	vimm.s32 $0x1C87  }
0x93: {  	v43 =	vsel vm13, $0x1E81, v43;
	v38 =	vsel vm8, $0x1F06, v38;
	v0 =	vsel vm3, $0x383, v0  }
0x94: {  	v1 =	vsel vm11, $0x603, v1;
	v2 =	vsel vm7, $0xB87, v2;
	v37 =	vsel vm14, $0x1B00, v37  }
0x95: {  	v0 =	vsel vm4, $0x4, v0;
	v1 =	vsel vm10, $0x584, v1;
	v46 =	vsel vm5, $0xC00, v2  }
0x96: {  	v2 =	vsel vm14, $0x880, v47;
	v47 =	vimm.s32 $0x12131011;
	v37 =	vsel vm13, $0x1B81, v37  }
0x97: {  	v0 =	vsel vm1, $0x85, v0;
	v1 =	vsel vm9, $0x505, v1;
	v2 =	vsel vm13, $0x801, v2  }
0x98: {  	v60 =	vsel vm12, $0x1A02, v37;
	v37 =	vsel vm11, $0x1A03, v62;
	v62 =	vimm.s32 $0x15141716  }
0x99: {  	v0 =	vsel vm0, $0x106, v0;
	v1 =	vsel vm8, $0x486, v1;
	v2 =	vsel vm12, $0x982, v2  }
0x9a: {  	v36 =	vsel vm11, $0x1A83, v60;
	v37 =	vsel vm10, $0x1984, v37;
	v60 =	vimm.s32 $0x11101312  }
0x9b: {  	[tilespmem:$0x1F5C0] =	vst v0;
	v0 =	vsel vm0, $0x186, v40;
	v1 =	vsel vm7, $0x407, v1;
	v49 =	vsel vm11, $0x903, v2  }
0x9c: {  	v2 =	vunpack.c.0.s8.s32 v52;
	v40 =	vimm.s32 $0x1B07;
	v52 =	vsel vm12, $0x1F82, v44  }
0x9d: {  	v36 =	vsel vm10, $0x1904, v36;
	v37 =	vsel vm9, $0x1905, v37;
	[tilespmem:$0x1F5D0] =	vst v0;
	v0 =	vsel vm9, $0x585, v42  }
0x9e: {  	v1 =	vsel vm5, $0x380, v1;
	v50 =	vsel vm10, $0xA84, v49;
	v40 =	vsel vm14, $0x1C80, v40  }
0x9f: {  	v42 =	vimm.s32 $0x1A07;
	v49 =	vsel vm12, $0x1C02, v41;
	v36 =	vsel vm9, $0x1985, v36  }
0xa0: {  	v37 =	vsel vm8, $0x1886, v37;
	v0 =	vsel vm8, $0x406, v0;
	v45 =	vsel vm6, $0x301, v1  }
0xa1: {  	v1 =	vsel vm6, $0xC81, v46;
	[tilespmem:$0x1F610] =	vst v2;
	v2 =	vunpack.c.0.s8.s32 v53;
	v42 =	vsel vm14, $0x1D80, v42  }
0xa2: {  	v46 =	vimm.s32 $0x1807;
	v40 =	vsel vm13, $0x1C01, v40;
	v36 =	vsel vm8, $0x1806, v36  }
0xa3: {  	v0 =	vsel vm7, $0x487, v0;
	v1 =	vsel vm2, $0xD02, v1;
	v46 =	vsel vm14, $0x1F80, v46  }
0xa4: {  	v42 =	vsel vm13, $0x1D01, v42;
	v0 =	vsel vm5, $0x300, v0;
	v1 =	vsel vm3, $0xD83, v1  }
0xa5: {  	[tilespmem:$0x1F620] =	vst v2;
	v2 =	vsel vm14, $0x980, v55;
	v55 =	vunpack.c.0.s8.s32 v47;
	v46 =	vsel vm13, $0x1F01, v46  }
0xa6: {  	v47 =	vunpack.c.0.s8.s32 v63;
	v0 =	vsel vm6, $0x381, v0;
	v1 =	vsel vm4, $0xE04, v1  }
0xa7: {  	v2 =	vsel vm13, $0x901, v2;
	v56 =	vsel vm12, $0x1E82, v46;
	v46 =	vunpack.c.0.s8.s32 v57  }
0xa8: {  	v0 =	vsel vm2, $0x202, v0;
	v48 =	vsel vm1, $0xE85, v1;
	v1 =	vsel vm14, $0x900, v51  }
0xa9: {  	v2 =	vsel vm12, $0x882, v2;
	v51 =	vsel vm12, $0x1F02, v43;
	v0 =	vsel vm3, $0x283, v0  }
0xaa: {  	v43 =	vsel vm11, $0x1F03, v52;
	v1 =	vsel vm13, $0x981, v1;
	v0 =	vsel vm4, $0x104, v0  }
0xab: {  	v43 =	vsel vm10, $0x1C84, v43;
	v1 =	vsel vm12, $0x802, v1;
	v0 =	vsel vm1, $0x185, v0  }
0xac: {  	v43 =	vsel vm9, $0x1C05, v43;
	v1 =	vsel vm11, $0x883, v1;
	v0 =	vsel vm0, $0x6, v0  }
0xad: {  	v43 =	vsel vm8, $0x1D86, v43;
	v1 =	vsel vm10, $0xB04, v1;
	[tilespmem:$0x1F5E0] =	vst v0;
	v0 =	vsel vm2, $0x282, v45  }
0xae: {  	v45 =	vimm.s32 $0x1887;
	v1 =	vsel vm9, $0xB85, v1;
	v0 =	vsel vm3, $0x203, v0  }
0xaf: {  	v45 =	vsel vm14, $0x1F00, v45;
	v1 =	vsel vm8, $0xA06, v1;
	v0 =	vsel vm4, $0x184, v0  }
0xb0: {  	v45 =	vsel vm13, $0x1F81, v45;
	v1 =	vsel vm7, $0xA87, v1;
	v0 =	vsel vm1, $0x105, v0  }
0xb1: {  	v1 =	vsel vm5, $0xD00, v1;
	v53 =	vsel vm12, $0x1E02, v45;
	v45 =	vsel vm11, $0x1E03, v56  }
0xb2: {  	v0 =	vsel vm0, $0x86, v0;
	v44 =	vsel vm11, $0x1E83, v53;
	v45 =	vsel vm10, $0x1D84, v45  }
0xb3: {  	[tilespmem:$0x1F5F0] =	vst v0;
	v0 =	vsel vm0, $0xF06, v48;
	v48 =	vsel vm12, $0x1D82, v40;
	v40 =	vsel vm11, $0x1C83, v49  }
0xb4: {  	v44 =	vsel vm10, $0x1D04, v44;
	v45 =	vsel vm9, $0x1D05, v45;
	[tilespmem:$0x1F600] =	vst v0;
	v0 =	vsel vm9, $0xA05, v50  }
0xb5: {  	v50 =	vsel vm12, $0x1C82, v42;
	v39 =	vsel vm11, $0x1D03, v48;
	v42 =	vsel vm11, $0x1F83, v51  }
0xb6: {  	v40 =	vsel vm10, $0x1F04, v40;
	v44 =	vsel vm9, $0x1D85, v44;
	v0 =	vsel vm8, $0xB86, v0  }
0xb7: {  	v45 =	vsel vm8, $0x1C86, v45;
	v41 =	vsel vm11, $0x1C03, v50;
	v0 =	vsel vm7, $0xB07, v0  }
0xb8: {  	v39 =	vsel vm10, $0x1E84, v39;
	v42 =	vsel vm10, $0x1C04, v42;
	v0 =	vsel vm5, $0xC80, v0  }
0xb9: {  	v40 =	vsel vm9, $0x1F85, v40;
	v44 =	vsel vm8, $0x1C06, v44;
	v0 =	vsel vm6, $0xC01, v0  }
0xba: {  	v50 =	vimm.s32 $0x1C1D1E1F;
	v41 =	vsel vm10, $0x1F84, v41;
	v0 =	vsel vm2, $0xD82, v0  }
0xbb: {  	v39 =	vsel vm9, $0x1E05, v39;
	v42 =	vsel vm9, $0x1C85, v42;
	v0 =	vsel vm3, $0xD03, v0  }
0xbc: {  	v40 =	vsel vm8, $0x1E06, v40;
	v41 =	vsel vm9, $0x1F05, v41;
	v0 =	vsel vm4, $0xE84, v0  }
0xbd: {  	v39 =	vsel vm8, $0x1F86, v39;
	v42 =	vsel vm8, $0x1D06, v42;
	v0 =	vsel vm1, $0xE05, v0  }
0xbe: {  	v41 =	vsel vm8, $0x1E86, v41;
	v61 =	vsel vm0, $0xF86, v0;
	v0 =	vsel vm6, $0xD81, v1  }
0xbf: {  	v1 =	vsel vm11, $0x803, v2;
	v2 =	vsel vm12, $0xB02, v3;
	v3 =	vsel vm12, $0xB82, v4  }
0xc0: {  	v4 =	vsel vm12, $0xA02, v5;
	v5 =	vsel vm12, $0xA82, v6;
	v6 =	vsel vm12, $0xD02, v7  }
0xc1: {  	v7 =	vsel vm12, $0xD82, v8;
	v8 =	vsel vm12, $0xC02, v9;
	v9 =	vsel vm12, $0xC82, v10  }
0xc2: {  	v10 =	vsel vm12, $0xF02, v11;
	v11 =	vsel vm12, $0xF82, v12;
	v12 =	vsel vm12, $0xE02, v13  }
0xc3: {  	v13 =	vsel vm12, $0xE82, v14;
	v14 =	vsel vm12, $0x1102, v15;
	v15 =	vsel vm12, $0x1182, v16  }
0xc4: {  	v16 =	vsel vm12, $0x1002, v17;
	v17 =	vsel vm12, $0x1082, v18;
	v18 =	vsel vm12, $0x1302, v19  }
0xc5: {  	v19 =	vsel vm12, $0x1382, v20;
	v20 =	vsel vm12, $0x1202, v21;
	v21 =	vsel vm12, $0x1282, v22  }
0xc6: {  	v22 =	vsel vm12, $0x1502, v23;
	v23 =	vsel vm12, $0x1582, v24;
	v24 =	vsel vm12, $0x1402, v25  }
0xc7: {  	v25 =	vsel vm12, $0x1482, v26;
	v26 =	vsel vm12, $0x1702, v27;
	v27 =	vsel vm12, $0x1782, v28  }
0xc8: {  	v28 =	vsel vm12, $0x1602, v29;
	v29 =	vsel vm12, $0x1682, v30;
	v30 =	vsel vm12, $0x1902, v31  }
0xc9: {  	v31 =	vsel vm12, $0x1982, v32;
	v32 =	vsel vm12, $0x1802, v33;
	v33 =	vsel vm12, $0x1882, v34  }
0xca: {  	v34 =	vsel vm12, $0x1B02, v35;
	v35 =	vsel vm11, $0x1B03, v59;
	v59 =	vimm.s32 $0x1D1C1F1E  }
0xcb: {  	v0 =	vsel vm2, $0xC02, v0;
	v1 =	vsel vm10, $0xB84, v1;
	v2 =	vsel vm11, $0xB83, v2  }
0xcc: {  	v3 =	vsel vm11, $0xB03, v3;
	v4 =	vsel vm11, $0xA83, v4;
	v5 =	vsel vm11, $0xA03, v5  }
0xcd: {  	v6 =	vsel vm11, $0xD83, v6;
	v7 =	vsel vm11, $0xD03, v7;
	v8 =	vsel vm11, $0xC83, v8  }
0xce: {  	v9 =	vsel vm11, $0xC03, v9;
	v10 =	vsel vm11, $0xF83, v10;
	v11 =	vsel vm11, $0xF03, v11  }
0xcf: {  	v12 =	vsel vm11, $0xE83, v12;
	v13 =	vsel vm11, $0xE03, v13;
	v14 =	vsel vm11, $0x1183, v14  }
0xd0: {  	v15 =	vsel vm11, $0x1103, v15;
	v16 =	vsel vm11, $0x1083, v16;
	v17 =	vsel vm11, $0x1003, v17  }
0xd1: {  	v18 =	vsel vm11, $0x1383, v18;
	v19 =	vsel vm11, $0x1303, v19;
	v20 =	vsel vm11, $0x1283, v20  }
0xd2: {  	v21 =	vsel vm11, $0x1203, v21;
	v22 =	vsel vm11, $0x1583, v22;
	v23 =	vsel vm11, $0x1503, v23  }
0xd3: {  	v24 =	vsel vm11, $0x1483, v24;
	v25 =	vsel vm11, $0x1403, v25;
	v26 =	vsel vm11, $0x1783, v26  }
0xd4: {  	v27 =	vsel vm11, $0x1703, v27;
	v28 =	vsel vm11, $0x1683, v28;
	v29 =	vsel vm11, $0x1603, v29  }
0xd5: {  	v30 =	vsel vm11, $0x1983, v30;
	v31 =	vsel vm11, $0x1903, v31;
	v32 =	vsel vm11, $0x1883, v32  }
0xd6: {  	[tilespmem:$0x1F630] =	vst v46;
	v33 =	vsel vm11, $0x1803, v33;
	v34 =	vsel vm11, $0x1B83, v34;
	v46 =	vunpack.c.0.s8.s32 v59  }
0xd7: {  	v35 =	vsel vm10, $0x1884, v35;
	v0 =	vsel vm3, $0xC83, v0;
	v1 =	vsel vm9, $0xB05, v1  }
0xd8: {  	v2 =	vsel vm10, $0x804, v2;
	v3 =	vsel vm10, $0x884, v3;
	v4 =	vsel vm10, $0x904, v4  }
0xd9: {  	v5 =	vsel vm10, $0x984, v5;
	v6 =	vsel vm10, $0xE04, v6;
	v7 =	vsel vm10, $0xE84, v7  }
0xda: {  	v8 =	vsel vm10, $0xF04, v8;
	v9 =	vsel vm10, $0xF84, v9;
	v10 =	vsel vm10, $0xC04, v10  }
0xdb: {  	v11 =	vsel vm10, $0xC84, v11;
	v12 =	vsel vm10, $0xD04, v12;
	v13 =	vsel vm10, $0xD84, v13  }
0xdc: {  	v14 =	vsel vm10, $0x1204, v14;
	v15 =	vsel vm10, $0x1284, v15;
	v16 =	vsel vm10, $0x1304, v16  }
0xdd: {  	v17 =	vsel vm10, $0x1384, v17;
	v18 =	vsel vm10, $0x1004, v18;
	v19 =	vsel vm10, $0x1084, v19  }
0xde: {  	v20 =	vsel vm10, $0x1104, v20;
	v21 =	vsel vm10, $0x1184, v21;
	v22 =	vsel vm10, $0x1604, v22  }
0xdf: {  	v23 =	vsel vm10, $0x1684, v23;
	v24 =	vsel vm10, $0x1704, v24;
	v25 =	vsel vm10, $0x1784, v25  }
0xe0: {  	v26 =	vsel vm10, $0x1404, v26;
	v27 =	vsel vm10, $0x1484, v27;
	v28 =	vsel vm10, $0x1504, v28  }
0xe1: {  	v29 =	vsel vm10, $0x1584, v29;
	v30 =	vsel vm10, $0x1A04, v30;
	v31 =	vsel vm10, $0x1A84, v31  }
0xe2: {  	v32 =	vsel vm10, $0x1B04, v32;
	v33 =	vsel vm10, $0x1B84, v33;
	v34 =	vsel vm10, $0x1804, v34  }
0xe3: {  	v35 =	vsel vm9, $0x1805, v35;
	[tilespmem:$0x1F640] =	vst v46;
	v46 =	vunpack.c.0.s8.s32 v60;
	v0 =	vsel vm4, $0xF04, v0  }
0xe4: {  	v1 =	vsel vm8, $0xA86, v1;
	v2 =	vsel vm9, $0x885, v2;
	v3 =	vsel vm9, $0x805, v3  }
0xe5: {  	v4 =	vsel vm9, $0x985, v4;
	v5 =	vsel vm9, $0x905, v5;
	v6 =	vsel vm9, $0xE85, v6  }
0xe6: {  	v7 =	vsel vm9, $0xE05, v7;
	v8 =	vsel vm9, $0xF85, v8;
	v9 =	vsel vm9, $0xF05, v9  }
0xe7: {  	v10 =	vsel vm9, $0xC85, v10;
	v11 =	vsel vm9, $0xC05, v11;
	v12 =	vsel vm9, $0xD85, v12  }
0xe8: {  	v13 =	vsel vm9, $0xD05, v13;
	v14 =	vsel vm9, $0x1285, v14;
	v15 =	vsel vm9, $0x1205, v15  }
0xe9: {  	v16 =	vsel vm9, $0x1385, v16;
	v17 =	vsel vm9, $0x1305, v17;
	v18 =	vsel vm9, $0x1085, v18  }
0xea: {  	v19 =	vsel vm9, $0x1005, v19;
	v20 =	vsel vm9, $0x1185, v20;
	v21 =	vsel vm9, $0x1105, v21  }
0xeb: {  	v22 =	vsel vm9, $0x1685, v22;
	v23 =	vsel vm9, $0x1605, v23;
	v24 =	vsel vm9, $0x1785, v24  }
0xec: {  	v25 =	vsel vm9, $0x1705, v25;
	v26 =	vsel vm9, $0x1485, v26;
	v27 =	vsel vm9, $0x1405, v27  }
0xed: {  	v28 =	vsel vm9, $0x1585, v28;
	v29 =	vsel vm9, $0x1505, v29;
	v30 =	vsel vm9, $0x1A85, v30  }
0xee: {  	v31 =	vsel vm9, $0x1A05, v31;
	v32 =	vsel vm9, $0x1B85, v32;
	v33 =	vsel vm9, $0x1B05, v33  }
0xef: {  	v34 =	vsel vm9, $0x1885, v34;
	v35 =	vsel vm8, $0x1986, v35;
	v0 =	vsel vm1, $0xF85, v0  }
0xf0: {  	v1 =	vsel vm7, $0xA07, v1;
	v2 =	vsel vm8, $0x906, v2;
	v3 =	vsel vm8, $0x986, v3  }
0xf1: {  	v4 =	vsel vm8, $0x806, v4;
	v5 =	vsel vm8, $0x886, v5;
	v6 =	vsel vm8, $0xF06, v6  }
0xf2: {  	v7 =	vsel vm8, $0xF86, v7;
	v8 =	vsel vm8, $0xE06, v8;
	v9 =	vsel vm8, $0xE86, v9  }
0xf3: {  	v10 =	vsel vm8, $0xD06, v10;
	v11 =	vsel vm8, $0xD86, v11;
	v12 =	vsel vm8, $0xC06, v12  }
0xf4: {  	v13 =	vsel vm8, $0xC86, v13;
	v14 =	vsel vm8, $0x1306, v14;
	v15 =	vsel vm8, $0x1386, v15  }
0xf5: {  	v16 =	vsel vm8, $0x1206, v16;
	v17 =	vsel vm8, $0x1286, v17;
	v18 =	vsel vm8, $0x1106, v18  }
0xf6: {  	v19 =	vsel vm8, $0x1186, v19;
	v20 =	vsel vm8, $0x1006, v20;
	v21 =	vsel vm8, $0x1086, v21  }
0xf7: {  	v22 =	vsel vm8, $0x1706, v22;
	v23 =	vsel vm8, $0x1786, v23;
	v24 =	vsel vm8, $0x1606, v24  }
0xf8: {  	v25 =	vsel vm8, $0x1686, v25;
	v26 =	vsel vm8, $0x1506, v26;
	v27 =	vsel vm8, $0x1586, v27  }
0xf9: {  	v28 =	vsel vm8, $0x1406, v28;
	v29 =	vsel vm8, $0x1486, v29;
	v30 =	vsel vm8, $0x1B06, v30  }
0xfa: {  	v31 =	vsel vm8, $0x1B86, v31;
	v32 =	vsel vm8, $0x1A06, v32;
	v33 =	vsel vm8, $0x1A86, v33  }
0xfb: {  	v34 =	vsel vm8, $0x1906, v34;
	[tilespmem:$0x1F650] =	vst v46;
	v46 =	vunpack.c.0.s8.s32 v62;
	v0 =	vsel vm0, $0xE06, v0  }
0xfc: {  	v48 =	vsel vm5, $0xD80, v1;
	v49 =	vsel vm7, $0x987, v2;
	v51 =	vsel vm7, $0x907, v3  }
0xfd: {  	v52 =	vsel vm7, $0x887, v4;
	v53 =	vsel vm7, $0x807, v5;
	v56 =	vsel vm7, $0xF87, v6  }
0xfe: {  	v57 =	vsel vm7, $0xF07, v7;
	v59 =	vsel vm7, $0xE87, v8;
	v60 =	vsel vm7, $0xE07, v9  }
0xff: {  	v62 =	vsel vm7, $0xD87, v10;
	v63 =	vsel vm7, $0xD07, v11;
	v11 =	vsel vm7, $0xC87, v12  }
0x100: {  	v12 =	vsel vm7, $0xC07, v13;
	v13 =	vsel vm7, $0x1387, v14;
	v14 =	vsel vm7, $0x1307, v15  }
0x101: {  	v15 =	vsel vm7, $0x1287, v16;
	v16 =	vsel vm7, $0x1207, v17;
	v17 =	vsel vm7, $0x1187, v18  }
0x102: {  	v18 =	vsel vm7, $0x1107, v19;
	v19 =	vsel vm7, $0x1087, v20;
	v20 =	vsel vm7, $0x1007, v21  }
0x103: {  	v21 =	vsel vm7, $0x1787, v22;
	v22 =	vsel vm7, $0x1707, v23;
	v23 =	vsel vm7, $0x1687, v24  }
0x104: {  	v24 =	vsel vm7, $0x1607, v25;
	v25 =	vsel vm7, $0x1587, v26;
	v26 =	vsel vm7, $0x1507, v27  }
0x105: {  	v27 =	vsel vm7, $0x1487, v28;
	v28 =	vsel vm7, $0x1407, v29;
	v29 =	vsel vm7, $0x1B87, v30  }
0x106: {  	v30 =	vsel vm7, $0x1B07, v31;
	v31 =	vsel vm7, $0x1A87, v32;
	v32 =	vsel vm7, $0x1A07, v33  }
0x107: {  	v33 =	vsel vm7, $0x1987, v34;
	v34 =	vsel vm7, $0x1907, v35;
	v35 =	vsel vm7, $0x1887, v36  }
0x108: {  	v36 =	vsel vm7, $0x1807, v37;
	v37 =	vsel vm7, $0x1F87, v38;
	v38 =	vsel vm7, $0x1F07, v39  }
0x109: {  	v39 =	vsel vm7, $0x1E87, v40;
	v40 =	vsel vm7, $0x1E07, v41;
	v41 =	vsel vm7, $0x1D87, v42  }
0x10a: {  	v42 =	vsel vm7, $0x1D07, v43;
	v43 =	vsel vm7, $0x1C87, v44;
	v44 =	vsel vm7, $0x1C07, v45  }
0x10b: {  	v45 =	vunpack.c.0.s8.s32 v50;
	[tilespmem:$0x1F670] =	vst v0;
	v0 =	vsel vm6, $0xD01, v48;
	v1 =	vsel vm5, $0xE00, v49  }
0x10c: {  	v51 =	vsel vm5, $0xE80, v51;
	v52 =	vsel vm5, $0xF00, v52;
	v53 =	vsel vm5, $0xF80, v53  }
0x10d: {  	v56 =	vsel vm5, $0x800, v56;
	v57 =	vsel vm5, $0x880, v57;
	v59 =	vsel vm5, $0x900, v59  }
0x10e: {  	v60 =	vsel vm5, $0x980, v60;
	v62 =	vsel vm5, $0xA00, v62;
	v63 =	vsel vm5, $0xA80, v63  }
0x10f: {  	v4 =	vsel vm5, $0xB00, v11;
	v5 =	vsel vm5, $0xB80, v12;
	v6 =	vsel vm5, $0x1400, v13  }
0x110: {  	v7 =	vsel vm5, $0x1480, v14;
	v8 =	vsel vm5, $0x1500, v15;
	v9 =	vsel vm5, $0x1580, v16;
	[tilespmem:$0x1F660] =	vst v46  }
0x111: {  	v29 =	vsel vm5, $0x1C00, v29;
	[tilespmem:$0x1F690] =	vst v45;
	v45 =	vsel vm2, $0xC82, v0;
	v46 =	vsel vm6, $0xE81, v1  }
0x112: {  	[tilespmem:$0x1F680] =	vst v47;
	v2 =	vsel vm6, $0xE01, v51;
	v47 =	vsel vm6, $0xF81, v52;
	v48 =	vsel vm6, $0xF01, v53  }
0x113: {  	v49 =	vsel vm6, $0x881, v56;
	v50 =	vsel vm6, $0x801, v57;
	v51 =	vsel vm6, $0x981, v59  }
0x114: {  	v52 =	vsel vm6, $0x901, v60;
	v10 =	vsel vm6, $0xA81, v62;
	v53 =	vsel vm6, $0xA01, v63  }
0x115: {  	v11 =	vsel vm6, $0xB81, v4;
	v12 =	vsel vm6, $0xB01, v5;
	v13 =	vsel vm6, $0x1481, v6  }
0x116: {  	v14 =	vsel vm6, $0x1401, v7;
	v15 =	vsel vm6, $0x1581, v8;
	v16 =	vsel vm6, $0x1501, v9  }
0x117: {  	v56 =	vsel vm5, $0x1600, v17;
	v57 =	vsel vm5, $0x1680, v18;
	v59 =	vsel vm5, $0x1700, v19  }
0x118: {  	v60 =	vsel vm5, $0x1780, v20;
	v62 =	vsel vm5, $0x1000, v21;
	v63 =	vsel vm5, $0x1080, v22  }
0x119: {  	v4 =	vsel vm5, $0x1100, v23;
	v5 =	vsel vm5, $0x1180, v24;
	v6 =	vsel vm5, $0x1200, v25  }
0x11a: {  	v7 =	vsel vm5, $0x1280, v26;
	v8 =	vsel vm5, $0x1300, v27;
	v9 =	vsel vm5, $0x1380, v28  }
0x11b: {  	v29 =	vsel vm6, $0x1C81, v29;
	v17 =	vsel vm6, $0x1681, v56;
	v18 =	vsel vm6, $0x1601, v57  }
0x11c: {  	v19 =	vsel vm6, $0x1781, v59;
	v20 =	vsel vm6, $0x1701, v60;
	v21 =	vsel vm6, $0x1081, v62  }
0x11d: {  	v22 =	vsel vm6, $0x1001, v63;
	v23 =	vsel vm6, $0x1181, v4;
	v24 =	vsel vm6, $0x1101, v5  }
0x11e: {  	v25 =	vsel vm6, $0x1281, v6;
	v26 =	vsel vm6, $0x1201, v7;
	v27 =	vsel vm6, $0x1381, v8  }
0x11f: {  	v28 =	vsel vm6, $0x1301, v9;
	v56 =	vsel vm5, $0x1C80, v30;
	v57 =	vsel vm5, $0x1D00, v31  }
0x120: {  	v59 =	vsel vm5, $0x1D80, v32;
	v60 =	vsel vm5, $0x1E00, v33;
	v62 =	vsel vm5, $0x1E80, v34  }
0x121: {  	v63 =	vsel vm5, $0x1F00, v35;
	v4 =	vsel vm5, $0x1F80, v36;
	v5 =	vsel vm5, $0x1800, v37  }
0x122: {  	v6 =	vsel vm5, $0x1880, v38;
	v7 =	vsel vm5, $0x1900, v39;
	v37 =	vsel vm5, $0x1980, v40  }
0x123: {  	v38 =	vsel vm5, $0x1A00, v41;
	v39 =	vsel vm5, $0x1A80, v42;
	v40 =	vsel vm5, $0x1B00, v43  }
0x124: {  	v41 =	vsel vm5, $0x1B80, v44;
	v42 =	vimm.s32 $0x10111213;
	v43 =	vimm.s32 $0x14151617  }
0x125: {  	v2 =	vsel vm2, $0xF82, v2;
	v12 =	vsel vm2, $0xA82, v12;
	v13 =	vsel vm2, $0x1502, v13  }
0x126: {  	v14 =	vsel vm2, $0x1582, v14;
	v15 =	vsel vm2, $0x1402, v15;
	v16 =	vsel vm2, $0x1482, v16  }
0x127: {  	v29 =	vsel vm2, $0x1D02, v29;
	v30 =	vsel vm6, $0x1C01, v56;
	v31 =	vsel vm6, $0x1D81, v57  }
0x128: {  	v32 =	vsel vm6, $0x1D01, v59;
	v33 =	vsel vm6, $0x1E81, v60;
	v34 =	vsel vm6, $0x1E01, v62  }
0x129: {  	v35 =	vsel vm6, $0x1F81, v63;
	v8 =	vsel vm6, $0x1F01, v4;
	v9 =	vsel vm6, $0x1881, v5  }
0x12a: {  	v36 =	vsel vm6, $0x1801, v6;
	v5 =	vsel vm6, $0x1981, v7;
	v6 =	vsel vm6, $0x1901, v37  }
0x12b: {  	v7 =	vsel vm6, $0x1A81, v38;
	v0 =	vsel vm6, $0x1A01, v39;
	v1 =	vsel vm6, $0x1B81, v40  }
0x12c: {  	v4 =	vsel vm6, $0x1B01, v41;
	v3 =	vunpack.c.0.s8.s32 v42;
	v44 =	vunpack.c.0.s8.s32 v43  }
0x12d: {  	v56 =	vsel vm3, $0xC03, v45;
	v57 =	vsel vm2, $0xF02, v46;
	v59 =	vsel vm3, $0xF03, v2  }
0x12e: {  	v45 =	vsel vm2, $0xE82, v48;
	v46 =	vsel vm2, $0x902, v49;
	v48 =	vsel vm2, $0x802, v51  }
0x12f: {  	v49 =	vsel vm2, $0x882, v52;
	v12 =	vsel vm3, $0xA03, v12;
	v13 =	vsel vm3, $0x1583, v13  }
0x130: {  	v14 =	vsel vm3, $0x1503, v14;
	v17 =	vsel vm2, $0x1702, v17;
	v15 =	vsel vm3, $0x1483, v15  }
0x131: {  	v16 =	vsel vm3, $0x1403, v16;
	v18 =	vsel vm2, $0x1782, v18;
	v19 =	vsel vm2, $0x1602, v19  }
0x132: {  	v20 =	vsel vm2, $0x1682, v20;
	v21 =	vsel vm2, $0x1102, v21;
	v22 =	vsel vm2, $0x1182, v22  }
0x133: {  	v23 =	vsel vm2, $0x1002, v23;
	v24 =	vsel vm2, $0x1082, v24;
	v25 =	vsel vm2, $0x1302, v25  }
0x134: {  	v26 =	vsel vm2, $0x1382, v26;
	v27 =	vsel vm2, $0x1202, v27;
	v28 =	vsel vm2, $0x1282, v28  }
0x135: {  	v29 =	vsel vm3, $0x1D83, v29;
	v51 =	vimm.s32 $0x1F1E1D1C;
	v52 =	vimm.s32 $0x1B1A1918  }
0x136: {  	v37 =	vsel vm3, $0xF83, v57;
	v63 =	vsel vm4, $0xC84, v59;
	v41 =	vsel vm3, $0x883, v48  }
0x137: {  	v42 =	vsel vm3, $0x803, v49;
	v12 =	vsel vm4, $0x984, v12;
	v13 =	vsel vm4, $0x1604, v13  }
0x138: {  	v14 =	vsel vm4, $0x1684, v14;
	v17 =	vsel vm3, $0x1783, v17;
	v15 =	vsel vm4, $0x1704, v15  }
0x139: {  	v16 =	vsel vm4, $0x1784, v16;
	v18 =	vsel vm3, $0x1703, v18;
	v19 =	vsel vm3, $0x1683, v19  }
0x13a: {  	v20 =	vsel vm3, $0x1603, v20;
	v21 =	vsel vm3, $0x1183, v21;
	v22 =	vsel vm3, $0x1103, v22  }
0x13b: {  	v23 =	vsel vm3, $0x1083, v23;
	v24 =	vsel vm3, $0x1003, v24;
	v25 =	vsel vm3, $0x1383, v25  }
0x13c: {  	v26 =	vsel vm3, $0x1303, v26;
	v27 =	vsel vm3, $0x1283, v27;
	v28 =	vsel vm3, $0x1203, v28  }
0x13d: {  	v29 =	vsel vm4, $0x1E04, v29;
	v30 =	vsel vm2, $0x1D82, v30;
	v31 =	vsel vm2, $0x1C02, v31  }
0x13e: {  	v32 =	vsel vm2, $0x1C82, v32;
	v33 =	vsel vm2, $0x1F02, v33;
	v34 =	vsel vm2, $0x1F82, v34  }
0x13f: {  	v35 =	vsel vm2, $0x1E02, v35;
	v36 =	vsel vm2, $0x1982, v36;
	v0 =	vsel vm2, $0x1B82, v0  }
0x140: {  	v59 =	vimm.s32 $0x13121110;
	v48 =	vimm.s32 $0x2D2C2F2E;
	[tilespmem:$0x1F6A0] =	vst v3;
	v3 =	vsel vm4, $0xF84, v56  }
0x141: {  	[tilespmem:$0x1F6B0] =	vst v44;
	v62 =	vsel vm4, $0xC04, v37;
	v44 =	vsel vm2, $0xE02, v47;
	v47 =	vsel vm2, $0x982, v50  }
0x142: {  	v50 =	vsel vm2, $0xB82, v53;
	v17 =	vsel vm4, $0x1404, v17;
	v18 =	vsel vm4, $0x1484, v18  }
0x143: {  	v19 =	vsel vm4, $0x1504, v19;
	v20 =	vsel vm4, $0x1584, v20;
	v21 =	vsel vm4, $0x1204, v21  }
0x144: {  	v22 =	vsel vm4, $0x1284, v22;
	v23 =	vsel vm4, $0x1304, v23;
	v24 =	vsel vm4, $0x1384, v24  }
0x145: {  	v25 =	vsel vm4, $0x1004, v25;
	v26 =	vsel vm4, $0x1084, v26;
	v27 =	vsel vm4, $0x1104, v27  }
0x146: {  	v28 =	vsel vm4, $0x1184, v28;
	v30 =	vsel vm3, $0x1D03, v30;
	v31 =	vsel vm3, $0x1C83, v31  }
0x147: {  	v32 =	vsel vm3, $0x1C03, v32;
	v33 =	vsel vm3, $0x1F83, v33;
	v34 =	vsel vm3, $0x1F03, v34  }
0x148: {  	v35 =	vsel vm3, $0x1E83, v35;
	v36 =	vsel vm3, $0x1903, v36;
	v0 =	vsel vm3, $0x1B03, v0  }
0x149: {  	v53 =	vimm.s32 $0x17161514;
	v56 =	vunpack.c.0.s8.s32 v52;
	v12 =	vsel vm1, $0x905, v12  }
0x14a: {  	v13 =	vsel vm1, $0x1685, v13;
	v14 =	vsel vm1, $0x1605, v14;
	v15 =	vsel vm1, $0x1785, v15  }
0x14b: {  	v16 =	vsel vm1, $0x1705, v16;
	v29 =	vsel vm1, $0x1E85, v29;
	v3 =	vsel vm1, $0xF05, v3  }
0x14c: {  	v37 =	vsel vm3, $0xE83, v44;
	v40 =	vsel vm3, $0x903, v47;
	v43 =	vsel vm3, $0xB03, v50  }
0x14d: {  	v30 =	vsel vm4, $0x1E84, v30;
	v31 =	vsel vm4, $0x1F04, v31;
	v32 =	vsel vm4, $0x1F84, v32  }
0x14e: {  	v33 =	vsel vm4, $0x1C04, v33;
	v34 =	vsel vm4, $0x1C84, v34;
	v35 =	vsel vm4, $0x1D04, v35  }
0x14f: {  	v36 =	vsel vm4, $0x1A84, v36;
	v0 =	vsel vm4, $0x1884, v0;
	v44 =	vunpack.c.0.s8.s32 v51  }
0x150: {  	v57 =	vunpack.c.0.s8.s32 v53;
	v2 =	vsel vm1, $0xC85, v62;
	v17 =	vsel vm1, $0x1485, v17  }
0x151: {  	v18 =	vsel vm1, $0x1405, v18;
	v19 =	vsel vm1, $0x1585, v19;
	v20 =	vsel vm1, $0x1505, v20  }
0x152: {  	v21 =	vsel vm1, $0x1285, v21;
	v22 =	vsel vm1, $0x1205, v22;
	v23 =	vsel vm1, $0x1385, v23  }
0x153: {  	v24 =	vsel vm1, $0x1305, v24;
	v25 =	vsel vm1, $0x1085, v25;
	v26 =	vsel vm1, $0x1005, v26  }
0x154: {  	v27 =	vsel vm1, $0x1185, v27;
	v28 =	vsel vm1, $0x1105, v28;
	v62 =	vimm.s32 $0x2A2B2829  }
0x155: {  	v47 =	vimm.s32 $0x29282B2A;
	v50 =	vunpack.c.0.s8.s32 v48;
	v48 =	vimm.s32 $0x2B2A2928  }
0x156: {  	v60 =	vsel vm0, $0xE86, v3;
	v30 =	vsel vm1, $0x1E05, v30;
	v31 =	vsel vm1, $0x1F85, v31  }
0x157: {  	v32 =	vsel vm1, $0x1F05, v32;
	v33 =	vsel vm1, $0x1C85, v33;
	v34 =	vsel vm1, $0x1C05, v34  }
0x158: {  	[tilespmem:$0x1F6E0] =	vst v56;
	v35 =	vsel vm1, $0x1D85, v35;
	v36 =	vsel vm1, $0x1A05, v36;
	v0 =	vsel vm1, $0x1805, v0  }
0x159: {  	v49 =	vunpack.c.0.s8.s32 v47;
	v56 =	vimm.s32 $0x28292A2B;
	[tilespmem:$0x1F6D0] =	vst v44;
	v44 =	vunpack.c.0.s8.s32 v59  }
0x15a: {  	[tilespmem:$0x1F6C0] =	vst v60;
	v60 =	vsel vm0, $0x886, v12;
	v12 =	vsel vm0, $0x1706, v13;
	v13 =	vsel vm0, $0x1786, v14  }
0x15b: {  	v14 =	vsel vm0, $0x1606, v15;
	v15 =	vsel vm0, $0x1686, v16;
	v16 =	vsel vm0, $0x1506, v17  }
0x15c: {  	v17 =	vsel vm0, $0x1586, v18;
	v18 =	vsel vm0, $0x1406, v19;
	v19 =	vsel vm0, $0x1486, v20  }
0x15d: {  	v20 =	vsel vm0, $0x1306, v21;
	v21 =	vsel vm0, $0x1386, v22;
	v22 =	vsel vm0, $0x1206, v23  }
0x15e: {  	[tilespmem:$0x1F6F0] =	vst v57;
	v23 =	vsel vm0, $0x1286, v24;
	v24 =	vsel vm0, $0x1106, v25;
	v25 =	vsel vm0, $0x1186, v26  }
0x15f: {  	v26 =	vsel vm0, $0x1006, v27;
	v27 =	vsel vm0, $0x1086, v28;
	v28 =	vsel vm0, $0x1F06, v29;
	[tilespmem:$0x1F770] =	vst v50  }
0x160: {  	v29 =	vsel vm0, $0x1F86, v30;
	v30 =	vsel vm0, $0x1E06, v31;
	v31 =	vsel vm0, $0x1E86, v32;
	[tilespmem:$0x1F710] =	vst v60  }
0x161: {  	v57 =	vsel vm0, $0x1B86, v36;
	v36 =	vsel vm0, $0x1986, v0;
	v0 =	vunpack.c.0.s8.s32 v62;
	[tilespmem:$0x1F760] =	vst v49  }
0x162: {  	v32 =	vsel vm0, $0x1D06, v33;
	v33 =	vsel vm0, $0x1D86, v34;
	v62 =	vunpack.c.0.s8.s32 v56;
	[tilespmem:$0x1F700] =	vst v44  }
0x163: {  	v34 =	vsel vm0, $0x1C06, v35;
	v35 =	vimm.s32 $0x22232021;
	v50 =	vunpack.c.0.s8.s32 v48;
	[tilespmem:$0x1F720] =	vst v0  }
0x164: {  	v38 =	vsel vm3, $0xE03, v45;
	v53 =	vimm.s32 $0x25242726;
	v45 =	vunpack.c.0.s8.s32 v35;
	[tilespmem:$0x1F7A0] =	vst v62  }
0x165: {  	v3 =	vsel vm1, $0xC05, v63;
	v63 =	vimm.s32 $0x2E2F2C2D;
	v60 =	vunpack.c.0.s8.s32 v53;
	[tilespmem:$0x1F7F0] =	vst v50  }
0x166: {  	v39 =	vsel vm3, $0x983, v46;
	v46 =	vimm.s32 $0x26272425;
	v44 =	vunpack.c.0.s8.s32 v63;
	[tilespmem:$0x1F740] =	vst v45  }
0x167: {  	v56 =	vimm.s32 $0x3A3B3839;
	v0 =	vunpack.c.0.s8.s32 v46;
	[tilespmem:$0x1F790] =	vst v60  }
0x168: {  	v35 =	vimm.s32 $0x20212223;
	v62 =	vunpack.c.0.s8.s32 v56;
	[tilespmem:$0x1F730] =	vst v44  }
0x169: {  	v52 =	vimm.s32 $0x21202322;
	v45 =	vunpack.c.0.s8.s32 v35;
	[tilespmem:$0x1F750] =	vst v0  }
0x16a: {  	v49 =	vimm.s32 $0x27262524;
	v0 =	vunpack.c.0.s8.s32 v52;
	[tilespmem:$0x1F820] =	vst v62  }
0x16b: {  	v44 =	vimm.s32 $0x24252627;
	v52 =	vunpack.c.0.s8.s32 v49;
	[tilespmem:$0x1F7C0] =	vst v45  }
0x16c: {  	v63 =	vimm.s32 $0x2C2D2E2F;
	v46 =	vunpack.c.0.s8.s32 v44;
	[tilespmem:$0x1F780] =	vst v0  }
0x16d: {  	v60 =	vimm.s32 $0x3E3F3C3D;
	v0 =	vunpack.c.0.s8.s32 v63;
	[tilespmem:$0x1F800] =	vst v52  }
0x16e: {  	v49 =	vimm.s32 $0x31303332;
	v63 =	vunpack.c.0.s8.s32 v60;
	[tilespmem:$0x1F7D0] =	vst v46  }
0x16f: {  	v44 =	vimm.s32 $0x36373435;
	v52 =	vunpack.c.0.s8.s32 v49;
	[tilespmem:$0x1F7B0] =	vst v0  }
0x170: {  	v47 =	vimm.s32 $0x2F2E2D2C;
	v46 =	vunpack.c.0.s8.s32 v44;
	[tilespmem:$0x1F830] =	vst v63  }
0x171: {  	v45 =	vimm.s32 $0x39383B3A;
	v0 =	vunpack.c.0.s8.s32 v47;
	[tilespmem:$0x1F880] =	vst v52  }
0x172: {  	v60 =	vimm.s32 $0x3C3D3E3F;
	v47 =	vunpack.c.0.s8.s32 v45;
	[tilespmem:$0x1F850] =	vst v46  }
0x173: {  	v53 =	vimm.s32 $0x23222120;
	v63 =	vunpack.c.0.s8.s32 v60;
	[tilespmem:$0x1F7E0] =	vst v0  }
0x174: {  	v49 =	vimm.s32 $0x37363534;
	v0 =	vunpack.c.0.s8.s32 v53;
	[tilespmem:$0x1F860] =	vst v47  }
0x175: {  	v35 =	vimm.s32 $0x32333031;
	v52 =	vunpack.c.0.s8.s32 v49;
	[tilespmem:$0x1F8B0] =	vst v63  }
0x176: {  	v50 =	vimm.s32 $0x35343736;
	[tilespmem:$0x1F810] =	vst v0;
	v0 =	vunpack.c.0.s8.s32 v35  }
0x177: {  	v48 =	vimm.s32 $0x3D3C3F3E;
	v53 =	vunpack.c.0.s8.s32 v50;
	[tilespmem:$0x1F900] =	vst v52  }
0x178: {  	v46 =	vimm.s32 $0x3F3E3D3C;
	[tilespmem:$0x1F840] =	vst v0;
	v0 =	vunpack.c.0.s8.s32 v48  }
0x179: {  	v1 =	vsel vm2, $0x1A02, v1;
	v56 =	vimm.s32 $0x38393A3B;
	v47 =	vunpack.c.0.s8.s32 v46;
	[tilespmem:$0x1F890] =	vst v53  }
0x17a: {  	v1 =	vsel vm3, $0x1A83, v1;
	v62 =	vimm.s32 $0x30313233;
	[tilespmem:$0x1F870] =	vst v0;
	v0 =	vunpack.c.0.s8.s32 v56  }
0x17b: {  	v1 =	vsel vm4, $0x1904, v1;
	v45 =	vimm.s32 $0x34353637;
	v35 =	vunpack.c.0.s8.s32 v62;
	[tilespmem:$0x1F8E0] =	vst v47  }
0x17c: {  	v1 =	vsel vm1, $0x1985, v1;
	v50 =	vimm.s32 $0x33323130;
	[tilespmem:$0x1F8A0] =	vst v0;
	v0 =	vunpack.c.0.s8.s32 v45  }
0x17d: {  	v44 =	vlaneseq.u32;
	v53 =	vunpack.c.0.s8.s32 v50;
	[tilespmem:$0x1F8C0] =	vst v35;
	v48 =	vimm.s32 $0x3B3A3938  }
0x17e: {  	v59 =	vsel vm0, $0x1806, v1;
	v1 =	vunpack.c.0.s8.s32 v48;
	[tilespmem:$0x1F8D0] =	vst v0;
	v0 =	vmul.u32 $0xC8, v44  }
0x17f: {  	[tilespmem:$0x1F910] =	vst v53  }
0x180: {  	[tilespmem:$0x1F8F0] =	vst v1;
	v56 =	vadd.s32 $0xC80, v0  }
0x181: {  	v60 =	vadd.s32 $0x1900, v0;
	[tilespmem:$0x1F920] =	vst v56  }
0x182: {  	v62 =	vadd.s32 $0x2580, v0;
	[tilespmem:$0x1F930] =	vst v60  }
0x183: {  	v63 =	vadd.s32 $0x3200, v0;
	[tilespmem:$0x1F940] =	vst v62  }
0x184: {  	v35 =	vadd.s32 $0x3E80, v0;
	[tilespmem:$0x1F950] =	vst v63  }
0x185: {  	v44 =	vadd.s32 $0x4B00, v0;
	[tilespmem:$0x1F960] =	vst v35  }
0x186: {  	v45 =	vadd.s32 $0x5780, v0;
	[tilespmem:$0x1F970] =	vst v44  }
0x187: {  	v46 =	vor.u32 $0x1, v0;
	[tilespmem:$0x1F980] =	vst v45  }
0x188: {  	v47 =	vadd.s32 $0xC81, v0;
	[tilespmem:$0x1F990] =	vst v46  }
0x189: {  	v48 =	vadd.s32 $0x1901, v0;
	[tilespmem:$0x1F9A0] =	vst v47  }
0x18a: {  	v49 =	vadd.s32 $0x2581, v0;
	[tilespmem:$0x1F9B0] =	vst v48  }
0x18b: {  	v50 =	vadd.s32 $0x3201, v0;
	[tilespmem:$0x1F9C0] =	vst v49  }
0x18c: {  	v52 =	vadd.s32 $0x3E81, v0;
	[tilespmem:$0x1F9D0] =	vst v50  }
0x18d: {  	v53 =	vadd.s32 $0x4B01, v0;
	[tilespmem:$0x1F9E0] =	vst v52  }
0x18e: {  	[tilespmem:$0x1F9F0] =	vst v53;
	v56 =	vadd.s32 $0x5781, v0  }
0x18f: {  	v60 =	vor.u32 $0x2, v0;
	[tilespmem:$0x1FA00] =	vst v56  }
0x190: {  	v62 =	vadd.s32 $0xC82, v0;
	[tilespmem:$0x1FA10] =	vst v60  }
0x191: {  	v63 =	vadd.s32 $0x1902, v0;
	[tilespmem:$0x1FA20] =	vst v62  }
0x192: {  	v35 =	vadd.s32 $0x2582, v0;
	[tilespmem:$0x1FA30] =	vst v63  }
0x193: {  	v44 =	vadd.s32 $0x3202, v0;
	[tilespmem:$0x1FA40] =	vst v35  }
0x194: {  	v45 =	vadd.s32 $0x3E82, v0;
	[tilespmem:$0x1FA50] =	vst v44  }
0x195: {  	v46 =	vadd.s32 $0x4B02, v0;
	[tilespmem:$0x1FA60] =	vst v45  }
0x196: {  	s0 =	rddreg [dreg:$0x0];
	s2 =	simm.s32 $0x0;
	v47 =	vadd.s32 $0x5782, v0;
	[tilespmem:$0x1FA70] =	vst v46  }
0x197: {  	[smem:$0x7FF] =	sst s2;
	v48 =	vadd.s32 $0x4B03, v0;
	[tilespmem:$0x1FA80] =	vst v47  }
0x198: {  	s1 =	rddreg [dreg:$0x1];
	v52 =	vadd.s32 $0x5783, v0;
	_ =	strace $0x80000047;
	[tilespmem:$0x1FA90] =	vst v48  }
0x199: {  	v53 =	vadd.s32 $0x4B04, v0;
	[tilespmem:$0x1FAA0] =	vst v52  }
0x19a: {  	v60 =	vadd.s32 $0x5784, v0;
	[tilespmem:$0x1FAB0] =	vst v53  }
0x19b: {  	[tilespmem:$0x1FAC0] =	vst v60  }
0x19c: {  	v58 =	vimm.s32 $0x16171415;
	[tilespmem:$0x1FC30] =	vst v0  }
0x19d: {  	v58 =	vunpack.c.0.s8.s32 v58;
	[tilespmem:$0x1FC50] =	vst v54  }
0x19e: {  	v10 =	vsel vm2, $0xB02, v10;
	v11 =	vsel vm2, $0xA02, v11;
	[tilespmem:$0x1FC60] =	vst v55  }
0x19f: {  	v10 =	vsel vm3, $0xB83, v10;
	v11 =	vsel vm3, $0xA83, v11;
	v37 =	vsel vm4, $0xD04, v37;
	[tilespmem:$0x1FC70] =	vst v58  }
0x1a0: {  	v38 =	vsel vm4, $0xD84, v38;
	v37 =	vsel vm1, $0xD85, v37;
	v3 =	vsel vm0, $0xD86, v3;
	[tilespmem:$0x1FC80] =	vst v61  }
0x1a1: {  	v39 =	vsel vm4, $0xA04, v39;
	v38 =	vsel vm1, $0xD05, v38;
	v37 =	vsel vm0, $0xC06, v37;
	[tilespmem:$0x1FC90] =	vst v3  }
0x1a2: {  	v39 =	vsel vm1, $0xA85, v39;
	v40 =	vsel vm4, $0xA84, v40;
	v38 =	vsel vm0, $0xC86, v38;
	[tilespmem:$0x1FCA0] =	vst v37  }
0x1a3: {  	v41 =	vsel vm4, $0xB04, v41;
	v39 =	vsel vm0, $0xB06, v39;
	v40 =	vsel vm1, $0xA05, v40;
	[tilespmem:$0x1FCB0] =	vst v38  }
0x1a4: {  	v42 =	vsel vm4, $0xB84, v42;
	v41 =	vsel vm1, $0xB85, v41;
	v40 =	vsel vm0, $0xB86, v40;
	[tilespmem:$0x1FCC0] =	vst v39  }
0x1a5: {  	v10 =	vsel vm4, $0x804, v10;
	v42 =	vsel vm1, $0xB05, v42;
	v41 =	vsel vm0, $0xA06, v41;
	[tilespmem:$0x1FCD0] =	vst v40  }
0x1a6: {  	v10 =	vsel vm1, $0x885, v10;
	v43 =	vsel vm4, $0x884, v43;
	v42 =	vsel vm0, $0xA86, v42;
	[tilespmem:$0x1FCE0] =	vst v41  }
0x1a7: {  	v11 =	vsel vm4, $0x904, v11;
	v10 =	vsel vm0, $0x906, v10;
	v43 =	vsel vm1, $0x805, v43;
	[tilespmem:$0x1FCF0] =	vst v42  }
0x1a8: {  	v11 =	vsel vm1, $0x985, v11;
	v43 =	vsel vm0, $0x986, v43;
	[tilespmem:$0x1FD00] =	vst v10  }
0x1a9: {  	v11 =	vsel vm0, $0x806, v11;
	[tilespmem:$0x1FD10] =	vst v43  }
0x1aa: {  	v51 =	vsel vm0, $0xD06, v2;
	[tilespmem:$0x1FD20] =	vst v11  }
0x1ab: {  	[tilespmem:$0x1FD30] =	vst v51  }
0x1ac: {  	[tilespmem:$0x1FD40] =	vst v12  }
0x1ad: {  	[tilespmem:$0x1FD50] =	vst v13  }
0x1ae: {  	[tilespmem:$0x1FD60] =	vst v14  }
0x1af: {  	[tilespmem:$0x1FD70] =	vst v15  }
0x1b0: {  	[tilespmem:$0x1FD80] =	vst v16  }
0x1b1: {  	[tilespmem:$0x1FD90] =	vst v17  }
0x1b2: {  	[tilespmem:$0x1FDA0] =	vst v18  }
0x1b3: {  	[tilespmem:$0x1FDB0] =	vst v19  }
0x1b4: {  	[tilespmem:$0x1FDC0] =	vst v20  }
0x1b5: {  	[tilespmem:$0x1FDD0] =	vst v21  }
0x1b6: {  	[tilespmem:$0x1FDE0] =	vst v22  }
0x1b7: {  	[tilespmem:$0x1FDF0] =	vst v23  }
0x1b8: {  	[tilespmem:$0x1FE00] =	vst v24  }
0x1b9: {  	[tilespmem:$0x1FE10] =	vst v25  }
0x1ba: {  	[tilespmem:$0x1FE20] =	vst v26  }
0x1bb: {  	[tilespmem:$0x1FE30] =	vst v27  }
0x1bc: {  	[tilespmem:$0x1FE40] =	vst v28  }
0x1bd: {  	[tilespmem:$0x1FE50] =	vst v29  }
0x1be: {  	v8 =	vsel vm2, $0x1E82, v8;
	[tilespmem:$0x1FE60] =	vst v30  }
0x1bf: {  	v9 =	vsel vm2, $0x1902, v9;
	v5 =	vsel vm2, $0x1802, v5;
	v8 =	vsel vm3, $0x1E03, v8;
	[tilespmem:$0x1FE70] =	vst v31  }
0x1c0: {  	v6 =	vsel vm2, $0x1882, v6;
	v9 =	vsel vm3, $0x1983, v9;
	v8 =	vsel vm4, $0x1D84, v8;
	[tilespmem:$0x1FE80] =	vst v32  }
0x1c1: {  	v7 =	vsel vm2, $0x1B02, v7;
	v9 =	vsel vm4, $0x1A04, v9;
	v8 =	vsel vm1, $0x1D05, v8;
	[tilespmem:$0x1FE90] =	vst v33  }
0x1c2: {  	v5 =	vsel vm3, $0x1883, v5;
	v9 =	vsel vm1, $0x1A85, v9;
	v8 =	vsel vm0, $0x1C86, v8;
	[tilespmem:$0x1FEA0] =	vst v34  }
0x1c3: {  	v6 =	vsel vm3, $0x1803, v6;
	v5 =	vsel vm4, $0x1B04, v5;
	v9 =	vsel vm0, $0x1B06, v9;
	[tilespmem:$0x1FEB0] =	vst v8  }
0x1c4: {  	v7 =	vsel vm3, $0x1B83, v7;
	v6 =	vsel vm4, $0x1B84, v6;
	v5 =	vsel vm1, $0x1B85, v5;
	[tilespmem:$0x1FEC0] =	vst v9  }
0x1c5: {  	v7 =	vsel vm4, $0x1804, v7;
	v6 =	vsel vm1, $0x1B05, v6;
	v5 =	vsel vm0, $0x1A06, v5;
	[tilespmem:$0x1FED0] =	vst v57  }
0x1c6: {  	v4 =	vsel vm2, $0x1A82, v4;
	v7 =	vsel vm1, $0x1885, v7;
	v6 =	vsel vm0, $0x1A86, v6;
	[tilespmem:$0x1FEE0] =	vst v5  }
0x1c7: {  	v4 =	vsel vm3, $0x1A03, v4;
	v7 =	vsel vm0, $0x1906, v7;
	[tilespmem:$0x1FEF0] =	vst v6  }
0x1c8: {  	v4 =	vsel vm4, $0x1984, v4;
	[tilespmem:$0x1FF00] =	vst v7  }
0x1c9: {  	v4 =	vsel vm1, $0x1905, v4;
	[tilespmem:$0x1FF10] =	vst v36  }
0x1ca: {  	v4 =	vsel vm0, $0x1886, v4;
	[tilespmem:$0x1FF20] =	vst v59  }
0x1cb: {  	v47 =	vor.u32 $0x3, v0;
	[tilespmem:$0x1FF30] =	vst v4  }
0x1cc: {  	v45 =	vadd.s32 $0xC83, v0;
	[tilespmem:$0x1FF40] =	vst v47  }
0x1cd: {  	v46 =	vadd.s32 $0x1903, v0;
	[tilespmem:$0x1FF50] =	vst v45  }
0x1ce: {  	v44 =	vadd.s32 $0x2583, v0;
	[tilespmem:$0x1FF60] =	vst v46  }
0x1cf: {  	v49 =	vadd.s32 $0x3203, v0;
	[tilespmem:$0x1FF70] =	vst v44  }
0x1d0: {  	v50 =	vadd.s32 $0x3E83, v0;
	[tilespmem:$0x1FF80] =	vst v49  }
0x1d1: {  	v56 =	vor.u32 $0x4, v0;
	[tilespmem:$0x1FF90] =	vst v50  }
0x1d2: {  	v35 =	vadd.s32 $0xC84, v0;
	[tilespmem:$0x1FFA0] =	vst v56  }
0x1d3: {  	v62 =	vadd.s32 $0x3204, v0;
	[tilespmem:$0x1FFB0] =	vst v35  }
0x1d4: {  	v63 =	vadd.s32 $0x3E84, v0;
	[tilespmem:$0x1FFE0] =	vst v62  }
0x1d5: {  	v53 =	vor.u32 $0x5, v0;
	[tilespmem:$0x1FFF0] =	vst v63  }
0x1d6: {  	v60 =	vadd.s32 $0xC85, v0;
	[tilespmem:$0x1FAD0] =	vst v53  }
0x1d7: {  	v48 =	vadd.s32 $0x1904, v0;
	[tilespmem:$0x1FAE0] =	vst v60  }
0x1d8: {  	v52 =	vadd.s32 $0x2584, v0;
	[tilespmem:$0x1FFC0] =	vst v48  }
0x1d9: {  	v53 =	vadd.s32 $0x1905, v0;
	[tilespmem:$0x1FFD0] =	vst v52  }
0x1da: {  	v60 =	vadd.s32 $0x2585, v0;
	[tilespmem:$0x1FAF0] =	vst v53  }
0x1db: {  	[tilespmem:$0x1FB00] =	vst v60;
	v53 =	vadd.s32 $0x3205, v0  }
0x1dc: {  	v60 =	vadd.s32 $0x3E85, v0;
	[tilespmem:$0x1FB10] =	vst v53  }
0x1dd: {  	[tilespmem:$0x1FB20] =	vst v60;
	v53 =	vadd.s32 $0x4B05, v0  }
0x1de: {  	v60 =	vadd.s32 $0x5785, v0;
	[tilespmem:$0x1FB30] =	vst v53  }
0x1df: {  	[tilespmem:$0x1FB40] =	vst v60;
	v53 =	vor.u32 $0x6, v0  }
0x1e0: {  	v60 =	vadd.s32 $0xC86, v0;
	[tilespmem:$0x1FB50] =	vst v53  }
0x1e1: {  	s3 =	srdreg.scid;
	[tilespmem:$0x1FB60] =	vst v60;
	v53 =	vadd.s32 $0x1906, v0  }
0x1e2: {  	s6 =	stileid.u32;
	s9 =	simm.s32 $0x80;
	s11 =	simm.s32 $0xC800;
	v60 =	vadd.s32 $0x2586, v0;
	[tilespmem:$0x1FB70] =	vst v53  }
0x1e3: {  	s13 =	simm.s32 $0xE800;
	s14 =	simm.s32 $0x1;
	s15 =	simm.s32 $0x10800;
	[tilespmem:$0x1FB80] =	vst v60;
	v53 =	vadd.s32 $0x3206, v0  }
0x1e4: {  	s16 =	simm.s32 $0x10C00;
	s17 =	simm.s32 $0x11000;
	s18 =	simm.s32 $0x11400;
	v60 =	vadd.s32 $0x3E86, v0;
	[tilespmem:$0x1FB90] =	vst v53  }
0x1e5: {  	s19 =	simm.s32 $0x11800;
	s20 =	simm.s32 $0x11C00;
	s21 =	simm.s32 $0x12000;
	[tilespmem:$0x1FBA0] =	vst v60;
	v53 =	vadd.s32 $0x4B06, v0  }
0x1e6: {  	s22 =	simm.s32 $0x12400;
	s23 =	simm.s32 $0x2;
	s28 =	simm.s32 $0x13000;
	v60 =	vadd.s32 $0x5786, v0;
	[tilespmem:$0x1FBB0] =	vst v53  }
0x1e7: {  	s29 =	simm.s32 $0x13400;
	s30 =	simm.s32 $0x13800;
	s31 =	simm.s32 $0x13C00;
	[tilespmem:$0x1FBC0] =	vst v60;
	v53 =	vor.u32 $0x7, v0  }
0x1e8: {  	s7 =	simm.s32 $0x3;
	s3 =	sand.u32 $0x1, s3;
	s5 =	sadd.s32 $0x400, s0;
	v60 =	vadd.s32 $0xC87, v0;
	[tilespmem:$0x1FBD0] =	vst v53  }
0x1e9: {  	s6 =	sshll.u32 s6, $0x3;
	s4 =	ssub.s32 $0x2, s3;
	s3 =	sshll.u32 s3, $0x2;
	[tilespmem:$0x1FBE0] =	vst v60;
	v53 =	vadd.s32 $0x1907, v0  }
.Ltmp0:
0x1ea: {  	s24 =	sshrl.u32 s4, $0x1;
	s25 =	sor.u32 s3, s6;
	v60 =	vadd.s32 $0x2587, v0;
	[tilespmem:$0x1FBF0] =	vst v53;
	(pc) =	sbr.rel .LBB2_1-.Ltmp0, $4  }
0x1eb: {  	s3 =	simm.s32 $0x14400;
	s4 =	ssub.s32 s4, s24;
	[dreg:$0x3] =	wrdreg s5;
	[tilespmem:$0x1FC00] =	vst v60;
	v53 =	vadd.s32 $0x3207, v0  }
0x1ec: {  	s6 =	simm.s32 $0x0;
	s26 =	smax.u32 s4, $0x1;
	[dreg:$0x4] =	wrdreg s25;
	v60 =	vadd.s32 $0x3E87, v0;
	[tilespmem:$0x1FC10] =	vst v53  }
0x1ed: {  	s24 =	simm.s32 $0x4;
	s5 =	sadd.s32 $0x64400, s0;
	[dreg:$0x5] =	wrdreg s26;
	v0 =	vadd.s32 $0x4B07, v0;
	[tilespmem:$0x1FC20] =	vst v60  }
0x1ee: {  	vm0 =	vcmask $0x1F10;
	s25 =	simm.s32 $0x12800;
	s26 =	simm.s32 $0x12C00;
	s0 =	simm.s32 $0x14000;
	[tilespmem:$0x1FC40] =	vst v0  }
.LBB2_16:
0x1ef: {  	s6 =	rddreg [dreg:$0x6]  }
0x1f0: {  	s4 =	rddreg [dreg:$0x5];
	s6 =	sadd.s32 $0x1, s6  }
0x1f1: {  	p0 =	sne.s32 s6, s4  }
.Ltmp1:
0x1f2: {  	_ = 	snop;
	(pc) =	sbr.rel @!p0 .LBB2_17-.Ltmp1, $1  }
0x1f3: {  	_ =	sdelay $0x3  }
.LBB2_1:
.Ltmp2:
0x1f4: {  	(pc) =	sbr.rel .LBB2_2-.Ltmp2, $2  }
0x1f5: {  	_ =	sdelay $0x2  }
0x1f6: {  	[dreg:$0x6] =	wrdreg s6;
	s4 =	simm.s32 $0x0  }
.LBB2_15:
0x1f7: {  	_ =	swait.ge [sflag:s7], $0x400  }
0x1f8: {  	[sflag:s7] =	ssyncset.done $0x0  }
0x1f9: {  	[sflag:s7] =	ssyncadd.s32 $0xFFFFFC00  }
0x1fa: {  	_ =	swait.ge [sflag:s7], $0x400  }
0x1fb: {  	[sflag:s7] =	ssyncset.done $0x0  }
0x1fc: {  	[sflag:s7] =	ssyncadd.s32 $0xFFFFFC00  }
0x1fd: {  	_ =	swait.ge [sflag:s7], $0x400  }
0x1fe: {  	[sflag:s7] =	ssyncset.done $0x0  }
0x1ff: {  	[sflag:s7] =	ssyncadd.s32 $0xFFFFFC00  }
0x200: {  	_ =	swait.ge [sflag:s7], $0x400  }
0x201: {  	[sflag:s7] =	ssyncset.done $0x0  }
0x202: {  	[sflag:s7] =	ssyncadd.s32 $0xFFFFFC00  }
0x203: {  	_ =	swait.ge [sflag:s7], $0x400  }
0x204: {  	[sflag:s7] =	ssyncset.done $0x0  }
0x205: {  	[sflag:s7] =	ssyncadd.s32 $0xFFFFFC00  }
0x206: {  	_ =	swait.ge [sflag:s7], $0x400  }
0x207: {  	[sflag:s7] =	ssyncset.done $0x0  }
0x208: {  	[sflag:s7] =	ssyncadd.s32 $0xFFFFFC00  }
0x209: {  	_ =	swait.ge [sflag:s7], $0x400  }
0x20a: {  	[sflag:s7] =	ssyncset.done $0x0  }
0x20b: {  	[sflag:s7] =	ssyncadd.s32 $0xFFFFFC00  }
0x20c: {  	_ =	swait.ge [sflag:s7], $0x400  }
0x20d: {  	[sflag:s7] =	ssyncset.done $0x0  }
0x20e: {  	[sflag:s7] =	ssyncadd.s32 $0xFFFFFC00  }
0x20f: {  	_ =	swait.ge [sflag:s24], $0x400  }
0x210: {  	[sflag:s24] =	ssyncset.done $0x0  }
0x211: {  	[sflag:s24] =	ssyncadd.s32 $0xFFFFFC00  }
0x212: {  	_ =	swait.ge [sflag:s24], $0x400  }
0x213: {  	[sflag:s24] =	ssyncset.done $0x0  }
0x214: {  	[sflag:s24] =	ssyncadd.s32 $0xFFFFFC00  }
0x215: {  	_ =	swait.ge [sflag:s24], $0x400  }
0x216: {  	[sflag:s24] =	ssyncset.done $0x0  }
0x217: {  	[sflag:s24] =	ssyncadd.s32 $0xFFFFFC00  }
0x218: {  	_ =	swait.ge [sflag:s24], $0x400  }
0x219: {  	[sflag:s24] =	ssyncset.done $0x0  }
0x21a: {  	[sflag:s24] =	ssyncadd.s32 $0xFFFFFC00  }
0x21b: {  	_ =	swait.ge [sflag:s24], $0x400  }
0x21c: {  	[sflag:s24] =	ssyncset.done $0x0  }
0x21d: {  	[sflag:s24] =	ssyncadd.s32 $0xFFFFFC00  }
0x21e: {  	_ =	swait.ge [sflag:s24], $0x400  }
0x21f: {  	[sflag:s24] =	ssyncset.done $0x0  }
0x220: {  	[sflag:s24] =	ssyncadd.s32 $0xFFFFFC00  }
0x221: {  	_ =	swait.ge [sflag:s24], $0x400  }
0x222: {  	[sflag:s24] =	ssyncset.done $0x0  }
0x223: {  	[sflag:s24] =	ssyncadd.s32 $0xFFFFFC00  }
0x224: {  	_ =	swait.ge [sflag:s24], $0x400  }
0x225: {  	v54 =	vld [tilespmem:$0x1FC50]  }
0x226: {  	v47 =	vld [tilespmem:$0x1FF40]  }
0x227: {  	v45 =	vld [tilespmem:$0x1FF50]  }
0x228: {  	v46 =	vld [tilespmem:$0x1FF60]  }
0x229: {  	v44 =	vld [tilespmem:$0x1FF70]  }
0x22a: {  	s4 =	rddreg [dreg:$0x7];
	v49 =	vld [tilespmem:$0x1FF80]  }
0x22b: {  	v50 =	vld [tilespmem:$0x1FF90];
	s4 =	sadd.s32 $0x1, s4  }
0x22c: {  	v56 =	vld [tilespmem:$0x1FFA0];
	p0 =	sne.s32 s4, $0x4  }
.Ltmp3:
0x22d: {  	v35 =	vld [tilespmem:$0x1FFB0];
	(pc) =	sbr.rel @!p0 .LBB2_16-.Ltmp3, $4  }
0x22e: {  	v48 =	vld [tilespmem:$0x1FFC0]  }
0x22f: {  	v52 =	vld [tilespmem:$0x1FFD0]  }
0x230: {  	[sflag:s24] =	ssyncset.done $0x0;
	v62 =	vld [tilespmem:$0x1FFE0]  }
0x231: {  	v63 =	vld [tilespmem:$0x1FFF0];
	[sflag:s24] =	ssyncadd.s32 $0xFFFFFC00  }
.LBB2_2:
0x232: {  	s6 =	simm.s32 $0x0  }
0x233: {  	s8 =	simm.s32 $0x2;
	v0 =	vmov s6  }
0x234: {  	v2 =	vmov s8;
	s8 =	simm.s32 $0x4;
	v0 =	vshrl.u32 v0, $0x3  }
0x235: {  	s12 =	simm.s32 $0x1;
	v4 =	vmov s8;
	s8 =	simm.s32 $0x7;
	v0 =	vshll.u32 v0, v54  }
0x236: {  	s10 =	smov.u32 s4;
	v6 =	vmov s8;
	s8 =	rddreg [dreg:$0x4];
	v1 =	vbroadcast v0, $0x0;
	v0 =	vmov s12;
	s12 =	simm.s32 $0x3  }
0x237: {  	s4 =	sadd.s32 s8, s10;
	v3 =	vmov s12;
	s12 =	simm.s32 $0x5  }
0x238: {  	[dreg:$0x7] =	wrdreg s10;
	s10 =	smul.u32 $0xC80, s4;
	v5 =	vmov s12;
	s12 =	simm.s32 $0x6  }
0x239: {  	v7 =	vmov s12;
	s12 =	rddreg [dreg:$0x3]  }
0x23a: {  	v30 =	vld [tilespmem:$0x1FC30];
	v2 =	vshrl.u32 v2, $0x3;
	s8 =	sadd.s32 s12, s10;
	s10 =	simm.s32 $0x5  }
0x23b: {  	v31 =	vld [tilespmem:$0x1FBD0];
	v4 =	vshrl.u32 v4, $0x3;
	v6 =	vshrl.u32 v6, $0x3;
	v0 =	vshrl.u32 v0, $0x3;
	[tilespmem:s6], [sflag:$0x5] =	stream.linear.gather [hbm4b:s8+s6], $0x6400, $0x38  }
0x23c: {  	v6 =	vshll.u32 v6, v54;
	v3 =	vshrl.u32 v3, $0x3;
	v0 =	vshll.u32 v0, v54;
	_ =	swait.ge [sflag:s10], $0x6400  }
0x23d: {  	v6 =	vbroadcast v6, $0x0;
	v8 =	vbroadcast v0, $0x0;
	v0 =	vshll.u32 v2, v54;
	v38 =	vld [tilespmem:$0x1F990]  }
0x23e: {  	v11 =	vshrl.u32 v7, $0x3;
	v7 =	vbroadcast v0, $0x0;
	v0 =	vshll.u32 v3, v54;
	v61 =	vld [tilespmem:$0x1FA10]  }
0x23f: {  	v9 =	vadd.s32 v30, v1;
	v10 =	vshrl.u32 v5, $0x3;
	v5 =	vbroadcast v0, $0x0;
	v43 =	vld [tilespmem:$0x1FAD0]  }
0x240: {  	v12 =	vadd.s32 v31, v6;
	v0 =	vshll.u32 v4, v54;
	v40 =	vld [tilespmem:$0x1FB50]  }
0x241: {  	v4 =	vbroadcast v0, $0x0;
	v0 =	vshll.u32 v10, v54;
	v10 =	vadd.s32 v47, v5;
	v57 =	vld [tilespmem:$0x1FBE0]  }
0x242: {  	[sflag:s10] =	ssyncset.done $0x0;
	v39 =	vld [tilespmem:$0x1F9A0];
	v13 =	vadd.s32 v38, v8  }
0x243: {  	v3 =	vbroadcast v0, $0x0;
	v0 =	vshll.u32 v11, v54;
	v18 =	vld [tilespmem:$0x1FA20];
	[sflag:s10] =	ssyncadd.s32 $0xFFFF9C00;
	v11 =	vadd.s32 v56, v4  }
0x244: {  	v2 =	vbroadcast v0, $0x0;
	v9 =	vld.idx.msk [tilespmem:v9+s2+$0x0], $0xffff;
	v14 =	vadd.s32 v61, v7  }
0x245: {  	v12 =	vld.idx.msk [tilespmem:v12+s2+$0x0], $0xffff;
	v20 =	vadd.s32 v43, v3  }
0x246: {  	v15 =	vadd.s32 v40, v2;
	v10 =	vld.idx.msk [tilespmem:v10+s2+$0x0], $0xffff  }
0x247: {  	v16 =	vadd.s32 v57, v6;
	v13 =	vld.idx.msk [tilespmem:v13+s2+$0x0], $0xffff  }
0x248: {  	v11 =	vld.idx.msk [tilespmem:v11+s2+$0x0], $0xffff  }
0x249: {  	v17 =	vadd.s32 v39, v8;
	v14 =	vld.idx.msk [tilespmem:v14+s2+$0x0], $0xffff  }
0x24a: {  	s6 =	simm.s32 $0x6600;
	v21 =	vld.idx.msk [tilespmem:v20+s2+$0x0], $0xffff  }
0x24b: {  	v60 =	vmov v18;
	v18 =	vadd.s32 v18, v7;
	[tilespmem:s6+$0x180] =	vst v12;
	v15 =	vld.idx.msk [tilespmem:v15+s2+$0x0], $0xffff  }
0x24c: {  	[tilespmem:s6+$0xFFFFFE80] =	vst v13;
	v13 =	vld.idx.msk [tilespmem:v16+s2+$0x0], $0xffff  }
0x24d: {  	v12 =	vld [tilespmem:$0x1FAE0]  }
0x24e: {  	v19 =	vadd.s32 v45, v5;
	v16 =	vld.idx.msk [tilespmem:v17+s2+$0x0], $0xffff;
	[tilespmem:s6+$0xFFFFFF00] =	vst v14  }
0x24f: {  	v14 =	vld [tilespmem:$0x1FB60]  }
0x250: {  	v17 =	vld.idx.msk [tilespmem:v18+s2+$0x0], $0xffff;
	[tilespmem:s6+$0xFFFFFF80] =	vst v10  }
0x251: {  	v10 =	vld [tilespmem:$0x1FBF0]  }
0x252: {  	v18 =	vld [tilespmem:$0x1F920]  }
0x253: {  	v20 =	vadd.s32 v35, v4;
	v19 =	vld.idx.msk [tilespmem:v19+s2+$0x0], $0xffff;
	[tilespmem:s6+$0x0] =	vst v11  }
0x254: {  	v11 =	vld [tilespmem:$0x1F9B0];
	[tilespmem:s6+$0x80] =	vst v21  }
0x255: {  	v21 =	vld [tilespmem:$0x1FA30];
	[tilespmem:s6+$0x100] =	vst v15  }
0x256: {  	[tilespmem:s6+$0x190] =	vst v13  }
0x257: {  	[tilespmem:s6+$0xFFFFFE00] =	vst v9;
	v36 =	vmov v12;
	v12 =	vadd.s32 v12, v3  }
0x258: {  	v0 =	vmov v56;
	v20 =	vld.idx.msk [tilespmem:v20+s2+$0x0], $0xffff;
	[tilespmem:s6+$0xFFFFFE90] =	vst v16;
	v56 =	vmov v14;
	v14 =	vadd.s32 v14, v2  }
0x259: {  	v16 =	vld [tilespmem:$0x1FAF0];
	[tilespmem:s6+$0xFFFFFF10] =	vst v17;
	v53 =	vmov v18;
	v18 =	vadd.s32 v18, v1  }
0x25a: {  	v17 =	vld [tilespmem:$0x1FC00];
	[tilespmem:s6+$0xFFFFFF90] =	vst v19  }
0x25b: {  	v37 =	vmov v10;
	v10 =	vadd.s32 v10, v6;
	v19 =	vld [tilespmem:$0x1F930]  }
0x25c: {  	v12 =	vld.idx.msk [tilespmem:v12+s2+$0x0], $0xffff  }
0x25d: {  	v55 =	vmov v11;
	v11 =	vadd.s32 v11, v8;
	v14 =	vld.idx.msk [tilespmem:v14+s2+$0x0], $0xffff  }
0x25e: {  	v15 =	vadd.s32 v46, v5;
	v13 =	vld.idx.msk [tilespmem:v18+s2+$0x0], $0xffff  }
0x25f: {  	v18 =	vld [tilespmem:$0x1FB70]  }
0x260: {  	v9 =	vadd.s32 v48, v4;
	v10 =	vld.idx.msk [tilespmem:v10+s2+$0x0], $0xffff;
	[tilespmem:s6+$0x10] =	vst v20  }
0x261: {  	v59 =	vmov v21;
	v21 =	vadd.s32 v21, v7;
	v20 =	vld [tilespmem:$0x1F9C0]  }
0x262: {  	v17 =	vadd.s32 v17, v6;
	v11 =	vld.idx.msk [tilespmem:v11+s2+$0x0], $0xffff  }
0x263: {  	v15 =	vld.idx.msk [tilespmem:v15+s2+$0x0], $0xffff;
	[tilespmem:s6+$0x90] =	vst v12  }
0x264: {  	v12 =	vld [tilespmem:$0x1FA40];
	[tilespmem:s6+$0x110] =	vst v14;
	v18 =	vadd.s32 v18, v2  }
0x265: {  	v19 =	vadd.s32 v19, v1;
	v9 =	vld.idx.msk [tilespmem:v9+s2+$0x0], $0xffff;
	[tilespmem:s6+$0x1A0] =	vst v10  }
0x266: {  	v21 =	vld.idx.msk [tilespmem:v21+s2+$0x0], $0xffff;
	[tilespmem:s6+$0xFFFFFE10] =	vst v13;
	v20 =	vadd.s32 v20, v8  }
0x267: {  	v14 =	vld.idx.msk [tilespmem:v17+s2+$0x0], $0xffff;
	[tilespmem:s6+$0xFFFFFEA0] =	vst v11  }
0x268: {  	v11 =	vld [tilespmem:$0x1FC10]  }
0x269: {  	v16 =	vadd.s32 v16, v3;
	v17 =	vld.idx.msk [tilespmem:v18+s2+$0x0], $0xffff  }
0x26a: {  	v18 =	vld.idx.msk [tilespmem:v19+s2+$0x0], $0xffff  }
0x26b: {  	[tilespmem:s6+$0xFFFFFF20] =	vst v21;
	v12 =	vadd.s32 v12, v7;
	v19 =	vld.idx.msk [tilespmem:v20+s2+$0x0], $0xffff  }
0x26c: {  	v20 =	vld [tilespmem:$0x1FB00];
	_ =	sdelay $0x1  }
0x26d: {  	v16 =	vld.idx.msk [tilespmem:v16+s2+$0x0], $0xffff;
	[tilespmem:s6+$0xFFFFFFA0] =	vst v15  }
0x26e: {  	v15 =	vld [tilespmem:$0x1FB80]  }
0x26f: {  	v10 =	vadd.s32 v44, v5;
	v12 =	vld.idx.msk [tilespmem:v12+s2+$0x0], $0xffff  }
0x270: {  	v21 =	vadd.s32 v20, v3;
	v20 =	vld [tilespmem:$0x1F940];
	[tilespmem:s6+$0x20] =	vst v9  }
0x271: {  	v13 =	vadd.s32 v52, v4;
	v9 =	vld [tilespmem:$0x1F9D0];
	[tilespmem:s6+$0x1B0] =	vst v14  }
0x272: {  	v11 =	vadd.s32 v11, v6;
	v14 =	vld [tilespmem:$0x1FA50];
	[tilespmem:s6+$0xA0] =	vst v16  }
0x273: {  	[tilespmem:s6+$0x120] =	vst v17  }
0x274: {  	v10 =	vld.idx.msk [tilespmem:v10+s2+$0x0], $0xffff;
	[tilespmem:s6+$0xFFFFFE20] =	vst v18  }
0x275: {  	v17 =	vld [tilespmem:$0x1FC20]  }
0x276: {  	v15 =	vadd.s32 v15, v2;
	v13 =	vld.idx.msk [tilespmem:v13+s2+$0x0], $0xffff;
	[tilespmem:s6+$0xFFFFFEB0] =	vst v19  }
0x277: {  	v11 =	vld.idx.msk [tilespmem:v11+s2+$0x0], $0xffff;
	[tilespmem:s6+$0xFFFFFF30] =	vst v12;
	v20 =	vadd.s32 v20, v1  }
0x278: {  	v12 =	vld [tilespmem:$0x1FB10]  }
0x279: {  	[tilespmem:s6+$0xFFFFFFB0] =	vst v10;
	v21 =	vld.idx.msk [tilespmem:v21+s2+$0x0], $0xffff  }
0x27a: {  	v10 =	vld [tilespmem:$0x1FB90];
	v17 =	vadd.s32 v17, v6  }
0x27b: {  	v15 =	vld.idx.msk [tilespmem:v15+s2+$0x0], $0xffff  }
0x27c: {  	v16 =	vadd.s32 v49, v5;
	v18 =	vld.idx.msk [tilespmem:v20+s2+$0x0], $0xffff  }
0x27d: {  	v9 =	vadd.s32 v9, v8;
	v20 =	vld [tilespmem:$0x1F950];
	[tilespmem:s6+$0x1C0] =	vst v11  }
0x27e: {  	v14 =	vadd.s32 v14, v7;
	v11 =	vld [tilespmem:$0x1F9E0]  }
0x27f: {  	[tilespmem:s6+$0x30] =	vst v13;
	v13 =	vld.idx.msk [tilespmem:v17+s2+$0x0], $0xffff  }
0x280: {  	v19 =	vadd.s32 v62, v4;
	v17 =	vld [tilespmem:$0x1FA60]  }
0x281: {  	v16 =	vld.idx.msk [tilespmem:v16+s2+$0x0], $0xffff;
	v12 =	vadd.s32 v12, v3  }
0x282: {  	v9 =	vld.idx.msk [tilespmem:v9+s2+$0x0], $0xffff;
	[tilespmem:s6+$0xB0] =	vst v21;
	v20 =	vadd.s32 v20, v1  }
0x283: {  	v14 =	vld.idx.msk [tilespmem:v14+s2+$0x0], $0xffff;
	[tilespmem:s6+$0x130] =	vst v15;
	v11 =	vadd.s32 v11, v8  }
0x284: {  	v15 =	vld [tilespmem:$0x1FC40]  }
0x285: {  	v19 =	vld.idx.msk [tilespmem:v19+s2+$0x0], $0xffff;
	v17 =	vadd.s32 v17, v7  }
0x286: {  	v12 =	vld.idx.msk [tilespmem:v12+s2+$0x0], $0xffff;
	[tilespmem:s6+$0xFFFFFE30] =	vst v18  }
0x287: {  	[tilespmem:s6+$0xFFFFFEC0] =	vst v9;
	v18 =	vld.idx.msk [tilespmem:v20+s2+$0x0], $0xffff  }
0x288: {  	v10 =	vadd.s32 v10, v2;
	[tilespmem:s6+$0xFFFFFF40] =	vst v14;
	v20 =	vld.idx.msk [tilespmem:v11+s2+$0x0], $0xffff  }
0x289: {  	v21 =	vadd.s32 v15, v6;
	v11 =	vld [tilespmem:$0x1FB20]  }
0x28a: {  	v14 =	vld.idx.msk [tilespmem:v17+s2+$0x0], $0xffff  }
0x28b: {  	v15 =	vadd.s32 v50, v5;
	v17 =	vld [tilespmem:$0x1FBA0];
	[tilespmem:s6+$0x1D0] =	vst v13  }
0x28c: {  	v9 =	vadd.s32 v63, v4;
	v13 =	vld [tilespmem:$0x1F960]  }
0x28d: {  	v10 =	vld.idx.msk [tilespmem:v10+s2+$0x0], $0xffff  }
0x28e: {  	[tilespmem:s6+$0xFFFFFFC0] =	vst v16;
	v16 =	vld.idx.msk [tilespmem:v21+s2+$0x0], $0xffff  }
0x28f: {  	v21 =	vld [tilespmem:$0x1F9F0];
	[tilespmem:s6+$0x40] =	vst v19  }
0x290: {  	v15 =	vld.idx.msk [tilespmem:v15+s2+$0x0], $0xffff;
	v19 =	vadd.s32 $0x5787, v30;
	[tilespmem:s6+$0xC0] =	vst v12;
	v11 =	vadd.s32 v11, v3  }
0x291: {  	v22 =	vld.idx.msk [tilespmem:v9+s2+$0x0], $0xffff;
	[tilespmem:$0x1F410] =	vst v19;
	v13 =	vadd.s32 v13, v1  }
0x292: {  	v9 =	vadd.s32 v19, v6;
	v6 =	vld [tilespmem:$0x1FA70];
	[tilespmem:s6+$0x140] =	vst v10  }
0x293: {  	[tilespmem:s6+$0xFFFFFE40] =	vst v18;
	v17 =	vadd.s32 v17, v2  }
0x294: {  	v10 =	vld [tilespmem:$0x1FA90]  }
0x295: {  	v23 =	vld.idx.msk [tilespmem:v11+s2+$0x0], $0xffff  }
0x296: {  	[tilespmem:s6+$0xFFFFFED0] =	vst v20;
	v11 =	vld.idx.msk [tilespmem:v13+s2+$0x0], $0xffff  }
0x297: {  	v13 =	vld [tilespmem:$0x1FB30]  }
0x298: {  	v26 =	vld.idx.msk [tilespmem:v17+s2+$0x0], $0xffff  }
0x299: {  	v12 =	vadd.s32 v6, v7;
	v18 =	vadd.s32 v10, v5;
	v10 =	vld [tilespmem:$0x1FAB0];
	[tilespmem:s6+$0x1E0] =	vst v16  }
0x29a: {  	[tilespmem:s6+$0xFFFFFF50] =	vst v14;
	v17 =	vld.idx.msk [tilespmem:v9+s2+$0x0], $0xffff  }
0x29b: {  	v21 =	vadd.s32 v21, v8;
	v9 =	vld [tilespmem:$0x1F970]  }
0x29c: {  	v27 =	vadd.s32 v13, v3;
	v13 =	vld [tilespmem:$0x1FBB0];
	[tilespmem:s6+$0xFFFFFFD0] =	vst v15  }
0x29d: {  	[tilespmem:s6+$0x50] =	vst v22  }
0x29e: {  	v12 =	vld.idx.msk [tilespmem:v12+s2+$0x0], $0xffff;
	[tilespmem:s6+$0xD0] =	vst v23  }
0x29f: {  	v58 =	vld [tilespmem:$0x1FA00]  }
0x2a0: {  	v20 =	vadd.s32 v10, v4;
	v10 =	vld.idx.msk [tilespmem:v21+s2+$0x0], $0xffff;
	[tilespmem:s6+$0x150] =	vst v26  }
0x2a1: {  	v52 =	vld [tilespmem:$0x1F980]  }
0x2a2: {  	v32 =	vmov v62;
	s12 =	simm.s32 $0x8;
	v62 =	vld [tilespmem:$0x1FAA0]  }
0x2a3: {  	v6 =	vmov s12;
	v42 =	vld [tilespmem:$0x1FAC0]  }
0x2a4: {  	s10 =	simm.s32 $0x9;
	s12 =	simm.s32 $0xA;
	v6 =	vshrl.u32 v6, $0x3;
	v22 =	vadd.s32 v58, v8;
	v8 =	vld [tilespmem:$0x1FA80]  }
0x2a5: {  	v33 =	vmovc v63;
	v28 =	vmov s12;
	s12 =	simm.s32 $0xC;
	v6 =	vshll.u32 v6, v54;
	v21 =	vmov s10;
	s10 =	simm.s32 $0xB;
	v63 =	vld [tilespmem:$0x1FB40]  }
0x2a6: {  	v25 =	vmov s12;
	s12 =	simm.s32 $0xE;
	v6 =	vbroadcast v6, $0x0;
	v29 =	vmov s10;
	v34 =	vld [tilespmem:$0x1FBC0]  }
0x2a7: {  	s10 =	simm.s32 $0xD;
	v21 =	vshrl.u32 v21, $0x3;
	v23 =	vmov s12;
	v19 =	vadd.s32 v9, v1;
	v14 =	vld.idx.msk [tilespmem:v20+s2+$0x0], $0xffff  }
0x2a8: {  	v9 =	vadd.s32 v30, v6;
	v24 =	vmov s10;
	v16 =	vadd.s32 v13, v2;
	v13 =	vld.idx.msk [tilespmem:v18+s2+$0x0], $0xffff  }
0x2a9: {  	s8 =	simm.s32 $0xF;
	s12 =	simm.s32 $0x10;
	v20 =	vshrl.u32 v28, $0x3;
	v18 =	vshrl.u32 v29, $0x3;
	v15 =	vld.idx.msk [tilespmem:v27+s2+$0x0], $0xffff;
	v7 =	vadd.s32 v8, v7  }
.LBB2_3:
0x2aa: {  	_ =	sdelay $0x1  }
0x2ab: {  	[tilespmem:s6+$0xFFFFFE50] =	vst v11  }
0x2ac: {  	v25 =	vshrl.u32 v25, $0x3;
	v8 =	vmov s8;
	v5 =	vadd.s32 v62, v5;
	v11 =	vld.idx.msk [tilespmem:v16+s2+$0x0], $0xffff;
	[tilespmem:s6+$0x1F0] =	vst v17  }
0x2ad: {  	v16 =	vshrl.u32 v24, $0x3;
	v4 =	vadd.s32 v42, v4;
	[tilespmem:s6+$0xFFFFFEE0] =	vst v10;
	v8 =	vshrl.u32 v8, $0x3;
	v19 =	vld.idx.msk [tilespmem:v19+s2+$0x0], $0xffff  }
0x2ae: {  	v23 =	vshrl.u32 v23, $0x3;
	v2 =	vadd.s32 v34, v2;
	v17 =	vld.idx.msk [tilespmem:v9+s2+$0x0], $0xffff;
	v8 =	vshll.u32 v8, v54;
	[tilespmem:s6+$0xFFFFFF60] =	vst v12  }
0x2af: {  	v3 =	vadd.s32 v63, v3;
	v10 =	vshll.u32 v21, v54;
	v21 =	vld.idx.msk [tilespmem:v22+s2+$0x0], $0xffff;
	v9 =	vbroadcast v8, $0x0;
	[tilespmem:s6+$0xFFFFFFE0] =	vst v13  }
0x2b0: {  	v1 =	vadd.s32 v52, v1;
	v8 =	vbroadcast v10, $0x0;
	v10 =	vshll.u32 v20, v54;
	[tilespmem:s6+$0x60] =	vst v14;
	v12 =	vld.idx.msk [tilespmem:v7+s2+$0x0], $0xffff  }
0x2b1: {  	[tilespmem:s6+$0xE0] =	vst v15;
	v7 =	vbroadcast v10, $0x0;
	v10 =	vshll.u32 v18, v54;
	v13 =	vadd.s32 v31, v9;
	v18 =	vld.idx.msk [tilespmem:v5+s2+$0x0], $0xffff  }
0x2b2: {  	v14 =	vadd.s32 v38, v8;
	v20 =	vld.idx.msk [tilespmem:v4+s2+$0x0], $0xffff;
	[tilespmem:s6+$0x160] =	vst v11;
	v5 =	vbroadcast v10, $0x0;
	v10 =	vshll.u32 v25, v54  }
0x2b3: {  	[tilespmem:s6+$0xFFFFFE60] =	vst v19;
	v19 =	vld.idx.msk [tilespmem:v2+s2+$0x0], $0xffff;
	v15 =	vadd.s32 v61, v7;
	v4 =	vbroadcast v10, $0x0;
	v10 =	vshll.u32 v16, v54  }
0x2b4: {  	v16 =	vld.idx.msk [tilespmem:v3+s2+$0x0], $0xffff;
	v11 =	vadd.s32 v47, v5;
	v3 =	vbroadcast v10, $0x0;
	v10 =	vshll.u32 v23, v54  }
0x2b5: {  	[tilespmem:s6+$0xFFFFFEF0] =	vst v21;
	v22 =	vadd.s32 v0, v4;
	v2 =	vbroadcast v10, $0x0;
	v10 =	vld.idx.msk [tilespmem:v1+s2+$0x0], $0xffff  }
0x2b6: {  	v1 =	vmov v6;
	v6 =	vadd.s32 v43, v3;
	v13 =	vld.idx.msk [tilespmem:v13+s2+$0x0], $0xffff;
	[tilespmem:s6+$0xFFFFFF70] =	vst v12  }
0x2b7: {  	v12 =	vld.idx.msk [tilespmem:v14+s2+$0x0], $0xffff;
	[tilespmem:s6+$0xFFFFFFF0] =	vst v18;
	v14 =	vadd.s32 v40, v2  }
0x2b8: {  	v18 =	vadd.s32 v57, v9;
	[tilespmem:s6+$0x70] =	vst v20;
	v15 =	vld.idx.msk [tilespmem:v15+s2+$0x0], $0xffff  }
0x2b9: {  	v20 =	vadd.s32 v39, v8;
	[tilespmem:s6+$0x170] =	vst v19;
	v11 =	vld.idx.msk [tilespmem:v11+s2+$0x0], $0xffff  }
0x2ba: {  	[tilespmem:s6+$0xF0] =	vst v16;
	v16 =	vadd.s32 v60, v7;
	v21 =	vld.idx.msk [tilespmem:v22+s2+$0x0], $0xffff  }
0x2bb: {  	v19 =	vadd.s32 v45, v5;
	[tilespmem:s6+$0xFFFFFE70] =	vst v10;
	s6 =	sadd.s32 $0x400, s6;
	v6 =	vld.idx.msk [tilespmem:v6+s2+$0x0], $0xffff  }
0x2bc: {  	v10 =	vadd.s32 v35, v4;
	[tilespmem:s6+$0x180] =	vst v13;
	v14 =	vld.idx.msk [tilespmem:v14+s2+$0x0], $0xffff  }
0x2bd: {  	[tilespmem:s6+$0xFFFFFE80] =	vst v12;
	v12 =	vadd.s32 v36, v3;
	v13 =	vld.idx.msk [tilespmem:v18+s2+$0x0], $0xffff  }
0x2be: {  	v18 =	vld.idx.msk [tilespmem:v20+s2+$0x0], $0xffff;
	v20 =	vadd.s32 v53, v1;
	[tilespmem:s6+$0xFFFFFF00] =	vst v15  }
0x2bf: {  	v16 =	vld.idx.msk [tilespmem:v16+s2+$0x0], $0xffff;
	[tilespmem:s6+$0xFFFFFF80] =	vst v11  }
0x2c0: {  	v15 =	vadd.s32 v56, v2;
	v19 =	vld.idx.msk [tilespmem:v19+s2+$0x0], $0xffff;
	[tilespmem:s6+$0x0] =	vst v21  }
0x2c1: {  	v11 =	vadd.s32 v37, v9;
	v10 =	vld.idx.msk [tilespmem:v10+s2+$0x0], $0xffff;
	[tilespmem:s6+$0x80] =	vst v6  }
0x2c2: {  	[tilespmem:s6+$0xFFFFFE00] =	vst v17;
	v12 =	vld.idx.msk [tilespmem:v12+s2+$0x0], $0xffff  }
0x2c3: {  	v21 =	vadd.s32 v55, v8;
	[tilespmem:s6+$0x100] =	vst v14;
	v17 =	vld.idx.msk [tilespmem:v20+s2+$0x0], $0xffff  }
0x2c4: {  	[tilespmem:s6+$0xFFFFFE90] =	vst v18;
	v18 =	vld [tilespmem:$0x1FAF0]  }
0x2c5: {  	[tilespmem:s6+$0x190] =	vst v13;
	v15 =	vld.idx.msk [tilespmem:v15+s2+$0x0], $0xffff  }
0x2c6: {  	v6 =	vadd.s32 v59, v7;
	v11 =	vld.idx.msk [tilespmem:v11+s2+$0x0], $0xffff  }
0x2c7: {  	[tilespmem:s6+$0xFFFFFF10] =	vst v16;
	v16 =	vld [tilespmem:$0x1FC00]  }
0x2c8: {  	v14 =	vadd.s32 v46, v5;
	v20 =	vld.idx.msk [tilespmem:v21+s2+$0x0], $0xffff  }
0x2c9: {  	v13 =	vadd.s32 v48, v4;
	[tilespmem:s6+$0xFFFFFF90] =	vst v19;
	v19 =	vld [tilespmem:$0x1FB70]  }
0x2ca: {  	v21 =	vld [tilespmem:$0x1F930]  }
0x2cb: {  	v6 =	vld.idx.msk [tilespmem:v6+s2+$0x0], $0xffff  }
0x2cc: {  	[tilespmem:s6+$0x10] =	vst v10;
	v10 =	vld [tilespmem:$0x1F9C0]  }
0x2cd: {  	v18 =	vadd.s32 v18, v3;
	v14 =	vld.idx.msk [tilespmem:v14+s2+$0x0], $0xffff  }
0x2ce: {  	v13 =	vld.idx.msk [tilespmem:v13+s2+$0x0], $0xffff  }
0x2cf: {  	[tilespmem:s6+$0x90] =	vst v12;
	v12 =	vld [tilespmem:$0x1FA40]  }
0x2d0: {  	v16 =	vadd.s32 v16, v9;
	[tilespmem:s6+$0xFFFFFEA0] =	vst v20;
	v20 =	vld [tilespmem:$0x1FC10]  }
0x2d1: {  	[tilespmem:s6+$0xFFFFFF20] =	vst v6;
	v6 =	vld [tilespmem:$0x1FB00]  }
0x2d2: {  	[tilespmem:s6+$0x1A0] =	vst v11;
	v11 =	vadd.s32 v44, v5;
	v18 =	vld.idx.msk [tilespmem:v18+s2+$0x0], $0xffff  }
0x2d3: {  	v19 =	vadd.s32 v19, v2;
	[tilespmem:s6+$0xFFFFFFA0] =	vst v14;
	v14 =	vld [tilespmem:$0x1FB80]  }
0x2d4: {  	v21 =	vadd.s32 v21, v1;
	[tilespmem:s6+$0x20] =	vst v13;
	v13 =	vld [tilespmem:$0x1F9D0]  }
0x2d5: {  	[tilespmem:s6+$0x110] =	vst v15;
	v15 =	vld.idx.msk [tilespmem:v16+s2+$0x0], $0xffff  }
0x2d6: {  	v10 =	vadd.s32 v10, v8;
	v16 =	vld [tilespmem:$0x1FFD0]  }
0x2d7: {  	v12 =	vadd.s32 v12, v7;
	v11 =	vld.idx.msk [tilespmem:v11+s2+$0x0], $0xffff  }
0x2d8: {  	[tilespmem:s6+$0xFFFFFE10] =	vst v17;
	v17 =	vld.idx.msk [tilespmem:v19+s2+$0x0], $0xffff  }
0x2d9: {  	v19 =	vld.idx.msk [tilespmem:v21+s2+$0x0], $0xffff  }
0x2da: {  	v20 =	vadd.s32 v20, v9;
	v21 =	vld [tilespmem:$0x1F940]  }
0x2db: {  	v10 =	vld.idx.msk [tilespmem:v10+s2+$0x0], $0xffff  }
0x2dc: {  	v6 =	vadd.s32 v6, v3;
	v12 =	vld.idx.msk [tilespmem:v12+s2+$0x0], $0xffff  }
0x2dd: {  	v14 =	vadd.s32 v14, v2;
	[tilespmem:s6+$0x1B0] =	vst v15;
	v15 =	vld [tilespmem:$0x1FA50]  }
0x2de: {  	v13 =	vadd.s32 v13, v8;
	[tilespmem:s6+$0xFFFFFFB0] =	vst v11;
	v11 =	vld [tilespmem:$0x1FB90]  }
0x2df: {  	[tilespmem:s6+$0xA0] =	vst v18;
	v18 =	vld.idx.msk [tilespmem:v20+s2+$0x0], $0xffff  }
0x2e0: {  	v16 =	vadd.s32 v16, v4;
	[tilespmem:s6+$0x120] =	vst v17;
	v17 =	vld [tilespmem:$0x1FC20]  }
0x2e1: {  	v21 =	vadd.s32 v21, v1;
	v6 =	vld.idx.msk [tilespmem:v6+s2+$0x0], $0xffff  }
0x2e2: {  	[tilespmem:s6+$0xFFFFFEB0] =	vst v10;
	v14 =	vld.idx.msk [tilespmem:v14+s2+$0x0], $0xffff  }
0x2e3: {  	v20 =	vadd.s32 v49, v5;
	v13 =	vld.idx.msk [tilespmem:v13+s2+$0x0], $0xffff  }
0x2e4: {  	[tilespmem:s6+$0xFFFFFF30] =	vst v12;
	v12 =	vld [tilespmem:$0x1FB10]  }
0x2e5: {  	[tilespmem:s6+$0xFFFFFE20] =	vst v19;
	v16 =	vld.idx.msk [tilespmem:v16+s2+$0x0], $0xffff;
	v15 =	vadd.s32 v15, v7  }
0x2e6: {  	v11 =	vadd.s32 v11, v2;
	v19 =	vld.idx.msk [tilespmem:v21+s2+$0x0], $0xffff  }
0x2e7: {  	v17 =	vadd.s32 v17, v9;
	v21 =	vld [tilespmem:$0x1F950]  }
0x2e8: {  	v20 =	vld.idx.msk [tilespmem:v20+s2+$0x0], $0xffff  }
0x2e9: {  	v10 =	vadd.s32 v32, v4;
	[tilespmem:s6+$0x1C0] =	vst v18;
	v18 =	vld [tilespmem:$0x1F9E0]  }
0x2ea: {  	[tilespmem:s6+$0x130] =	vst v14;
	v15 =	vld.idx.msk [tilespmem:v15+s2+$0x0], $0xffff  }
0x2eb: {  	v12 =	vadd.s32 v12, v3;
	v11 =	vld.idx.msk [tilespmem:v11+s2+$0x0], $0xffff  }
0x2ec: {  	[tilespmem:s6+$0x30] =	vst v16;
	v16 =	vld.idx.msk [tilespmem:v17+s2+$0x0], $0xffff  }
0x2ed: {  	v14 =	vadd.s32 v50, v5;
	v17 =	vld [tilespmem:$0x1FA60]  }
0x2ee: {  	[tilespmem:s6+$0xB0] =	vst v6;
	v10 =	vld.idx.msk [tilespmem:v10+s2+$0x0], $0xffff  }
0x2ef: {  	v21 =	vadd.s32 v21, v1;
	[tilespmem:s6+$0xFFFFFFC0] =	vst v20;
	v20 =	vld [tilespmem:$0x1F9F0]  }
0x2f0: {  	v6 =	vld.idx.msk [tilespmem:v12+s2+$0x0], $0xffff  }
0x2f1: {  	v12 =	vld [tilespmem:$0x1FC40]  }
0x2f2: {  	[tilespmem:s6+$0xFFFFFE30] =	vst v19;
	v14 =	vld.idx.msk [tilespmem:v14+s2+$0x0], $0xffff  }
0x2f3: {  	v18 =	vadd.s32 v18, v8;
	[tilespmem:s6+$0xFFFFFF40] =	vst v15;
	v15 =	vld [tilespmem:$0x1FB20]  }
0x2f4: {  	v19 =	vld.idx.msk [tilespmem:v21+s2+$0x0], $0xffff  }
0x2f5: {  	[tilespmem:s6+$0xFFFFFEC0] =	vst v13;
	v13 =	vadd.s32 v33, v4;
	v21 =	vld [tilespmem:$0x1FBA0]  }
0x2f6: {  	v17 =	vadd.s32 v17, v7;
	[tilespmem:s6+$0x1D0] =	vst v16;
	v16 =	vld [tilespmem:$0x1F960]  }
0x2f7: {  	[tilespmem:s6+$0x40] =	vst v10;
	v10 =	vld [tilespmem:$0x1FA90]  }
0x2f8: {  	v18 =	vld.idx.msk [tilespmem:v18+s2+$0x0], $0xffff;
	v12 =	vadd.s32 v12, v9  }
0x2f9: {  	[tilespmem:s6+$0xC0] =	vst v6;
	v6 =	vld [tilespmem:$0x1F410]  }
0x2fa: {  	v22 =	vld.idx.msk [tilespmem:v13+s2+$0x0], $0xffff;
	v15 =	vadd.s32 v15, v3  }
0x2fb: {  	v17 =	vld.idx.msk [tilespmem:v17+s2+$0x0], $0xffff;
	v21 =	vadd.s32 v21, v2  }
0x2fc: {  	v16 =	vadd.s32 v16, v1;
	v23 =	vadd.s32 v10, v5;
	v10 =	vld [tilespmem:$0x1FAB0]  }
0x2fd: {  	v12 =	vld.idx.msk [tilespmem:v12+s2+$0x0], $0xffff  }
0x2fe: {  	v20 =	vadd.s32 v20, v8;
	v9 =	vadd.s32 v6, v9;
	v6 =	vld [tilespmem:$0x1FA70]  }
0x2ff: {  	[tilespmem:s6+$0x140] =	vst v11;
	v15 =	vld.idx.msk [tilespmem:v15+s2+$0x0], $0xffff  }
0x300: {  	[tilespmem:s6+$0xFFFFFE40] =	vst v19;
	v26 =	vld.idx.msk [tilespmem:v21+s2+$0x0], $0xffff  }
0x301: {  	v11 =	vld.idx.msk [tilespmem:v16+s2+$0x0], $0xffff  }
0x302: {  	s10 =	sadd.s32 $0x1, s12;
	s8 =	sadd.s32 $0x2, s12;
	[tilespmem:s6+$0xFFFFFED0] =	vst v18;
	v16 =	vld [tilespmem:$0x1FB30]  }
0x303: {  	v28 =	vmov s8;
	v18 =	vadd.s32 v10, v4;
	v10 =	vld.idx.msk [tilespmem:v20+s2+$0x0], $0xffff;
	v20 =	vmov s10  }
0x304: {  	v21 =	vshrl.u32 v20, $0x3;
	v20 =	vshrl.u32 v28, $0x3;
	v28 =	vld [tilespmem:$0x1FA80]  }
0x305: {  	v13 =	vadd.s32 v6, v7;
	[tilespmem:s6+$0x1E0] =	vst v12;
	v12 =	vld [tilespmem:$0x1FBB0]  }
0x306: {  	[tilespmem:s6+$0xFFFFFF50] =	vst v17;
	v17 =	vld.idx.msk [tilespmem:v9+s2+$0x0], $0xffff  }
0x307: {  	p0 =	slt.u32 s12, $0xC0;
	v6 =	vmov s12;
	v9 =	vld [tilespmem:$0x1F970];
	v27 =	vadd.s32 v16, v3  }
.Ltmp4:
0x308: {  	s8 =	sadd.s32 $0x4, s12;
	[tilespmem:s6+$0x50] =	vst v22;
	v6 =	vshrl.u32 v6, $0x3;
	(pc) =	sbr.rel @p0 .LBB2_3-.Ltmp4, $4  }
0x309: {  	v25 =	vmov s8;
	[tilespmem:s6+$0xFFFFFFD0] =	vst v14;
	v22 =	vadd.s32 v58, v8;
	s10 =	sadd.s32 $0x3, s12;
	v6 =	vshll.u32 v6, v54;
	v14 =	vld.idx.msk [tilespmem:v18+s2+$0x0], $0xffff  }
0x30a: {  	v29 =	vmov s10;
	s10 =	sadd.s32 $0x5, s12;
	v6 =	vbroadcast v6, $0x0;
	v16 =	vadd.s32 v12, v2;
	v12 =	vld.idx.msk [tilespmem:v13+s2+$0x0], $0xffff  }
0x30b: {  	v24 =	vmov s10;
	s10 =	sadd.s32 $0x6, s12;
	[tilespmem:s6+$0xD0] =	vst v15;
	v18 =	vshrl.u32 v29, $0x3;
	v7 =	vadd.s32 v28, v7;
	v13 =	vld.idx.msk [tilespmem:v23+s2+$0x0], $0xffff  }
0x30c: {  	s8 =	sadd.s32 $0x7, s12;
	s12 =	sadd.s32 $0x8, s12;
	[tilespmem:s6+$0x150] =	vst v26;
	v23 =	vmov s10;
	v19 =	vadd.s32 v9, v1;
	v9 =	vadd.s32 v30, v6;
	v15 =	vld.idx.msk [tilespmem:v27+s2+$0x0], $0xffff  }
0x30d: {  	_ =	sdelay $0x2  }
0x30e: {  	[tilespmem:s6+$0xFFFFFE50] =	vst v11  }
0x30f: {  	v11 =	vshrl.u32 v25, $0x3;
	v8 =	vmov s8;
	v5 =	vadd.s32 v62, v5;
	[tilespmem:s6+$0xFFFFFEE0] =	vst v10;
	v10 =	vld.idx.msk [tilespmem:v16+s2+$0x0], $0xffff  }
0x310: {  	[tilespmem:s6+$0x1F0] =	vst v17;
	v16 =	vshrl.u32 v24, $0x3;
	v4 =	vadd.s32 v42, v4;
	v9 =	vld.idx.msk [tilespmem:v9+s2+$0x0], $0xffff;
	v8 =	vshrl.u32 v8, $0x3  }
0x311: {  	v17 =	vshrl.u32 v23, $0x3;
	[tilespmem:s6+$0xFFFFFF60] =	vst v12;
	v12 =	vld.idx.msk [tilespmem:v19+s2+$0x0], $0xffff;
	v8 =	vshll.u32 v8, v54;
	v19 =	vadd.s32 v63, v3  }
0x312: {  	v3 =	vshll.u32 v21, v54;
	v21 =	vadd.s32 v34, v2;
	[tilespmem:s6+$0xFFFFFFE0] =	vst v13;
	v8 =	vbroadcast v8, $0x0;
	v13 =	vld.idx.msk [tilespmem:v22+s2+$0x0], $0xffff  }
0x313: {  	[tilespmem:s6+$0x60] =	vst v14;
	v14 =	vadd.s32 v52, v1;
	v2 =	vbroadcast v3, $0x0;
	v3 =	vshll.u32 v20, v54;
	v7 =	vld.idx.msk [tilespmem:v7+s2+$0x0], $0xffff  }
0x314: {  	v1 =	vbroadcast v3, $0x0;
	v3 =	vshll.u32 v18, v54;
	[tilespmem:s6+$0xE0] =	vst v15;
	v15 =	vadd.s32 v31, v8;
	v18 =	vld.idx.msk [tilespmem:v5+s2+$0x0], $0xffff  }
0x315: {  	[tilespmem:s6+$0x160] =	vst v10;
	v10 =	vadd.s32 v38, v2;
	v3 =	vbroadcast v3, $0x0;
	v38 =	vshll.u32 v11, v54;
	v11 =	vld.idx.msk [tilespmem:v4+s2+$0x0], $0xffff  }
0x316: {  	s8 =	sadd.s32 $0x400, s6;
	v4 =	vbroadcast v38, $0x0;
	[tilespmem:s6+$0xFFFFFE60] =	vst v12;
	v12 =	vadd.s32 v61, v1;
	v61 =	vshll.u32 v16, v54;
	v16 =	vld.idx.msk [tilespmem:v19+s2+$0x0], $0xffff  }
0x317: {  	v17 =	vshll.u32 v17, v54;
	[tilespmem:s8+$0xFFFFFE00] =	vst v9;
	v38 =	vadd.s32 v47, v3;
	v47 =	vld.idx.msk [tilespmem:v21+s2+$0x0], $0xffff;
	v5 =	vbroadcast v61, $0x0  }
0x318: {  	[tilespmem:s6+$0xFFFFFF70] =	vst v7;
	v20 =	vadd.s32 v0, v4;
	v7 =	vbroadcast v17, $0x0;
	v14 =	vld.idx.msk [tilespmem:v14+s2+$0x0], $0xffff  }
0x319: {  	[tilespmem:s6+$0xFFFFFEF0] =	vst v13;
	v54 =	vadd.s32 v43, v5;
	v15 =	vld.idx.msk [tilespmem:v15+s2+$0x0], $0xffff  }
0x31a: {  	[tilespmem:s6+$0xFFFFFFF0] =	vst v18;
	v10 =	vld.idx.msk [tilespmem:v10+s2+$0x0], $0xffff;
	v61 =	vadd.s32 v40, v7  }
0x31b: {  	v0 =	vadd.s32 v57, v8;
	[tilespmem:s6+$0x70] =	vst v11;
	v12 =	vld.idx.msk [tilespmem:v12+s2+$0x0], $0xffff  }
0x31c: {  	[tilespmem:s6+$0xF0] =	vst v16;
	v13 =	vld.idx.msk [tilespmem:v38+s2+$0x0], $0xffff;
	v38 =	vadd.s32 v39, v2  }
0x31d: {  	v40 =	vadd.s32 v60, v1;
	[tilespmem:s6+$0x170] =	vst v47;
	v39 =	vld.idx.msk [tilespmem:v20+s2+$0x0], $0xffff  }
0x31e: {  	v43 =	vadd.s32 v45, v3;
	[tilespmem:s6+$0xFFFFFE70] =	vst v14;
	v17 =	vld.idx.msk [tilespmem:v54+s2+$0x0], $0xffff  }
0x31f: {  	v45 =	vadd.s32 v35, v4;
	[tilespmem:s8+$0x180] =	vst v15;
	v11 =	vld.idx.msk [tilespmem:v61+s2+$0x0], $0xffff  }
0x320: {  	v57 =	vadd.s32 v53, v6;
	[tilespmem:s8+$0xFFFFFE80] =	vst v10;
	v16 =	vld.idx.msk [tilespmem:v0+s2+$0x0], $0xffff  }
0x321: {  	v47 =	vadd.s32 v36, v5;
	[tilespmem:s8+$0xFFFFFF00] =	vst v12;
	v14 =	vld.idx.msk [tilespmem:v38+s2+$0x0], $0xffff  }
0x322: {  	v56 =	vadd.s32 v56, v7;
	[tilespmem:s8+$0xFFFFFF80] =	vst v13;
	v15 =	vld.idx.msk [tilespmem:v40+s2+$0x0], $0xffff  }
0x323: {  	v54 =	vadd.s32 v37, v8;
	[tilespmem:s8+$0x0] =	vst v39;
	v10 =	vld.idx.msk [tilespmem:v43+s2+$0x0], $0xffff  }
0x324: {  	v60 =	vadd.s32 v55, v2;
	v12 =	vld.idx.msk [tilespmem:v45+s2+$0x0], $0xffff;
	[tilespmem:s8+$0x80] =	vst v17  }
0x325: {  	[tilespmem:s8+$0x100] =	vst v11;
	v11 =	vld.idx.msk [tilespmem:v57+s2+$0x0], $0xffff  }
0x326: {  	v61 =	vadd.s32 v59, v1;
	[tilespmem:s8+$0x190] =	vst v16;
	v13 =	vld.idx.msk [tilespmem:v47+s2+$0x0], $0xffff  }
0x327: {  	v35 =	vadd.s32 v46, v3;
	v17 =	vld.idx.msk [tilespmem:v56+s2+$0x0], $0xffff;
	[tilespmem:s8+$0xFFFFFE90] =	vst v14  }
0x328: {  	v18 =	vld.idx.msk [tilespmem:v54+s2+$0x0], $0xffff;
	[tilespmem:s8+$0xFFFFFF10] =	vst v15  }
0x329: {  	v36 =	vadd.s32 v48, v4;
	[tilespmem:s8+$0xFFFFFF90] =	vst v10;
	v16 =	vld.idx.msk [tilespmem:v60+s2+$0x0], $0xffff  }
0x32a: {  	v37 =	vld [tilespmem:$0x1FC00]  }
0x32b: {  	v9 =	vld.idx.msk [tilespmem:v61+s2+$0x0], $0xffff  }
0x32c: {  	[tilespmem:s8+$0x10] =	vst v12;
	v14 =	vld.idx.msk [tilespmem:v35+s2+$0x0], $0xffff  }
0x32d: {  	v39 =	vld [tilespmem:$0x1FAF0]  }
0x32e: {  	v15 =	vld.idx.msk [tilespmem:v36+s2+$0x0], $0xffff;
	[tilespmem:s8+$0x90] =	vst v13  }
0x32f: {  	v43 =	vld [tilespmem:$0x1FB70];
	[tilespmem:s8+$0x1A0] =	vst v18  }
0x330: {  	v46 =	vld [tilespmem:$0x1F930];
	[tilespmem:s8+$0x110] =	vst v17  }
0x331: {  	v56 =	vadd.s32 v44, v3;
	v48 =	vld [tilespmem:$0x1F9C0];
	[tilespmem:s8+$0xFFFFFE10] =	vst v11  }
0x332: {  	v54 =	vld [tilespmem:$0x1FA40];
	[tilespmem:s8+$0xFFFFFEA0] =	vst v16  }
0x333: {  	v38 =	vadd.s32 v37, v8;
	[tilespmem:s8+$0xFFFFFF20] =	vst v9  }
0x334: {  	v40 =	vadd.s32 v39, v5;
	v57 =	vld [tilespmem:$0x1FC10];
	[tilespmem:s8+$0xFFFFFFA0] =	vst v14  }
0x335: {  	v45 =	vadd.s32 v43, v7;
	v60 =	vld [tilespmem:$0x1FFD0]  }
0x336: {  	[tilespmem:s8+$0x20] =	vst v15;
	v16 =	vld.idx.msk [tilespmem:v56+s2+$0x0], $0xffff;
	v47 =	vadd.s32 v46, v6  }
0x337: {  	v35 =	vld [tilespmem:$0x1FB00];
	v53 =	vadd.s32 v48, v2  }
0x338: {  	v10 =	vld.idx.msk [tilespmem:v38+s2+$0x0], $0xffff;
	v55 =	vadd.s32 v54, v1  }
0x339: {  	v12 =	vld.idx.msk [tilespmem:v40+s2+$0x0], $0xffff  }
0x33a: {  	v13 =	vld.idx.msk [tilespmem:v45+s2+$0x0], $0xffff  }
0x33b: {  	v59 =	vadd.s32 v57, v8;
	v18 =	vld.idx.msk [tilespmem:v47+s2+$0x0], $0xffff  }
0x33c: {  	v61 =	vadd.s32 v60, v4;
	v17 =	vld.idx.msk [tilespmem:v53+s2+$0x0], $0xffff  }
0x33d: {  	[tilespmem:s8+$0x1B0] =	vst v10;
	v11 =	vld.idx.msk [tilespmem:v55+s2+$0x0], $0xffff  }
0x33e: {  	v36 =	vadd.s32 v35, v5;
	v37 =	vld [tilespmem:$0x1FB80];
	[tilespmem:s8+$0xA0] =	vst v12  }
0x33f: {  	v39 =	vld [tilespmem:$0x1F940]  }
0x340: {  	v9 =	vld.idx.msk [tilespmem:v59+s2+$0x0], $0xffff  }
0x341: {  	[tilespmem:s8+$0x120] =	vst v13;
	v14 =	vld.idx.msk [tilespmem:v61+s2+$0x0], $0xffff  }
0x342: {  	v53 =	vadd.s32 v49, v3;
	v43 =	vld [tilespmem:$0x1F9D0]  }
0x343: {  	[tilespmem:s8+$0xFFFFFE20] =	vst v18;
	v15 =	vld.idx.msk [tilespmem:v36+s2+$0x0], $0xffff  }
0x344: {  	v45 =	vld [tilespmem:$0x1FA50];
	[tilespmem:s8+$0xFFFFFEB0] =	vst v17  }
0x345: {  	v47 =	vld [tilespmem:$0x1FC20];
	[tilespmem:s8+$0xFFFFFF30] =	vst v11  }
0x346: {  	v38 =	vadd.s32 v37, v7;
	[tilespmem:s8+$0xFFFFFFB0] =	vst v16  }
0x347: {  	v40 =	vadd.s32 v39, v6;
	[tilespmem:s8+$0x1C0] =	vst v9;
	v11 =	vld.idx.msk [tilespmem:v53+s2+$0x0], $0xffff  }
0x348: {  	v54 =	vadd.s32 v32, v4;
	v55 =	vld [tilespmem:$0x1FB10];
	[tilespmem:s8+$0x30] =	vst v14  }
0x349: {  	v44 =	vadd.s32 v43, v2;
	v57 =	vld [tilespmem:$0x1FB90];
	[tilespmem:s8+$0xB0] =	vst v15  }
0x34a: {  	v46 =	vadd.s32 v45, v1;
	v60 =	vld [tilespmem:$0x1F950]  }
0x34b: {  	v48 =	vadd.s32 v47, v8;
	v10 =	vld.idx.msk [tilespmem:v38+s2+$0x0], $0xffff  }
0x34c: {  	v12 =	vld.idx.msk [tilespmem:v40+s2+$0x0], $0xffff  }
0x34d: {  	v16 =	vld.idx.msk [tilespmem:v54+s2+$0x0], $0xffff  }
0x34e: {  	v56 =	vadd.s32 v55, v5;
	v13 =	vld.idx.msk [tilespmem:v44+s2+$0x0], $0xffff  }
0x34f: {  	v18 =	vld.idx.msk [tilespmem:v46+s2+$0x0], $0xffff  }
0x350: {  	v59 =	vadd.s32 v57, v7;
	v17 =	vld.idx.msk [tilespmem:v48+s2+$0x0], $0xffff;
	[tilespmem:s8+$0x130] =	vst v10  }
0x351: {  	v61 =	vadd.s32 v60, v6;
	v19 =	vld [tilespmem:$0x1F9E0];
	[tilespmem:s8+$0xFFFFFE30] =	vst v12  }
0x352: {  	v35 =	vld [tilespmem:$0x1FC40]  }
0x353: {  	v9 =	vld.idx.msk [tilespmem:v56+s2+$0x0], $0xffff;
	[tilespmem:s8+$0xFFFFFEC0] =	vst v13  }
0x354: {  	v37 =	vld [tilespmem:$0x1FA60];
	[tilespmem:s8+$0xFFFFFF40] =	vst v18  }
0x355: {  	v14 =	vld.idx.msk [tilespmem:v59+s2+$0x0], $0xffff;
	[tilespmem:s8+$0xFFFFFFC0] =	vst v11  }
0x356: {  	v15 =	vld.idx.msk [tilespmem:v61+s2+$0x0], $0xffff;
	[tilespmem:s8+$0x1D0] =	vst v17  }
0x357: {  	v43 =	vld [tilespmem:$0x1FB20];
	[tilespmem:s8+$0x40] =	vst v16  }
0x358: {  	v32 =	vadd.s32 v19, v2;
	v45 =	vld [tilespmem:$0x1FBA0];
	[tilespmem:s8+$0xC0] =	vst v9  }
0x359: {  	v36 =	vadd.s32 v35, v8;
	v47 =	vld [tilespmem:$0x1F960]  }
0x35a: {  	v49 =	vld [tilespmem:$0x1F410];
	[tilespmem:s8+$0x140] =	vst v14;
	v38 =	vadd.s32 v37, v1  }
0x35b: {  	v39 =	vadd.s32 v50, v3;
	[tilespmem:s8+$0xFFFFFE40] =	vst v15  }
0x35c: {  	v40 =	vadd.s32 v33, v4;
	v14 =	vld [tilespmem:$0x1F9F0]  }
0x35d: {  	v10 =	vld.idx.msk [tilespmem:v32+s2+$0x0], $0xffff;
	v44 =	vadd.s32 v43, v5  }
0x35e: {  	v12 =	vld.idx.msk [tilespmem:v36+s2+$0x0], $0xffff  }
0x35f: {  	v13 =	vld.idx.msk [tilespmem:v38+s2+$0x0], $0xffff  }
0x360: {  	v50 =	vld.idx.msk [tilespmem:v39+s2+$0x0], $0xffff  }
0x361: {  	v53 =	vld.idx.msk [tilespmem:v40+s2+$0x0], $0xffff;
	v14 =	vadd.s32 v14, v2  }
0x362: {  	[tilespmem:s8+$0xFFFFFED0] =	vst v10;
	v11 =	vld.idx.msk [tilespmem:v44+s2+$0x0], $0xffff  }
0x363: {  	v10 =	vld [tilespmem:$0x1FA70];
	[tilespmem:s8+$0x1E0] =	vst v12  }
0x364: {  	v12 =	vld [tilespmem:$0x1FA90];
	[tilespmem:s8+$0xFFFFFF50] =	vst v13  }
0x365: {  	v46 =	vadd.s32 v45, v7;
	v13 =	vld [tilespmem:$0x1FAB0]  }
0x366: {  	v48 =	vadd.s32 v47, v6;
	[tilespmem:s8+$0xFFFFFFD0] =	vst v50;
	v14 =	vld.idx.msk [tilespmem:v14+s2+$0x0], $0xffff  }
0x367: {  	v0 =	vadd.s32 v49, v8;
	v8 =	vld [tilespmem:$0x1FB30];
	[tilespmem:s8+$0x50] =	vst v53  }
0x368: {  	v2 =	vadd.s32 v58, v2;
	v15 =	vld [tilespmem:$0x1FBB0];
	[tilespmem:s8+$0xD0] =	vst v11  }
0x369: {  	v10 =	vadd.s32 v10, v1;
	v11 =	vld [tilespmem:$0x1F970]  }
0x36a: {  	v16 =	vld.idx.msk [tilespmem:v46+s2+$0x0], $0xffff;
	v12 =	vadd.s32 v12, v3  }
0x36b: {  	v9 =	vld.idx.msk [tilespmem:v48+s2+$0x0], $0xffff;
	v13 =	vadd.s32 v13, v4  }
0x36c: {  	v0 =	vld.idx.msk [tilespmem:v0+s2+$0x0], $0xffff;
	[tilespmem:s8+$0xFFFFFEE0] =	vst v14;
	v8 =	vadd.s32 v8, v5  }
0x36d: {  	v2 =	vld.idx.msk [tilespmem:v2+s2+$0x0], $0xffff;
	v15 =	vadd.s32 v15, v7  }
0x36e: {  	v10 =	vld.idx.msk [tilespmem:v10+s2+$0x0], $0xffff;
	v11 =	vadd.s32 v11, v6  }
0x36f: {  	v1 =	vadd.s32 v28, v1;
	[tilespmem:s8+$0x150] =	vst v16;
	v12 =	vld.idx.msk [tilespmem:v12+s2+$0x0], $0xffff  }
0x370: {  	[tilespmem:s8+$0xFFFFFE50] =	vst v9;
	v3 =	vadd.s32 v62, v3;
	v54 =	vld.idx.msk [tilespmem:v13+s2+$0x0], $0xffff  }
0x371: {  	[tilespmem:s8+$0x1F0] =	vst v0;
	v4 =	vadd.s32 v42, v4;
	v55 =	vld.idx.msk [tilespmem:v8+s2+$0x0], $0xffff  }
0x372: {  	v5 =	vadd.s32 v63, v5;
	[tilespmem:s8+$0xFFFFFEF0] =	vst v2;
	v56 =	vld.idx.msk [tilespmem:v15+s2+$0x0], $0xffff  }
0x373: {  	v7 =	vadd.s32 v34, v7;
	[tilespmem:s8+$0xFFFFFF60] =	vst v10;
	v57 =	vld.idx.msk [tilespmem:v11+s2+$0x0], $0xffff  }
0x374: {  	v58 =	vadd.s32 v52, v6;
	[tilespmem:s8+$0xFFFFFFE0] =	vst v12;
	v1 =	vld.idx.msk [tilespmem:v1+s2+$0x0], $0xffff  }
0x375: {  	v59 =	vld.idx.msk [tilespmem:v3+s2+$0x0], $0xffff;
	[tilespmem:s8+$0x60] =	vst v54  }
0x376: {  	[tilespmem:s8+$0xE0] =	vst v55;
	v60 =	vld.idx.msk [tilespmem:v4+s2+$0x0], $0xffff  }
0x377: {  	[tilespmem:s8+$0x160] =	vst v56;
	v61 =	vld.idx.msk [tilespmem:v5+s2+$0x0], $0xffff  }
0x378: {  	[tilespmem:s8+$0xFFFFFE60] =	vst v57;
	v62 =	vld.idx.msk [tilespmem:v7+s2+$0x0], $0xffff  }
0x379: {  	[tilespmem:s8+$0xFFFFFF70] =	vst v1;
	v63 =	vld.idx.msk [tilespmem:v58+s2+$0x0], $0xffff  }
0x37a: {  	[tilespmem:s8+$0xFFFFFFF0] =	vst v59  }
0x37b: {  	[tilespmem:s8+$0x70] =	vst v60  }
0x37c: {  	[tilespmem:s8+$0xF0] =	vst v61  }
0x37d: {  	[tilespmem:s8+$0x170] =	vst v62  }
0x37e: {  	[tilespmem:s8+$0xFFFFFE70] =	vst v63  }
0x37f: {  	v54 =	vld [tilespmem:$0x1F570]  }
0x380: {  	v53 =	vld [tilespmem:$0x1F580]  }
0x381: {  	v52 =	vld [tilespmem:$0x1F5A0]  }
0x382: {  	v30 =	vld [tilespmem:$0x1F710]  }
0x383: {  	s10 =	simm.s32 $0x6400;
	v27 =	vld [tilespmem:$0x1F610]  }
0x384: {  	[tilespmem:s11], [sflag:$0x1] =	stream.indirect.gather [hbm4b:s5+s9], $0x40, s10, s9, $0xb8;
	v23 =	vld [tilespmem:$0x1F5F0]  }
0x385: {  	s12 =	simm.s32 $0x6480;
	v24 =	vld [tilespmem:$0x1F600]  }
0x386: {  	v28 =	vld [tilespmem:$0x1F750];
	[tilespmem:s13], [sflag:$0x2] =	stream.indirect.gather [hbm4b:s5+s9], $0x40, s12, s9, $0xb8  }
0x387: {  	v29 =	vld [tilespmem:$0x1F740];
	s12 =	sshll.u32 s4, $0x7;
	s4 =	simm.s32 $0x0  }
.LBB2_5:
0x388: {  	_ =	swait.ge [sflag:s14], $0x2000  }
0x389: {  	p0 =	seq.s32 s4, $0x0;
	[sflag:s14] =	ssyncset.done $0x0  }
0x38a: {  	s6 =	simm.s32 @!p0 $0x3;
	[sflag:s14] =	ssyncadd.s32 $0xFFFFE000  }
0x38b: {  	_ =	swait.ge @!p0 [sflag:s6], $0x400  }
0x38c: {  	[sflag:s6] =	ssyncset.done @!p0 $0x0  }
0x38d: {  	[sflag:s6] =	ssyncadd.s32 @!p0 $0xFFFFFC00  }
0x38e: {  	_ =	swait.ge @!p0 [sflag:s6], $0x400  }
0x38f: {  	[sflag:s6] =	ssyncset.done @!p0 $0x0  }
0x390: {  	[sflag:s6] =	ssyncadd.s32 @!p0 $0xFFFFFC00  }
0x391: {  	_ =	swait.ge @!p0 [sflag:s6], $0x400  }
0x392: {  	[sflag:s6] =	ssyncset.done @!p0 $0x0  }
0x393: {  	[sflag:s6] =	ssyncadd.s32 @!p0 $0xFFFFFC00  }
0x394: {  	_ =	swait.ge @!p0 [sflag:s6], $0x400  }
0x395: {  	[sflag:s6] =	ssyncset.done @!p0 $0x0  }
0x396: {  	[sflag:s6] =	ssyncadd.s32 @!p0 $0xFFFFFC00  }
0x397: {  	_ =	swait.ge @!p0 [sflag:s6], $0x400  }
0x398: {  	[sflag:s6] =	ssyncset.done @!p0 $0x0  }
0x399: {  	[sflag:s6] =	ssyncadd.s32 @!p0 $0xFFFFFC00  }
0x39a: {  	_ =	swait.ge @!p0 [sflag:s6], $0x400  }
0x39b: {  	[sflag:s6] =	ssyncset.done @!p0 $0x0  }
0x39c: {  	[sflag:s6] =	ssyncadd.s32 @!p0 $0xFFFFFC00  }
0x39d: {  	_ =	swait.ge @!p0 [sflag:s6], $0x400  }
0x39e: {  	[sflag:s6] =	ssyncset.done @!p0 $0x0  }
0x39f: {  	[sflag:s6] =	ssyncadd.s32 @!p0 $0xFFFFFC00  }
0x3a0: {  	_ =	swait.ge @!p0 [sflag:s6], $0x400  }
0x3a1: {  	v32 =	vld [tilespmem:$0x1F5B0]  }
0x3a2: {  	[sflag:s6] =	ssyncset.done @!p0 $0x0;
	v18 =	vld [tilespmem:$0x1F560]  }
0x3a3: {  	p1 =	por $0x1, $0x1;
	v33 =	vld [tilespmem:$0x1F590];
	[sflag:s6] =	ssyncadd.s32 @!p0 $0xFFFFFC00;
	s6 =	simm.s32 $0x0  }
.LBB2_6:
0x3a4: {  	v60 =	vlaneseq.u32;
	v26 =	vld [tilespmem:$0x1F430]  }
0x3a5: {  	v31 =	vld [tilespmem:$0x1F440];
	v0 =	vor.u32 s6, v60  }
0x3a6: {  	v4 =	vshll.u32 v0, $0x6  }
0x3a7: {  	v14 =	vld [tilespmem:$0x1F420];
	v2 =	vor.u32 v60, v4;
	_ =	sdelay $0x2  }
0x3a8: {  	v34 =	vld [tilespmem:$0x1F460];
	v3 =	vcombine.low v31, v26  }
0x3a9: {  	v35 =	vld [tilespmem:$0x1F470];
	v1 =	vand.u32 $0x48, v0  }
0x3aa: {  	v45 =	vand.u32 $0xF, v3;
	v0 =	vld.idx.msk [tilespmem:v2+s11+$0x0], $0xffff;
	v2 =	vor.u32 v14, v1  }
0x3ab: {  	v22 =	vld [tilespmem:$0x1F450];
	v3 =	vor.u32 v45, v4;
	_ =	sdelay $0x2  }
0x3ac: {  	v36 =	vld [tilespmem:$0x1F490];
	v5 =	vcombine.low v35, v34  }
0x3ad: {  	v37 =	vld [tilespmem:$0x1F4A0];
	[tilespmem:v2+s15+$0x0] =	vst.idx.msk $0xffff, v0  }
0x3ae: {  	v46 =	vand.u32 $0xF, v5;
	v2 =	vor.u32 v22, v1;
	v0 =	vld.idx.msk [tilespmem:v3+s11+$0x0], $0xffff  }
0x3af: {  	v25 =	vld [tilespmem:$0x1F480];
	v3 =	vor.u32 v46, v4;
	_ =	sdelay $0x2  }
0x3b0: {  	v38 =	vld [tilespmem:$0x1F4C0];
	v5 =	vcombine.low v37, v36  }
0x3b1: {  	v39 =	vld [tilespmem:$0x1F4D0];
	[tilespmem:v2+s15+$0x0] =	vst.idx.msk $0xffff, v0  }
0x3b2: {  	v47 =	vand.u32 $0xF, v5;
	v2 =	vor.u32 v25, v1;
	v0 =	vld.idx.msk [tilespmem:v3+s11+$0x0], $0xffff  }
0x3b3: {  	v17 =	vld [tilespmem:$0x1F4B0];
	v3 =	vor.u32 v47, v4;
	_ =	sdelay $0x2  }
0x3b4: {  	v40 =	vld [tilespmem:$0x1F4F0];
	v5 =	vcombine.low v39, v38  }
0x3b5: {  	v42 =	vld [tilespmem:$0x1F500];
	[tilespmem:v2+s15+$0x0] =	vst.idx.msk $0xffff, v0  }
0x3b6: {  	v48 =	vand.u32 $0xF, v5;
	v2 =	vor.u32 v17, v1;
	v0 =	vld.idx.msk [tilespmem:v3+s11+$0x0], $0xffff  }
0x3b7: {  	v15 =	vld [tilespmem:$0x1F4E0];
	v3 =	vor.u32 v48, v4;
	_ =	sdelay $0x2  }
0x3b8: {  	v5 =	vcombine.low v42, v40  }
0x3b9: {  	v43 =	vld [tilespmem:$0x1F520];
	[tilespmem:v2+s15+$0x0] =	vst.idx.msk $0xffff, v0  }
0x3ba: {  	v49 =	vand.u32 $0xF, v5;
	v2 =	vor.u32 v15, v1;
	v0 =	vld.idx.msk [tilespmem:v3+s11+$0x0], $0xffff  }
0x3bb: {  	v44 =	vld [tilespmem:$0x1F530];
	v3 =	vor.u32 v49, v4  }
0x3bc: {  	s10 =	sor.u32 $0x20, s6  }
0x3bd: {  	v21 =	vld [tilespmem:$0x1F510];
	v6 =	vor.u32 s10, v60  }
0x3be: {  	s10 =	sor.u32 $0x30, s6;
	v19 =	vshll.u32 v6, $0x6  }
0x3bf: {  	s8 =	sor.u32 $0x10, s6;
	v9 =	vor.u32 s10, v60;
	v11 =	vor.u32 v60, v19;
	[tilespmem:v2+s15+$0x0] =	vst.idx.msk $0xffff, v0  }
0x3c0: {  	v20 =	vshll.u32 v9, $0x6;
	v5 =	vcombine.low v44, v43;
	v0 =	vld.idx.msk [tilespmem:v3+s11+$0x0], $0xffff;
	v3 =	vor.u32 s8, v60  }
0x3c1: {  	v12 =	vor.u32 v60, v20;
	v13 =	vshll.u32 v3, $0x6  }
0x3c2: {  	v50 =	vand.u32 $0xF, v5;
	v2 =	vor.u32 v21, v1;
	v8 =	vor.u32 v60, v13  }
0x3c3: {  	v5 =	vor.u32 v50, v4;
	_ =	sdelay $0x1  }
0x3c4: {  	v10 =	vand.u32 $0x68, v6;
	v16 =	vand.u32 $0x78, v9;
	v6 =	vld.idx.msk [tilespmem:v11+s11+$0x0], $0xffff;
	v7 =	vand.u32 $0x58, v3  }
0x3c5: {  	v11 =	vld.idx.msk [tilespmem:v12+s11+$0x0], $0xffff;
	v12 =	vor.u32 v14, v16;
	v3 =	vor.u32 v14, v7  }
0x3c6: {  	[tilespmem:v2+s15+$0x0] =	vst.idx.msk $0xffff, v0;
	v2 =	vld.idx.msk [tilespmem:v8+s11+$0x0], $0xffff;
	v8 =	vor.u32 v14, v10;
	v14 =	vor.u32 v45, v20  }
0x3c7: {  	v0 =	vld.idx.msk [tilespmem:v5+s11+$0x0], $0xffff;
	v5 =	vor.u32 v45, v13  }
0x3c8: {  	v9 =	vor.u32 v45, v19;
	_ =	sdelay $0x1  }
0x3c9: {  	[tilespmem:v12+s15+$0x0] =	vst.idx.msk $0xffff, v11  }
0x3ca: {  	v12 =	vor.u32 v22, v16;
	[tilespmem:v3+s15+$0x0] =	vst.idx.msk $0xffff, v2;
	v11 =	vld.idx.msk [tilespmem:v14+s11+$0x0], $0xffff  }
0x3cb: {  	v3 =	vor.u32 v22, v7;
	[tilespmem:v8+s15+$0x0] =	vst.idx.msk $0xffff, v6;
	v14 =	vor.u32 v46, v20;
	v2 =	vld.idx.msk [tilespmem:v5+s11+$0x0], $0xffff  }
0x3cc: {  	v8 =	vor.u32 v22, v10;
	v5 =	vor.u32 v46, v13;
	v6 =	vld.idx.msk [tilespmem:v9+s11+$0x0], $0xffff  }
0x3cd: {  	v9 =	vor.u32 v46, v19;
	_ =	sdelay $0x1  }
0x3ce: {  	[tilespmem:v12+s15+$0x0] =	vst.idx.msk $0xffff, v11  }
0x3cf: {  	v12 =	vor.u32 v25, v16;
	[tilespmem:v3+s15+$0x0] =	vst.idx.msk $0xffff, v2;
	v11 =	vld.idx.msk [tilespmem:v14+s11+$0x0], $0xffff  }
0x3d0: {  	v3 =	vor.u32 v25, v7;
	[tilespmem:v8+s15+$0x0] =	vst.idx.msk $0xffff, v6;
	v14 =	vor.u32 v47, v20;
	v2 =	vld.idx.msk [tilespmem:v5+s11+$0x0], $0xffff  }
0x3d1: {  	v8 =	vor.u32 v25, v10;
	v5 =	vor.u32 v47, v13;
	v6 =	vld.idx.msk [tilespmem:v9+s11+$0x0], $0xffff  }
0x3d2: {  	v9 =	vor.u32 v47, v19;
	_ =	sdelay $0x1  }
0x3d3: {  	[tilespmem:v12+s15+$0x0] =	vst.idx.msk $0xffff, v11  }
0x3d4: {  	v12 =	vor.u32 v17, v16;
	[tilespmem:v3+s15+$0x0] =	vst.idx.msk $0xffff, v2;
	v11 =	vld.idx.msk [tilespmem:v14+s11+$0x0], $0xffff  }
0x3d5: {  	v3 =	vor.u32 v17, v7;
	[tilespmem:v8+s15+$0x0] =	vst.idx.msk $0xffff, v6;
	v14 =	vor.u32 v48, v20;
	v2 =	vld.idx.msk [tilespmem:v5+s11+$0x0], $0xffff  }
0x3d6: {  	v8 =	vor.u32 v17, v10;
	v5 =	vor.u32 v48, v13;
	v6 =	vld.idx.msk [tilespmem:v9+s11+$0x0], $0xffff  }
0x3d7: {  	v9 =	vor.u32 v48, v19;
	_ =	sdelay $0x1  }
0x3d8: {  	[tilespmem:v12+s15+$0x0] =	vst.idx.msk $0xffff, v11  }
0x3d9: {  	v12 =	vor.u32 v15, v16;
	[tilespmem:v3+s15+$0x0] =	vst.idx.msk $0xffff, v2;
	v11 =	vld.idx.msk [tilespmem:v14+s11+$0x0], $0xffff  }
0x3da: {  	v3 =	vor.u32 v15, v7;
	[tilespmem:v8+s15+$0x0] =	vst.idx.msk $0xffff, v6;
	v14 =	vor.u32 v49, v20;
	v2 =	vld.idx.msk [tilespmem:v5+s11+$0x0], $0xffff  }
0x3db: {  	v8 =	vor.u32 v15, v10;
	v6 =	vld.idx.msk [tilespmem:v9+s11+$0x0], $0xffff  }
0x3dc: {  	v5 =	vor.u32 v49, v13  }
0x3dd: {  	v9 =	vor.u32 v49, v19  }
0x3de: {  	v17 =	vld [tilespmem:$0x1F540];
	[tilespmem:v12+s15+$0x0] =	vst.idx.msk $0xffff, v11  }
0x3df: {  	v12 =	vor.u32 v21, v16;
	[tilespmem:v3+s15+$0x0] =	vst.idx.msk $0xffff, v2;
	v11 =	vld.idx.msk [tilespmem:v14+s11+$0x0], $0xffff  }
0x3e0: {  	v3 =	vor.u32 v21, v7;
	[tilespmem:v8+s15+$0x0] =	vst.idx.msk $0xffff, v6;
	v8 =	vor.u32 v21, v10;
	v21 =	vld [tilespmem:$0x1F550]  }
0x3e1: {  	v14 =	vor.u32 v50, v20;
	v2 =	vld.idx.msk [tilespmem:v5+s11+$0x0], $0xffff  }
0x3e2: {  	v5 =	vor.u32 v50, v13;
	v6 =	vld.idx.msk [tilespmem:v9+s11+$0x0], $0xffff  }
0x3e3: {  	v9 =	vor.u32 v50, v19;
	_ =	sdelay $0x1  }
0x3e4: {  	[tilespmem:v12+s15+$0x0] =	vst.idx.msk $0xffff, v11  }
0x3e5: {  	v15 =	vor.u32 v17, v1;
	[tilespmem:v3+s15+$0x0] =	vst.idx.msk $0xffff, v2;
	v12 =	vld.idx.msk [tilespmem:v14+s11+$0x0], $0xffff  }
0x3e6: {  	v2 =	vor.u32 v21, v4;
	[tilespmem:v8+s15+$0x0] =	vst.idx.msk $0xffff, v6;
	v14 =	vor.u32 v17, v16;
	v3 =	vld.idx.msk [tilespmem:v5+s11+$0x0], $0xffff  }
0x3e7: {  	v5 =	vor.u32 v17, v7;
	v8 =	vld.idx.msk [tilespmem:v9+s11+$0x0], $0xffff;
	v9 =	vor.u32 v17, v10;
	v17 =	vor.u32 v21, v20  }
0x3e8: {  	v6 =	vor.u32 v21, v13  }
0x3e9: {  	v11 =	vor.u32 v21, v19  }
0x3ea: {  	[tilespmem:v15+s15+$0x0] =	vst.idx.msk $0xffff, v0  }
0x3eb: {  	v0 =	vld.idx.msk [tilespmem:v2+s11+$0x0], $0xffff;
	[tilespmem:v14+s15+$0x0] =	vst.idx.msk $0xffff, v12  }
0x3ec: {  	v2 =	vor.u32 v18, v1;
	[tilespmem:v5+s15+$0x0] =	vst.idx.msk $0xffff, v3;
	v14 =	vld.idx.msk [tilespmem:v17+s11+$0x0], $0xffff  }
0x3ed: {  	v15 =	vor.u32 v18, v16;
	v3 =	vor.u32 v54, v4;
	[tilespmem:v9+s15+$0x0] =	vst.idx.msk $0xffff, v8;
	v5 =	vld.idx.msk [tilespmem:v6+s11+$0x0], $0xffff  }
0x3ee: {  	v6 =	vor.u32 v18, v7;
	v9 =	vld.idx.msk [tilespmem:v11+s11+$0x0], $0xffff;
	v11 =	vor.u32 v18, v10;
	v18 =	vor.u32 v54, v20  }
0x3ef: {  	v8 =	vor.u32 v54, v13  }
0x3f0: {  	v12 =	vor.u32 v54, v19;
	v17 =	vand.u32 $0xF, v26  }
0x3f1: {  	v21 =	vcombine.low v17, v31;
	[tilespmem:v2+s15+$0x0] =	vst.idx.msk $0xffff, v0  }
0x3f2: {  	v2 =	vor.u32 v53, v1;
	v0 =	vld.idx.msk [tilespmem:v3+s11+$0x0], $0xffff;
	[tilespmem:v15+s15+$0x0] =	vst.idx.msk $0xffff, v14  }
0x3f3: {  	v3 =	vor.u32 v21, v4;
	v15 =	vor.u32 v53, v16;
	[tilespmem:v6+s15+$0x0] =	vst.idx.msk $0xffff, v5;
	v14 =	vld.idx.msk [tilespmem:v18+s11+$0x0], $0xffff  }
0x3f4: {  	v6 =	vor.u32 v53, v7;
	[tilespmem:v11+s15+$0x0] =	vst.idx.msk $0xffff, v9;
	v18 =	vor.u32 v21, v20;
	v5 =	vld.idx.msk [tilespmem:v8+s11+$0x0], $0xffff  }
0x3f5: {  	v11 =	vor.u32 v53, v10;
	v8 =	vor.u32 v21, v13;
	v9 =	vld.idx.msk [tilespmem:v12+s11+$0x0], $0xffff  }
0x3f6: {  	v17 =	vand.u32 $0xF, v34;
	[tilespmem:$0x1F240] =	vst v21;
	v12 =	vor.u32 v21, v19  }
0x3f7: {  	v21 =	vcombine.low v17, v35;
	[tilespmem:v2+s15+$0x0] =	vst.idx.msk $0xffff, v0  }
0x3f8: {  	v2 =	vor.u32 v33, v1;
	v0 =	vld.idx.msk [tilespmem:v3+s11+$0x0], $0xffff;
	[tilespmem:v15+s15+$0x0] =	vst.idx.msk $0xffff, v14  }
0x3f9: {  	v3 =	vor.u32 v21, v4;
	v15 =	vor.u32 v33, v16;
	[tilespmem:v6+s15+$0x0] =	vst.idx.msk $0xffff, v5;
	v14 =	vld.idx.msk [tilespmem:v18+s11+$0x0], $0xffff  }
0x3fa: {  	v6 =	vor.u32 v33, v7;
	[tilespmem:v11+s15+$0x0] =	vst.idx.msk $0xffff, v9;
	v18 =	vor.u32 v21, v20;
	v5 =	vld.idx.msk [tilespmem:v8+s11+$0x0], $0xffff  }
0x3fb: {  	v11 =	vor.u32 v33, v10;
	v8 =	vor.u32 v21, v13;
	v9 =	vld.idx.msk [tilespmem:v12+s11+$0x0], $0xffff  }
0x3fc: {  	v17 =	vand.u32 $0xF, v36;
	[tilespmem:$0x1F250] =	vst v21;
	v12 =	vor.u32 v21, v19  }
0x3fd: {  	v21 =	vcombine.low v17, v37;
	[tilespmem:v2+s15+$0x0] =	vst.idx.msk $0xffff, v0  }
0x3fe: {  	v2 =	vor.u32 v52, v1;
	v0 =	vld.idx.msk [tilespmem:v3+s11+$0x0], $0xffff;
	[tilespmem:v15+s15+$0x0] =	vst.idx.msk $0xffff, v14  }
0x3ff: {  	v3 =	vor.u32 v21, v4;
	v15 =	vor.u32 v52, v16;
	[tilespmem:v6+s15+$0x0] =	vst.idx.msk $0xffff, v5;
	v14 =	vld.idx.msk [tilespmem:v18+s11+$0x0], $0xffff  }
0x400: {  	v6 =	vor.u32 v52, v7;
	[tilespmem:v11+s15+$0x0] =	vst.idx.msk $0xffff, v9;
	v18 =	vor.u32 v21, v20;
	v5 =	vld.idx.msk [tilespmem:v8+s11+$0x0], $0xffff  }
0x401: {  	v11 =	vor.u32 v52, v10;
	v8 =	vor.u32 v21, v13;
	v9 =	vld.idx.msk [tilespmem:v12+s11+$0x0], $0xffff  }
0x402: {  	[tilespmem:$0x1F260] =	vst v21;
	v12 =	vor.u32 v21, v19  }
0x403: {  	[tilespmem:v2+s15+$0x0] =	vst.idx.msk $0xffff, v0  }
0x404: {  	v17 =	vand.u32 $0xF, v38;
	v0 =	vld.idx.msk [tilespmem:v3+s11+$0x0], $0xffff;
	[tilespmem:v15+s15+$0x0] =	vst.idx.msk $0xffff, v14  }
0x405: {  	v21 =	vcombine.low v17, v39;
	[tilespmem:v6+s15+$0x0] =	vst.idx.msk $0xffff, v5;
	v14 =	vld.idx.msk [tilespmem:v18+s11+$0x0], $0xffff  }
0x406: {  	v17 =	vand.u32 $0xF, v40;
	[tilespmem:v11+s15+$0x0] =	vst.idx.msk $0xffff, v9;
	v5 =	vld.idx.msk [tilespmem:v8+s11+$0x0], $0xffff  }
0x407: {  	v2 =	vor.u32 v32, v1;
	v3 =	vor.u32 v21, v4;
	v18 =	vor.u32 v21, v20;
	v9 =	vld.idx.msk [tilespmem:v12+s11+$0x0], $0xffff  }
0x408: {  	[tilespmem:$0x1F270] =	vst v21;
	v8 =	vor.u32 v21, v13;
	v12 =	vor.u32 v21, v19;
	v21 =	vcombine.low v17, v42;
	v17 =	vld [tilespmem:$0x1F5C0];
	_ =	sdelay $0x1  }
0x409: {  	v6 =	vor.u32 v32, v7  }
0x40a: {  	v11 =	vor.u32 v32, v10  }
0x40b: {  	[tilespmem:v2+s15+$0x0] =	vst.idx.msk $0xffff, v0  }
0x40c: {  	v0 =	vld.idx.msk [tilespmem:v3+s11+$0x0], $0xffff;
	v2 =	vor.u32 v17, v1  }
0x40d: {  	v15 =	vor.u32 v32, v16  }
0x40e: {  	[tilespmem:v6+s15+$0x0] =	vst.idx.msk $0xffff, v5  }
0x40f: {  	v3 =	vor.u32 v21, v4;
	v6 =	vor.u32 v17, v7;
	[tilespmem:v11+s15+$0x0] =	vst.idx.msk $0xffff, v9;
	v5 =	vld.idx.msk [tilespmem:v8+s11+$0x0], $0xffff  }
0x410: {  	v11 =	vor.u32 v17, v10;
	v8 =	vor.u32 v21, v13;
	v9 =	vld.idx.msk [tilespmem:v12+s11+$0x0], $0xffff  }
0x411: {  	v12 =	vor.u32 v21, v19;
	[tilespmem:v2+s15+$0x0] =	vst.idx.msk $0xffff, v0;
	v0 =	vld [tilespmem:$0x1F5D0]  }
0x412: {  	[tilespmem:v15+s15+$0x0] =	vst.idx.msk $0xffff, v14  }
0x413: {  	[tilespmem:$0x1F280] =	vst v21;
	v14 =	vld.idx.msk [tilespmem:v18+s11+$0x0], $0xffff;
	v15 =	vor.u32 v17, v16;
	v17 =	vand.u32 $0xF, v43  }
0x414: {  	v18 =	vor.u32 v21, v20;
	v21 =	vcombine.low v17, v44;
	v2 =	vld.idx.msk [tilespmem:v3+s11+$0x0], $0xffff;
	[tilespmem:v6+s15+$0x0] =	vst.idx.msk $0xffff, v5  }
0x415: {  	[tilespmem:v11+s15+$0x0] =	vst.idx.msk $0xffff, v9;
	v6 =	vld.idx.msk [tilespmem:v8+s11+$0x0], $0xffff  }
0x416: {  	[tilespmem:$0x1F1E0] =	vst v45;
	v5 =	vor.u32 v21, v4;
	v11 =	vld.idx.msk [tilespmem:v12+s11+$0x0], $0xffff;
	v3 =	vor.u32 v0, v1  }
0x417: {  	[tilespmem:$0x1F1F0] =	vst v46;
	v8 =	vor.u32 v0, v7;
	v12 =	vor.u32 v0, v10;
	v17 =	vor.u32 v0, v16;
	v0 =	vld [tilespmem:$0x1F5E0]  }
0x418: {  	[tilespmem:v15+s15+$0x0] =	vst.idx.msk $0xffff, v14;
	v9 =	vor.u32 v21, v13  }
0x419: {  	[tilespmem:$0x1F230] =	vst v50;
	v14 =	vor.u32 v21, v19;
	v15 =	vld.idx.msk [tilespmem:v18+s11+$0x0], $0xffff  }
0x41a: {  	v50 =	vmul.u32 $0xFFFFFFFF, v60;
	[tilespmem:$0x1F290] =	vst v21;
	v18 =	vor.u32 v21, v20  }
0x41b: {  	v59 =	vld [tilespmem:$0x1FC70];
	[tilespmem:v3+s15+$0x0] =	vst.idx.msk $0xffff, v2  }
0x41c: {  	v21 =	vadd.s32 $0xF, v50;
	v3 =	vor.u32 v0, v1;
	[tilespmem:v8+s15+$0x0] =	vst.idx.msk $0xffff, v6;
	v2 =	vld.idx.msk [tilespmem:v5+s11+$0x0], $0xffff  }
0x41d: {  	v8 =	vor.u32 v0, v7;
	[tilespmem:v12+s15+$0x0] =	vst.idx.msk $0xffff, v11;
	v5 =	vor.u32 v21, v4;
	v6 =	vld.idx.msk [tilespmem:v9+s11+$0x0], $0xffff  }
0x41e: {  	v12 =	vor.u32 v0, v10;
	[tilespmem:v17+s15+$0x0] =	vst.idx.msk $0xffff, v15;
	v9 =	vor.u32 v21, v13;
	v11 =	vld.idx.msk [tilespmem:v14+s11+$0x0], $0xffff  }
0x41f: {  	[tilespmem:$0x1F200] =	vst v47;
	v17 =	vor.u32 v0, v16;
	v14 =	vor.u32 v21, v19;
	v15 =	vld.idx.msk [tilespmem:v18+s11+$0x0], $0xffff  }
0x420: {  	v31 =	vld [tilespmem:$0x1FC60];
	[tilespmem:$0x1F2A0] =	vst v21;
	v18 =	vor.u32 v21, v20  }
0x421: {  	v0 =	vld [tilespmem:$0x1F620];
	[tilespmem:v3+s15+$0x0] =	vst.idx.msk $0xffff, v2  }
0x422: {  	v22 =	vor.u32 $0x10, v60;
	v21 =	vor.u32 v23, v1;
	[tilespmem:v8+s15+$0x0] =	vst.idx.msk $0xffff, v6;
	v5 =	vld.idx.msk [tilespmem:v5+s11+$0x0], $0xffff  }
0x423: {  	v6 =	vor.u32 v22, v4;
	[tilespmem:v12+s15+$0x0] =	vst.idx.msk $0xffff, v11;
	v8 =	vld.idx.msk [tilespmem:v9+s11+$0x0], $0xffff;
	v9 =	vor.u32 v23, v7  }
0x424: {  	v11 =	vor.u32 v22, v13;
	[tilespmem:v17+s15+$0x0] =	vst.idx.msk $0xffff, v15;
	v12 =	vld.idx.msk [tilespmem:v14+s11+$0x0], $0xffff;
	v14 =	vor.u32 v23, v10  }
0x425: {  	[tilespmem:$0x1F210] =	vst v48;
	v15 =	vor.u32 v22, v19;
	v17 =	vld.idx.msk [tilespmem:v18+s11+$0x0], $0xffff;
	v18 =	vor.u32 v23, v16  }
0x426: {  	[tilespmem:$0x1F2B0] =	vst v22;
	v36 =	vld [tilespmem:$0x1F630];
	v2 =	vsel vm0, v0, v27;
	v3 =	vsel vm0, v59, v31;
	v22 =	vor.u32 v22, v20  }
0x427: {  	v38 =	vld [tilespmem:$0x1F640];
	v25 =	vcombine.low v3, v2;
	[tilespmem:v21+s15+$0x0] =	vst.idx.msk $0xffff, v5  }
0x428: {  	v23 =	vor.u32 v24, v1;
	[tilespmem:v9+s15+$0x0] =	vst.idx.msk $0xffff, v8;
	v21 =	vld.idx.msk [tilespmem:v6+s11+$0x0], $0xffff  }
0x429: {  	v8 =	vor.u32 v25, v4;
	[tilespmem:v14+s15+$0x0] =	vst.idx.msk $0xffff, v12;
	v9 =	vld.idx.msk [tilespmem:v11+s11+$0x0], $0xffff  }
0x42a: {  	[tilespmem:v18+s15+$0x0] =	vst.idx.msk $0xffff, v17;
	v14 =	vld.idx.msk [tilespmem:v15+s11+$0x0], $0xffff  }
0x42b: {  	[tilespmem:$0x1F220] =	vst v49;
	v18 =	vld.idx.msk [tilespmem:v22+s11+$0x0], $0xffff  }
0x42c: {  	v39 =	vld [tilespmem:$0x1F650]  }
0x42d: {  	v40 =	vld [tilespmem:$0x1F660];
	[tilespmem:v23+s15+$0x0] =	vst.idx.msk $0xffff, v21  }
0x42e: {  	v21 =	vld.idx.msk [tilespmem:v8+s11+$0x0], $0xffff  }
0x42f: {  	v8 =	vld [tilespmem:$0x1FC80]  }
0x430: {  	v11 =	vor.u32 v24, v7;
	_ =	sdelay $0x1  }
0x431: {  	v5 =	vsel vm0, v38, v36;
	v6 =	vsel vm0, v40, v39  }
0x432: {  	v42 =	vld [tilespmem:$0x1F680];
	v26 =	vcombine.low v6, v5  }
0x433: {  	v12 =	vor.u32 v25, v13;
	v43 =	vld [tilespmem:$0x1F690];
	v23 =	vor.u32 v8, v1  }
0x434: {  	v44 =	vld [tilespmem:$0x1F6A0];
	[tilespmem:v11+s15+$0x0] =	vst.idx.msk $0xffff, v9;
	v11 =	vor.u32 v26, v4  }
0x435: {  	v15 =	vor.u32 v24, v10;
	v45 =	vld [tilespmem:$0x1F6B0]  }
0x436: {  	v17 =	vor.u32 v25, v19;
	v22 =	vor.u32 v24, v16;
	v46 =	vld [tilespmem:$0x1F6D0]  }
0x437: {  	v24 =	vor.u32 v25, v20;
	v47 =	vld [tilespmem:$0x1F6E0]  }
0x438: {  	v12 =	vld.idx.msk [tilespmem:v12+s11+$0x0], $0xffff;
	[tilespmem:v23+s15+$0x0] =	vst.idx.msk $0xffff, v21  }
0x439: {  	[tilespmem:$0x1F2C0] =	vst v25;
	v21 =	vld.idx.msk [tilespmem:v11+s11+$0x0], $0xffff  }
0x43a: {  	[tilespmem:v15+s15+$0x0] =	vst.idx.msk $0xffff, v14;
	v25 =	vor.u32 v8, v7;
	v11 =	vld [tilespmem:$0x1F670]  }
0x43b: {  	[tilespmem:v22+s15+$0x0] =	vst.idx.msk $0xffff, v18;
	v15 =	vld.idx.msk [tilespmem:v17+s11+$0x0], $0xffff;
	v14 =	vor.u32 v26, v13;
	v17 =	vor.u32 v8, v10  }
0x43c: {  	v22 =	vld.idx.msk [tilespmem:v24+s11+$0x0], $0xffff;
	v18 =	vor.u32 v26, v19;
	v24 =	vor.u32 v8, v16  }
0x43d: {  	v48 =	vld [tilespmem:$0x1F6F0];
	[tilespmem:$0x1F2D0] =	vst v26;
	v26 =	vor.u32 v26, v20  }
0x43e: {  	v49 =	vld [tilespmem:$0x1F700];
	v9 =	vsel vm0, v45, v44;
	v8 =	vsel vm0, v43, v42  }
0x43f: {  	v54 =	vld [tilespmem:$0x1F6C0];
	v61 =	vcombine.low v9, v8;
	[tilespmem:v25+s15+$0x0] =	vst.idx.msk $0xffff, v12;
	v23 =	vor.u32 v11, v1  }
0x440: {  	[tilespmem:v17+s15+$0x0] =	vst.idx.msk $0xffff, v15;
	v14 =	vld.idx.msk [tilespmem:v14+s11+$0x0], $0xffff;
	v62 =	vor.u32 v11, v7  }
0x441: {  	v25 =	vor.u32 v61, v4;
	[tilespmem:v24+s15+$0x0] =	vst.idx.msk $0xffff, v22;
	v17 =	vld.idx.msk [tilespmem:v18+s11+$0x0], $0xffff;
	v18 =	vor.u32 v11, v10  }
0x442: {  	v15 =	vor.u32 v61, v13;
	v24 =	vld.idx.msk [tilespmem:v26+s11+$0x0], $0xffff;
	v26 =	vor.u32 v11, v16  }
0x443: {  	v22 =	vor.u32 v61, v19  }
0x444: {  	v33 =	vor.u32 v61, v20;
	[tilespmem:v23+s15+$0x0] =	vst.idx.msk $0xffff, v21  }
0x445: {  	v12 =	vsel vm0, v49, v48;
	v11 =	vsel vm0, v47, v46;
	[tilespmem:v62+s15+$0x0] =	vst.idx.msk $0xffff, v14  }
0x446: {  	v63 =	vcombine.low v12, v11;
	[tilespmem:v18+s15+$0x0] =	vst.idx.msk $0xffff, v17;
	v21 =	vld.idx.msk [tilespmem:v25+s11+$0x0], $0xffff  }
0x447: {  	v23 =	vor.u32 v54, v1;
	[tilespmem:v26+s15+$0x0] =	vst.idx.msk $0xffff, v24;
	v14 =	vsel vm0, v27, v0;
	v32 =	vld.idx.msk [tilespmem:v15+s11+$0x0], $0xffff  }
0x448: {  	v25 =	vor.u32 v63, v4;
	v18 =	vld.idx.msk [tilespmem:v22+s11+$0x0], $0xffff;
	v22 =	vor.u32 v54, v10;
	v15 =	vsel vm0, v31, v59  }
0x449: {  	v56 =	vor.u32 v54, v16;
	v26 =	vld.idx.msk [tilespmem:v33+s11+$0x0], $0xffff;
	v0 =	vcombine.low v15, v14  }
0x44a: {  	v55 =	vor.u32 v54, v7  }
0x44b: {  	v57 =	vor.u32 v63, v20;
	v17 =	vor.u32 v63, v13;
	[tilespmem:$0x1F300] =	vst v0  }
0x44c: {  	v24 =	vor.u32 v63, v19;
	v62 =	vor.u32 v0, v20;
	[tilespmem:v23+s15+$0x0] =	vst.idx.msk $0xffff, v21  }
0x44d: {  	v23 =	vor.u32 v51, v1;
	[tilespmem:v22+s15+$0x0] =	vst.idx.msk $0xffff, v18;
	v22 =	vor.u32 v0, v13;
	v21 =	vld.idx.msk [tilespmem:v25+s11+$0x0], $0xffff  }
0x44e: {  	[tilespmem:v56+s15+$0x0] =	vst.idx.msk $0xffff, v26;
	v26 =	vor.u32 v0, v19;
	v25 =	vor.u32 v0, v4;
	v0 =	vld [tilespmem:$0x1FC90]  }
0x44f: {  	[tilespmem:v55+s15+$0x0] =	vst.idx.msk $0xffff, v32  }
0x450: {  	v58 =	vor.u32 v51, v7;
	v32 =	vld.idx.msk [tilespmem:v17+s11+$0x0], $0xffff  }
0x451: {  	v59 =	vor.u32 v51, v10;
	v24 =	vld.idx.msk [tilespmem:v24+s11+$0x0], $0xffff  }
0x452: {  	[tilespmem:$0x1F2E0] =	vst v61;
	v61 =	vor.u32 v51, v16;
	v18 =	vsel vm0, v39, v40;
	v17 =	vsel vm0, v36, v38  }
0x453: {  	v33 =	vld.idx.msk [tilespmem:v57+s11+$0x0], $0xffff;
	v27 =	vcombine.low v18, v17;
	[tilespmem:v23+s15+$0x0] =	vst.idx.msk $0xffff, v21;
	v23 =	vor.u32 v0, v1  }
0x454: {  	[tilespmem:$0x1F2F0] =	vst v63;
	v63 =	vor.u32 v0, v7;
	v51 =	vor.u32 v0, v10;
	v53 =	vor.u32 v0, v16;
	v0 =	vld [tilespmem:$0x1FCA0]  }
0x455: {  	[tilespmem:v58+s15+$0x0] =	vst.idx.msk $0xffff, v32;
	v21 =	vld.idx.msk [tilespmem:v25+s11+$0x0], $0xffff  }
0x456: {  	[tilespmem:v59+s15+$0x0] =	vst.idx.msk $0xffff, v24;
	v25 =	vor.u32 v27, v4;
	v22 =	vld.idx.msk [tilespmem:v22+s11+$0x0], $0xffff  }
0x457: {  	v24 =	vor.u32 v27, v13;
	v26 =	vld.idx.msk [tilespmem:v26+s11+$0x0], $0xffff  }
0x458: {  	v52 =	vor.u32 v27, v19;
	[tilespmem:$0x1F310] =	vst v27  }
0x459: {  	[tilespmem:v61+s15+$0x0] =	vst.idx.msk $0xffff, v33  }
0x45a: {  	v54 =	vsel vm0, v42, v43;
	v55 =	vsel vm0, v44, v45;
	v35 =	vld.idx.msk [tilespmem:v62+s11+$0x0], $0xffff;
	[tilespmem:v23+s15+$0x0] =	vst.idx.msk $0xffff, v21  }
0x45b: {  	v56 =	vor.u32 v27, v20;
	v27 =	vcombine.low v55, v54;
	[tilespmem:v63+s15+$0x0] =	vst.idx.msk $0xffff, v22;
	v21 =	vld.idx.msk [tilespmem:v25+s11+$0x0], $0xffff  }
0x45c: {  	v23 =	vor.u32 v0, v1;
	[tilespmem:v51+s15+$0x0] =	vst.idx.msk $0xffff, v26;
	v24 =	vld.idx.msk [tilespmem:v24+s11+$0x0], $0xffff  }
0x45d: {  	v22 =	vor.u32 v27, v4;
	v25 =	vor.u32 v0, v7;
	v57 =	vld.idx.msk [tilespmem:v52+s11+$0x0], $0xffff  }
0x45e: {  	v58 =	vor.u32 v0, v10;
	v61 =	vor.u32 v0, v16;
	v26 =	vor.u32 v27, v13;
	v0 =	vld [tilespmem:$0x1FCB0]  }
0x45f: {  	v59 =	vor.u32 v27, v19;
	[tilespmem:$0x1F320] =	vst v27  }
0x460: {  	[tilespmem:v53+s15+$0x0] =	vst.idx.msk $0xffff, v35  }
0x461: {  	v62 =	vsel vm0, v48, v49;
	v63 =	vsel vm0, v46, v47;
	v35 =	vld.idx.msk [tilespmem:v56+s11+$0x0], $0xffff;
	[tilespmem:v23+s15+$0x0] =	vst.idx.msk $0xffff, v21  }
0x462: {  	v36 =	vor.u32 v27, v20;
	v27 =	vcombine.low v63, v62;
	[tilespmem:v25+s15+$0x0] =	vst.idx.msk $0xffff, v24;
	v21 =	vld.idx.msk [tilespmem:v22+s11+$0x0], $0xffff  }
0x463: {  	[tilespmem:v58+s15+$0x0] =	vst.idx.msk $0xffff, v57;
	v22 =	vor.u32 v0, v1;
	v24 =	vld.idx.msk [tilespmem:v26+s11+$0x0], $0xffff  }
0x464: {  	v23 =	vor.u32 v27, v4;
	v25 =	vor.u32 v0, v7;
	v32 =	vld.idx.msk [tilespmem:v59+s11+$0x0], $0xffff  }
0x465: {  	v42 =	vor.u32 v0, v10;
	v44 =	vor.u32 v0, v16;
	v26 =	vor.u32 v27, v13;
	v0 =	vld [tilespmem:$0x1FCC0]  }
0x466: {  	[tilespmem:v61+s15+$0x0] =	vst.idx.msk $0xffff, v35  }
0x467: {  	v43 =	vor.u32 v27, v19;
	[tilespmem:$0x1F330] =	vst v27;
	v35 =	vld.idx.msk [tilespmem:v36+s11+$0x0], $0xffff  }
0x468: {  	v38 =	vor.u32 v27, v20;
	v27 =	vcombine.low v2, v3;
	[tilespmem:v22+s15+$0x0] =	vst.idx.msk $0xffff, v21  }
0x469: {  	[tilespmem:v25+s15+$0x0] =	vst.idx.msk $0xffff, v24;
	v2 =	vld.idx.msk [tilespmem:v23+s11+$0x0], $0xffff  }
0x46a: {  	v3 =	vor.u32 v0, v1;
	v21 =	vor.u32 v27, v4;
	[tilespmem:v42+s15+$0x0] =	vst.idx.msk $0xffff, v32;
	v22 =	vld.idx.msk [tilespmem:v26+s11+$0x0], $0xffff  }
0x46b: {  	v47 =	vor.u32 v0, v16;
	v23 =	vor.u32 v0, v7;
	v26 =	vor.u32 v0, v10;
	v0 =	vld [tilespmem:$0x1FCD0]  }
0x46c: {  	v24 =	vor.u32 v27, v13;
	[tilespmem:v44+s15+$0x0] =	vst.idx.msk $0xffff, v35;
	v25 =	vld.idx.msk [tilespmem:v43+s11+$0x0], $0xffff  }
0x46d: {  	v45 =	vor.u32 v27, v19;
	v46 =	vld.idx.msk [tilespmem:v38+s11+$0x0], $0xffff  }
0x46e: {  	[tilespmem:$0x1F340] =	vst v27;
	v48 =	vor.u32 v27, v20  }
0x46f: {  	[tilespmem:v3+s15+$0x0] =	vst.idx.msk $0xffff, v2  }
0x470: {  	v27 =	vcombine.low v5, v6;
	v3 =	vor.u32 v0, v1;
	[tilespmem:v23+s15+$0x0] =	vst.idx.msk $0xffff, v22;
	v2 =	vld.idx.msk [tilespmem:v21+s11+$0x0], $0xffff  }
0x471: {  	[tilespmem:v26+s15+$0x0] =	vst.idx.msk $0xffff, v25;
	v6 =	vld.idx.msk [tilespmem:v24+s11+$0x0], $0xffff;
	v21 =	vor.u32 v0, v7  }
0x472: {  	v5 =	vor.u32 v27, v4;
	[tilespmem:v47+s15+$0x0] =	vst.idx.msk $0xffff, v46;
	v23 =	vld.idx.msk [tilespmem:v45+s11+$0x0], $0xffff;
	v24 =	vor.u32 v0, v10  }
0x473: {  	v22 =	vor.u32 v27, v13;
	v49 =	vor.u32 v0, v16;
	v26 =	vld.idx.msk [tilespmem:v48+s11+$0x0], $0xffff;
	_ =	sdelay $0x1  }
0x474: {  	v25 =	vor.u32 v27, v19;
	[tilespmem:v3+s15+$0x0] =	vst.idx.msk $0xffff, v2  }
0x475: {  	v0 =	vcombine.low v8, v9;
	[tilespmem:v21+s15+$0x0] =	vst.idx.msk $0xffff, v6  }
0x476: {  	v51 =	vor.u32 v27, v20;
	v8 =	vor.u32 v41, v7;
	[tilespmem:v24+s15+$0x0] =	vst.idx.msk $0xffff, v23;
	v2 =	vld.idx.msk [tilespmem:v5+s11+$0x0], $0xffff  }
0x477: {  	v9 =	vor.u32 v0, v13;
	v3 =	vor.u32 v41, v1;
	[tilespmem:v49+s15+$0x0] =	vst.idx.msk $0xffff, v26;
	v6 =	vld.idx.msk [tilespmem:v22+s11+$0x0], $0xffff  }
0x478: {  	[tilespmem:$0x1F360] =	vst v0;
	v23 =	vor.u32 v0, v19;
	v26 =	vor.u32 v0, v20;
	v5 =	vor.u32 v0, v4;
	v0 =	vld [tilespmem:$0x1FCF0]  }
0x479: {  	v21 =	vld.idx.msk [tilespmem:v25+s11+$0x0], $0xffff;
	v22 =	vor.u32 v41, v10;
	_ =	sdelay $0x1  }
0x47a: {  	[tilespmem:$0x1F350] =	vst v27  }
0x47b: {  	v27 =	vcombine.low v11, v12;
	v24 =	vld.idx.msk [tilespmem:v51+s11+$0x0], $0xffff;
	v25 =	vor.u32 v41, v16;
	[tilespmem:v3+s15+$0x0] =	vst.idx.msk $0xffff, v2  }
0x47c: {  	v3 =	vor.u32 v0, v1;
	[tilespmem:v8+s15+$0x0] =	vst.idx.msk $0xffff, v6;
	v2 =	vld.idx.msk [tilespmem:v5+s11+$0x0], $0xffff  }
0x47d: {  	v8 =	vor.u32 v0, v7;
	[tilespmem:v22+s15+$0x0] =	vst.idx.msk $0xffff, v21;
	v5 =	vor.u32 v27, v4;
	v6 =	vld.idx.msk [tilespmem:v9+s11+$0x0], $0xffff  }
0x47e: {  	v12 =	vor.u32 v0, v10;
	v9 =	vor.u32 v27, v13;
	v11 =	vld.idx.msk [tilespmem:v23+s11+$0x0], $0xffff  }
0x47f: {  	v21 =	vor.u32 v27, v19;
	v23 =	vor.u32 v0, v16;
	v0 =	vld [tilespmem:$0x1FD00]  }
0x480: {  	[tilespmem:v25+s15+$0x0] =	vst.idx.msk $0xffff, v24  }
0x481: {  	v22 =	vld.idx.msk [tilespmem:v26+s11+$0x0], $0xffff;
	[tilespmem:v3+s15+$0x0] =	vst.idx.msk $0xffff, v2  }
0x482: {  	[tilespmem:v8+s15+$0x0] =	vst.idx.msk $0xffff, v6;
	v2 =	vld.idx.msk [tilespmem:v5+s11+$0x0], $0xffff  }
0x483: {  	[tilespmem:v12+s15+$0x0] =	vst.idx.msk $0xffff, v11;
	v6 =	vld.idx.msk [tilespmem:v9+s11+$0x0], $0xffff  }
0x484: {  	v24 =	vor.u32 v27, v20;
	v25 =	vcombine.low v14, v15;
	v3 =	vor.u32 v0, v1;
	v11 =	vld.idx.msk [tilespmem:v21+s11+$0x0], $0xffff  }
0x485: {  	v8 =	vor.u32 v0, v7;
	v12 =	vor.u32 v0, v10;
	v21 =	vor.u32 v0, v16;
	v0 =	vld [tilespmem:$0x1FD10];
	_ =	sdelay $0x1  }
0x486: {  	v5 =	vor.u32 v25, v4  }
0x487: {  	v18 =	vcombine.low v17, v18;
	[tilespmem:v23+s15+$0x0] =	vst.idx.msk $0xffff, v22;
	v9 =	vor.u32 v25, v13  }
0x488: {  	v14 =	vor.u32 v25, v19;
	v22 =	vor.u32 v25, v20;
	v15 =	vld.idx.msk [tilespmem:v24+s11+$0x0], $0xffff;
	[tilespmem:v3+s15+$0x0] =	vst.idx.msk $0xffff, v2  }
0x489: {  	v31 =	vld [tilespmem:$0x1F760];
	v3 =	vor.u32 v0, v1;
	[tilespmem:v8+s15+$0x0] =	vst.idx.msk $0xffff, v6;
	v8 =	vor.u32 v0, v7  }
0x48a: {  	[tilespmem:v12+s15+$0x0] =	vst.idx.msk $0xffff, v11;
	v12 =	vor.u32 v0, v10;
	v17 =	vor.u32 v0, v16;
	v0 =	vld [tilespmem:$0x1FD20]  }
0x48b: {  	v2 =	vld.idx.msk [tilespmem:v5+s11+$0x0], $0xffff  }
0x48c: {  	v5 =	vor.u32 v18, v4;
	v6 =	vld.idx.msk [tilespmem:v9+s11+$0x0], $0xffff  }
0x48d: {  	[tilespmem:v21+s15+$0x0] =	vst.idx.msk $0xffff, v15;
	v9 =	vor.u32 v18, v13;
	v11 =	vld.idx.msk [tilespmem:v14+s11+$0x0], $0xffff  }
0x48e: {  	v14 =	vor.u32 v18, v19;
	v15 =	vld.idx.msk [tilespmem:v22+s11+$0x0], $0xffff  }
0x48f: {  	[tilespmem:$0x1F390] =	vst v18;
	v36 =	vld [tilespmem:$0x1F770];
	v18 =	vor.u32 v18, v20  }
0x490: {  	v42 =	vld [tilespmem:$0x1F790];
	[tilespmem:v3+s15+$0x0] =	vst.idx.msk $0xffff, v2  }
0x491: {  	v21 =	vadd.s32 $0x1F, v50;
	v3 =	vor.u32 v0, v1;
	[tilespmem:v8+s15+$0x0] =	vst.idx.msk $0xffff, v6;
	v2 =	vld.idx.msk [tilespmem:v5+s11+$0x0], $0xffff  }
0x492: {  	v8 =	vor.u32 v0, v7;
	[tilespmem:v12+s15+$0x0] =	vst.idx.msk $0xffff, v11;
	v5 =	vor.u32 v21, v4;
	v6 =	vld.idx.msk [tilespmem:v9+s11+$0x0], $0xffff  }
0x493: {  	v12 =	vor.u32 v0, v10;
	[tilespmem:v17+s15+$0x0] =	vst.idx.msk $0xffff, v15;
	v9 =	vor.u32 v21, v13;
	v11 =	vld.idx.msk [tilespmem:v14+s11+$0x0], $0xffff  }
0x494: {  	v17 =	vor.u32 v0, v16;
	v14 =	vor.u32 v21, v19;
	v15 =	vld.idx.msk [tilespmem:v18+s11+$0x0], $0xffff  }
0x495: {  	v44 =	vld [tilespmem:$0x1F7B0];
	[tilespmem:$0x1F370] =	vst v27;
	v18 =	vor.u32 v21, v20  }
0x496: {  	v27 =	vld [tilespmem:$0x1F720];
	[tilespmem:v3+s15+$0x0] =	vst.idx.msk $0xffff, v2  }
0x497: {  	[tilespmem:v8+s15+$0x0] =	vst.idx.msk $0xffff, v6;
	v2 =	vld.idx.msk [tilespmem:v5+s11+$0x0], $0xffff  }
0x498: {  	[tilespmem:v12+s15+$0x0] =	vst.idx.msk $0xffff, v11;
	v6 =	vld.idx.msk [tilespmem:v9+s11+$0x0], $0xffff  }
0x499: {  	v0 =	vor.u32 $0x20, v60;
	v3 =	vor.u32 v30, v1;
	[tilespmem:v17+s15+$0x0] =	vst.idx.msk $0xffff, v15;
	v14 =	vld.idx.msk [tilespmem:v14+s11+$0x0], $0xffff  }
0x49a: {  	v8 =	vor.u32 v30, v7;
	v5 =	vor.u32 v0, v4;
	v17 =	vld.idx.msk [tilespmem:v18+s11+$0x0], $0xffff  }
0x49b: {  	[tilespmem:$0x1F3A0] =	vst v21;
	v21 =	vor.u32 v30, v10;
	v9 =	vor.u32 v0, v13;
	v18 =	vor.u32 v30, v16;
	v30 =	vld [tilespmem:$0x1F730]  }
0x49c: {  	[tilespmem:$0x1F3B0] =	vst v0;
	v22 =	vor.u32 v0, v20;
	v15 =	vor.u32 v0, v19;
	v0 =	vld [tilespmem:$0x1FD40]  }
0x49d: {  	v43 =	vld [tilespmem:$0x1F7A0]  }
0x49e: {  	v41 =	vld [tilespmem:$0x1F780];
	[tilespmem:v3+s15+$0x0] =	vst.idx.msk $0xffff, v2  }
0x49f: {  	[tilespmem:v8+s15+$0x0] =	vst.idx.msk $0xffff, v6;
	v2 =	vld.idx.msk [tilespmem:v5+s11+$0x0], $0xffff  }
0x4a0: {  	v12 =	vsel vm0, v28, v29;
	v11 =	vsel vm0, v30, v27;
	[tilespmem:v18+s15+$0x0] =	vst.idx.msk $0xffff, v17;
	v6 =	vld.idx.msk [tilespmem:v9+s11+$0x0], $0xffff  }
0x4a1: {  	v3 =	vor.u32 v0, v1;
	v8 =	vor.u32 v0, v7;
	[tilespmem:v21+s15+$0x0] =	vst.idx.msk $0xffff, v14;
	v18 =	vld.idx.msk [tilespmem:v22+s11+$0x0], $0xffff  }
0x4a2: {  	v23 =	vor.u32 v0, v10;
	v24 =	vcombine.low v12, v11;
	v22 =	vor.u32 v0, v16;
	v0 =	vld [tilespmem:$0x1FD50]  }
0x4a3: {  	v21 =	vld.idx.msk [tilespmem:v15+s11+$0x0], $0xffff  }
0x4a4: {  	v46 =	vld [tilespmem:$0x1F7D0];
	[tilespmem:$0x1F380] =	vst v25;
	v14 =	vsel vm0, v36, v31;
	v15 =	vsel vm0, v42, v41;
	v5 =	vor.u32 v24, v4  }
0x4a5: {  	v47 =	vld [tilespmem:$0x1F7E0];
	v26 =	vcombine.low v15, v14;
	v9 =	vor.u32 v24, v13;
	[tilespmem:$0x1F3C0] =	vst v24  }
0x4a6: {  	v45 =	vld [tilespmem:$0x1F7C0];
	v17 =	vor.u32 v24, v19;
	v24 =	vor.u32 v24, v20;
	[tilespmem:v3+s15+$0x0] =	vst.idx.msk $0xffff, v2  }
0x4a7: {  	v48 =	vld [tilespmem:$0x1F7F0];
	v3 =	vor.u32 v0, v1;
	[tilespmem:v8+s15+$0x0] =	vst.idx.msk $0xffff, v6;
	v8 =	vor.u32 v0, v7  }
0x4a8: {  	[tilespmem:v23+s15+$0x0] =	vst.idx.msk $0xffff, v21;
	v23 =	vor.u32 v0, v10;
	v25 =	vor.u32 v0, v16;
	v0 =	vld [tilespmem:$0x1FD60]  }
0x4a9: {  	v2 =	vld.idx.msk [tilespmem:v5+s11+$0x0], $0xffff  }
0x4aa: {  	v5 =	vor.u32 v26, v4;
	v6 =	vld.idx.msk [tilespmem:v9+s11+$0x0], $0xffff  }
0x4ab: {  	[tilespmem:v22+s15+$0x0] =	vst.idx.msk $0xffff, v18;
	v9 =	vor.u32 v26, v13;
	v21 =	vld.idx.msk [tilespmem:v17+s11+$0x0], $0xffff  }
0x4ac: {  	[tilespmem:$0x1F400] =	vst v50;
	v22 =	vor.u32 v26, v19;
	v24 =	vld.idx.msk [tilespmem:v24+s11+$0x0], $0xffff  }
0x4ad: {  	v49 =	vld [tilespmem:$0x1F800];
	[tilespmem:$0x1F3D0] =	vst v26;
	v26 =	vor.u32 v26, v20  }
0x4ae: {  	v51 =	vmov v50;
	v50 =	vld [tilespmem:$0x1F810];
	[tilespmem:v3+s15+$0x0] =	vst.idx.msk $0xffff, v2  }
0x4af: {  	v18 =	vsel vm0, v46, v45;
	v17 =	vsel vm0, v44, v43;
	[tilespmem:v8+s15+$0x0] =	vst.idx.msk $0xffff, v6;
	v3 =	vld.idx.msk [tilespmem:v5+s11+$0x0], $0xffff  }
0x4b0: {  	v2 =	vcombine.low v18, v17;
	[tilespmem:v23+s15+$0x0] =	vst.idx.msk $0xffff, v21;
	v8 =	vld.idx.msk [tilespmem:v9+s11+$0x0], $0xffff  }
0x4b1: {  	[tilespmem:v25+s15+$0x0] =	vst.idx.msk $0xffff, v24;
	v5 =	vor.u32 v0, v1;
	v22 =	vld.idx.msk [tilespmem:v22+s11+$0x0], $0xffff  }
0x4b2: {  	v9 =	vor.u32 v0, v7;
	v25 =	vld.idx.msk [tilespmem:v26+s11+$0x0], $0xffff;
	v6 =	vor.u32 v2, v4  }
0x4b3: {  	v52 =	vor.u32 v0, v10;
	v26 =	vor.u32 v0, v16;
	v0 =	vld [tilespmem:$0x1FD70];
	v23 =	vor.u32 v2, v13  }
0x4b4: {  	v24 =	vor.u32 v2, v19  }
0x4b5: {  	[tilespmem:$0x1F3E0] =	vst v2  }
0x4b6: {  	v32 =	vsel vm0, v48, v47;
	v21 =	vsel vm0, v50, v49;
	[tilespmem:v5+s15+$0x0] =	vst.idx.msk $0xffff, v3  }
0x4b7: {  	v53 =	vor.u32 v2, v20;
	v2 =	vcombine.low v21, v32;
	[tilespmem:v9+s15+$0x0] =	vst.idx.msk $0xffff, v8;
	v5 =	vld.idx.msk [tilespmem:v6+s11+$0x0], $0xffff  }
0x4b8: {  	[tilespmem:v52+s15+$0x0] =	vst.idx.msk $0xffff, v22;
	v6 =	vor.u32 v0, v1;
	v9 =	vld.idx.msk [tilespmem:v23+s11+$0x0], $0xffff  }
0x4b9: {  	v8 =	vor.u32 v2, v4;
	v54 =	vor.u32 v0, v7;
	v24 =	vld.idx.msk [tilespmem:v24+s11+$0x0], $0xffff  }
0x4ba: {  	v55 =	vor.u32 v2, v13;
	v61 =	vor.u32 v0, v10;
	v62 =	vor.u32 v0, v16;
	v0 =	vld [tilespmem:$0x1FD80]  }
0x4bb: {  	[tilespmem:v26+s15+$0x0] =	vst.idx.msk $0xffff, v25;
	v25 =	vor.u32 v2, v19  }
0x4bc: {  	v26 =	vld.idx.msk [tilespmem:v53+s11+$0x0], $0xffff  }
0x4bd: {  	v22 =	vsel vm0, v27, v30;
	v23 =	vsel vm0, v29, v28;
	[tilespmem:v6+s15+$0x0] =	vst.idx.msk $0xffff, v5  }
0x4be: {  	v59 =	vcombine.low v23, v22;
	[tilespmem:v54+s15+$0x0] =	vst.idx.msk $0xffff, v9;
	v6 =	vld.idx.msk [tilespmem:v8+s11+$0x0], $0xffff  }
0x4bf: {  	v63 =	vor.u32 v2, v20;
	[tilespmem:v61+s15+$0x0] =	vst.idx.msk $0xffff, v24;
	v8 =	vor.u32 v0, v1;
	v33 =	vld.idx.msk [tilespmem:v55+s11+$0x0], $0xffff  }
0x4c0: {  	v53 =	vor.u32 v59, v13;
	v9 =	vor.u32 v59, v4;
	v52 =	vor.u32 v0, v7;
	v54 =	vld.idx.msk [tilespmem:v25+s11+$0x0], $0xffff  }
0x4c1: {  	[tilespmem:v62+s15+$0x0] =	vst.idx.msk $0xffff, v26;
	v26 =	vor.u32 v0, v10;
	v56 =	vor.u32 v0, v16;
	v0 =	vld [tilespmem:$0x1FD90]  }
0x4c2: {  	v55 =	vor.u32 v59, v19;
	_ =	sdelay $0x1  }
0x4c3: {  	v24 =	vsel vm0, v31, v36;
	v38 =	vld.idx.msk [tilespmem:v63+s11+$0x0], $0xffff;
	v25 =	vsel vm0, v41, v42;
	[tilespmem:v8+s15+$0x0] =	vst.idx.msk $0xffff, v6  }
0x4c4: {  	v57 =	vor.u32 v59, v20;
	v6 =	vcombine.low v25, v24;
	[tilespmem:v52+s15+$0x0] =	vst.idx.msk $0xffff, v33;
	v8 =	vld.idx.msk [tilespmem:v9+s11+$0x0], $0xffff  }
0x4c5: {  	[tilespmem:v26+s15+$0x0] =	vst.idx.msk $0xffff, v54;
	v9 =	vor.u32 v0, v1;
	v26 =	vld.idx.msk [tilespmem:v53+s11+$0x0], $0xffff  }
0x4c6: {  	v61 =	vor.u32 v0, v7;
	v34 =	vld.idx.msk [tilespmem:v55+s11+$0x0], $0xffff;
	v58 =	vor.u32 v6, v4  }
0x4c7: {  	v63 =	vor.u32 v0, v10;
	v54 =	vor.u32 v0, v16;
	v0 =	vld [tilespmem:$0x1FDA0];
	v62 =	vor.u32 v6, v13  }
0x4c8: {  	[tilespmem:v56+s15+$0x0] =	vst.idx.msk $0xffff, v38;
	v53 =	vor.u32 v6, v19  }
0x4c9: {  	v52 =	vld.idx.msk [tilespmem:v57+s11+$0x0], $0xffff  }
0x4ca: {  	v56 =	vor.u32 v6, v20;
	[tilespmem:v9+s15+$0x0] =	vst.idx.msk $0xffff, v8  }
0x4cb: {  	v43 =	vsel vm0, v43, v44;
	[tilespmem:v61+s15+$0x0] =	vst.idx.msk $0xffff, v26;
	v9 =	vld.idx.msk [tilespmem:v58+s11+$0x0], $0xffff  }
0x4cc: {  	v55 =	vsel vm0, v45, v46;
	v26 =	vor.u32 v0, v1;
	[tilespmem:v63+s15+$0x0] =	vst.idx.msk $0xffff, v34;
	v33 =	vld.idx.msk [tilespmem:v62+s11+$0x0], $0xffff  }
0x4cd: {  	v8 =	vcombine.low v55, v43;
	v57 =	vor.u32 v0, v7;
	v58 =	vld.idx.msk [tilespmem:v53+s11+$0x0], $0xffff  }
0x4ce: {  	[tilespmem:v54+s15+$0x0] =	vst.idx.msk $0xffff, v52;
	v62 =	vor.u32 v0, v10;
	v53 =	vor.u32 v0, v16;
	v0 =	vld [tilespmem:$0x1FDB0]  }
0x4cf: {  	v63 =	vld.idx.msk [tilespmem:v56+s11+$0x0], $0xffff  }
0x4d0: {  	v54 =	vsel vm0, v49, v50;
	v34 =	vor.u32 v8, v4  }
0x4d1: {  	v55 =	vsel vm0, v47, v48;
	v61 =	vor.u32 v8, v13;
	[tilespmem:v26+s15+$0x0] =	vst.idx.msk $0xffff, v9  }
0x4d2: {  	v52 =	vor.u32 v8, v19;
	v9 =	vcombine.low v55, v54;
	[tilespmem:v57+s15+$0x0] =	vst.idx.msk $0xffff, v33  }
0x4d3: {  	v57 =	vor.u32 v0, v1;
	[tilespmem:v62+s15+$0x0] =	vst.idx.msk $0xffff, v58;
	v62 =	vor.u32 v0, v7  }
0x4d4: {  	[tilespmem:v53+s15+$0x0] =	vst.idx.msk $0xffff, v63;
	v49 =	vor.u32 v0, v10;
	v53 =	vor.u32 v0, v16;
	v0 =	vld [tilespmem:$0x1FDC0]  }
0x4d5: {  	v56 =	vor.u32 v8, v20;
	v26 =	vld.idx.msk [tilespmem:v34+s11+$0x0], $0xffff  }
0x4d6: {  	v58 =	vld.idx.msk [tilespmem:v61+s11+$0x0], $0xffff;
	v61 =	vor.u32 v9, v4  }
0x4d7: {  	v48 =	vor.u32 v9, v13;
	_ =	sdelay $0x1  }
0x4d8: {  	v63 =	vld.idx.msk [tilespmem:v52+s11+$0x0], $0xffff  }
0x4d9: {  	v11 =	vcombine.low v11, v12;
	v50 =	vld.idx.msk [tilespmem:v56+s11+$0x0], $0xffff;
	v52 =	vor.u32 v9, v19;
	[tilespmem:v57+s15+$0x0] =	vst.idx.msk $0xffff, v26  }
0x4da: {  	v45 =	vor.u32 v9, v20;
	[tilespmem:v62+s15+$0x0] =	vst.idx.msk $0xffff, v58;
	v26 =	vor.u32 v0, v1;
	v12 =	vld.idx.msk [tilespmem:v61+s11+$0x0], $0xffff  }
0x4db: {  	v55 =	vor.u32 v11, v4;
	v56 =	vor.u32 v0, v7;
	v54 =	vld.idx.msk [tilespmem:v48+s11+$0x0], $0xffff  }
0x4dc: {  	v36 =	vor.u32 v0, v16;
	v58 =	vor.u32 v11, v13;
	v61 =	vor.u32 v0, v10;
	v0 =	vld [tilespmem:$0x1FDD0]  }
0x4dd: {  	[tilespmem:v49+s15+$0x0] =	vst.idx.msk $0xffff, v63  }
0x4de: {  	[tilespmem:v53+s15+$0x0] =	vst.idx.msk $0xffff, v50;
	v57 =	vld.idx.msk [tilespmem:v52+s11+$0x0], $0xffff  }
0x4df: {  	v62 =	vld.idx.msk [tilespmem:v45+s11+$0x0], $0xffff;
	[tilespmem:v26+s15+$0x0] =	vst.idx.msk $0xffff, v12  }
0x4e0: {  	v63 =	vor.u32 v11, v19;
	v12 =	vcombine.low v14, v15;
	[tilespmem:v56+s15+$0x0] =	vst.idx.msk $0xffff, v54;
	v14 =	vld.idx.msk [tilespmem:v55+s11+$0x0], $0xffff  }
0x4e1: {  	v41 =	vor.u32 v11, v20;
	v15 =	vor.u32 v0, v1;
	v48 =	vor.u32 v0, v7;
	v26 =	vld.idx.msk [tilespmem:v58+s11+$0x0], $0xffff  }
0x4e2: {  	v52 =	vor.u32 v0, v10;
	v55 =	vor.u32 v0, v16;
	v0 =	vld [tilespmem:$0x1FDE0];
	v47 =	vor.u32 v12, v4  }
0x4e3: {  	v50 =	vor.u32 v12, v13  }
0x4e4: {  	[tilespmem:v61+s15+$0x0] =	vst.idx.msk $0xffff, v57  }
0x4e5: {  	[tilespmem:v36+s15+$0x0] =	vst.idx.msk $0xffff, v62;
	v49 =	vld.idx.msk [tilespmem:v63+s11+$0x0], $0xffff  }
0x4e6: {  	v53 =	vld.idx.msk [tilespmem:v41+s11+$0x0], $0xffff;
	v54 =	vor.u32 v12, v19;
	[tilespmem:v15+s15+$0x0] =	vst.idx.msk $0xffff, v14;
	v14 =	vcombine.low v17, v18  }
0x4e7: {  	v56 =	vor.u32 v12, v20;
	[tilespmem:v48+s15+$0x0] =	vst.idx.msk $0xffff, v26;
	v17 =	vor.u32 v0, v1;
	v15 =	vld.idx.msk [tilespmem:v47+s11+$0x0], $0xffff  }
0x4e8: {  	v57 =	vor.u32 v0, v7;
	v26 =	vld.idx.msk [tilespmem:v50+s11+$0x0], $0xffff;
	v18 =	vor.u32 v14, v4  }
0x4e9: {  	v61 =	vor.u32 v0, v10;
	v36 =	vor.u32 v0, v16;
	v0 =	vld [tilespmem:$0x1FDF0];
	v58 =	vor.u32 v14, v13  }
0x4ea: {  	[tilespmem:v52+s15+$0x0] =	vst.idx.msk $0xffff, v49  }
0x4eb: {  	[tilespmem:v55+s15+$0x0] =	vst.idx.msk $0xffff, v53;
	v35 =	vld.idx.msk [tilespmem:v54+s11+$0x0], $0xffff  }
0x4ec: {  	v62 =	vld.idx.msk [tilespmem:v56+s11+$0x0], $0xffff;
	[tilespmem:v17+s15+$0x0] =	vst.idx.msk $0xffff, v15  }
0x4ed: {  	v63 =	vor.u32 v14, v19;
	v15 =	vcombine.low v32, v21;
	[tilespmem:v57+s15+$0x0] =	vst.idx.msk $0xffff, v26;
	v17 =	vld.idx.msk [tilespmem:v18+s11+$0x0], $0xffff  }
0x4ee: {  	v45 =	vor.u32 v14, v20;
	v46 =	vor.u32 v0, v7;
	v18 =	vor.u32 v0, v1;
	v26 =	vld.idx.msk [tilespmem:v58+s11+$0x0], $0xffff  }
0x4ef: {  	v49 =	vor.u32 v0, v10;
	v53 =	vor.u32 v0, v16;
	v0 =	vld [tilespmem:$0x1FE00];
	v21 =	vor.u32 v15, v4  }
0x4f0: {  	v47 =	vor.u32 v15, v13  }
0x4f1: {  	[tilespmem:v61+s15+$0x0] =	vst.idx.msk $0xffff, v35  }
0x4f2: {  	[tilespmem:v36+s15+$0x0] =	vst.idx.msk $0xffff, v62;
	v48 =	vld.idx.msk [tilespmem:v63+s11+$0x0], $0xffff  }
0x4f3: {  	v50 =	vld.idx.msk [tilespmem:v45+s11+$0x0], $0xffff;
	v52 =	vor.u32 v15, v19;
	[tilespmem:v18+s15+$0x0] =	vst.idx.msk $0xffff, v17;
	v17 =	vcombine.low v22, v23  }
0x4f4: {  	v54 =	vor.u32 v15, v20;
	[tilespmem:v46+s15+$0x0] =	vst.idx.msk $0xffff, v26;
	v18 =	vld.idx.msk [tilespmem:v21+s11+$0x0], $0xffff;
	v21 =	vor.u32 v0, v1  }
0x4f5: {  	v26 =	vor.u32 v0, v7;
	v23 =	vld.idx.msk [tilespmem:v47+s11+$0x0], $0xffff;
	v22 =	vor.u32 v17, v4  }
0x4f6: {  	v62 =	vor.u32 v0, v10;
	v42 =	vor.u32 v0, v16;
	v0 =	vld [tilespmem:$0x1FE10];
	v55 =	vor.u32 v17, v13  }
0x4f7: {  	[tilespmem:v49+s15+$0x0] =	vst.idx.msk $0xffff, v48  }
0x4f8: {  	[tilespmem:v53+s15+$0x0] =	vst.idx.msk $0xffff, v50;
	v61 =	vld.idx.msk [tilespmem:v52+s11+$0x0], $0xffff  }
0x4f9: {  	v37 =	vld.idx.msk [tilespmem:v54+s11+$0x0], $0xffff;
	[tilespmem:v21+s15+$0x0] =	vst.idx.msk $0xffff, v18  }
0x4fa: {  	v58 =	vcombine.low v24, v25;
	[tilespmem:v26+s15+$0x0] =	vst.idx.msk $0xffff, v23;
	v21 =	vld.idx.msk [tilespmem:v22+s11+$0x0], $0xffff  }
0x4fb: {  	v63 =	vor.u32 v17, v19;
	v43 =	vor.u32 v17, v20;
	v22 =	vor.u32 v0, v1;
	v24 =	vld.idx.msk [tilespmem:v55+s11+$0x0], $0xffff  }
0x4fc: {  	v25 =	vor.u32 v0, v7;
	v44 =	vor.u32 v0, v10;
	v46 =	vor.u32 v0, v16;
	v0 =	vld [tilespmem:$0x1FE20]  }
0x4fd: {  	[tilespmem:$0x1F3F0] =	vst v2;
	v3 =	vld [tilespmem:$0x1F820]  }
0x4fe: {  	v2 =	vld [tilespmem:$0x1F900];
	v23 =	vor.u32 v58, v4;
	[tilespmem:v62+s15+$0x0] =	vst.idx.msk $0xffff, v61  }
0x4ff: {  	v5 =	vld [tilespmem:$0x1F830];
	v26 =	vor.u32 v58, v13;
	[tilespmem:v42+s15+$0x0] =	vst.idx.msk $0xffff, v37  }
0x500: {  	v45 =	vor.u32 v58, v19;
	v33 =	vld.idx.msk [tilespmem:v63+s11+$0x0], $0xffff;
	[tilespmem:v22+s15+$0x0] =	vst.idx.msk $0xffff, v21  }
0x501: {  	v47 =	vor.u32 v58, v20;
	v37 =	vld.idx.msk [tilespmem:v43+s11+$0x0], $0xffff;
	v22 =	vor.u32 v0, v1;
	[tilespmem:v25+s15+$0x0] =	vst.idx.msk $0xffff, v24  }
0x502: {  	v25 =	vor.u32 v0, v7;
	v48 =	vor.u32 v0, v10;
	v50 =	vor.u32 v0, v16;
	v0 =	vld [tilespmem:$0x1FE30]  }
0x503: {  	v21 =	vld.idx.msk [tilespmem:v23+s11+$0x0], $0xffff  }
0x504: {  	v61 =	vadd.s32 $0x2F, v51;
	v24 =	vld.idx.msk [tilespmem:v26+s11+$0x0], $0xffff  }
0x505: {  	v32 =	vld [tilespmem:$0x1F850];
	[tilespmem:v44+s15+$0x0] =	vst.idx.msk $0xffff, v33;
	v23 =	vor.u32 v61, v4  }
0x506: {  	[tilespmem:v46+s15+$0x0] =	vst.idx.msk $0xffff, v37;
	v26 =	vor.u32 v61, v13;
	v34 =	vld.idx.msk [tilespmem:v45+s11+$0x0], $0xffff  }
0x507: {  	v49 =	vor.u32 v61, v19;
	v51 =	vor.u32 v61, v20;
	v38 =	vld.idx.msk [tilespmem:v47+s11+$0x0], $0xffff  }
0x508: {  	v18 =	vld [tilespmem:$0x1F840];
	v52 =	vor.u32 v0, v10;
	v54 =	vor.u32 v0, v16;
	[tilespmem:v22+s15+$0x0] =	vst.idx.msk $0xffff, v21  }
0x509: {  	[tilespmem:v25+s15+$0x0] =	vst.idx.msk $0xffff, v24;
	v22 =	vor.u32 v0, v1;
	v25 =	vor.u32 v0, v7;
	v0 =	vld [tilespmem:$0x1FE40]  }
0x50a: {  	v21 =	vld.idx.msk [tilespmem:v23+s11+$0x0], $0xffff  }
0x50b: {  	[tilespmem:v48+s15+$0x0] =	vst.idx.msk $0xffff, v34;
	v24 =	vld.idx.msk [tilespmem:v26+s11+$0x0], $0xffff  }
0x50c: {  	[tilespmem:v50+s15+$0x0] =	vst.idx.msk $0xffff, v38;
	v35 =	vld.idx.msk [tilespmem:v49+s11+$0x0], $0xffff  }
0x50d: {  	v63 =	vor.u32 $0x30, v60;
	v38 =	vld.idx.msk [tilespmem:v51+s11+$0x0], $0xffff  }
0x50e: {  	v33 =	vld [tilespmem:$0x1F860];
	v23 =	vor.u32 v63, v4  }
0x50f: {  	v55 =	vor.u32 v63, v20;
	v46 =	vld [tilespmem:$0x1F870];
	[tilespmem:v22+s15+$0x0] =	vst.idx.msk $0xffff, v21  }
0x510: {  	v53 =	vor.u32 v63, v19;
	v26 =	vor.u32 v63, v13;
	v51 =	vld [tilespmem:$0x1F880];
	[tilespmem:v25+s15+$0x0] =	vst.idx.msk $0xffff, v24  }
0x511: {  	v60 =	vor.u32 v0, v16;
	v22 =	vor.u32 v0, v1;
	[tilespmem:v52+s15+$0x0] =	vst.idx.msk $0xffff, v35;
	v52 =	vld [tilespmem:$0x1F890]  }
0x512: {  	v25 =	vor.u32 v0, v7;
	[tilespmem:v54+s15+$0x0] =	vst.idx.msk $0xffff, v38;
	v38 =	vor.u32 v0, v10;
	v0 =	vld [tilespmem:$0x1FE50]  }
0x513: {  	v44 =	vsel vm0, v5, v3;
	v45 =	vsel vm0, v32, v18;
	v21 =	vld.idx.msk [tilespmem:v23+s11+$0x0], $0xffff  }
0x514: {  	v34 =	vcombine.low v45, v44;
	v56 =	vld.idx.msk [tilespmem:v55+s11+$0x0], $0xffff  }
0x515: {  	v23 =	vld.idx.msk [tilespmem:v26+s11+$0x0], $0xffff  }
0x516: {  	v24 =	vor.u32 v34, v4;
	v26 =	vld.idx.msk [tilespmem:v53+s11+$0x0], $0xffff  }
0x517: {  	v57 =	vor.u32 v34, v19;
	v54 =	vld [tilespmem:$0x1F8B0]  }
0x518: {  	v47 =	vsel vm0, v46, v33;
	v37 =	vor.u32 v34, v13;
	v53 =	vld [tilespmem:$0x1F8A0];
	[tilespmem:v22+s15+$0x0] =	vst.idx.msk $0xffff, v21  }
0x519: {  	v39 =	vor.u32 v0, v10;
	v43 =	vor.u32 v0, v16;
	[tilespmem:v60+s15+$0x0] =	vst.idx.msk $0xffff, v56;
	v60 =	vld [tilespmem:$0x1F8C0]  }
0x51a: {  	[tilespmem:v25+s15+$0x0] =	vst.idx.msk $0xffff, v23;
	v22 =	vor.u32 v0, v1;
	v25 =	vor.u32 v0, v7;
	v0 =	vld [tilespmem:$0x1FE60]  }
0x51b: {  	v62 =	vor.u32 v34, v20;
	v48 =	vsel vm0, v52, v51;
	[tilespmem:v38+s15+$0x0] =	vst.idx.msk $0xffff, v26;
	v21 =	vld.idx.msk [tilespmem:v24+s11+$0x0], $0xffff  }
0x51c: {  	v35 =	vcombine.low v48, v47;
	v26 =	vld.idx.msk [tilespmem:v57+s11+$0x0], $0xffff  }
0x51d: {  	v57 =	vld [tilespmem:$0x1F8D0]  }
0x51e: {  	v23 =	vld.idx.msk [tilespmem:v37+s11+$0x0], $0xffff;
	v24 =	vor.u32 v35, v4  }
0x51f: {  	v55 =	vld [tilespmem:$0x1F910];
	v38 =	vor.u32 v35, v13  }
0x520: {  	v40 =	vld.idx.msk [tilespmem:v62+s11+$0x0], $0xffff  }
0x521: {  	v49 =	vsel vm0, v54, v53;
	v56 =	vld [tilespmem:$0x1F8F0];
	v42 =	vor.u32 v35, v19  }
0x522: {  	v62 =	vld [tilespmem:$0x1F8E0];
	v27 =	vor.u32 v35, v20;
	v50 =	vsel vm0, v57, v60;
	[tilespmem:v22+s15+$0x0] =	vst.idx.msk $0xffff, v21  }
0x523: {  	v29 =	vor.u32 v0, v16;
	[tilespmem:v25+s15+$0x0] =	vst.idx.msk $0xffff, v23;
	v37 =	vcombine.low v50, v49;
	v23 =	vld.idx.msk [tilespmem:v24+s11+$0x0], $0xffff  }
0x524: {  	[tilespmem:v39+s15+$0x0] =	vst.idx.msk $0xffff, v26;
	v39 =	vor.u32 v0, v7;
	v24 =	vor.u32 v0, v1;
	v25 =	vld.idx.msk [tilespmem:v38+s11+$0x0], $0xffff  }
0x525: {  	[tilespmem:v43+s15+$0x0] =	vst.idx.msk $0xffff, v40;
	v43 =	vor.u32 v0, v10;
	v0 =	vld [tilespmem:$0x1FE70];
	v26 =	vor.u32 v37, v4  }
0x526: {  	v40 =	vld.idx.msk [tilespmem:v42+s11+$0x0], $0xffff;
	v42 =	vor.u32 v37, v13  }
0x527: {  	v27 =	vld.idx.msk [tilespmem:v27+s11+$0x0], $0xffff;
	v28 =	vor.u32 v37, v19  }
0x528: {  	v21 =	vsel vm0, v56, v62;
	v22 =	vsel vm0, v55, v2;
	v30 =	vor.u32 v37, v20  }
0x529: {  	v38 =	vcombine.low v22, v21;
	[tilespmem:v24+s15+$0x0] =	vst.idx.msk $0xffff, v23;
	v23 =	vsel vm0, v3, v5;
	v3 =	vld [tilespmem:$0x1FE80]  }
0x52a: {  	[tilespmem:v39+s15+$0x0] =	vst.idx.msk $0xffff, v25;
	v25 =	vld.idx.msk [tilespmem:v26+s11+$0x0], $0xffff;
	v26 =	vor.u32 v0, v1  }
0x52b: {  	[tilespmem:v43+s15+$0x0] =	vst.idx.msk $0xffff, v40;
	v43 =	vor.u32 v0, v7;
	v40 =	vld.idx.msk [tilespmem:v42+s11+$0x0], $0xffff;
	v42 =	vor.u32 v38, v4  }
0x52c: {  	[tilespmem:v29+s15+$0x0] =	vst.idx.msk $0xffff, v27;
	v29 =	vor.u32 v0, v10;
	v27 =	vld.idx.msk [tilespmem:v28+s11+$0x0], $0xffff;
	v28 =	vor.u32 v38, v13  }
0x52d: {  	v31 =	vor.u32 v38, v19;
	v36 =	vor.u32 v0, v16;
	v30 =	vld.idx.msk [tilespmem:v30+s11+$0x0], $0xffff;
	_ =	sdelay $0x1  }
0x52e: {  	v24 =	vsel vm0, v18, v32;
	v0 =	vor.u32 v38, v20;
	[tilespmem:v26+s15+$0x0] =	vst.idx.msk $0xffff, v25  }
0x52f: {  	v39 =	vcombine.low v24, v23;
	[tilespmem:v43+s15+$0x0] =	vst.idx.msk $0xffff, v40;
	v40 =	vld.idx.msk [tilespmem:v42+s11+$0x0], $0xffff  }
0x530: {  	[tilespmem:v29+s15+$0x0] =	vst.idx.msk $0xffff, v27;
	v42 =	vor.u32 v3, v1;
	v27 =	vld.idx.msk [tilespmem:v28+s11+$0x0], $0xffff  }
0x531: {  	v29 =	vor.u32 v3, v7;
	[tilespmem:v36+s15+$0x0] =	vst.idx.msk $0xffff, v30;
	v28 =	vor.u32 v39, v4;
	v30 =	vld.idx.msk [tilespmem:v31+s11+$0x0], $0xffff  }
0x532: {  	v32 =	vor.u32 v3, v10;
	v41 =	vor.u32 v3, v16;
	v31 =	vor.u32 v39, v13;
	v3 =	vld [tilespmem:$0x1FE90]  }
0x533: {  	v43 =	vor.u32 v39, v19;
	v0 =	vld.idx.msk [tilespmem:v0+s11+$0x0], $0xffff  }
0x534: {  	v25 =	vsel vm0, v33, v46  }
0x535: {  	v26 =	vsel vm0, v51, v52;
	v52 =	vor.u32 v39, v20;
	[tilespmem:v42+s15+$0x0] =	vst.idx.msk $0xffff, v40  }
0x536: {  	v40 =	vcombine.low v26, v25;
	[tilespmem:v29+s15+$0x0] =	vst.idx.msk $0xffff, v27;
	v27 =	vld.idx.msk [tilespmem:v28+s11+$0x0], $0xffff  }
0x537: {  	[tilespmem:v32+s15+$0x0] =	vst.idx.msk $0xffff, v30;
	v28 =	vor.u32 v3, v1;
	v29 =	vld.idx.msk [tilespmem:v31+s11+$0x0], $0xffff  }
0x538: {  	[tilespmem:v41+s15+$0x0] =	vst.idx.msk $0xffff, v0;
	v31 =	vor.u32 v3, v7;
	v0 =	vld.idx.msk [tilespmem:v43+s11+$0x0], $0xffff;
	v30 =	vor.u32 v40, v4  }
0x539: {  	v41 =	vor.u32 v3, v10;
	v51 =	vor.u32 v3, v16;
	v3 =	vld [tilespmem:$0x1FEA0];
	v36 =	vor.u32 v40, v13  }
0x53a: {  	v43 =	vld.idx.msk [tilespmem:v52+s11+$0x0], $0xffff;
	v46 =	vor.u32 v40, v19  }
0x53b: {  	v33 =	vor.u32 v40, v20  }
0x53c: {  	v42 =	vsel vm0, v53, v54;
	v32 =	vsel vm0, v60, v57;
	[tilespmem:v28+s15+$0x0] =	vst.idx.msk $0xffff, v27  }
0x53d: {  	v42 =	vcombine.low v32, v42;
	[tilespmem:v31+s15+$0x0] =	vst.idx.msk $0xffff, v29;
	v27 =	vld.idx.msk [tilespmem:v30+s11+$0x0], $0xffff  }
0x53e: {  	v28 =	vor.u32 v3, v1;
	[tilespmem:v41+s15+$0x0] =	vst.idx.msk $0xffff, v0;
	v0 =	vld.idx.msk [tilespmem:v36+s11+$0x0], $0xffff  }
0x53f: {  	v29 =	vor.u32 v42, v4;
	[tilespmem:v51+s15+$0x0] =	vst.idx.msk $0xffff, v43;
	v30 =	vor.u32 v3, v7;
	v31 =	vld.idx.msk [tilespmem:v46+s11+$0x0], $0xffff  }
0x540: {  	v57 =	vor.u32 v3, v16;
	v36 =	vor.u32 v42, v13;
	v46 =	vld.idx.msk [tilespmem:v33+s11+$0x0], $0xffff  }
0x541: {  	v41 =	vor.u32 v3, v10;
	v33 =	vor.u32 v42, v20;
	v3 =	vld [tilespmem:$0x1FEB0];
	_ =	sdelay $0x1  }
0x542: {  	v51 =	vor.u32 v42, v19;
	[tilespmem:v28+s15+$0x0] =	vst.idx.msk $0xffff, v27  }
0x543: {  	v60 =	vsel vm0, v2, v55;
	v32 =	vsel vm0, v62, v56;
	[tilespmem:v30+s15+$0x0] =	vst.idx.msk $0xffff, v0;
	v0 =	vld.idx.msk [tilespmem:v29+s11+$0x0], $0xffff  }
0x544: {  	v43 =	vcombine.low v32, v60;
	[tilespmem:v57+s15+$0x0] =	vst.idx.msk $0xffff, v46;
	v28 =	vld.idx.msk [tilespmem:v36+s11+$0x0], $0xffff  }
0x545: {  	v27 =	vor.u32 v3, v1;
	[tilespmem:v41+s15+$0x0] =	vst.idx.msk $0xffff, v31;
	v30 =	vor.u32 v3, v7;
	v46 =	vld.idx.msk [tilespmem:v33+s11+$0x0], $0xffff  }
0x546: {  	v60 =	vor.u32 v3, v10;
	v29 =	vor.u32 v43, v4;
	v33 =	vor.u32 v3, v16;
	v3 =	vld [tilespmem:$0x1FEC0]  }
0x547: {  	v57 =	vor.u32 v43, v13;
	v31 =	vld.idx.msk [tilespmem:v51+s11+$0x0], $0xffff  }
0x548: {  	v62 =	vor.u32 v43, v19  }
0x549: {  	v53 =	vor.u32 v43, v20  }
0x54a: {  	v44 =	vcombine.low v44, v45;
	v5 =	vld [tilespmem:$0x1FED0];
	[tilespmem:v27+s15+$0x0] =	vst.idx.msk $0xffff, v0  }
0x54b: {  	[tilespmem:v30+s15+$0x0] =	vst.idx.msk $0xffff, v28;
	v27 =	vor.u32 v3, v1;
	v0 =	vld.idx.msk [tilespmem:v29+s11+$0x0], $0xffff  }
0x54c: {  	[tilespmem:v60+s15+$0x0] =	vst.idx.msk $0xffff, v31;
	v30 =	vor.u32 v3, v7;
	v28 =	vld.idx.msk [tilespmem:v57+s11+$0x0], $0xffff;
	v29 =	vor.u32 v44, v4  }
0x54d: {  	v56 =	vor.u32 v44, v13;
	[tilespmem:v33+s15+$0x0] =	vst.idx.msk $0xffff, v46;
	v31 =	vld.idx.msk [tilespmem:v62+s11+$0x0], $0xffff;
	v57 =	vor.u32 v3, v10  }
0x54e: {  	v60 =	vor.u32 v44, v19;
	v46 =	vld.idx.msk [tilespmem:v53+s11+$0x0], $0xffff;
	v62 =	vor.u32 v3, v16  }
0x54f: {  	v33 =	vor.u32 v44, v20  }
0x550: {  	[tilespmem:v27+s15+$0x0] =	vst.idx.msk $0xffff, v0  }
0x551: {  	v45 =	vcombine.low v47, v48;
	[tilespmem:v30+s15+$0x0] =	vst.idx.msk $0xffff, v28;
	v0 =	vld.idx.msk [tilespmem:v29+s11+$0x0], $0xffff  }
0x552: {  	v27 =	vor.u32 v5, v1;
	[tilespmem:v57+s15+$0x0] =	vst.idx.msk $0xffff, v31;
	v28 =	vld.idx.msk [tilespmem:v56+s11+$0x0], $0xffff  }
0x553: {  	v30 =	vor.u32 v5, v7;
	[tilespmem:v62+s15+$0x0] =	vst.idx.msk $0xffff, v46;
	v29 =	vor.u32 v45, v4;
	v31 =	vld.idx.msk [tilespmem:v60+s11+$0x0], $0xffff  }
0x554: {  	v56 =	vor.u32 v45, v13;
	v46 =	vld.idx.msk [tilespmem:v33+s11+$0x0], $0xffff;
	v60 =	vor.u32 v5, v16  }
0x555: {  	v55 =	vld [tilespmem:$0x1FEE0];
	v62 =	vor.u32 v45, v20;
	_ =	sdelay $0x1  }
0x556: {  	v57 =	vor.u32 v5, v10;
	[tilespmem:v27+s15+$0x0] =	vst.idx.msk $0xffff, v0  }
0x557: {  	v48 =	vor.u32 v45, v19;
	[tilespmem:v30+s15+$0x0] =	vst.idx.msk $0xffff, v28;
	v0 =	vld.idx.msk [tilespmem:v29+s11+$0x0], $0xffff  }
0x558: {  	v47 =	vcombine.low v49, v50;
	[tilespmem:v60+s15+$0x0] =	vst.idx.msk $0xffff, v46;
	v28 =	vld.idx.msk [tilespmem:v56+s11+$0x0], $0xffff  }
0x559: {  	v27 =	vor.u32 v55, v1;
	v46 =	vld.idx.msk [tilespmem:v62+s11+$0x0], $0xffff  }
0x55a: {  	v30 =	vor.u32 v55, v7;
	v29 =	vor.u32 v47, v4;
	v62 =	vld [tilespmem:$0x1FEF0]  }
0x55b: {  	v50 =	vor.u32 v55, v16;
	[tilespmem:v57+s15+$0x0] =	vst.idx.msk $0xffff, v31;
	v56 =	vor.u32 v47, v13  }
0x55c: {  	v57 =	vor.u32 v55, v10;
	v60 =	vor.u32 v47, v20;
	v31 =	vld.idx.msk [tilespmem:v48+s11+$0x0], $0xffff;
	_ =	sdelay $0x1  }
0x55d: {  	v48 =	vcombine.low v21, v22;
	[tilespmem:v27+s15+$0x0] =	vst.idx.msk $0xffff, v0  }
0x55e: {  	v49 =	vor.u32 v47, v19;
	[tilespmem:v30+s15+$0x0] =	vst.idx.msk $0xffff, v28;
	v21 =	vor.u32 v62, v1;
	v0 =	vld.idx.msk [tilespmem:v29+s11+$0x0], $0xffff  }
0x55f: {  	v27 =	vor.u32 v48, v4;
	v28 =	vor.u32 v62, v7;
	[tilespmem:v50+s15+$0x0] =	vst.idx.msk $0xffff, v46;
	v22 =	vld.idx.msk [tilespmem:v56+s11+$0x0], $0xffff  }
0x560: {  	[tilespmem:v57+s15+$0x0] =	vst.idx.msk $0xffff, v31;
	v30 =	vor.u32 v48, v13;
	v57 =	vor.u32 v62, v16;
	v56 =	vld.idx.msk [tilespmem:v60+s11+$0x0], $0xffff  }
0x561: {  	v31 =	vor.u32 v62, v10;
	v62 =	vld [tilespmem:$0x1FF00];
	v60 =	vor.u32 v48, v20  }
0x562: {  	v18 =	vld [tilespmem:$0x1F560]  }
0x563: {  	v29 =	vld.idx.msk [tilespmem:v49+s11+$0x0], $0xffff;
	[tilespmem:v21+s15+$0x0] =	vst.idx.msk $0xffff, v0  }
0x564: {  	[tilespmem:v28+s15+$0x0] =	vst.idx.msk $0xffff, v22;
	v0 =	vld.idx.msk [tilespmem:v27+s11+$0x0], $0xffff  }
0x565: {  	v41 =	vor.u32 v48, v19;
	v49 =	vcombine.low v23, v24;
	[tilespmem:v57+s15+$0x0] =	vst.idx.msk $0xffff, v56;
	v22 =	vld.idx.msk [tilespmem:v30+s11+$0x0], $0xffff  }
0x566: {  	v21 =	vor.u32 v62, v1;
	v30 =	vld.idx.msk [tilespmem:v60+s11+$0x0], $0xffff  }
0x567: {  	v23 =	vor.u32 v49, v4;
	v60 =	vld [tilespmem:$0x1FF10]  }
0x568: {  	v54 =	vld [tilespmem:$0x1F570]  }
0x569: {  	v52 =	vld [tilespmem:$0x1F5A0];
	v24 =	vor.u32 v62, v7;
	[tilespmem:v31+s15+$0x0] =	vst.idx.msk $0xffff, v29  }
0x56a: {  	v28 =	vor.u32 v49, v13;
	v29 =	vor.u32 v62, v10;
	v27 =	vld.idx.msk [tilespmem:v41+s11+$0x0], $0xffff  }
0x56b: {  	v32 =	vld [tilespmem:$0x1F5B0];
	v31 =	vor.u32 v49, v19;
	[tilespmem:v21+s15+$0x0] =	vst.idx.msk $0xffff, v0  }
0x56c: {  	v21 =	vor.u32 v60, v1;
	v0 =	vld.idx.msk [tilespmem:v23+s11+$0x0], $0xffff  }
0x56d: {  	v51 =	vld [tilespmem:$0x1FD30];
	v50 =	vcombine.low v25, v26;
	v56 =	vor.u32 v62, v16  }
0x56e: {  	v57 =	vor.u32 v49, v20;
	v62 =	vld [tilespmem:$0x1FF20];
	[tilespmem:v24+s15+$0x0] =	vst.idx.msk $0xffff, v22  }
0x56f: {  	[tilespmem:v29+s15+$0x0] =	vst.idx.msk $0xffff, v27;
	v24 =	vor.u32 v60, v7;
	v22 =	vld.idx.msk [tilespmem:v28+s11+$0x0], $0xffff;
	v23 =	vor.u32 v50, v4  }
0x570: {  	v26 =	vor.u32 v50, v13;
	v27 =	vor.u32 v60, v10;
	v25 =	vld.idx.msk [tilespmem:v31+s11+$0x0], $0xffff  }
0x571: {  	v29 =	vor.u32 v50, v19;
	[tilespmem:v21+s15+$0x0] =	vst.idx.msk $0xffff, v0;
	v0 =	vld [tilespmem:$0x1F400]  }
0x572: {  	v5 =	vld [tilespmem:$0x1F740];
	[tilespmem:v56+s15+$0x0] =	vst.idx.msk $0xffff, v30  }
0x573: {  	v30 =	vor.u32 v60, v16;
	v28 =	vld.idx.msk [tilespmem:v57+s11+$0x0], $0xffff  }
0x574: {  	v31 =	vor.u32 v50, v20;
	[tilespmem:v24+s15+$0x0] =	vst.idx.msk $0xffff, v22;
	v21 =	vld.idx.msk [tilespmem:v23+s11+$0x0], $0xffff  }
0x575: {  	[tilespmem:v27+s15+$0x0] =	vst.idx.msk $0xffff, v25;
	v23 =	vld.idx.msk [tilespmem:v26+s11+$0x0], $0xffff  }
0x576: {  	v22 =	vor.u32 v62, v1;
	v25 =	vld.idx.msk [tilespmem:v29+s11+$0x0], $0xffff;
	v0 =	vadd.s32 $0x3F, v0  }
0x577: {  	v24 =	vor.u32 v62, v7;
	v29 =	vmov v5;
	v5 =	vld [tilespmem:$0x1FF30];
	v4 =	vor.u32 v0, v4  }
0x578: {  	v3 =	vld [tilespmem:$0x1F750];
	[tilespmem:v30+s15+$0x0] =	vst.idx.msk $0xffff, v28;
	v26 =	vor.u32 v62, v10;
	v13 =	vor.u32 v0, v13  }
0x579: {  	v28 =	vor.u32 v62, v16;
	v27 =	vld.idx.msk [tilespmem:v31+s11+$0x0], $0xffff;
	v19 =	vor.u32 v0, v19  }
0x57a: {  	v53 =	vld [tilespmem:$0x1F580];
	v20 =	vor.u32 v0, v20  }
0x57b: {  	v33 =	vld [tilespmem:$0x1F590];
	[tilespmem:v22+s15+$0x0] =	vst.idx.msk $0xffff, v21  }
0x57c: {  	[tilespmem:v24+s15+$0x0] =	vst.idx.msk $0xffff, v23;
	v1 =	vor.u32 v5, v1;
	v4 =	vld.idx.msk [tilespmem:v4+s11+$0x0], $0xffff  }
0x57d: {  	[tilespmem:v26+s15+$0x0] =	vst.idx.msk $0xffff, v25;
	v7 =	vor.u32 v5, v7;
	v13 =	vld.idx.msk [tilespmem:v13+s11+$0x0], $0xffff  }
0x57e: {  	[tilespmem:v28+s15+$0x0] =	vst.idx.msk $0xffff, v27;
	v10 =	vor.u32 v5, v10;
	v19 =	vld.idx.msk [tilespmem:v19+s11+$0x0], $0xffff  }
0x57f: {  	p2 =	por p1, p1;
	v16 =	vor.u32 v5, v16;
	v20 =	vld.idx.msk [tilespmem:v20+s11+$0x0], $0xffff  }
.Ltmp5:
0x580: {  	v41 =	vld [tilespmem:$0x1FCE0];
	(pc) =	sbr.rel @p2 .LBB2_6-.Ltmp5, $4  }
0x581: {  	v30 =	vld [tilespmem:$0x1F710];
	[tilespmem:v1+s15+$0x0] =	vst.idx.msk $0xffff, v4  }
0x582: {  	v24 =	vld [tilespmem:$0x1F600];
	[tilespmem:v7+s15+$0x0] =	vst.idx.msk $0xffff, v13  }
0x583: {  	v23 =	vld [tilespmem:$0x1F5F0];
	[tilespmem:v10+s15+$0x0] =	vst.idx.msk $0xffff, v19  }
0x584: {  	p1 =	por $0x0, $0x0;
	s6 =	simm.s32 $0x40;
	v28 =	vmov v3;
	v27 =	vld [tilespmem:$0x1F610];
	[tilespmem:v16+s15+$0x0] =	vst.idx.msk $0xffff, v20  }
0x585: {  	s6 =	sshll.u32 s4, $0x12  }
0x586: {  	s6 =	sadd.s32 s12, s6  }
0x587: {  	s8 =	sadd.s32 s1, s6;
	s10 =	sor.u32 $0x4000, s6  }
0x588: {  	[hbm4b:s8+s2] =	stream.linear.scatter [tilespmem:s15], [sflag:$0x3], $0x400, $0x38;
	[tilespmem:$0x14800] =	vst v63  }
0x589: {  	[tilespmem:$0x1F160] =	vst v63;
	s8 =	sadd.s32 s1, s10;
	s10 =	sor.u32 $0x8000, s6  }
0x58a: {  	[hbm4b:s8+s2] =	stream.linear.scatter [tilespmem:s16], [sflag:$0x3], $0x400, $0x38;
	[tilespmem:$0x14800] =	vst v63  }
0x58b: {  	[tilespmem:$0x1F170] =	vst v61;
	s8 =	sadd.s32 s1, s10;
	s10 =	sor.u32 $0xC000, s6  }
0x58c: {  	[hbm4b:s8+s2] =	stream.linear.scatter [tilespmem:s17], [sflag:$0x3], $0x400, $0x38;
	[tilespmem:$0x14800] =	vst v63  }
0x58d: {  	[tilespmem:$0x1F180] =	vst v58;
	s8 =	sadd.s32 s1, s10;
	s10 =	sor.u32 $0x10000, s6  }
0x58e: {  	[hbm4b:s8+s2] =	stream.linear.scatter [tilespmem:s18], [sflag:$0x3], $0x400, $0x38;
	[tilespmem:$0x14800] =	vst v63  }
0x58f: {  	[tilespmem:$0x1F190] =	vst v15;
	s8 =	sadd.s32 s1, s10;
	s10 =	sor.u32 $0x14000, s6  }
0x590: {  	[hbm4b:s8+s2] =	stream.linear.scatter [tilespmem:s19], [sflag:$0x3], $0x400, $0x38;
	[tilespmem:$0x14800] =	vst v63  }
0x591: {  	[tilespmem:$0x1F1A0] =	vst v12;
	p1 =	sne.s32 s4, $0x63;
	s8 =	sadd.s32 s1, s10  }
0x592: {  	[hbm4b:s8+s2] =	stream.linear.scatter [tilespmem:s20], [sflag:$0x3], $0x400, $0x38;
	[tilespmem:$0x14800] =	vst v63  }
.Ltmp6:
0x593: {  	[tilespmem:$0x1F1B0] =	vst v11;
	s10 =	sor.u32 $0x18000, s6;
	(pc) =	sbr.rel @p1 .LBB2_9-.Ltmp6, $4  }
0x594: {  	[tilespmem:$0x1F1C0] =	vst v9;
	s8 =	sadd.s32 s1, s10;
	s10 =	sor.u32 $0x1C000, s6  }
0x595: {  	v15 =	vld [tilespmem:$0x1F3F0];
	[hbm4b:s8+s2] =	stream.linear.scatter [tilespmem:s21], [sflag:$0x3], $0x400, $0x38  }
0x596: {  	v28 =	vmov v38;
	v29 =	vmov v37;
	v30 =	vmov v35;
	[tilespmem:$0x1F1D0] =	vst v59;
	v41 =	vld [tilespmem:$0x1F390];
	s8 =	sadd.s32 s1, s10  }
0x597: {  	v31 =	vmovc v34;
	v51 =	vmovc v17;
	v36 =	vmov v14;
	v9 =	vmov v8;
	v8 =	vmov v6;
	v46 =	vld [tilespmem:$0x1F380];
	[hbm4b:s8+s2] =	stream.linear.scatter [tilespmem:s22], [sflag:$0x3], $0x400, $0x38  }
.Ltmp7:
0x598: {  	(pc) =	sbr.rel .LBB2_10-.Ltmp7, $4  }
0x599: {  	_ = 	snop  }
0x59a: {  	_ =	swait.ge [sflag:s23], $0x2000  }
0x59b: {  	[sflag:s23] =	ssyncset.done $0x0  }
0x59c: {  	v37 =	vld [tilespmem:$0x1F590];
	[sflag:s23] =	ssyncadd.s32 $0xFFFFE000  }
.LBB2_9:
0x59d: {  	s8 =	sshll.u32 s4, $0x8  }
0x59e: {  	s8 =	sand.u32 $0x3FFFFF00, s8  }
.Ltmp8:
0x59f: {  	s8 =	sadd.s32 $0x6500, s8;
	(pc) =	sbr.rel @p0 .LBB2_11-.Ltmp8, $4  }
0x5a0: {  	[tilespmem:s11], [sflag:$0x1] =	stream.indirect.gather [hbm4b:s5+s9], $0x40, s8, s9, $0xb8;
	[tilespmem:$0x14800] =	vst v63  }
0x5a1: {  	_ =	swait.ge [sflag:s23], $0x2000  }
0x5a2: {  	[sflag:s23] =	ssyncset.done $0x0  }
0x5a3: {  	v37 =	vld [tilespmem:$0x1F590];
	[sflag:s23] =	ssyncadd.s32 $0xFFFFE000  }
.LBB2_10:
0x5a4: {  	_ =	swait.ge [sflag:s24], $0x400  }
0x5a5: {  	[sflag:s24] =	ssyncset.done $0x0  }
0x5a6: {  	[sflag:s24] =	ssyncadd.s32 $0xFFFFFC00  }
0x5a7: {  	_ =	swait.ge [sflag:s24], $0x400  }
0x5a8: {  	[sflag:s24] =	ssyncset.done $0x0  }
0x5a9: {  	[sflag:s24] =	ssyncadd.s32 $0xFFFFFC00  }
0x5aa: {  	_ =	swait.ge [sflag:s24], $0x400  }
0x5ab: {  	[sflag:s24] =	ssyncset.done $0x0  }
0x5ac: {  	[sflag:s24] =	ssyncadd.s32 $0xFFFFFC00  }
0x5ad: {  	_ =	swait.ge [sflag:s24], $0x400  }
0x5ae: {  	[sflag:s24] =	ssyncset.done $0x0  }
0x5af: {  	[sflag:s24] =	ssyncadd.s32 $0xFFFFFC00  }
0x5b0: {  	_ =	swait.ge [sflag:s24], $0x400  }
0x5b1: {  	[sflag:s24] =	ssyncset.done $0x0  }
0x5b2: {  	[sflag:s24] =	ssyncadd.s32 $0xFFFFFC00  }
0x5b3: {  	_ =	swait.ge [sflag:s24], $0x400  }
0x5b4: {  	[sflag:s24] =	ssyncset.done $0x0  }
0x5b5: {  	[sflag:s24] =	ssyncadd.s32 $0xFFFFFC00  }
0x5b6: {  	_ =	swait.ge [sflag:s24], $0x400  }
0x5b7: {  	[sflag:s24] =	ssyncset.done $0x0  }
0x5b8: {  	[sflag:s24] =	ssyncadd.s32 $0xFFFFFC00  }
0x5b9: {  	_ =	swait.ge [sflag:s24], $0x400  }
0x5ba: {  	[sflag:s24] =	ssyncset.done $0x0  }
0x5bb: {  	[sflag:s24] =	ssyncadd.s32 $0xFFFFFC00  }
.LBB2_11:
0x5bc: {  	v60 =	vld [tilespmem:$0x1F1D0]  }
0x5bd: {  	v57 =	vmov v8;
	v8 =	vmov v9;
	v9 =	vld [tilespmem:$0x1F1C0]  }
0x5be: {  	v11 =	vld [tilespmem:$0x1F1B0]  }
0x5bf: {  	v12 =	vld [tilespmem:$0x1F1A0]  }
0x5c0: {  	v14 =	vld [tilespmem:$0x1F5B0]  }
0x5c1: {  	v17 =	vld [tilespmem:$0x1F190]  }
0x5c2: {  	v6 =	vmov v15;
	v15 =	vld [tilespmem:$0x1F560]  }
0x5c3: {  	v32 =	vld [tilespmem:$0x1F180]  }
0x5c4: {  	v18 =	vld [tilespmem:$0x1F170];
	v61 =	vmov v46;
	v34 =	vmov v41;
	v35 =	vmov v36  }
0x5c5: {  	s8 =	simm.s32 $0x0;
	p0 =	por $0x1, $0x1;
	v33 =	vld [tilespmem:$0x1F160];
	v38 =	vmovc v51;
	v56 =	vmovc v31;
	v58 =	vmov v30;
	v59 =	vmov v29;
	v63 =	vmov v28  }
.LBB2_12:
0x5c6: {  	v26 =	vlaneseq.u32  }
0x5c7: {  	v1 =	vor.u32 s8, v26  }
0x5c8: {  	v4 =	vshll.u32 v1, $0x6  }
0x5c9: {  	v29 =	vld [tilespmem:$0x1F420];
	v7 =	vor.u32 v26, v4  }
0x5ca: {  	v30 =	vld [tilespmem:$0x1F1E0];
	_ =	sdelay $0x2  }
0x5cb: {  	v1 =	vand.u32 $0x48, v1  }
0x5cc: {  	v10 =	vor.u32 v29, v1;
	v7 =	vld.idx.msk [tilespmem:v7+s13+$0x0], $0xffff  }
0x5cd: {  	v41 =	vld [tilespmem:$0x1F450];
	v13 =	vor.u32 v30, v4  }
0x5ce: {  	v62 =	vld [tilespmem:$0x1F1F0];
	_ =	sdelay $0x2  }
0x5cf: {  	[tilespmem:v10+s25+$0x0] =	vst.idx.msk $0xffff, v7  }
0x5d0: {  	v10 =	vor.u32 v41, v1;
	v7 =	vld.idx.msk [tilespmem:v13+s13+$0x0], $0xffff  }
0x5d1: {  	v51 =	vld [tilespmem:$0x1F480];
	v13 =	vor.u32 v62, v4  }
0x5d2: {  	v3 =	vld [tilespmem:$0x1F200];
	_ =	sdelay $0x2  }
0x5d3: {  	[tilespmem:v10+s25+$0x0] =	vst.idx.msk $0xffff, v7  }
0x5d4: {  	v10 =	vor.u32 v51, v1;
	v7 =	vld.idx.msk [tilespmem:v13+s13+$0x0], $0xffff  }
0x5d5: {  	v36 =	vld [tilespmem:$0x1F4B0];
	v13 =	vor.u32 v3, v4  }
0x5d6: {  	v5 =	vld [tilespmem:$0x1F210];
	_ =	sdelay $0x2  }
0x5d7: {  	[tilespmem:v10+s25+$0x0] =	vst.idx.msk $0xffff, v7  }
0x5d8: {  	v10 =	vor.u32 v36, v1;
	v7 =	vld.idx.msk [tilespmem:v13+s13+$0x0], $0xffff  }
0x5d9: {  	v31 =	vld [tilespmem:$0x1F4E0];
	v13 =	vor.u32 v5, v4  }
0x5da: {  	v2 =	vld [tilespmem:$0x1F220];
	_ =	sdelay $0x2  }
0x5db: {  	[tilespmem:v10+s25+$0x0] =	vst.idx.msk $0xffff, v7  }
0x5dc: {  	v10 =	vor.u32 v31, v1;
	v7 =	vld.idx.msk [tilespmem:v13+s13+$0x0], $0xffff  }
0x5dd: {  	v13 =	vor.u32 v2, v4  }
0x5de: {  	v46 =	vld [tilespmem:$0x1F510];
	_ =	sdelay $0x2  }
0x5df: {  	s10 =	sor.u32 $0x10, s8;
	[tilespmem:v10+s25+$0x0] =	vst.idx.msk $0xffff, v7  }
0x5e0: {  	v7 =	vld.idx.msk [tilespmem:v13+s13+$0x0], $0xffff;
	v13 =	vor.u32 s10, v26  }
0x5e1: {  	v10 =	vor.u32 v46, v1;
	s10 =	sor.u32 $0x20, s8;
	v16 =	vshll.u32 v13, $0x6  }
0x5e2: {  	v22 =	vor.u32 s10, v26;
	v23 =	vor.u32 v26, v16  }
0x5e3: {  	s10 =	sor.u32 $0x30, s8;
	v19 =	vshll.u32 v22, $0x6  }
0x5e4: {  	v24 =	vor.u32 s10, v26;
	v25 =	vor.u32 v26, v19  }
0x5e5: {  	v20 =	vshll.u32 v24, $0x6  }
0x5e6: {  	v26 =	vor.u32 v26, v20;
	[tilespmem:v10+s25+$0x0] =	vst.idx.msk $0xffff, v7;
	v7 =	vand.u32 $0x58, v13  }
0x5e7: {  	v27 =	vor.u32 v29, v7;
	v23 =	vld.idx.msk [tilespmem:v23+s13+$0x0], $0xffff  }
0x5e8: {  	v10 =	vand.u32 $0x68, v22;
	v22 =	vor.u32 v30, v16  }
0x5e9: {  	v28 =	vor.u32 v29, v10;
	v25 =	vld.idx.msk [tilespmem:v25+s13+$0x0], $0xffff  }
0x5ea: {  	v13 =	vand.u32 $0x78, v24;
	v24 =	vor.u32 v30, v19  }
0x5eb: {  	v29 =	vor.u32 v29, v13;
	v26 =	vld.idx.msk [tilespmem:v26+s13+$0x0], $0xffff  }
0x5ec: {  	v30 =	vor.u32 v30, v20;
	[tilespmem:v27+s25+$0x0] =	vst.idx.msk $0xffff, v23  }
0x5ed: {  	v23 =	vor.u32 v41, v7;
	v22 =	vld.idx.msk [tilespmem:v22+s13+$0x0], $0xffff  }
0x5ee: {  	[tilespmem:v28+s25+$0x0] =	vst.idx.msk $0xffff, v25;
	v25 =	vor.u32 v62, v16  }
0x5ef: {  	v27 =	vor.u32 v41, v10;
	v24 =	vld.idx.msk [tilespmem:v24+s13+$0x0], $0xffff  }
0x5f0: {  	[tilespmem:v29+s25+$0x0] =	vst.idx.msk $0xffff, v26;
	v26 =	vor.u32 v62, v19  }
0x5f1: {  	v29 =	vor.u32 v41, v13;
	v28 =	vld.idx.msk [tilespmem:v30+s13+$0x0], $0xffff  }
0x5f2: {  	v30 =	vor.u32 v62, v20;
	[tilespmem:v23+s25+$0x0] =	vst.idx.msk $0xffff, v22  }
0x5f3: {  	v23 =	vor.u32 v51, v7;
	v22 =	vld.idx.msk [tilespmem:v25+s13+$0x0], $0xffff  }
0x5f4: {  	[tilespmem:v27+s25+$0x0] =	vst.idx.msk $0xffff, v24;
	v24 =	vor.u32 v3, v16  }
0x5f5: {  	v25 =	vld.idx.msk [tilespmem:v26+s13+$0x0], $0xffff;
	v26 =	vor.u32 v51, v10  }
0x5f6: {  	v62 =	vor.u32 v3, v19;
	[tilespmem:v29+s25+$0x0] =	vst.idx.msk $0xffff, v28  }
0x5f7: {  	v29 =	vor.u32 v51, v13;
	v28 =	vld.idx.msk [tilespmem:v30+s13+$0x0], $0xffff  }
0x5f8: {  	v51 =	vor.u32 v3, v20;
	[tilespmem:v23+s25+$0x0] =	vst.idx.msk $0xffff, v22  }
0x5f9: {  	v23 =	vor.u32 v36, v7;
	v22 =	vld.idx.msk [tilespmem:v24+s13+$0x0], $0xffff  }
0x5fa: {  	[tilespmem:v26+s25+$0x0] =	vst.idx.msk $0xffff, v25;
	v24 =	vor.u32 v5, v16  }
0x5fb: {  	v25 =	vld.idx.msk [tilespmem:v62+s13+$0x0], $0xffff;
	v62 =	vor.u32 v36, v10  }
0x5fc: {  	v27 =	vor.u32 v5, v19;
	[tilespmem:v29+s25+$0x0] =	vst.idx.msk $0xffff, v28  }
0x5fd: {  	v36 =	vor.u32 v36, v13;
	v28 =	vld.idx.msk [tilespmem:v51+s13+$0x0], $0xffff  }
0x5fe: {  	v51 =	vor.u32 v5, v20;
	[tilespmem:v23+s25+$0x0] =	vst.idx.msk $0xffff, v22  }
0x5ff: {  	v23 =	vor.u32 v31, v7;
	v22 =	vld.idx.msk [tilespmem:v24+s13+$0x0], $0xffff  }
0x600: {  	[tilespmem:v62+s25+$0x0] =	vst.idx.msk $0xffff, v25;
	v62 =	vor.u32 v2, v16  }
0x601: {  	v26 =	vor.u32 v31, v10;
	v25 =	vld.idx.msk [tilespmem:v27+s13+$0x0], $0xffff  }
0x602: {  	v55 =	vld [tilespmem:$0x1F230];
	[tilespmem:v36+s25+$0x0] =	vst.idx.msk $0xffff, v28;
	v27 =	vor.u32 v2, v19  }
0x603: {  	v36 =	vor.u32 v31, v13;
	v28 =	vld.idx.msk [tilespmem:v51+s13+$0x0], $0xffff  }
0x604: {  	v51 =	vor.u32 v2, v20;
	[tilespmem:v23+s25+$0x0] =	vst.idx.msk $0xffff, v22  }
0x605: {  	v22 =	vld.idx.msk [tilespmem:v62+s13+$0x0], $0xffff;
	v62 =	vor.u32 v46, v7  }
0x606: {  	[tilespmem:v26+s25+$0x0] =	vst.idx.msk $0xffff, v25  }
0x607: {  	v21 =	vor.u32 v55, v4;
	v30 =	vor.u32 v55, v20;
	v25 =	vld.idx.msk [tilespmem:v27+s13+$0x0], $0xffff  }
0x608: {  	v24 =	vor.u32 v55, v16;
	[tilespmem:v36+s25+$0x0] =	vst.idx.msk $0xffff, v28;
	v27 =	vor.u32 v55, v19;
	v55 =	vld [tilespmem:$0x1F540]  }
0x609: {  	v26 =	vor.u32 v46, v10;
	v28 =	vld.idx.msk [tilespmem:v51+s13+$0x0], $0xffff  }
0x60a: {  	v46 =	vor.u32 v46, v13;
	[tilespmem:v62+s25+$0x0] =	vst.idx.msk $0xffff, v22;
	v62 =	vld [tilespmem:$0x1F550];
	_ =	sdelay $0x2  }
0x60b: {  	v21 =	vld.idx.msk [tilespmem:v21+s13+$0x0], $0xffff  }
0x60c: {  	v31 =	vor.u32 v55, v1;
	v23 =	vld.idx.msk [tilespmem:v24+s13+$0x0], $0xffff;
	[tilespmem:v26+s25+$0x0] =	vst.idx.msk $0xffff, v25  }
0x60d: {  	v24 =	vor.u32 v55, v7;
	v26 =	vld.idx.msk [tilespmem:v27+s13+$0x0], $0xffff;
	[tilespmem:v46+s25+$0x0] =	vst.idx.msk $0xffff, v28;
	v22 =	vor.u32 v62, v4  }
0x60e: {  	v27 =	vor.u32 v55, v10;
	v55 =	vor.u32 v55, v13;
	v29 =	vld.idx.msk [tilespmem:v30+s13+$0x0], $0xffff;
	v25 =	vor.u32 v62, v16  }
0x60f: {  	v46 =	vor.u32 v62, v19;
	v62 =	vor.u32 v62, v20;
	_ =	sdelay $0x1  }
0x610: {  	[tilespmem:v31+s25+$0x0] =	vst.idx.msk $0xffff, v21  }
0x611: {  	[tilespmem:v24+s25+$0x0] =	vst.idx.msk $0xffff, v23;
	v21 =	vld.idx.msk [tilespmem:v22+s13+$0x0], $0xffff;
	v22 =	vor.u32 v15, v1  }
0x612: {  	v23 =	vor.u32 v54, v4;
	[tilespmem:v55+s25+$0x0] =	vst.idx.msk $0xffff, v29;
	v24 =	vld.idx.msk [tilespmem:v25+s13+$0x0], $0xffff;
	v25 =	vor.u32 v15, v7  }
0x613: {  	[tilespmem:v27+s25+$0x0] =	vst.idx.msk $0xffff, v26;
	v26 =	vor.u32 v54, v16;
	v55 =	vor.u32 v15, v13;
	v30 =	vld.idx.msk [tilespmem:v62+s13+$0x0], $0xffff  }
0x614: {  	v2 =	vld [tilespmem:$0x1F240];
	v62 =	vor.u32 v54, v20  }
0x615: {  	v28 =	vor.u32 v15, v10;
	v27 =	vld.idx.msk [tilespmem:v46+s13+$0x0], $0xffff  }
0x616: {  	v46 =	vor.u32 v54, v19;
	[tilespmem:v22+s25+$0x0] =	vst.idx.msk $0xffff, v21  }
0x617: {  	[tilespmem:v25+s25+$0x0] =	vst.idx.msk $0xffff, v24;
	v21 =	vld.idx.msk [tilespmem:v23+s13+$0x0], $0xffff  }
0x618: {  	v22 =	vor.u32 v53, v1;
	[tilespmem:v55+s25+$0x0] =	vst.idx.msk $0xffff, v30;
	v24 =	vld.idx.msk [tilespmem:v26+s13+$0x0], $0xffff  }
0x619: {  	v29 =	vor.u32 v2, v19;
	v25 =	vor.u32 v53, v7;
	v23 =	vor.u32 v2, v4;
	v30 =	vld.idx.msk [tilespmem:v62+s13+$0x0], $0xffff  }
0x61a: {  	[tilespmem:v28+s25+$0x0] =	vst.idx.msk $0xffff, v27;
	v26 =	vor.u32 v2, v16;
	v62 =	vor.u32 v2, v20;
	v2 =	vld [tilespmem:$0x1F250]  }
0x61b: {  	v27 =	vld.idx.msk [tilespmem:v46+s13+$0x0], $0xffff;
	v46 =	vor.u32 v53, v10  }
0x61c: {  	v55 =	vor.u32 v53, v13  }
0x61d: {  	[tilespmem:v22+s25+$0x0] =	vst.idx.msk $0xffff, v21  }
0x61e: {  	v22 =	vor.u32 v37, v1;
	v21 =	vld.idx.msk [tilespmem:v23+s13+$0x0], $0xffff  }
0x61f: {  	[tilespmem:v25+s25+$0x0] =	vst.idx.msk $0xffff, v24;
	v23 =	vor.u32 v2, v4  }
0x620: {  	[tilespmem:v46+s25+$0x0] =	vst.idx.msk $0xffff, v27;
	v24 =	vld.idx.msk [tilespmem:v26+s13+$0x0], $0xffff  }
0x621: {  	v25 =	vor.u32 v37, v7;
	[tilespmem:v55+s25+$0x0] =	vst.idx.msk $0xffff, v30;
	v27 =	vld.idx.msk [tilespmem:v29+s13+$0x0], $0xffff  }
0x622: {  	v28 =	vor.u32 v37, v10;
	v46 =	vor.u32 v2, v16;
	v55 =	vor.u32 v37, v13;
	v30 =	vld.idx.msk [tilespmem:v62+s13+$0x0], $0xffff  }
0x623: {  	v29 =	vor.u32 v2, v19;
	v62 =	vor.u32 v2, v20;
	v2 =	vld [tilespmem:$0x1F260];
	[tilespmem:v22+s25+$0x0] =	vst.idx.msk $0xffff, v21  }
0x624: {  	v22 =	vor.u32 v52, v1;
	v21 =	vld.idx.msk [tilespmem:v23+s13+$0x0], $0xffff  }
0x625: {  	v41 =	vld [tilespmem:$0x1FCE0]  }
0x626: {  	v51 =	vld [tilespmem:$0x1FD30];
	[tilespmem:v25+s25+$0x0] =	vst.idx.msk $0xffff, v24  }
0x627: {  	[tilespmem:v28+s25+$0x0] =	vst.idx.msk $0xffff, v27;
	v24 =	vld.idx.msk [tilespmem:v46+s13+$0x0], $0xffff  }
0x628: {  	[tilespmem:v55+s25+$0x0] =	vst.idx.msk $0xffff, v30;
	v27 =	vld.idx.msk [tilespmem:v29+s13+$0x0], $0xffff  }
0x629: {  	v26 =	vor.u32 v2, v16;
	v23 =	vor.u32 v2, v4;
	v30 =	vld.idx.msk [tilespmem:v62+s13+$0x0], $0xffff;
	[tilespmem:v22+s25+$0x0] =	vst.idx.msk $0xffff, v21  }
0x62a: {  	v55 =	vor.u32 v2, v19;
	v46 =	vor.u32 v52, v7;
	v62 =	vor.u32 v2, v20;
	v2 =	vld [tilespmem:$0x1F270];
	_ =	sdelay $0x2  }
0x62b: {  	v28 =	vor.u32 v52, v10  }
0x62c: {  	v22 =	vor.u32 v14, v1;
	v21 =	vld.idx.msk [tilespmem:v23+s13+$0x0], $0xffff  }
0x62d: {  	[tilespmem:v46+s25+$0x0] =	vst.idx.msk $0xffff, v24;
	v46 =	vor.u32 v2, v4  }
0x62e: {  	v31 =	vor.u32 v52, v13;
	_ =	sdelay $0x1  }
0x62f: {  	[tilespmem:v28+s25+$0x0] =	vst.idx.msk $0xffff, v27;
	v24 =	vld.idx.msk [tilespmem:v26+s13+$0x0], $0xffff  }
0x630: {  	v27 =	vld.idx.msk [tilespmem:v55+s13+$0x0], $0xffff;
	[tilespmem:v22+s25+$0x0] =	vst.idx.msk $0xffff, v21  }
0x631: {  	v21 =	vld.idx.msk [tilespmem:v46+s13+$0x0], $0xffff  }
0x632: {  	v25 =	vor.u32 v14, v7;
	[tilespmem:v31+s25+$0x0] =	vst.idx.msk $0xffff, v30;
	v55 =	vor.u32 v14, v10;
	v46 =	vld [tilespmem:$0x1F5C0]  }
0x633: {  	v26 =	vor.u32 v2, v16;
	v29 =	vor.u32 v2, v19;
	v36 =	vor.u32 v2, v20;
	v2 =	vld [tilespmem:$0x1F280]  }
0x634: {  	v30 =	vld.idx.msk [tilespmem:v62+s13+$0x0], $0xffff;
	v62 =	vor.u32 v14, v13;
	_ =	sdelay $0x2  }
0x635: {  	[tilespmem:v25+s25+$0x0] =	vst.idx.msk $0xffff, v24;
	v22 =	vor.u32 v46, v1  }
0x636: {  	[tilespmem:v55+s25+$0x0] =	vst.idx.msk $0xffff, v27;
	v23 =	vor.u32 v2, v4;
	v24 =	vld.idx.msk [tilespmem:v26+s13+$0x0], $0xffff;
	v25 =	vor.u32 v46, v7  }
0x637: {  	[tilespmem:v62+s25+$0x0] =	vst.idx.msk $0xffff, v30;
	v55 =	vor.u32 v2, v16;
	v27 =	vld.idx.msk [tilespmem:v29+s13+$0x0], $0xffff;
	v28 =	vor.u32 v46, v10  }
0x638: {  	v62 =	vor.u32 v2, v19;
	v30 =	vld.idx.msk [tilespmem:v36+s13+$0x0], $0xffff;
	v31 =	vor.u32 v46, v13  }
0x639: {  	v36 =	vor.u32 v2, v20;
	v46 =	vld [tilespmem:$0x1F5D0]  }
0x63a: {  	v2 =	vld [tilespmem:$0x1F290];
	[tilespmem:v22+s25+$0x0] =	vst.idx.msk $0xffff, v21  }
0x63b: {  	[tilespmem:v25+s25+$0x0] =	vst.idx.msk $0xffff, v24;
	v21 =	vld.idx.msk [tilespmem:v23+s13+$0x0], $0xffff  }
0x63c: {  	[tilespmem:v28+s25+$0x0] =	vst.idx.msk $0xffff, v27;
	v24 =	vld.idx.msk [tilespmem:v55+s13+$0x0], $0xffff  }
0x63d: {  	[tilespmem:v31+s25+$0x0] =	vst.idx.msk $0xffff, v30;
	v27 =	vld.idx.msk [tilespmem:v62+s13+$0x0], $0xffff  }
0x63e: {  	v22 =	vor.u32 v46, v1;
	v31 =	vor.u32 v46, v13;
	v30 =	vld.idx.msk [tilespmem:v36+s13+$0x0], $0xffff  }
0x63f: {  	v23 =	vor.u32 v2, v4;
	v55 =	vor.u32 v46, v7;
	v62 =	vor.u32 v46, v10;
	v46 =	vld [tilespmem:$0x1F5E0]  }
0x640: {  	v26 =	vor.u32 v2, v16;
	v29 =	vor.u32 v2, v19;
	v36 =	vor.u32 v2, v20;
	v2 =	vld [tilespmem:$0x1F2A0];
	_ =	sdelay $0x2  }
0x641: {  	[tilespmem:v22+s25+$0x0] =	vst.idx.msk $0xffff, v21  }
0x642: {  	v22 =	vor.u32 v46, v1;
	v21 =	vld.idx.msk [tilespmem:v23+s13+$0x0], $0xffff  }
0x643: {  	[tilespmem:v55+s25+$0x0] =	vst.idx.msk $0xffff, v24;
	v55 =	vor.u32 v2, v4;
	_ =	sdelay $0x1  }
0x644: {  	[tilespmem:v62+s25+$0x0] =	vst.idx.msk $0xffff, v27;
	v24 =	vld.idx.msk [tilespmem:v26+s13+$0x0], $0xffff  }
0x645: {  	[tilespmem:v31+s25+$0x0] =	vst.idx.msk $0xffff, v30;
	v27 =	vld.idx.msk [tilespmem:v29+s13+$0x0], $0xffff  }
0x646: {  	v25 =	vor.u32 v46, v7;
	v30 =	vld.idx.msk [tilespmem:v36+s13+$0x0], $0xffff;
	[tilespmem:v22+s25+$0x0] =	vst.idx.msk $0xffff, v21  }
0x647: {  	v62 =	vor.u32 v2, v16;
	v28 =	vor.u32 v46, v10;
	v21 =	vld.idx.msk [tilespmem:v55+s13+$0x0], $0xffff  }
0x648: {  	v31 =	vor.u32 v46, v13;
	v29 =	vor.u32 v2, v19;
	v55 =	vld [tilespmem:$0x1F5F0]  }
0x649: {  	v36 =	vor.u32 v2, v20;
	v2 =	vld [tilespmem:$0x1F2B0];
	_ =	sdelay $0x1  }
0x64a: {  	v46 =	vld [tilespmem:$0x1F600];
	[tilespmem:v25+s25+$0x0] =	vst.idx.msk $0xffff, v24  }
0x64b: {  	[tilespmem:v28+s25+$0x0] =	vst.idx.msk $0xffff, v27;
	v24 =	vld.idx.msk [tilespmem:v62+s13+$0x0], $0xffff  }
0x64c: {  	[tilespmem:v31+s25+$0x0] =	vst.idx.msk $0xffff, v30;
	v27 =	vld.idx.msk [tilespmem:v29+s13+$0x0], $0xffff;
	v22 =	vor.u32 v55, v1  }
0x64d: {  	v23 =	vor.u32 v2, v4;
	v26 =	vor.u32 v2, v16;
	v30 =	vld.idx.msk [tilespmem:v36+s13+$0x0], $0xffff  }
0x64e: {  	v29 =	vor.u32 v2, v19;
	v36 =	vor.u32 v2, v20;
	v2 =	vld [tilespmem:$0x1F2C0];
	v62 =	vor.u32 v55, v7;
	_ =	sdelay $0x2  }
0x64f: {  	v28 =	vor.u32 v55, v10;
	[tilespmem:v22+s25+$0x0] =	vst.idx.msk $0xffff, v21  }
0x650: {  	v22 =	vor.u32 v46, v1;
	v21 =	vld.idx.msk [tilespmem:v23+s13+$0x0], $0xffff  }
0x651: {  	[tilespmem:v62+s25+$0x0] =	vst.idx.msk $0xffff, v24;
	v62 =	vor.u32 v2, v4  }
0x652: {  	v55 =	vor.u32 v55, v13;
	_ =	sdelay $0x1  }
0x653: {  	[tilespmem:v28+s25+$0x0] =	vst.idx.msk $0xffff, v27;
	v24 =	vld.idx.msk [tilespmem:v26+s13+$0x0], $0xffff  }
0x654: {  	v27 =	vld.idx.msk [tilespmem:v29+s13+$0x0], $0xffff;
	[tilespmem:v22+s25+$0x0] =	vst.idx.msk $0xffff, v21  }
0x655: {  	v25 =	vor.u32 v46, v7;
	v21 =	vld.idx.msk [tilespmem:v62+s13+$0x0], $0xffff  }
0x656: {  	v28 =	vor.u32 v46, v10;
	[tilespmem:v55+s25+$0x0] =	vst.idx.msk $0xffff, v30;
	v26 =	vor.u32 v2, v16;
	v62 =	vld [tilespmem:$0x1FC80]  }
0x657: {  	v31 =	vor.u32 v46, v13;
	v55 =	vor.u32 v2, v19;
	v30 =	vld.idx.msk [tilespmem:v36+s13+$0x0], $0xffff  }
0x658: {  	v36 =	vor.u32 v2, v20;
	v2 =	vld [tilespmem:$0x1F2D0];
	_ =	sdelay $0x1  }
0x659: {  	v46 =	vld [tilespmem:$0x1F670];
	[tilespmem:v25+s25+$0x0] =	vst.idx.msk $0xffff, v24  }
0x65a: {  	[tilespmem:v28+s25+$0x0] =	vst.idx.msk $0xffff, v27;
	v24 =	vld.idx.msk [tilespmem:v26+s13+$0x0], $0xffff;
	v22 =	vor.u32 v62, v1  }
0x65b: {  	[tilespmem:v31+s25+$0x0] =	vst.idx.msk $0xffff, v30;
	v27 =	vld.idx.msk [tilespmem:v55+s13+$0x0], $0xffff;
	v25 =	vor.u32 v62, v7  }
0x65c: {  	v23 =	vor.u32 v2, v4;
	v29 =	vor.u32 v2, v19;
	v26 =	vor.u32 v2, v16;
	v30 =	vld.idx.msk [tilespmem:v36+s13+$0x0], $0xffff  }
0x65d: {  	v36 =	vor.u32 v2, v20;
	v2 =	vld [tilespmem:$0x1F2E0];
	v55 =	vor.u32 v62, v10;
	v62 =	vor.u32 v62, v13;
	_ =	sdelay $0x1  }
0x65e: {  	v28 =	vor.u32 v46, v10;
	v31 =	vor.u32 v46, v13;
	[tilespmem:v22+s25+$0x0] =	vst.idx.msk $0xffff, v21  }
0x65f: {  	v22 =	vor.u32 v46, v1;
	[tilespmem:v25+s25+$0x0] =	vst.idx.msk $0xffff, v24;
	v25 =	vor.u32 v46, v7;
	v46 =	vld [tilespmem:$0x1F6C0]  }
0x660: {  	v21 =	vld.idx.msk [tilespmem:v23+s13+$0x0], $0xffff  }
0x661: {  	[tilespmem:v62+s25+$0x0] =	vst.idx.msk $0xffff, v30;
	v23 =	vor.u32 v2, v4;
	v24 =	vld.idx.msk [tilespmem:v26+s13+$0x0], $0xffff  }
0x662: {  	[tilespmem:v55+s25+$0x0] =	vst.idx.msk $0xffff, v27;
	v55 =	vor.u32 v2, v16;
	v30 =	vld.idx.msk [tilespmem:v36+s13+$0x0], $0xffff  }
0x663: {  	v62 =	vor.u32 v2, v19;
	v36 =	vor.u32 v2, v20;
	v2 =	vld [tilespmem:$0x1F2F0];
	_ =	sdelay $0x1  }
0x664: {  	v27 =	vld.idx.msk [tilespmem:v29+s13+$0x0], $0xffff;
	[tilespmem:v22+s25+$0x0] =	vst.idx.msk $0xffff, v21  }
0x665: {  	[tilespmem:v25+s25+$0x0] =	vst.idx.msk $0xffff, v24;
	v21 =	vld.idx.msk [tilespmem:v23+s13+$0x0], $0xffff  }
0x666: {  	v22 =	vor.u32 v46, v1;
	[tilespmem:v31+s25+$0x0] =	vst.idx.msk $0xffff, v30;
	v24 =	vld.idx.msk [tilespmem:v55+s13+$0x0], $0xffff  }
0x667: {  	v26 =	vor.u32 v2, v16;
	v23 =	vor.u32 v2, v4;
	v30 =	vld.idx.msk [tilespmem:v36+s13+$0x0], $0xffff  }
0x668: {  	v29 =	vor.u32 v2, v19;
	v55 =	vor.u32 v46, v7;
	v36 =	vor.u32 v2, v20;
	v2 =	vld [tilespmem:$0x1F300]  }
0x669: {  	[tilespmem:v28+s25+$0x0] =	vst.idx.msk $0xffff, v27  }
0x66a: {  	v27 =	vld.idx.msk [tilespmem:v62+s13+$0x0], $0xffff;
	v62 =	vor.u32 v46, v10  }
0x66b: {  	v31 =	vor.u32 v46, v13;
	[tilespmem:v22+s25+$0x0] =	vst.idx.msk $0xffff, v21  }
0x66c: {  	v46 =	vor.u32 v51, v1;
	v21 =	vld.idx.msk [tilespmem:v23+s13+$0x0], $0xffff  }
0x66d: {  	[tilespmem:v55+s25+$0x0] =	vst.idx.msk $0xffff, v24;
	v55 =	vor.u32 v2, v4;
	_ =	sdelay $0x1  }
0x66e: {  	[tilespmem:v62+s25+$0x0] =	vst.idx.msk $0xffff, v27;
	v24 =	vld.idx.msk [tilespmem:v26+s13+$0x0], $0xffff  }
0x66f: {  	[tilespmem:v31+s25+$0x0] =	vst.idx.msk $0xffff, v30;
	v27 =	vld.idx.msk [tilespmem:v29+s13+$0x0], $0xffff  }
0x670: {  	v25 =	vor.u32 v51, v7;
	v30 =	vld.idx.msk [tilespmem:v36+s13+$0x0], $0xffff;
	[tilespmem:v46+s25+$0x0] =	vst.idx.msk $0xffff, v21  }
0x671: {  	v28 =	vor.u32 v51, v10;
	v62 =	vor.u32 v2, v16;
	v21 =	vld.idx.msk [tilespmem:v55+s13+$0x0], $0xffff  }
0x672: {  	v31 =	vor.u32 v51, v13;
	v29 =	vor.u32 v2, v19;
	v55 =	vld [tilespmem:$0x1FC90]  }
0x673: {  	v36 =	vor.u32 v2, v20;
	v2 =	vld [tilespmem:$0x1F310];
	_ =	sdelay $0x1  }
0x674: {  	[tilespmem:v25+s25+$0x0] =	vst.idx.msk $0xffff, v24;
	v46 =	vld [tilespmem:$0x1FCA0]  }
0x675: {  	[tilespmem:v28+s25+$0x0] =	vst.idx.msk $0xffff, v27;
	v24 =	vld.idx.msk [tilespmem:v62+s13+$0x0], $0xffff  }
0x676: {  	[tilespmem:v31+s25+$0x0] =	vst.idx.msk $0xffff, v30;
	v27 =	vld.idx.msk [tilespmem:v29+s13+$0x0], $0xffff;
	v22 =	vor.u32 v55, v1  }
0x677: {  	v23 =	vor.u32 v2, v4;
	v26 =	vor.u32 v2, v16;
	v30 =	vld.idx.msk [tilespmem:v36+s13+$0x0], $0xffff  }
0x678: {  	v29 =	vor.u32 v2, v19;
	v36 =	vor.u32 v2, v20;
	v2 =	vld [tilespmem:$0x1F320];
	v62 =	vor.u32 v55, v7;
	_ =	sdelay $0x2  }
0x679: {  	v28 =	vor.u32 v55, v10;
	[tilespmem:v22+s25+$0x0] =	vst.idx.msk $0xffff, v21  }
0x67a: {  	v22 =	vor.u32 v46, v1;
	v21 =	vld.idx.msk [tilespmem:v23+s13+$0x0], $0xffff  }
0x67b: {  	[tilespmem:v62+s25+$0x0] =	vst.idx.msk $0xffff, v24;
	v62 =	vor.u32 v2, v4  }
0x67c: {  	v55 =	vor.u32 v55, v13;
	_ =	sdelay $0x1  }
0x67d: {  	[tilespmem:v28+s25+$0x0] =	vst.idx.msk $0xffff, v27;
	v24 =	vld.idx.msk [tilespmem:v26+s13+$0x0], $0xffff  }
0x67e: {  	v27 =	vld.idx.msk [tilespmem:v29+s13+$0x0], $0xffff;
	[tilespmem:v22+s25+$0x0] =	vst.idx.msk $0xffff, v21  }
0x67f: {  	v25 =	vor.u32 v46, v7;
	v21 =	vld.idx.msk [tilespmem:v62+s13+$0x0], $0xffff  }
0x680: {  	v28 =	vor.u32 v46, v10;
	[tilespmem:v55+s25+$0x0] =	vst.idx.msk $0xffff, v30;
	v26 =	vor.u32 v2, v16;
	v62 =	vld [tilespmem:$0x1FCB0]  }
0x681: {  	v31 =	vor.u32 v46, v13;
	v55 =	vor.u32 v2, v19;
	v30 =	vld.idx.msk [tilespmem:v36+s13+$0x0], $0xffff  }
0x682: {  	v36 =	vor.u32 v2, v20;
	v2 =	vld [tilespmem:$0x1F330];
	_ =	sdelay $0x1  }
0x683: {  	v46 =	vld [tilespmem:$0x1FCC0];
	[tilespmem:v25+s25+$0x0] =	vst.idx.msk $0xffff, v24  }
0x684: {  	[tilespmem:v28+s25+$0x0] =	vst.idx.msk $0xffff, v27;
	v24 =	vld.idx.msk [tilespmem:v26+s13+$0x0], $0xffff;
	v22 =	vor.u32 v62, v1  }
0x685: {  	[tilespmem:v31+s25+$0x0] =	vst.idx.msk $0xffff, v30;
	v27 =	vld.idx.msk [tilespmem:v55+s13+$0x0], $0xffff;
	v25 =	vor.u32 v62, v7  }
0x686: {  	v23 =	vor.u32 v2, v4;
	v29 =	vor.u32 v2, v19;
	v26 =	vor.u32 v2, v16;
	v30 =	vld.idx.msk [tilespmem:v36+s13+$0x0], $0xffff  }
0x687: {  	v36 =	vor.u32 v2, v20;
	v2 =	vld [tilespmem:$0x1F340];
	v55 =	vor.u32 v62, v10;
	v62 =	vor.u32 v62, v13;
	_ =	sdelay $0x1  }
0x688: {  	v28 =	vor.u32 v46, v10;
	v31 =	vor.u32 v46, v13;
	[tilespmem:v22+s25+$0x0] =	vst.idx.msk $0xffff, v21  }
0x689: {  	v22 =	vor.u32 v46, v1;
	[tilespmem:v25+s25+$0x0] =	vst.idx.msk $0xffff, v24;
	v25 =	vor.u32 v46, v7;
	v46 =	vld [tilespmem:$0x1FCD0]  }
0x68a: {  	v21 =	vld.idx.msk [tilespmem:v23+s13+$0x0], $0xffff  }
0x68b: {  	[tilespmem:v62+s25+$0x0] =	vst.idx.msk $0xffff, v30;
	v23 =	vor.u32 v2, v4;
	v24 =	vld.idx.msk [tilespmem:v26+s13+$0x0], $0xffff  }
0x68c: {  	[tilespmem:v55+s25+$0x0] =	vst.idx.msk $0xffff, v27;
	v55 =	vor.u32 v2, v16;
	v30 =	vld.idx.msk [tilespmem:v36+s13+$0x0], $0xffff  }
0x68d: {  	v62 =	vor.u32 v2, v19;
	v36 =	vor.u32 v2, v20;
	v2 =	vld [tilespmem:$0x1F350];
	_ =	sdelay $0x1  }
0x68e: {  	v27 =	vld.idx.msk [tilespmem:v29+s13+$0x0], $0xffff;
	[tilespmem:v22+s25+$0x0] =	vst.idx.msk $0xffff, v21  }
0x68f: {  	[tilespmem:v25+s25+$0x0] =	vst.idx.msk $0xffff, v24;
	v21 =	vld.idx.msk [tilespmem:v23+s13+$0x0], $0xffff  }
0x690: {  	v22 =	vor.u32 v46, v1;
	[tilespmem:v31+s25+$0x0] =	vst.idx.msk $0xffff, v30;
	v24 =	vld.idx.msk [tilespmem:v55+s13+$0x0], $0xffff  }
0x691: {  	v26 =	vor.u32 v2, v16;
	v23 =	vor.u32 v2, v4;
	v30 =	vld.idx.msk [tilespmem:v36+s13+$0x0], $0xffff  }
0x692: {  	v29 =	vor.u32 v2, v19;
	v55 =	vor.u32 v46, v7;
	v36 =	vor.u32 v2, v20;
	v2 =	vld [tilespmem:$0x1F360]  }
0x693: {  	[tilespmem:v28+s25+$0x0] =	vst.idx.msk $0xffff, v27  }
0x694: {  	v27 =	vld.idx.msk [tilespmem:v62+s13+$0x0], $0xffff;
	v62 =	vor.u32 v46, v10  }
0x695: {  	v31 =	vor.u32 v46, v13;
	[tilespmem:v22+s25+$0x0] =	vst.idx.msk $0xffff, v21  }
0x696: {  	v46 =	vor.u32 v41, v1;
	v21 =	vld.idx.msk [tilespmem:v23+s13+$0x0], $0xffff  }
0x697: {  	[tilespmem:v55+s25+$0x0] =	vst.idx.msk $0xffff, v24;
	v55 =	vor.u32 v2, v4;
	_ =	sdelay $0x1  }
0x698: {  	[tilespmem:v62+s25+$0x0] =	vst.idx.msk $0xffff, v27;
	v24 =	vld.idx.msk [tilespmem:v26+s13+$0x0], $0xffff  }
0x699: {  	[tilespmem:v31+s25+$0x0] =	vst.idx.msk $0xffff, v30;
	v27 =	vld.idx.msk [tilespmem:v29+s13+$0x0], $0xffff  }
0x69a: {  	v30 =	vld.idx.msk [tilespmem:v36+s13+$0x0], $0xffff;
	[tilespmem:v46+s25+$0x0] =	vst.idx.msk $0xffff, v21  }
0x69b: {  	v21 =	vld.idx.msk [tilespmem:v55+s13+$0x0], $0xffff  }
0x69c: {  	v25 =	vor.u32 v41, v7;
	v55 =	vld [tilespmem:$0x1FCF0]  }
0x69d: {  	v62 =	vor.u32 v2, v16;
	v29 =	vor.u32 v2, v19;
	v36 =	vor.u32 v2, v20;
	v2 =	vld [tilespmem:$0x1F370];
	_ =	sdelay $0x3  }
0x69e: {  	v22 =	vor.u32 v55, v1  }
0x69f: {  	v28 =	vor.u32 v41, v10;
	[tilespmem:v25+s25+$0x0] =	vst.idx.msk $0xffff, v24;
	v23 =	vor.u32 v2, v4;
	v46 =	vld [tilespmem:$0x1FD00]  }
0x6a0: {  	v24 =	vld.idx.msk [tilespmem:v62+s13+$0x0], $0xffff;
	v62 =	vor.u32 v55, v7  }
0x6a1: {  	v31 =	vor.u32 v41, v13;
	_ =	sdelay $0x1  }
0x6a2: {  	[tilespmem:v22+s25+$0x0] =	vst.idx.msk $0xffff, v21  }
0x6a3: {  	[tilespmem:v28+s25+$0x0] =	vst.idx.msk $0xffff, v27;
	v26 =	vor.u32 v2, v16;
	v22 =	vor.u32 v46, v1;
	v21 =	vld.idx.msk [tilespmem:v23+s13+$0x0], $0xffff  }
0x6a4: {  	[tilespmem:v62+s25+$0x0] =	vst.idx.msk $0xffff, v24;
	v62 =	vor.u32 v61, v4  }
0x6a5: {  	[tilespmem:v31+s25+$0x0] =	vst.idx.msk $0xffff, v30;
	v27 =	vld.idx.msk [tilespmem:v29+s13+$0x0], $0xffff;
	v28 =	vor.u32 v55, v10  }
0x6a6: {  	v29 =	vor.u32 v2, v19;
	v30 =	vld.idx.msk [tilespmem:v36+s13+$0x0], $0xffff;
	v55 =	vor.u32 v55, v13  }
0x6a7: {  	v36 =	vor.u32 v2, v20  }
0x6a8: {  	v24 =	vld.idx.msk [tilespmem:v26+s13+$0x0], $0xffff;
	[tilespmem:v22+s25+$0x0] =	vst.idx.msk $0xffff, v21  }
0x6a9: {  	v21 =	vld.idx.msk [tilespmem:v62+s13+$0x0], $0xffff  }
0x6aa: {  	v25 =	vor.u32 v46, v7;
	[tilespmem:v28+s25+$0x0] =	vst.idx.msk $0xffff, v27;
	v62 =	vld [tilespmem:$0x1FD10]  }
0x6ab: {  	v28 =	vor.u32 v46, v10;
	[tilespmem:v55+s25+$0x0] =	vst.idx.msk $0xffff, v30;
	v26 =	vor.u32 v61, v16;
	v27 =	vld.idx.msk [tilespmem:v29+s13+$0x0], $0xffff  }
0x6ac: {  	v31 =	vor.u32 v46, v13;
	v55 =	vor.u32 v61, v19;
	v30 =	vld.idx.msk [tilespmem:v36+s13+$0x0], $0xffff  }
0x6ad: {  	v36 =	vor.u32 v61, v20  }
0x6ae: {  	v2 =	vld [tilespmem:$0x1F3A0]  }
0x6af: {  	v46 =	vld [tilespmem:$0x1FD20];
	[tilespmem:v25+s25+$0x0] =	vst.idx.msk $0xffff, v24;
	v22 =	vor.u32 v62, v1  }
0x6b0: {  	v23 =	vor.u32 v34, v4;
	[tilespmem:v28+s25+$0x0] =	vst.idx.msk $0xffff, v27;
	v24 =	vld.idx.msk [tilespmem:v26+s13+$0x0], $0xffff;
	v25 =	vor.u32 v62, v7  }
0x6b1: {  	[tilespmem:v31+s25+$0x0] =	vst.idx.msk $0xffff, v30;
	v26 =	vor.u32 v34, v16;
	v27 =	vld.idx.msk [tilespmem:v55+s13+$0x0], $0xffff;
	v55 =	vor.u32 v62, v10  }
0x6b2: {  	v29 =	vor.u32 v34, v19;
	v30 =	vld.idx.msk [tilespmem:v36+s13+$0x0], $0xffff;
	v62 =	vor.u32 v62, v13  }
0x6b3: {  	v36 =	vor.u32 v34, v20  }
0x6b4: {  	[tilespmem:v22+s25+$0x0] =	vst.idx.msk $0xffff, v21  }
0x6b5: {  	v22 =	vor.u32 v46, v1;
	[tilespmem:v25+s25+$0x0] =	vst.idx.msk $0xffff, v24;
	v21 =	vld.idx.msk [tilespmem:v23+s13+$0x0], $0xffff  }
0x6b6: {  	v25 =	vor.u32 v46, v7;
	[tilespmem:v55+s25+$0x0] =	vst.idx.msk $0xffff, v27;
	v23 =	vor.u32 v2, v4;
	v24 =	vld.idx.msk [tilespmem:v26+s13+$0x0], $0xffff  }
0x6b7: {  	v28 =	vor.u32 v46, v10;
	v55 =	vor.u32 v2, v16;
	[tilespmem:v62+s25+$0x0] =	vst.idx.msk $0xffff, v30;
	v27 =	vld.idx.msk [tilespmem:v29+s13+$0x0], $0xffff  }
0x6b8: {  	v31 =	vor.u32 v46, v13;
	v62 =	vor.u32 v2, v19;
	v30 =	vld.idx.msk [tilespmem:v36+s13+$0x0], $0xffff  }
0x6b9: {  	v46 =	vld [tilespmem:$0x1F710];
	v36 =	vor.u32 v2, v20  }
0x6ba: {  	v2 =	vld [tilespmem:$0x1F3B0];
	[tilespmem:v22+s25+$0x0] =	vst.idx.msk $0xffff, v21  }
0x6bb: {  	[tilespmem:v25+s25+$0x0] =	vst.idx.msk $0xffff, v24;
	v21 =	vld.idx.msk [tilespmem:v23+s13+$0x0], $0xffff  }
0x6bc: {  	[tilespmem:v28+s25+$0x0] =	vst.idx.msk $0xffff, v27;
	v24 =	vld.idx.msk [tilespmem:v55+s13+$0x0], $0xffff  }
0x6bd: {  	[tilespmem:v31+s25+$0x0] =	vst.idx.msk $0xffff, v30;
	v27 =	vld.idx.msk [tilespmem:v62+s13+$0x0], $0xffff  }
0x6be: {  	v22 =	vor.u32 v46, v1;
	v31 =	vor.u32 v46, v13;
	v30 =	vld.idx.msk [tilespmem:v36+s13+$0x0], $0xffff  }
0x6bf: {  	v23 =	vor.u32 v2, v4;
	v55 =	vor.u32 v46, v7;
	v62 =	vor.u32 v46, v10;
	v46 =	vld [tilespmem:$0x1FD40]  }
0x6c0: {  	v26 =	vor.u32 v2, v16;
	v29 =	vor.u32 v2, v19;
	v36 =	vor.u32 v2, v20;
	v2 =	vld [tilespmem:$0x1F3C0];
	_ =	sdelay $0x2  }
0x6c1: {  	[tilespmem:v22+s25+$0x0] =	vst.idx.msk $0xffff, v21  }
0x6c2: {  	v22 =	vor.u32 v46, v1;
	v21 =	vld.idx.msk [tilespmem:v23+s13+$0x0], $0xffff  }
0x6c3: {  	[tilespmem:v55+s25+$0x0] =	vst.idx.msk $0xffff, v24;
	v55 =	vor.u32 v2, v4;
	_ =	sdelay $0x1  }
0x6c4: {  	[tilespmem:v62+s25+$0x0] =	vst.idx.msk $0xffff, v27;
	v24 =	vld.idx.msk [tilespmem:v26+s13+$0x0], $0xffff  }
0x6c5: {  	[tilespmem:v31+s25+$0x0] =	vst.idx.msk $0xffff, v30;
	v27 =	vld.idx.msk [tilespmem:v29+s13+$0x0], $0xffff  }
0x6c6: {  	v25 =	vor.u32 v46, v7;
	v30 =	vld.idx.msk [tilespmem:v36+s13+$0x0], $0xffff;
	[tilespmem:v22+s25+$0x0] =	vst.idx.msk $0xffff, v21  }
0x6c7: {  	v62 =	vor.u32 v2, v16;
	v28 =	vor.u32 v46, v10;
	v21 =	vld.idx.msk [tilespmem:v55+s13+$0x0], $0xffff  }
0x6c8: {  	v31 =	vor.u32 v46, v13;
	v29 =	vor.u32 v2, v19;
	v55 =	vld [tilespmem:$0x1FD50]  }
0x6c9: {  	v36 =	vor.u32 v2, v20;
	v2 =	vld [tilespmem:$0x1F3D0];
	_ =	sdelay $0x1  }
0x6ca: {  	v46 =	vld [tilespmem:$0x1FD60];
	[tilespmem:v25+s25+$0x0] =	vst.idx.msk $0xffff, v24  }
0x6cb: {  	[tilespmem:v28+s25+$0x0] =	vst.idx.msk $0xffff, v27;
	v24 =	vld.idx.msk [tilespmem:v62+s13+$0x0], $0xffff  }
0x6cc: {  	[tilespmem:v31+s25+$0x0] =	vst.idx.msk $0xffff, v30;
	v27 =	vld.idx.msk [tilespmem:v29+s13+$0x0], $0xffff;
	v22 =	vor.u32 v55, v1  }
0x6cd: {  	v23 =	vor.u32 v2, v4;
	v26 =	vor.u32 v2, v16;
	v30 =	vld.idx.msk [tilespmem:v36+s13+$0x0], $0xffff  }
0x6ce: {  	v29 =	vor.u32 v2, v19;
	v36 =	vor.u32 v2, v20;
	v2 =	vld [tilespmem:$0x1F3E0];
	v62 =	vor.u32 v55, v7;
	_ =	sdelay $0x2  }
0x6cf: {  	[tilespmem:v22+s25+$0x0] =	vst.idx.msk $0xffff, v21  }
0x6d0: {  	v22 =	vor.u32 v46, v1;
	v21 =	vld.idx.msk [tilespmem:v23+s13+$0x0], $0xffff  }
0x6d1: {  	[tilespmem:v62+s25+$0x0] =	vst.idx.msk $0xffff, v24;
	v62 =	vor.u32 v2, v4;
	_ =	sdelay $0x1  }
0x6d2: {  	v28 =	vor.u32 v55, v10  }
0x6d3: {  	v55 =	vor.u32 v55, v13  }
0x6d4: {  	v24 =	vld.idx.msk [tilespmem:v26+s13+$0x0], $0xffff;
	[tilespmem:v22+s25+$0x0] =	vst.idx.msk $0xffff, v21  }
0x6d5: {  	v21 =	vld.idx.msk [tilespmem:v62+s13+$0x0], $0xffff  }
0x6d6: {  	v25 =	vor.u32 v46, v7;
	v62 =	vld [tilespmem:$0x1FD70]  }
0x6d7: {  	[tilespmem:v28+s25+$0x0] =	vst.idx.msk $0xffff, v27;
	v26 =	vor.u32 v2, v16  }
0x6d8: {  	v28 =	vor.u32 v46, v10;
	[tilespmem:v55+s25+$0x0] =	vst.idx.msk $0xffff, v30;
	v27 =	vld.idx.msk [tilespmem:v29+s13+$0x0], $0xffff  }
0x6d9: {  	v31 =	vor.u32 v46, v13;
	v55 =	vor.u32 v2, v19;
	v30 =	vld.idx.msk [tilespmem:v36+s13+$0x0], $0xffff  }
0x6da: {  	v46 =	vld [tilespmem:$0x1FD80];
	v36 =	vor.u32 v2, v20  }
0x6db: {  	[tilespmem:v25+s25+$0x0] =	vst.idx.msk $0xffff, v24;
	v22 =	vor.u32 v62, v1  }
0x6dc: {  	v24 =	vld.idx.msk [tilespmem:v26+s13+$0x0], $0xffff;
	v25 =	vor.u32 v62, v7  }
0x6dd: {  	v23 =	vor.u32 v6, v4;
	[tilespmem:v28+s25+$0x0] =	vst.idx.msk $0xffff, v27  }
0x6de: {  	[tilespmem:v31+s25+$0x0] =	vst.idx.msk $0xffff, v30;
	v26 =	vor.u32 v6, v16;
	v27 =	vld.idx.msk [tilespmem:v55+s13+$0x0], $0xffff;
	v55 =	vor.u32 v62, v10  }
0x6df: {  	v29 =	vor.u32 v6, v19;
	v28 =	vor.u32 v46, v10;
	v30 =	vld.idx.msk [tilespmem:v36+s13+$0x0], $0xffff;
	v62 =	vor.u32 v62, v13  }
0x6e0: {  	v31 =	vor.u32 v46, v13;
	v36 =	vor.u32 v6, v20;
	[tilespmem:v22+s25+$0x0] =	vst.idx.msk $0xffff, v21  }
0x6e1: {  	v22 =	vor.u32 v46, v1;
	[tilespmem:v25+s25+$0x0] =	vst.idx.msk $0xffff, v24;
	v25 =	vor.u32 v46, v7;
	v46 =	vld [tilespmem:$0x1FD90]  }
0x6e2: {  	v21 =	vld.idx.msk [tilespmem:v23+s13+$0x0], $0xffff  }
0x6e3: {  	[tilespmem:v55+s25+$0x0] =	vst.idx.msk $0xffff, v27;
	v23 =	vor.u32 v60, v4;
	v24 =	vld.idx.msk [tilespmem:v26+s13+$0x0], $0xffff  }
0x6e4: {  	v55 =	vor.u32 v60, v16;
	[tilespmem:v62+s25+$0x0] =	vst.idx.msk $0xffff, v30;
	v27 =	vld.idx.msk [tilespmem:v29+s13+$0x0], $0xffff  }
0x6e5: {  	v62 =	vor.u32 v60, v19;
	v30 =	vld.idx.msk [tilespmem:v36+s13+$0x0], $0xffff;
	_ =	sdelay $0x1  }
0x6e6: {  	[tilespmem:v22+s25+$0x0] =	vst.idx.msk $0xffff, v21  }
0x6e7: {  	[tilespmem:v25+s25+$0x0] =	vst.idx.msk $0xffff, v24;
	v21 =	vld.idx.msk [tilespmem:v23+s13+$0x0], $0xffff  }
0x6e8: {  	[tilespmem:v28+s25+$0x0] =	vst.idx.msk $0xffff, v27;
	v24 =	vld.idx.msk [tilespmem:v55+s13+$0x0], $0xffff  }
0x6e9: {  	v22 =	vor.u32 v46, v1;
	[tilespmem:v31+s25+$0x0] =	vst.idx.msk $0xffff, v30;
	v31 =	vor.u32 v46, v13;
	v27 =	vld.idx.msk [tilespmem:v62+s13+$0x0], $0xffff  }
0x6ea: {  	v23 =	vor.u32 v57, v4;
	v55 =	vor.u32 v46, v7;
	v62 =	vor.u32 v46, v10;
	v46 =	vld [tilespmem:$0x1FDA0];
	_ =	sdelay $0x3  }
0x6eb: {  	[tilespmem:v22+s25+$0x0] =	vst.idx.msk $0xffff, v21  }
0x6ec: {  	v36 =	vor.u32 v60, v20;
	v22 =	vor.u32 v46, v1;
	v21 =	vld.idx.msk [tilespmem:v23+s13+$0x0], $0xffff  }
0x6ed: {  	[tilespmem:v55+s25+$0x0] =	vst.idx.msk $0xffff, v24;
	v55 =	vor.u32 v8, v4;
	_ =	sdelay $0x1  }
0x6ee: {  	v26 =	vor.u32 v57, v16;
	_ =	sdelay $0x1  }
0x6ef: {  	v30 =	vld.idx.msk [tilespmem:v36+s13+$0x0], $0xffff;
	[tilespmem:v22+s25+$0x0] =	vst.idx.msk $0xffff, v21  }
0x6f0: {  	v21 =	vld.idx.msk [tilespmem:v55+s13+$0x0], $0xffff  }
0x6f1: {  	v55 =	vld [tilespmem:$0x1FDB0]  }
0x6f2: {  	v25 =	vor.u32 v46, v7;
	v24 =	vld.idx.msk [tilespmem:v26+s13+$0x0], $0xffff  }
0x6f3: {  	[tilespmem:v62+s25+$0x0] =	vst.idx.msk $0xffff, v27;
	v62 =	vor.u32 v8, v16  }
0x6f4: {  	v29 =	vor.u32 v57, v19  }
0x6f5: {  	v36 =	vor.u32 v57, v20  }
0x6f6: {  	v28 =	vor.u32 v46, v10;
	[tilespmem:v31+s25+$0x0] =	vst.idx.msk $0xffff, v30;
	v22 =	vor.u32 v55, v1  }
0x6f7: {  	v31 =	vor.u32 v46, v13;
	v46 =	vld [tilespmem:$0x1FDC0];
	v23 =	vor.u32 v9, v4;
	[tilespmem:v25+s25+$0x0] =	vst.idx.msk $0xffff, v24  }
0x6f8: {  	v24 =	vld.idx.msk [tilespmem:v62+s13+$0x0], $0xffff;
	v62 =	vor.u32 v55, v7  }
0x6f9: {  	v27 =	vld.idx.msk [tilespmem:v29+s13+$0x0], $0xffff  }
0x6fa: {  	v29 =	vor.u32 v8, v19;
	v30 =	vld.idx.msk [tilespmem:v36+s13+$0x0], $0xffff  }
0x6fb: {  	v36 =	vor.u32 v8, v20;
	[tilespmem:v22+s25+$0x0] =	vst.idx.msk $0xffff, v21  }
0x6fc: {  	v26 =	vor.u32 v9, v16;
	v22 =	vor.u32 v46, v1;
	v21 =	vld.idx.msk [tilespmem:v23+s13+$0x0], $0xffff  }
0x6fd: {  	[tilespmem:v62+s25+$0x0] =	vst.idx.msk $0xffff, v24;
	v62 =	vor.u32 v11, v4  }
0x6fe: {  	[tilespmem:v28+s25+$0x0] =	vst.idx.msk $0xffff, v27  }
0x6ff: {  	[tilespmem:v31+s25+$0x0] =	vst.idx.msk $0xffff, v30;
	v27 =	vld.idx.msk [tilespmem:v29+s13+$0x0], $0xffff;
	v28 =	vor.u32 v55, v10  }
0x700: {  	v29 =	vor.u32 v9, v19;
	v30 =	vld.idx.msk [tilespmem:v36+s13+$0x0], $0xffff;
	v55 =	vor.u32 v55, v13  }
0x701: {  	v36 =	vor.u32 v9, v20;
	v24 =	vld.idx.msk [tilespmem:v26+s13+$0x0], $0xffff;
	[tilespmem:v22+s25+$0x0] =	vst.idx.msk $0xffff, v21  }
0x702: {  	v21 =	vld.idx.msk [tilespmem:v62+s13+$0x0], $0xffff  }
0x703: {  	v25 =	vor.u32 v46, v7;
	v62 =	vld [tilespmem:$0x1FDD0]  }
0x704: {  	[tilespmem:v28+s25+$0x0] =	vst.idx.msk $0xffff, v27;
	v26 =	vor.u32 v11, v16  }
0x705: {  	v28 =	vor.u32 v46, v10;
	[tilespmem:v55+s25+$0x0] =	vst.idx.msk $0xffff, v30;
	v27 =	vld.idx.msk [tilespmem:v29+s13+$0x0], $0xffff  }
0x706: {  	v31 =	vor.u32 v46, v13;
	v55 =	vor.u32 v11, v19;
	v30 =	vld.idx.msk [tilespmem:v36+s13+$0x0], $0xffff  }
0x707: {  	v46 =	vld [tilespmem:$0x1FDE0];
	v36 =	vor.u32 v11, v20  }
0x708: {  	[tilespmem:v25+s25+$0x0] =	vst.idx.msk $0xffff, v24;
	v22 =	vor.u32 v62, v1  }
0x709: {  	v24 =	vld.idx.msk [tilespmem:v26+s13+$0x0], $0xffff;
	v25 =	vor.u32 v62, v7  }
0x70a: {  	v23 =	vor.u32 v12, v4;
	[tilespmem:v28+s25+$0x0] =	vst.idx.msk $0xffff, v27  }
0x70b: {  	[tilespmem:v31+s25+$0x0] =	vst.idx.msk $0xffff, v30;
	v26 =	vor.u32 v12, v16;
	v27 =	vld.idx.msk [tilespmem:v55+s13+$0x0], $0xffff;
	v55 =	vor.u32 v62, v10  }
0x70c: {  	v29 =	vor.u32 v12, v19;
	v28 =	vor.u32 v46, v10;
	v30 =	vld.idx.msk [tilespmem:v36+s13+$0x0], $0xffff;
	v62 =	vor.u32 v62, v13  }
0x70d: {  	v31 =	vor.u32 v46, v13;
	v36 =	vor.u32 v12, v20;
	[tilespmem:v22+s25+$0x0] =	vst.idx.msk $0xffff, v21  }
0x70e: {  	v22 =	vor.u32 v46, v1;
	[tilespmem:v25+s25+$0x0] =	vst.idx.msk $0xffff, v24;
	v25 =	vor.u32 v46, v7;
	v46 =	vld [tilespmem:$0x1FDF0]  }
0x70f: {  	v21 =	vld.idx.msk [tilespmem:v23+s13+$0x0], $0xffff  }
0x710: {  	[tilespmem:v55+s25+$0x0] =	vst.idx.msk $0xffff, v27;
	v23 =	vor.u32 v35, v4;
	v24 =	vld.idx.msk [tilespmem:v26+s13+$0x0], $0xffff  }
0x711: {  	v55 =	vor.u32 v35, v16;
	[tilespmem:v62+s25+$0x0] =	vst.idx.msk $0xffff, v30;
	v27 =	vld.idx.msk [tilespmem:v29+s13+$0x0], $0xffff  }
0x712: {  	v62 =	vor.u32 v35, v19;
	v30 =	vld.idx.msk [tilespmem:v36+s13+$0x0], $0xffff;
	_ =	sdelay $0x1  }
0x713: {  	[tilespmem:v22+s25+$0x0] =	vst.idx.msk $0xffff, v21  }
0x714: {  	[tilespmem:v25+s25+$0x0] =	vst.idx.msk $0xffff, v24;
	v21 =	vld.idx.msk [tilespmem:v23+s13+$0x0], $0xffff  }
0x715: {  	[tilespmem:v28+s25+$0x0] =	vst.idx.msk $0xffff, v27;
	v24 =	vld.idx.msk [tilespmem:v55+s13+$0x0], $0xffff  }
0x716: {  	v22 =	vor.u32 v46, v1;
	[tilespmem:v31+s25+$0x0] =	vst.idx.msk $0xffff, v30;
	v31 =	vor.u32 v46, v13;
	v27 =	vld.idx.msk [tilespmem:v62+s13+$0x0], $0xffff  }
0x717: {  	v23 =	vor.u32 v17, v4;
	v55 =	vor.u32 v46, v7;
	v62 =	vor.u32 v46, v10;
	v46 =	vld [tilespmem:$0x1FE00];
	_ =	sdelay $0x3  }
0x718: {  	[tilespmem:v22+s25+$0x0] =	vst.idx.msk $0xffff, v21  }
0x719: {  	v36 =	vor.u32 v35, v20;
	v22 =	vor.u32 v46, v1;
	v21 =	vld.idx.msk [tilespmem:v23+s13+$0x0], $0xffff  }
0x71a: {  	[tilespmem:v55+s25+$0x0] =	vst.idx.msk $0xffff, v24;
	v55 =	vor.u32 v38, v4;
	_ =	sdelay $0x1  }
0x71b: {  	v26 =	vor.u32 v17, v16;
	_ =	sdelay $0x1  }
0x71c: {  	v30 =	vld.idx.msk [tilespmem:v36+s13+$0x0], $0xffff;
	[tilespmem:v22+s25+$0x0] =	vst.idx.msk $0xffff, v21  }
0x71d: {  	v21 =	vld.idx.msk [tilespmem:v55+s13+$0x0], $0xffff  }
0x71e: {  	v55 =	vld [tilespmem:$0x1FE10]  }
0x71f: {  	v25 =	vor.u32 v46, v7;
	v24 =	vld.idx.msk [tilespmem:v26+s13+$0x0], $0xffff  }
0x720: {  	[tilespmem:v62+s25+$0x0] =	vst.idx.msk $0xffff, v27;
	v62 =	vor.u32 v38, v16  }
0x721: {  	v29 =	vor.u32 v17, v19  }
0x722: {  	v36 =	vor.u32 v17, v20  }
0x723: {  	v28 =	vor.u32 v46, v10;
	[tilespmem:v31+s25+$0x0] =	vst.idx.msk $0xffff, v30;
	v22 =	vor.u32 v55, v1  }
0x724: {  	v31 =	vor.u32 v46, v13;
	v46 =	vld [tilespmem:$0x1FE20];
	v23 =	vor.u32 v32, v4;
	[tilespmem:v25+s25+$0x0] =	vst.idx.msk $0xffff, v24  }
0x725: {  	v24 =	vld.idx.msk [tilespmem:v62+s13+$0x0], $0xffff;
	v62 =	vor.u32 v55, v7  }
0x726: {  	v27 =	vld.idx.msk [tilespmem:v29+s13+$0x0], $0xffff  }
0x727: {  	v29 =	vor.u32 v38, v19;
	v30 =	vld.idx.msk [tilespmem:v36+s13+$0x0], $0xffff  }
0x728: {  	v36 =	vor.u32 v38, v20;
	[tilespmem:v22+s25+$0x0] =	vst.idx.msk $0xffff, v21  }
0x729: {  	v26 =	vor.u32 v32, v16;
	v22 =	vor.u32 v46, v1;
	v21 =	vld.idx.msk [tilespmem:v23+s13+$0x0], $0xffff  }
0x72a: {  	[tilespmem:v62+s25+$0x0] =	vst.idx.msk $0xffff, v24;
	v62 =	vor.u32 v18, v4  }
0x72b: {  	[tilespmem:v28+s25+$0x0] =	vst.idx.msk $0xffff, v27  }
0x72c: {  	[tilespmem:v31+s25+$0x0] =	vst.idx.msk $0xffff, v30;
	v27 =	vld.idx.msk [tilespmem:v29+s13+$0x0], $0xffff;
	v28 =	vor.u32 v55, v10  }
0x72d: {  	v29 =	vor.u32 v32, v19;
	v30 =	vld.idx.msk [tilespmem:v36+s13+$0x0], $0xffff;
	v55 =	vor.u32 v55, v13  }
0x72e: {  	v36 =	vor.u32 v32, v20;
	v24 =	vld.idx.msk [tilespmem:v26+s13+$0x0], $0xffff;
	[tilespmem:v22+s25+$0x0] =	vst.idx.msk $0xffff, v21  }
0x72f: {  	v21 =	vld.idx.msk [tilespmem:v62+s13+$0x0], $0xffff  }
0x730: {  	v25 =	vor.u32 v46, v7;
	v62 =	vld [tilespmem:$0x1FE30]  }
0x731: {  	[tilespmem:v28+s25+$0x0] =	vst.idx.msk $0xffff, v27;
	v26 =	vor.u32 v18, v16  }
0x732: {  	v28 =	vor.u32 v46, v10;
	[tilespmem:v55+s25+$0x0] =	vst.idx.msk $0xffff, v30;
	v27 =	vld.idx.msk [tilespmem:v29+s13+$0x0], $0xffff  }
0x733: {  	v31 =	vor.u32 v46, v13;
	v55 =	vor.u32 v18, v19;
	v30 =	vld.idx.msk [tilespmem:v36+s13+$0x0], $0xffff  }
0x734: {  	v46 =	vld [tilespmem:$0x1FE40];
	v36 =	vor.u32 v18, v20  }
0x735: {  	[tilespmem:v25+s25+$0x0] =	vst.idx.msk $0xffff, v24;
	v22 =	vor.u32 v62, v1  }
0x736: {  	v24 =	vld.idx.msk [tilespmem:v26+s13+$0x0], $0xffff;
	v25 =	vor.u32 v62, v7  }
0x737: {  	v23 =	vor.u32 v33, v4;
	[tilespmem:v28+s25+$0x0] =	vst.idx.msk $0xffff, v27  }
0x738: {  	[tilespmem:v31+s25+$0x0] =	vst.idx.msk $0xffff, v30;
	v26 =	vor.u32 v33, v16;
	v27 =	vld.idx.msk [tilespmem:v55+s13+$0x0], $0xffff;
	v55 =	vor.u32 v62, v10  }
0x739: {  	v29 =	vor.u32 v33, v19;
	v28 =	vor.u32 v46, v10;
	v30 =	vld.idx.msk [tilespmem:v36+s13+$0x0], $0xffff;
	v62 =	vor.u32 v62, v13  }
0x73a: {  	v31 =	vor.u32 v46, v13;
	v36 =	vor.u32 v33, v20;
	[tilespmem:v22+s25+$0x0] =	vst.idx.msk $0xffff, v21  }
0x73b: {  	v22 =	vor.u32 v46, v1;
	[tilespmem:v25+s25+$0x0] =	vst.idx.msk $0xffff, v24;
	v25 =	vor.u32 v46, v7;
	v46 =	vld [tilespmem:$0x1FE50]  }
0x73c: {  	v21 =	vld.idx.msk [tilespmem:v23+s13+$0x0], $0xffff  }
0x73d: {  	[tilespmem:v55+s25+$0x0] =	vst.idx.msk $0xffff, v27;
	v23 =	vor.u32 v56, v4;
	v24 =	vld.idx.msk [tilespmem:v26+s13+$0x0], $0xffff  }
0x73e: {  	v55 =	vor.u32 v56, v16;
	[tilespmem:v62+s25+$0x0] =	vst.idx.msk $0xffff, v30;
	v27 =	vld.idx.msk [tilespmem:v29+s13+$0x0], $0xffff  }
0x73f: {  	v62 =	vor.u32 v56, v19;
	v30 =	vld.idx.msk [tilespmem:v36+s13+$0x0], $0xffff;
	_ =	sdelay $0x1  }
0x740: {  	[tilespmem:v22+s25+$0x0] =	vst.idx.msk $0xffff, v21  }
0x741: {  	[tilespmem:v25+s25+$0x0] =	vst.idx.msk $0xffff, v24;
	v21 =	vld.idx.msk [tilespmem:v23+s13+$0x0], $0xffff  }
0x742: {  	[tilespmem:v28+s25+$0x0] =	vst.idx.msk $0xffff, v27;
	v24 =	vld.idx.msk [tilespmem:v55+s13+$0x0], $0xffff  }
0x743: {  	v22 =	vor.u32 v46, v1;
	[tilespmem:v31+s25+$0x0] =	vst.idx.msk $0xffff, v30;
	v31 =	vor.u32 v46, v13;
	v27 =	vld.idx.msk [tilespmem:v62+s13+$0x0], $0xffff  }
0x744: {  	v23 =	vor.u32 v58, v4;
	v55 =	vor.u32 v46, v7;
	v62 =	vor.u32 v46, v10;
	v46 =	vld [tilespmem:$0x1FE60];
	_ =	sdelay $0x3  }
0x745: {  	[tilespmem:v22+s25+$0x0] =	vst.idx.msk $0xffff, v21  }
0x746: {  	v36 =	vor.u32 v56, v20;
	v22 =	vor.u32 v46, v1;
	v21 =	vld.idx.msk [tilespmem:v23+s13+$0x0], $0xffff  }
0x747: {  	[tilespmem:v55+s25+$0x0] =	vst.idx.msk $0xffff, v24;
	v55 =	vor.u32 v59, v4;
	_ =	sdelay $0x1  }
0x748: {  	v26 =	vor.u32 v58, v16;
	_ =	sdelay $0x1  }
0x749: {  	v30 =	vld.idx.msk [tilespmem:v36+s13+$0x0], $0xffff;
	[tilespmem:v22+s25+$0x0] =	vst.idx.msk $0xffff, v21  }
0x74a: {  	v21 =	vld.idx.msk [tilespmem:v55+s13+$0x0], $0xffff  }
0x74b: {  	v55 =	vld [tilespmem:$0x1FE70]  }
0x74c: {  	v25 =	vor.u32 v46, v7;
	v24 =	vld.idx.msk [tilespmem:v26+s13+$0x0], $0xffff  }
0x74d: {  	[tilespmem:v62+s25+$0x0] =	vst.idx.msk $0xffff, v27;
	v62 =	vor.u32 v59, v16  }
0x74e: {  	v29 =	vor.u32 v58, v19  }
0x74f: {  	v36 =	vor.u32 v58, v20  }
0x750: {  	v28 =	vor.u32 v46, v10;
	[tilespmem:v31+s25+$0x0] =	vst.idx.msk $0xffff, v30;
	v22 =	vor.u32 v55, v1  }
0x751: {  	v31 =	vor.u32 v46, v13;
	v46 =	vld [tilespmem:$0x1FE80];
	v23 =	vor.u32 v63, v4;
	[tilespmem:v25+s25+$0x0] =	vst.idx.msk $0xffff, v24  }
0x752: {  	v24 =	vld.idx.msk [tilespmem:v62+s13+$0x0], $0xffff;
	v62 =	vor.u32 v55, v7  }
0x753: {  	v27 =	vld.idx.msk [tilespmem:v29+s13+$0x0], $0xffff  }
0x754: {  	v29 =	vor.u32 v59, v19;
	v30 =	vld.idx.msk [tilespmem:v36+s13+$0x0], $0xffff  }
0x755: {  	v36 =	vor.u32 v59, v20;
	[tilespmem:v22+s25+$0x0] =	vst.idx.msk $0xffff, v21  }
0x756: {  	v26 =	vor.u32 v63, v16;
	v22 =	vor.u32 v46, v1;
	v21 =	vld.idx.msk [tilespmem:v23+s13+$0x0], $0xffff  }
0x757: {  	[tilespmem:v62+s25+$0x0] =	vst.idx.msk $0xffff, v24;
	v62 =	vor.u32 v39, v4  }
0x758: {  	[tilespmem:v28+s25+$0x0] =	vst.idx.msk $0xffff, v27  }
0x759: {  	[tilespmem:v31+s25+$0x0] =	vst.idx.msk $0xffff, v30;
	v27 =	vld.idx.msk [tilespmem:v29+s13+$0x0], $0xffff;
	v28 =	vor.u32 v55, v10  }
0x75a: {  	v29 =	vor.u32 v63, v19;
	v30 =	vld.idx.msk [tilespmem:v36+s13+$0x0], $0xffff;
	v55 =	vor.u32 v55, v13  }
0x75b: {  	v36 =	vor.u32 v63, v20;
	v24 =	vld.idx.msk [tilespmem:v26+s13+$0x0], $0xffff;
	[tilespmem:v22+s25+$0x0] =	vst.idx.msk $0xffff, v21  }
0x75c: {  	v21 =	vld.idx.msk [tilespmem:v62+s13+$0x0], $0xffff  }
0x75d: {  	v25 =	vor.u32 v46, v7;
	v62 =	vld [tilespmem:$0x1FE90]  }
0x75e: {  	[tilespmem:v28+s25+$0x0] =	vst.idx.msk $0xffff, v27;
	v26 =	vor.u32 v39, v16  }
0x75f: {  	v28 =	vor.u32 v46, v10;
	[tilespmem:v55+s25+$0x0] =	vst.idx.msk $0xffff, v30;
	v27 =	vld.idx.msk [tilespmem:v29+s13+$0x0], $0xffff  }
0x760: {  	v31 =	vor.u32 v46, v13;
	v55 =	vor.u32 v39, v19;
	v30 =	vld.idx.msk [tilespmem:v36+s13+$0x0], $0xffff  }
0x761: {  	v46 =	vld [tilespmem:$0x1FEA0];
	v36 =	vor.u32 v39, v20  }
0x762: {  	[tilespmem:v25+s25+$0x0] =	vst.idx.msk $0xffff, v24;
	v22 =	vor.u32 v62, v1  }
0x763: {  	v24 =	vld.idx.msk [tilespmem:v26+s13+$0x0], $0xffff;
	v25 =	vor.u32 v62, v7  }
0x764: {  	v23 =	vor.u32 v40, v4;
	[tilespmem:v28+s25+$0x0] =	vst.idx.msk $0xffff, v27  }
0x765: {  	[tilespmem:v31+s25+$0x0] =	vst.idx.msk $0xffff, v30;
	v26 =	vor.u32 v40, v16;
	v27 =	vld.idx.msk [tilespmem:v55+s13+$0x0], $0xffff;
	v55 =	vor.u32 v62, v10  }
0x766: {  	v29 =	vor.u32 v40, v19;
	v28 =	vor.u32 v46, v10;
	v30 =	vld.idx.msk [tilespmem:v36+s13+$0x0], $0xffff;
	v62 =	vor.u32 v62, v13  }
0x767: {  	v31 =	vor.u32 v46, v13;
	v36 =	vor.u32 v40, v20;
	[tilespmem:v22+s25+$0x0] =	vst.idx.msk $0xffff, v21  }
0x768: {  	v22 =	vor.u32 v46, v1;
	[tilespmem:v25+s25+$0x0] =	vst.idx.msk $0xffff, v24;
	v25 =	vor.u32 v46, v7;
	v46 =	vld [tilespmem:$0x1FEB0]  }
0x769: {  	v21 =	vld.idx.msk [tilespmem:v23+s13+$0x0], $0xffff  }
0x76a: {  	[tilespmem:v55+s25+$0x0] =	vst.idx.msk $0xffff, v27;
	v23 =	vor.u32 v42, v4;
	v24 =	vld.idx.msk [tilespmem:v26+s13+$0x0], $0xffff  }
0x76b: {  	v55 =	vor.u32 v42, v16;
	[tilespmem:v62+s25+$0x0] =	vst.idx.msk $0xffff, v30;
	v27 =	vld.idx.msk [tilespmem:v29+s13+$0x0], $0xffff  }
0x76c: {  	v62 =	vor.u32 v42, v19;
	v30 =	vld.idx.msk [tilespmem:v36+s13+$0x0], $0xffff;
	_ =	sdelay $0x1  }
0x76d: {  	[tilespmem:v22+s25+$0x0] =	vst.idx.msk $0xffff, v21  }
0x76e: {  	[tilespmem:v25+s25+$0x0] =	vst.idx.msk $0xffff, v24;
	v21 =	vld.idx.msk [tilespmem:v23+s13+$0x0], $0xffff  }
0x76f: {  	[tilespmem:v28+s25+$0x0] =	vst.idx.msk $0xffff, v27;
	v24 =	vld.idx.msk [tilespmem:v55+s13+$0x0], $0xffff  }
0x770: {  	v22 =	vor.u32 v46, v1;
	[tilespmem:v31+s25+$0x0] =	vst.idx.msk $0xffff, v30;
	v31 =	vor.u32 v46, v13;
	v27 =	vld.idx.msk [tilespmem:v62+s13+$0x0], $0xffff  }
0x771: {  	v23 =	vor.u32 v43, v4;
	v55 =	vor.u32 v46, v7;
	v62 =	vor.u32 v46, v10;
	v46 =	vld [tilespmem:$0x1FEC0];
	_ =	sdelay $0x3  }
0x772: {  	[tilespmem:v22+s25+$0x0] =	vst.idx.msk $0xffff, v21  }
0x773: {  	v36 =	vor.u32 v42, v20;
	v22 =	vor.u32 v46, v1;
	v21 =	vld.idx.msk [tilespmem:v23+s13+$0x0], $0xffff  }
0x774: {  	[tilespmem:v55+s25+$0x0] =	vst.idx.msk $0xffff, v24;
	v55 =	vor.u32 v44, v4;
	_ =	sdelay $0x1  }
0x775: {  	v26 =	vor.u32 v43, v16;
	_ =	sdelay $0x1  }
0x776: {  	v30 =	vld.idx.msk [tilespmem:v36+s13+$0x0], $0xffff;
	[tilespmem:v22+s25+$0x0] =	vst.idx.msk $0xffff, v21  }
0x777: {  	v21 =	vld.idx.msk [tilespmem:v55+s13+$0x0], $0xffff  }
0x778: {  	v55 =	vld [tilespmem:$0x1FED0]  }
0x779: {  	v29 =	vor.u32 v43, v19;
	v25 =	vor.u32 v46, v7;
	v24 =	vld.idx.msk [tilespmem:v26+s13+$0x0], $0xffff  }
0x77a: {  	[tilespmem:v62+s25+$0x0] =	vst.idx.msk $0xffff, v27;
	v62 =	vor.u32 v44, v16;
	_ =	sdelay $0x1  }
0x77b: {  	v36 =	vor.u32 v43, v20;
	v28 =	vor.u32 v46, v10  }
0x77c: {  	[tilespmem:v31+s25+$0x0] =	vst.idx.msk $0xffff, v30;
	v31 =	vor.u32 v46, v13;
	v46 =	vld [tilespmem:$0x1FEE0];
	v22 =	vor.u32 v55, v1  }
0x77d: {  	v27 =	vld.idx.msk [tilespmem:v29+s13+$0x0], $0xffff;
	v23 =	vor.u32 v45, v4;
	[tilespmem:v25+s25+$0x0] =	vst.idx.msk $0xffff, v24  }
0x77e: {  	v24 =	vld.idx.msk [tilespmem:v62+s13+$0x0], $0xffff;
	v62 =	vor.u32 v55, v7  }
0x77f: {  	v29 =	vor.u32 v44, v19  }
0x780: {  	v30 =	vld.idx.msk [tilespmem:v36+s13+$0x0], $0xffff  }
0x781: {  	v36 =	vor.u32 v44, v20;
	[tilespmem:v22+s25+$0x0] =	vst.idx.msk $0xffff, v21  }
0x782: {  	v26 =	vor.u32 v45, v16;
	[tilespmem:v28+s25+$0x0] =	vst.idx.msk $0xffff, v27;
	v22 =	vor.u32 v46, v1;
	v21 =	vld.idx.msk [tilespmem:v23+s13+$0x0], $0xffff  }
0x783: {  	[tilespmem:v62+s25+$0x0] =	vst.idx.msk $0xffff, v24;
	v62 =	vor.u32 v47, v4  }
0x784: {  	v27 =	vld.idx.msk [tilespmem:v29+s13+$0x0], $0xffff;
	v28 =	vor.u32 v55, v10  }
0x785: {  	[tilespmem:v31+s25+$0x0] =	vst.idx.msk $0xffff, v30;
	v29 =	vor.u32 v45, v19  }
0x786: {  	v30 =	vld.idx.msk [tilespmem:v36+s13+$0x0], $0xffff;
	v55 =	vor.u32 v55, v13  }
0x787: {  	v24 =	vld.idx.msk [tilespmem:v26+s13+$0x0], $0xffff;
	[tilespmem:v22+s25+$0x0] =	vst.idx.msk $0xffff, v21  }
0x788: {  	v25 =	vor.u32 v46, v7;
	v36 =	vor.u32 v45, v20;
	v21 =	vld.idx.msk [tilespmem:v62+s13+$0x0], $0xffff  }
0x789: {  	[tilespmem:v28+s25+$0x0] =	vst.idx.msk $0xffff, v27;
	v26 =	vor.u32 v47, v16;
	v62 =	vld [tilespmem:$0x1FEF0]  }
0x78a: {  	v28 =	vor.u32 v46, v10;
	v27 =	vld.idx.msk [tilespmem:v29+s13+$0x0], $0xffff  }
0x78b: {  	[tilespmem:v55+s25+$0x0] =	vst.idx.msk $0xffff, v30;
	v55 =	vor.u32 v47, v19  }
0x78c: {  	v31 =	vor.u32 v46, v13;
	v46 =	vld [tilespmem:$0x1FF00]  }
0x78d: {  	v30 =	vld.idx.msk [tilespmem:v36+s13+$0x0], $0xffff;
	[tilespmem:v25+s25+$0x0] =	vst.idx.msk $0xffff, v24  }
0x78e: {  	v36 =	vor.u32 v47, v20;
	v24 =	vld.idx.msk [tilespmem:v26+s13+$0x0], $0xffff;
	v25 =	vor.u32 v62, v7  }
0x78f: {  	[tilespmem:v28+s25+$0x0] =	vst.idx.msk $0xffff, v27;
	v26 =	vor.u32 v48, v16;
	v22 =	vor.u32 v62, v1  }
0x790: {  	v27 =	vld.idx.msk [tilespmem:v55+s13+$0x0], $0xffff;
	v55 =	vor.u32 v62, v10;
	_ =	sdelay $0x1  }
0x791: {  	v23 =	vor.u32 v48, v4;
	v29 =	vor.u32 v48, v19;
	[tilespmem:v31+s25+$0x0] =	vst.idx.msk $0xffff, v30  }
0x792: {  	v28 =	vor.u32 v46, v10;
	v30 =	vld.idx.msk [tilespmem:v36+s13+$0x0], $0xffff;
	v62 =	vor.u32 v62, v13;
	[tilespmem:v25+s25+$0x0] =	vst.idx.msk $0xffff, v24  }
0x793: {  	v31 =	vor.u32 v46, v13;
	[tilespmem:v22+s25+$0x0] =	vst.idx.msk $0xffff, v21;
	v25 =	vor.u32 v46, v7;
	v24 =	vld.idx.msk [tilespmem:v26+s13+$0x0], $0xffff  }
0x794: {  	v22 =	vor.u32 v46, v1;
	[tilespmem:v55+s25+$0x0] =	vst.idx.msk $0xffff, v27;
	v55 =	vor.u32 v49, v16;
	v46 =	vld [tilespmem:$0x1FF10];
	_ =	sdelay $0x1  }
0x795: {  	v36 =	vor.u32 v48, v20;
	v21 =	vld.idx.msk [tilespmem:v23+s13+$0x0], $0xffff  }
0x796: {  	[tilespmem:v62+s25+$0x0] =	vst.idx.msk $0xffff, v30;
	v23 =	vor.u32 v49, v4;
	v27 =	vld.idx.msk [tilespmem:v29+s13+$0x0], $0xffff  }
0x797: {  	v62 =	vor.u32 v49, v19;
	[tilespmem:v25+s25+$0x0] =	vst.idx.msk $0xffff, v24  }
0x798: {  	v24 =	vld.idx.msk [tilespmem:v55+s13+$0x0], $0xffff;
	v55 =	vor.u32 v46, v7;
	_ =	sdelay $0x1  }
0x799: {  	v30 =	vld.idx.msk [tilespmem:v36+s13+$0x0], $0xffff;
	[tilespmem:v22+s25+$0x0] =	vst.idx.msk $0xffff, v21  }
0x79a: {  	v22 =	vor.u32 v46, v1;
	[tilespmem:v28+s25+$0x0] =	vst.idx.msk $0xffff, v27;
	v21 =	vld.idx.msk [tilespmem:v23+s13+$0x0], $0xffff  }
0x79b: {  	v23 =	vor.u32 v50, v4;
	v27 =	vld.idx.msk [tilespmem:v62+s13+$0x0], $0xffff  }
0x79c: {  	v26 =	vor.u32 v50, v16;
	v62 =	vor.u32 v46, v10;
	[tilespmem:v55+s25+$0x0] =	vst.idx.msk $0xffff, v24;
	v55 =	vld [tilespmem:$0x1FF20]  }
0x79d: {  	v36 =	vor.u32 v49, v20;
	_ =	sdelay $0x1  }
0x79e: {  	[tilespmem:v22+s25+$0x0] =	vst.idx.msk $0xffff, v21  }
0x79f: {  	[tilespmem:v31+s25+$0x0] =	vst.idx.msk $0xffff, v30;
	v21 =	vld.idx.msk [tilespmem:v23+s13+$0x0], $0xffff  }
0x7a0: {  	[tilespmem:v62+s25+$0x0] =	vst.idx.msk $0xffff, v27;
	v23 =	vld.idx.msk [tilespmem:v26+s13+$0x0], $0xffff;
	v62 =	vor.u32 v55, v7  }
0x7a1: {  	v29 =	vor.u32 v50, v19;
	v31 =	vor.u32 v46, v13;
	v30 =	vld.idx.msk [tilespmem:v36+s13+$0x0], $0xffff  }
0x7a2: {  	v36 =	vor.u32 v50, v20;
	_ =	sdelay $0x1  }
0x7a3: {  	v22 =	vor.u32 v55, v1  }
0x7a4: {  	v4 =	vor.u32 v0, v4;
	[tilespmem:v62+s25+$0x0] =	vst.idx.msk $0xffff, v23;
	v62 =	vld [tilespmem:$0x1FF30]  }
0x7a5: {  	v16 =	vor.u32 v0, v16;
	[tilespmem:v31+s25+$0x0] =	vst.idx.msk $0xffff, v30;
	v25 =	vld.idx.msk [tilespmem:v29+s13+$0x0], $0xffff;
	v26 =	vor.u32 v55, v10  }
0x7a6: {  	v19 =	vor.u32 v0, v19;
	v36 =	vld.idx.msk [tilespmem:v36+s13+$0x0], $0xffff;
	v55 =	vor.u32 v55, v13  }
0x7a7: {  	v20 =	vor.u32 v0, v20  }
0x7a8: {  	[tilespmem:v22+s25+$0x0] =	vst.idx.msk $0xffff, v21  }
0x7a9: {  	v4 =	vld.idx.msk [tilespmem:v4+s13+$0x0], $0xffff;
	v1 =	vor.u32 v62, v1  }
0x7aa: {  	[tilespmem:v26+s25+$0x0] =	vst.idx.msk $0xffff, v25;
	v16 =	vld.idx.msk [tilespmem:v16+s13+$0x0], $0xffff;
	v7 =	vor.u32 v62, v7  }
0x7ab: {  	[tilespmem:v55+s25+$0x0] =	vst.idx.msk $0xffff, v36;
	v19 =	vld.idx.msk [tilespmem:v19+s13+$0x0], $0xffff;
	v10 =	vor.u32 v62, v10  }
0x7ac: {  	p1 =	por p0, p0;
	v20 =	vld.idx.msk [tilespmem:v20+s13+$0x0], $0xffff;
	v13 =	vor.u32 v62, v13  }
.Ltmp9:
0x7ad: {  	_ = 	snop;
	(pc) =	sbr.rel @p1 .LBB2_12-.Ltmp9, $4  }
0x7ae: {  	[tilespmem:v1+s25+$0x0] =	vst.idx.msk $0xffff, v4  }
0x7af: {  	[tilespmem:v7+s25+$0x0] =	vst.idx.msk $0xffff, v16  }
0x7b0: {  	[tilespmem:v10+s25+$0x0] =	vst.idx.msk $0xffff, v19  }
0x7b1: {  	p0 =	por $0x0, $0x0;
	s8 =	simm.s32 $0x40;
	[tilespmem:v13+s25+$0x0] =	vst.idx.msk $0xffff, v20  }
0x7b2: {  	s8 =	sor.u32 $0x20000, s6  }
0x7b3: {  	s10 =	sor.u32 $0x24000, s6;
	s8 =	sadd.s32 s1, s8  }
0x7b4: {  	[hbm4b:s8+s2] =	stream.linear.scatter [tilespmem:s25], [sflag:$0x4], $0x400, $0x38;
	[tilespmem:$0x14800] =	vst v63  }
0x7b5: {  	s8 =	sadd.s32 s1, s10;
	s10 =	sor.u32 $0x28000, s6  }
0x7b6: {  	[hbm4b:s8+s2] =	stream.linear.scatter [tilespmem:s26], [sflag:$0x4], $0x400, $0x38;
	[tilespmem:$0x14800] =	vst v63  }
0x7b7: {  	s8 =	sadd.s32 s1, s10;
	s10 =	sor.u32 $0x2C000, s6  }
0x7b8: {  	[hbm4b:s8+s2] =	stream.linear.scatter [tilespmem:s28], [sflag:$0x4], $0x400, $0x38;
	[tilespmem:$0x14800] =	vst v63  }
0x7b9: {  	s8 =	sadd.s32 s1, s10;
	s10 =	sor.u32 $0x30000, s6  }
0x7ba: {  	[hbm4b:s8+s2] =	stream.linear.scatter [tilespmem:s29], [sflag:$0x4], $0x400, $0x38;
	[tilespmem:$0x14800] =	vst v63  }
0x7bb: {  	s8 =	sadd.s32 s1, s10;
	s10 =	sor.u32 $0x34000, s6  }
0x7bc: {  	[hbm4b:s8+s2] =	stream.linear.scatter [tilespmem:s30], [sflag:$0x4], $0x400, $0x38;
	[tilespmem:$0x14800] =	vst v63  }
0x7bd: {  	p0 =	seq.s32 s4, $0x63;
	s8 =	sadd.s32 s1, s10  }
0x7be: {  	[hbm4b:s8+s2] =	stream.linear.scatter [tilespmem:s31], [sflag:$0x4], $0x400, $0x38;
	[tilespmem:$0x14800] =	vst v63  }
.Ltmp10:
0x7bf: {  	s10 =	sor.u32 $0x38000, s6;
	(pc) =	sbr.rel @p0 .LBB2_15-.Ltmp10, $4  }
0x7c0: {  	s8 =	sadd.s32 s1, s10;
	s10 =	sor.u32 $0x3C000, s6  }
0x7c1: {  	[hbm4b:s8+s2] =	stream.linear.scatter [tilespmem:s0], [sflag:$0x4], $0x400, $0x38;
	[tilespmem:$0x14800] =	vst v63  }
0x7c2: {  	s6 =	sadd.s32 s1, s10  }
0x7c3: {  	v27 =	vld [tilespmem:$0x1F610];
	[hbm4b:s6+s2] =	stream.linear.scatter [tilespmem:s3], [sflag:$0x4], $0x400, $0x38  }
.Ltmp11:
0x7c4: {  	v23 =	vld [tilespmem:$0x1F5F0];
	(pc) =	sbr.rel .LBB2_5-.Ltmp11, $4  }
0x7c5: {  	s6 =	sshll.u32 s4, $0x8;
	v24 =	vld [tilespmem:$0x1F600]  }
0x7c6: {  	v30 =	vld [tilespmem:$0x1F710];
	s6 =	sand.u32 $0x3FFFFF00, s6  }
0x7c7: {  	s4 =	sadd.s32 $0x1, s4;
	v29 =	vld [tilespmem:$0x1F740];
	s6 =	sadd.s32 $0x6580, s6  }
0x7c8: {  	v28 =	vld [tilespmem:$0x1F750];
	[tilespmem:s13], [sflag:$0x2] =	stream.indirect.gather [hbm4b:s5+s9], $0x40, s6, s9, $0xb8  }
.LBB2_17:
0x7c9: {  	_ =	sfence.sel $0x180000  }
0x7ca: {  	[bflag:$0x0] =	sbarrier.arrive $0xFFFF  }
0x7cb: {  	_ =	strace $0x90000047  }
0x7cc: {  	s0 =	stileid.u32;
	[bflag:$0x2] =	sbarrier.arrive $0xFFFF  }
0x7cd: {  	p0 =	sne.s32 s0, $0x0;
	s0 =	rddreg [dreg:$0x2]  }
0x7ce: {  	s0 =	sadd.s32 @!p0 $0x100000, s0  }
0x7cf: {  	[sflag:s0] =	ssyncadd.tile.s32 @!p0 $0x1;
	_ =	shalt  }
.Lfunc_end2:
_tile_overlayer_lowered:
.L_overlay_start_2:
0x7d0: {  	(tag) =	ssettag $0x2  }
0x7d1: {  	s0 =	rddreg [dreg:$0x0];
	s2 =	stileid.u32  }
0x7d2: {  	s1 =	rddreg [dreg:$0x1];
	p0 =	sne.s32 s2, $0x0  }
0x7d3: {  	s3 =	rddreg [dreg:$0x2];
	[bflag:$0x3] =	sbarrier.arrive $0xFFFF;
	s2 =	simm.s32 @!p0 $0x1C06  }
0x7d4: {  	[timem:s3], [sflag:s2] =	dma.local @!p0 [hbm:s0], s1  }
0x7d5: {  	s0 =	simm.s32 @!p0 $0x6  }
0x7d6: {  	_ =	swait.ge @!p0 [sflag:s0], s1  }
0x7d7: {  	s1 =	ssub.s32 @!p0 $0x0, s1;
	[sflag:s0] =	ssyncset.done @!p0 $0x0  }
0x7d8: {  	[sflag:s0] =	ssyncadd.s32 @!p0 s1  }
0x7d9: {  	[bflag:$0x3] =	sbarrier.arrive $0xFFFF  }
0x7da: {  	_ =	shalt  }

</sc_bundles>
